<compile_context>
chip_gen: v7x
topology: tpu7x:2x2x1
jax: 0.10.2.dev20260603
libtpu: 0.0.44.dev20260713+nightly
codegen_flags: <defaults>
</compile_context>

<pallas_src>
import functools

import numpy as np
import jax
import jax.numpy as jnp
from jax import lax
from jax.experimental import pallas as pl
from jax.experimental.pallas import tpu as pltpu
from jax.experimental.pallas import tpu_sc as plsc

_INF = 10000000000.0
_L = 16
_NC = 2
_NS = 16
_NW = _NC * _NS
_U = 8


def _topk_count(n: int) -> int:
    rng = np.random.default_rng(0)
    p = rng.choice(np.linspace(0.0, 1.0, 1000))
    return int(np.round(p * float(n)))


@functools.lru_cache(maxsize=None)
def _build(B: int, N: int, k: int):
    assert B % _NW == 0 and N % (_L * _U) == 0
    rows_per_w = B // _NW
    C = N // _L
    CU = C // _U

    mesh = plsc.VectorSubcoreMesh(core_axis_name="c", subcore_axis_name="s")

    @functools.partial(
        pl.kernel,
        out_type=jax.ShapeDtypeStruct((B * N,), jnp.float32),
        mesh=mesh,
        compiler_params=pltpu.CompilerParams(needs_layout_passes=False),
        scratch_types=[
            pltpu.VMEM((N,), jnp.float32),
            pltpu.VMEM((N,), jnp.float32),
            pltpu.VMEM((N,), jnp.float32),
            pltpu.VMEM((N,), jnp.float32),
            pltpu.VMEM((N,), jnp.float32),
            pltpu.VMEM((N,), jnp.float32),
            pltpu.VMEM((N,), jnp.float32),
            pltpu.VMEM((N,), jnp.float32),
            pltpu.VMEM((N,), jnp.int32),
            pltpu.VMEM((N,), jnp.float32),
            pltpu.SemaphoreType.DMA,
        ],
    )
    def sc_kernel(cax_hbm, cay_hbm, caz_hbm, rm_hbm,
                  apx_hbm, apy_hbm, apz_hbm, am_hbm, out_hbm,
                  cax_v, cay_v, caz_v, apx_v, apy_v, apz_v,
                  rm_v, am_v, bits_v, out_v, dma_sem):
        wid = lax.axis_index("s") * _NC + lax.axis_index("c")
        lane = lax.iota(jnp.int32, _L)
        zf = jnp.zeros((_L,), jnp.float32)
        zi = jnp.zeros((_L,), jnp.int32)
        onei = jnp.ones((_L,), jnp.int32)

        def count_le3(t1, t2, t3):
            def body(i, acc):
                a1, a2, a3 = acc
                base = i * (_L * _U)
                for u in range(_U):
                    b = plsc.load_gather(bits_v, [base + u * _L + lane])
                    a1 = a1 + jnp.where(b <= t1, onei, zi)
                    a2 = a2 + jnp.where(b <= t2, onei, zi)
                    a3 = a3 + jnp.where(b <= t3, onei, zi)
                return a1, a2, a3
            a1, a2, a3 = lax.fori_loop(0, CU, body, (zi, zi, zi))
            return jnp.sum(a1), jnp.sum(a2), jnp.sum(a3)

        def process_row(row):
            sl = pl.ds(row * N, N)
            cps = [pltpu.async_copy(h.at[sl], v, dma_sem)
                   for h, v in [(cax_hbm, cax_v), (cay_hbm, cay_v),
                                (caz_hbm, caz_v), (apx_hbm, apx_v),
                                (apy_hbm, apy_v), (apz_hbm, apz_v),
                                (rm_hbm, rm_v), (am_hbm, am_v)]]
            for cp in cps:
                cp.wait()

            def cent_body(i, carry):
                ax_, ay_, az_, am_ = carry
                base = i * (_L * _U)
                for u in range(_U):
                    nidx = base + u * _L + lane
                    ax_ = ax_ + plsc.load_gather(apx_v, [nidx])
                    ay_ = ay_ + plsc.load_gather(apy_v, [nidx])
                    az_ = az_ + plsc.load_gather(apz_v, [nidx])
                    am_ = am_ + plsc.load_gather(am_v, [nidx])
                return ax_, ay_, az_, am_
            accx, accy, accz, accm = lax.fori_loop(
                0, CU, cent_body, (zf, zf, zf, zf))
            asum_v = jnp.full((_L,), jnp.sum(accm), jnp.float32)
            cx = jnp.full((_L,), jnp.sum(accx), jnp.float32) / asum_v
            cy = jnp.full((_L,), jnp.sum(accy), jnp.float32) / asum_v
            cz = jnp.full((_L,), jnp.sum(accz), jnp.float32) / asum_v

            def dist_body(i, carry):
                mn, mx = carry
                base = i * (_L * _U)
                for u in range(_U):
                    nidx = base + u * _L + lane
                    dx = cx - plsc.load_gather(cax_v, [nidx])
                    dy = cy - plsc.load_gather(cay_v, [nidx])
                    dz = cz - plsc.load_gather(caz_v, [nidx])
                    rm = plsc.load_gather(rm_v, [nidx])
                    d2 = (dx * dx + dy * dy + dz * dz + jnp.float32(1e-12)
                          + (jnp.float32(1.0) - rm) * jnp.float32(_INF))
                    b = plsc.bitcast(d2, jnp.int32)
                    plsc.store_scatter(bits_v, [nidx], b)
                    mn = jnp.minimum(mn, b)
                    mx = jnp.maximum(mx, b)
                return mn, mx
            mn_v, mx_v = lax.fori_loop(
                0, CU, dist_body,
                (jnp.full((_L,), jnp.int32(0x7F800000)), zi))

            def bs_cond(lohi):
                return lohi[0] < lohi[1]

            def bs_body(lohi):
                lo, hi = lohi
                d = hi - lo
                m1 = lo + (d >> 2)
                m2 = lo + (d >> 1)
                m3 = lo + (d - (d >> 2))
                c1, c2, c3 = count_le3(m1, m2, m3)
                ge1 = c1 >= k
                ge2 = c2 >= k
                ge3 = c3 >= k
                nlo = jnp.where(ge1, lo, jnp.where(ge2, m1 + 1,
                      jnp.where(ge3, m2 + 1, m3 + 1)))
                nhi = jnp.where(ge1, m1, jnp.where(ge2, m2,
                      jnp.where(ge3, m3, hi)))
                return (nlo, nhi)
            _, T = lax.while_loop(bs_cond, bs_body,
                                  (jnp.min(mn_v), jnp.max(mx_v)))

            def wr_body(i, acc):
                a0 = acc
                base = i * (_L * _U)
                for u in range(_U):
                    nidx = base + u * _L + lane
                    b = plsc.load_gather(bits_v, [nidx])
                    rm = plsc.load_gather(rm_v, [nidx])
                    le = b <= T
                    o = jnp.where(le, jnp.float32(0.0), rm)
                    plsc.store_scatter(out_v, [nidx], o)
                    a0 = a0 + jnp.where(le, onei, zi)
                return a0
            c_le = jnp.sum(lax.fori_loop(0, CU, wr_body, zi))

            def write_done(_):
                return 0

            def write_ties(_):
                def pre_body(i, alt):
                    base = i * (_L * _U)
                    for u in range(_U):
                        b = plsc.load_gather(bits_v, [base + u * _L + lane])
                        alt = alt + jnp.where(b < T, onei, zi)
                    return alt
                c_lt = jnp.sum(lax.fori_loop(0, CU, pre_body, zi))
                need = k - c_lt

                def body(i, cnt):
                    nidx = i * _L + lane
                    b = plsc.load_gather(bits_v, [nidx])
                    rm = plsc.load_gather(rm_v, [nidx])
                    eq = b == T
                    eqi = jnp.where(eq, onei, zi)
                    excl = plsc.cumsum(eqi) - eqi + cnt
                    zero = (b < T) | (eq & (excl < need))
                    o = jnp.where(zero, jnp.float32(0.0), rm)
                    plsc.store_scatter(out_v, [nidx], o)
                    return cnt + jnp.sum(eqi)
                return lax.fori_loop(0, C, body, jnp.int32(0))

            lax.cond(c_le == k, write_done, write_ties, 0)
            pltpu.sync_copy(out_v, out_hbm.at[pl.ds(row * N, N)])

        for r in range(rows_per_w):
            process_row(wid * rows_per_w + r)

    return sc_kernel


def kernel(residue_ca_pos, residue_mask, atom_pos, atom_mask):
    B, N = residue_mask.shape
    k = _topk_count(N)
    if k == 0:
        return residue_mask
    ca = residue_ca_pos.astype(jnp.float32)
    ap = atom_pos.astype(jnp.float32)
    args = [ca[:, :, 0].reshape(B * N), ca[:, :, 1].reshape(B * N),
            ca[:, :, 2].reshape(B * N),
            residue_mask.astype(jnp.float32).reshape(B * N),
            ap[:, :, 0].reshape(B * N), ap[:, :, 1].reshape(B * N),
            ap[:, :, 2].reshape(B * N),
            atom_mask.astype(jnp.float32).reshape(B * N)]
    out = _build(B, N, k)(*args)
    return out.reshape(B, N)

# --- scband reference (transcript-rebuilt; emitter-appended) ---
"""Pipeline reference for scband-spatial-masking-module-59493886984289 (READ-ONLY COPY).

The authoritative reference and input builder live on the scoring server;
editing this copy changes nothing except your own understanding.
"""

import jax, jax.numpy as jnp
import numpy as np

MAX_P = 1.0
INF = 10000000000.0


def safe_norm(x, axis, keepdims=False, eps=1e-12):
    return jnp.sqrt(jnp.sum(jnp.square(x), axis=axis, keepdims=keepdims) + eps)


def setup_inputs(seed: int = 0) -> dict:
    key = jax.random.key(seed)
    k1, k2 = jax.random.split(key)
    B, N = 64, 8192
    residue_ca_pos = jax.random.normal(k1, (B, N, 3), dtype=jnp.float32)
    residue_mask = jnp.ones((B, N), dtype=jnp.float32)
    atom_pos = jax.random.normal(k2, (B, N, 3), dtype=jnp.float32)
    atom_mask = jnp.ones((B, N), dtype=jnp.float32)
    return {
        "residue_ca_pos": residue_ca_pos,
        "residue_mask": residue_mask,
        "atom_pos": atom_pos,
        "atom_mask": atom_mask,
    }


def reference(residue_ca_pos, residue_mask, atom_pos, atom_mask):
    # n_res computed in original but unused downstream
    n_res = jnp.max(jnp.sum(residue_mask, axis=-1))
    n_mean_res = jnp.median(jnp.sum(residue_mask, axis=-1))

    # centroid over the residue/atom axis, normalized by atom count
    atom_centroids = jnp.sum(atom_pos, axis=-2) / jnp.sum(atom_mask, axis=-1, keepdims=True)
    atom_centroids = jnp.broadcast_to(atom_centroids[:, None, :], atom_pos.shape)

    dists = safe_norm(atom_centroids - residue_ca_pos, axis=-1) + (1.0 - residue_mask) * INF

    # original draws p ~ choice(linspace(0, max_p, 1000)); seeded for determinism
    rng = np.random.default_rng(0)
    p = rng.choice(np.linspace(0.0, MAX_P, 1000))
    k = int(np.round(p * float(residue_mask.shape[-1])))

    # smallest-k distances == top_k of negated distances
    _, nbr_indices = jax.lax.top_k(-dists, k)

    # scatter: set the k nearest positions in the residue mask to 0 (dim=-1)
    residue_spatial_mask = jax.vmap(lambda m, idx: m.at[idx].set(0.0))(residue_mask, nbr_indices)
    return residue_spatial_mask

if __name__ == "__main__":
    import jax
    _d = setup_inputs()
    print(jax.jit(kernel)(*tuple(_d.values())))

</pallas_src>

<mosaic_0001>
#map = affine_map<(d0, d1) -> (0)>
module attributes {stable_mosaic.version = 14 : i64} {
  func.func @sc_kernel(%arg0: i32, %arg1: i32, %arg2: memref<524288xf32, #tpu.memory_space<hbm>>, %arg3: memref<524288xf32, #tpu.memory_space<hbm>>, %arg4: memref<524288xf32, #tpu.memory_space<hbm>>, %arg5: memref<524288xf32, #tpu.memory_space<hbm>>, %arg6: memref<524288xf32, #tpu.memory_space<hbm>>, %arg7: memref<524288xf32, #tpu.memory_space<hbm>>, %arg8: memref<524288xf32, #tpu.memory_space<hbm>>, %arg9: memref<524288xf32, #tpu.memory_space<hbm>>, %arg10: memref<524288xf32, #tpu.memory_space<hbm>>, %arg11: memref<8192xf32, #tpu.memory_space<vmem>>, %arg12: memref<8192xf32, #tpu.memory_space<vmem>>, %arg13: memref<8192xf32, #tpu.memory_space<vmem>>, %arg14: memref<8192xf32, #tpu.memory_space<vmem>>, %arg15: memref<8192xf32, #tpu.memory_space<vmem>>, %arg16: memref<8192xf32, #tpu.memory_space<vmem>>, %arg17: memref<8192xf32, #tpu.memory_space<vmem>>, %arg18: memref<8192xf32, #tpu.memory_space<vmem>>, %arg19: memref<8192xi32, #tpu.memory_space<vmem>>, %arg20: memref<8192xf32, #tpu.memory_space<vmem>>, %arg21: memref<!tpu.dma_semaphore, #tpu.memory_space<semaphore_mem>>) attributes {dimension_semantics = [#tpu.dimension_semantics<core_parallel>, #tpu.dimension_semantics<subcore_parallel>], iteration_bounds = array<i64: 2, 16>, scalar_prefetch = 0 : i64, scratch_operands = 11 : i64, tpu.core_type = #tpu.core_type<sc_vector_subcore>, window_params = [{transform_indices = #map}, {transform_indices = #map}, {transform_indices = #map}, {transform_indices = #map}, {transform_indices = #map}, {transform_indices = #map}, {transform_indices = #map}, {transform_indices = #map}, {transform_indices = #map}]} {
    %mul3A = arith.constant 2 : i32
    %mul3A_0 = arith.muli %arg1, %mul3A : i32
    %add3A = arith.addi %mul3A_0, %arg0 : i32
    %iota3A = tpu.iota {dimensions = array<i32: 0>} : vector<16xi32>
    %broadcast_in_dim3A = arith.constant 0.000000e+00 : f32
    %broadcast_in_dim3A_1 = vector.broadcast %broadcast_in_dim3A : f32 to vector<16xf32>
    %broadcast_in_dim3A_2 = arith.constant 0 : i32
    %broadcast_in_dim3A_3 = vector.broadcast %broadcast_in_dim3A_2 : i32 to vector<16xi32>
    %broadcast_in_dim3A_4 = arith.constant 1 : i32
    %broadcast_in_dim3A_5 = vector.broadcast %broadcast_in_dim3A_4 : i32 to vector<16xi32>
    %mul3A_6 = arith.constant 2 : i32
    %mul3A_7 = arith.muli %add3A, %mul3A_6 : i32
    %add3A_8 = arith.constant 0 : i32
    %add3A_9 = arith.addi %mul3A_7, %add3A_8 : i32
    %mul3A_10 = arith.constant 8192 : i32
    %mul3A_11 = arith.muli %add3A_9, %mul3A_10 : i32
    %dma_start3A = tpu.memref_slice %arg2[%mul3A_11] : memref<524288xf32, #tpu.memory_space<hbm>> -> memref<8192xf32, #tpu.memory_space<hbm>>
    %dma_start3A_12 = tpu.memref_slice %arg2[%mul3A_11] : memref<524288xf32, #tpu.memory_space<hbm>> -> memref<8192xf32, #tpu.memory_space<hbm>>
    tpu.enqueue_dma source(%dma_start3A_12 : memref<8192xf32, #tpu.memory_space<hbm>>) target(%arg11 : memref<8192xf32, #tpu.memory_space<vmem>>) target_semaphore(%arg21 : memref<!tpu.dma_semaphore, #tpu.memory_space<semaphore_mem>>)
    %dma_start3A_13 = tpu.memref_slice %arg3[%mul3A_11] : memref<524288xf32, #tpu.memory_space<hbm>> -> memref<8192xf32, #tpu.memory_space<hbm>>
    %dma_start3A_14 = tpu.memref_slice %arg3[%mul3A_11] : memref<524288xf32, #tpu.memory_space<hbm>> -> memref<8192xf32, #tpu.memory_space<hbm>>
    tpu.enqueue_dma source(%dma_start3A_14 : memref<8192xf32, #tpu.memory_space<hbm>>) target(%arg12 : memref<8192xf32, #tpu.memory_space<vmem>>) target_semaphore(%arg21 : memref<!tpu.dma_semaphore, #tpu.memory_space<semaphore_mem>>)
    %dma_start3A_15 = tpu.memref_slice %arg4[%mul3A_11] : memref<524288xf32, #tpu.memory_space<hbm>> -> memref<8192xf32, #tpu.memory_space<hbm>>
    %dma_start3A_16 = tpu.memref_slice %arg4[%mul3A_11] : memref<524288xf32, #tpu.memory_space<hbm>> -> memref<8192xf32, #tpu.memory_space<hbm>>
    tpu.enqueue_dma source(%dma_start3A_16 : memref<8192xf32, #tpu.memory_space<hbm>>) target(%arg13 : memref<8192xf32, #tpu.memory_space<vmem>>) target_semaphore(%arg21 : memref<!tpu.dma_semaphore, #tpu.memory_space<semaphore_mem>>)
    %dma_start3A_17 = tpu.memref_slice %arg6[%mul3A_11] : memref<524288xf32, #tpu.memory_space<hbm>> -> memref<8192xf32, #tpu.memory_space<hbm>>
    %dma_start3A_18 = tpu.memref_slice %arg6[%mul3A_11] : memref<524288xf32, #tpu.memory_space<hbm>> -> memref<8192xf32, #tpu.memory_space<hbm>>
    tpu.enqueue_dma source(%dma_start3A_18 : memref<8192xf32, #tpu.memory_space<hbm>>) target(%arg14 : memref<8192xf32, #tpu.memory_space<vmem>>) target_semaphore(%arg21 : memref<!tpu.dma_semaphore, #tpu.memory_space<semaphore_mem>>)
    %dma_start3A_19 = tpu.memref_slice %arg7[%mul3A_11] : memref<524288xf32, #tpu.memory_space<hbm>> -> memref<8192xf32, #tpu.memory_space<hbm>>
    %dma_start3A_20 = tpu.memref_slice %arg7[%mul3A_11] : memref<524288xf32, #tpu.memory_space<hbm>> -> memref<8192xf32, #tpu.memory_space<hbm>>
    tpu.enqueue_dma source(%dma_start3A_20 : memref<8192xf32, #tpu.memory_space<hbm>>) target(%arg15 : memref<8192xf32, #tpu.memory_space<vmem>>) target_semaphore(%arg21 : memref<!tpu.dma_semaphore, #tpu.memory_space<semaphore_mem>>)
    %dma_start3A_21 = tpu.memref_slice %arg8[%mul3A_11] : memref<524288xf32, #tpu.memory_space<hbm>> -> memref<8192xf32, #tpu.memory_space<hbm>>
    %dma_start3A_22 = tpu.memref_slice %arg8[%mul3A_11] : memref<524288xf32, #tpu.memory_space<hbm>> -> memref<8192xf32, #tpu.memory_space<hbm>>
    tpu.enqueue_dma source(%dma_start3A_22 : memref<8192xf32, #tpu.memory_space<hbm>>) target(%arg16 : memref<8192xf32, #tpu.memory_space<vmem>>) target_semaphore(%arg21 : memref<!tpu.dma_semaphore, #tpu.memory_space<semaphore_mem>>)
    %dma_start3A_23 = tpu.memref_slice %arg5[%mul3A_11] : memref<524288xf32, #tpu.memory_space<hbm>> -> memref<8192xf32, #tpu.memory_space<hbm>>
    %dma_start3A_24 = tpu.memref_slice %arg5[%mul3A_11] : memref<524288xf32, #tpu.memory_space<hbm>> -> memref<8192xf32, #tpu.memory_space<hbm>>
    tpu.enqueue_dma source(%dma_start3A_24 : memref<8192xf32, #tpu.memory_space<hbm>>) target(%arg17 : memref<8192xf32, #tpu.memory_space<vmem>>) target_semaphore(%arg21 : memref<!tpu.dma_semaphore, #tpu.memory_space<semaphore_mem>>)
    %dma_start3A_25 = tpu.memref_slice %arg9[%mul3A_11] : memref<524288xf32, #tpu.memory_space<hbm>> -> memref<8192xf32, #tpu.memory_space<hbm>>
    %dma_start3A_26 = tpu.memref_slice %arg9[%mul3A_11] : memref<524288xf32, #tpu.memory_space<hbm>> -> memref<8192xf32, #tpu.memory_space<hbm>>
    tpu.enqueue_dma source(%dma_start3A_26 : memref<8192xf32, #tpu.memory_space<hbm>>) target(%arg18 : memref<8192xf32, #tpu.memory_space<vmem>>) target_semaphore(%arg21 : memref<!tpu.dma_semaphore, #tpu.memory_space<semaphore_mem>>)
    %dma_wait3A = tpu.memref_slice %arg2[%mul3A_11] : memref<524288xf32, #tpu.memory_space<hbm>> -> memref<8192xf32, #tpu.memory_space<hbm>>
    %dma_wait3A_27 = tpu.memref_slice %arg2[%mul3A_11] : memref<524288xf32, #tpu.memory_space<hbm>> -> memref<8192xf32, #tpu.memory_space<hbm>>
    tpu.wait_dma2 semaphore(%arg21 : memref<!tpu.dma_semaphore, #tpu.memory_space<semaphore_mem>>) src(%dma_wait3A_27 : memref<8192xf32, #tpu.memory_space<hbm>>) dst(%arg11 : memref<8192xf32, #tpu.memory_space<vmem>>)
    %dma_wait3A_28 = tpu.memref_slice %arg3[%mul3A_11] : memref<524288xf32, #tpu.memory_space<hbm>> -> memref<8192xf32, #tpu.memory_space<hbm>>
    %dma_wait3A_29 = tpu.memref_slice %arg3[%mul3A_11] : memref<524288xf32, #tpu.memory_space<hbm>> -> memref<8192xf32, #tpu.memory_space<hbm>>
    tpu.wait_dma2 semaphore(%arg21 : memref<!tpu.dma_semaphore, #tpu.memory_space<semaphore_mem>>) src(%dma_wait3A_29 : memref<8192xf32, #tpu.memory_space<hbm>>) dst(%arg12 : memref<8192xf32, #tpu.memory_space<vmem>>)
    %dma_wait3A_30 = tpu.memref_slice %arg4[%mul3A_11] : memref<524288xf32, #tpu.memory_space<hbm>> -> memref<8192xf32, #tpu.memory_space<hbm>>
    %dma_wait3A_31 = tpu.memref_slice %arg4[%mul3A_11] : memref<524288xf32, #tpu.memory_space<hbm>> -> memref<8192xf32, #tpu.memory_space<hbm>>
    tpu.wait_dma2 semaphore(%arg21 : memref<!tpu.dma_semaphore, #tpu.memory_space<semaphore_mem>>) src(%dma_wait3A_31 : memref<8192xf32, #tpu.memory_space<hbm>>) dst(%arg13 : memref<8192xf32, #tpu.memory_space<vmem>>)
    %dma_wait3A_32 = tpu.memref_slice %arg6[%mul3A_11] : memref<524288xf32, #tpu.memory_space<hbm>> -> memref<8192xf32, #tpu.memory_space<hbm>>
    %dma_wait3A_33 = tpu.memref_slice %arg6[%mul3A_11] : memref<524288xf32, #tpu.memory_space<hbm>> -> memref<8192xf32, #tpu.memory_space<hbm>>
    tpu.wait_dma2 semaphore(%arg21 : memref<!tpu.dma_semaphore, #tpu.memory_space<semaphore_mem>>) src(%dma_wait3A_33 : memref<8192xf32, #tpu.memory_space<hbm>>) dst(%arg14 : memref<8192xf32, #tpu.memory_space<vmem>>)
    %dma_wait3A_34 = tpu.memref_slice %arg7[%mul3A_11] : memref<524288xf32, #tpu.memory_space<hbm>> -> memref<8192xf32, #tpu.memory_space<hbm>>
    %dma_wait3A_35 = tpu.memref_slice %arg7[%mul3A_11] : memref<524288xf32, #tpu.memory_space<hbm>> -> memref<8192xf32, #tpu.memory_space<hbm>>
    tpu.wait_dma2 semaphore(%arg21 : memref<!tpu.dma_semaphore, #tpu.memory_space<semaphore_mem>>) src(%dma_wait3A_35 : memref<8192xf32, #tpu.memory_space<hbm>>) dst(%arg15 : memref<8192xf32, #tpu.memory_space<vmem>>)
    %dma_wait3A_36 = tpu.memref_slice %arg8[%mul3A_11] : memref<524288xf32, #tpu.memory_space<hbm>> -> memref<8192xf32, #tpu.memory_space<hbm>>
    %dma_wait3A_37 = tpu.memref_slice %arg8[%mul3A_11] : memref<524288xf32, #tpu.memory_space<hbm>> -> memref<8192xf32, #tpu.memory_space<hbm>>
    tpu.wait_dma2 semaphore(%arg21 : memref<!tpu.dma_semaphore, #tpu.memory_space<semaphore_mem>>) src(%dma_wait3A_37 : memref<8192xf32, #tpu.memory_space<hbm>>) dst(%arg16 : memref<8192xf32, #tpu.memory_space<vmem>>)
    %dma_wait3A_38 = tpu.memref_slice %arg5[%mul3A_11] : memref<524288xf32, #tpu.memory_space<hbm>> -> memref<8192xf32, #tpu.memory_space<hbm>>
    %dma_wait3A_39 = tpu.memref_slice %arg5[%mul3A_11] : memref<524288xf32, #tpu.memory_space<hbm>> -> memref<8192xf32, #tpu.memory_space<hbm>>
    tpu.wait_dma2 semaphore(%arg21 : memref<!tpu.dma_semaphore, #tpu.memory_space<semaphore_mem>>) src(%dma_wait3A_39 : memref<8192xf32, #tpu.memory_space<hbm>>) dst(%arg17 : memref<8192xf32, #tpu.memory_space<vmem>>)
    %dma_wait3A_40 = tpu.memref_slice %arg9[%mul3A_11] : memref<524288xf32, #tpu.memory_space<hbm>> -> memref<8192xf32, #tpu.memory_space<hbm>>
    %dma_wait3A_41 = tpu.memref_slice %arg9[%mul3A_11] : memref<524288xf32, #tpu.memory_space<hbm>> -> memref<8192xf32, #tpu.memory_space<hbm>>
    tpu.wait_dma2 semaphore(%arg21 : memref<!tpu.dma_semaphore, #tpu.memory_space<semaphore_mem>>) src(%dma_wait3A_41 : memref<8192xf32, #tpu.memory_space<hbm>>) dst(%arg18 : memref<8192xf32, #tpu.memory_space<vmem>>)
    %scan3A = arith.constant 0 : i32
    %scan3A_42 = arith.constant 64 : i32
    %scan3A_43 = arith.addi %scan3A, %scan3A_42 : i32
    %scan3A_44 = arith.constant 1 : i32
    %scan3A_45:4 = scf.for %scan3A_217 = %scan3A to %scan3A_43 step %scan3A_44 iter_args(%scan3A_218 = %broadcast_in_dim3A_1, %scan3A_219 = %broadcast_in_dim3A_1, %scan3A_220 = %broadcast_in_dim3A_1, %scan3A_221 = %broadcast_in_dim3A_1) -> (vector<16xf32>, vector<16xf32>, vector<16xf32>, vector<16xf32>)  : i32 {
      %mul3A_222 = arith.constant 128 : i32
      %mul3A_223 = arith.muli %scan3A_217, %mul3A_222 : i32
      %add3A_224 = arith.constant 0 : i32
      %add3A_225 = arith.addi %mul3A_223, %add3A_224 : i32
      %add3A_226 = vector.broadcast %add3A_225 : i32 to vector<16xi32>
      %add3A_227 = arith.addi %add3A_226, %iota3A : vector<16xi32>
      %gather3A = tpu.vector_load_idx %arg14[%add3A_227] : memref<8192xf32, #tpu.memory_space<vmem>>[vector<16xi32>], vector<16xf32>,
      %add3A_228 = arith.addf %scan3A_218, %gather3A : vector<16xf32>
      %gather3A_229 = tpu.vector_load_idx %arg15[%add3A_227] : memref<8192xf32, #tpu.memory_space<vmem>>[vector<16xi32>], vector<16xf32>,
      %add3A_230 = arith.addf %scan3A_219, %gather3A_229 : vector<16xf32>
      %gather3A_231 = tpu.vector_load_idx %arg16[%add3A_227] : memref<8192xf32, #tpu.memory_space<vmem>>[vector<16xi32>], vector<16xf32>,
      %add3A_232 = arith.addf %scan3A_220, %gather3A_231 : vector<16xf32>
      %gather3A_233 = tpu.vector_load_idx %arg18[%add3A_227] : memref<8192xf32, #tpu.memory_space<vmem>>[vector<16xi32>], vector<16xf32>,
      %add3A_234 = arith.addf %scan3A_221, %gather3A_233 : vector<16xf32>
      %add3A_235 = arith.constant 16 : i32
      %add3A_236 = arith.addi %mul3A_223, %add3A_235 : i32
      %add3A_237 = vector.broadcast %add3A_236 : i32 to vector<16xi32>
      %add3A_238 = arith.addi %add3A_237, %iota3A : vector<16xi32>
      %gather3A_239 = tpu.vector_load_idx %arg14[%add3A_238] : memref<8192xf32, #tpu.memory_space<vmem>>[vector<16xi32>], vector<16xf32>,
      %add3A_240 = arith.addf %add3A_228, %gather3A_239 : vector<16xf32>
      %gather3A_241 = tpu.vector_load_idx %arg15[%add3A_238] : memref<8192xf32, #tpu.memory_space<vmem>>[vector<16xi32>], vector<16xf32>,
      %add3A_242 = arith.addf %add3A_230, %gather3A_241 : vector<16xf32>
      %gather3A_243 = tpu.vector_load_idx %arg16[%add3A_238] : memref<8192xf32, #tpu.memory_space<vmem>>[vector<16xi32>], vector<16xf32>,
      %add3A_244 = arith.addf %add3A_232, %gather3A_243 : vector<16xf32>
      %gather3A_245 = tpu.vector_load_idx %arg18[%add3A_238] : memref<8192xf32, #tpu.memory_space<vmem>>[vector<16xi32>], vector<16xf32>,
      %add3A_246 = arith.addf %add3A_234, %gather3A_245 : vector<16xf32>
      %add3A_247 = arith.constant 32 : i32
      %add3A_248 = arith.addi %mul3A_223, %add3A_247 : i32
      %add3A_249 = vector.broadcast %add3A_248 : i32 to vector<16xi32>
      %add3A_250 = arith.addi %add3A_249, %iota3A : vector<16xi32>
      %gather3A_251 = tpu.vector_load_idx %arg14[%add3A_250] : memref<8192xf32, #tpu.memory_space<vmem>>[vector<16xi32>], vector<16xf32>,
      %add3A_252 = arith.addf %add3A_240, %gather3A_251 : vector<16xf32>
      %gather3A_253 = tpu.vector_load_idx %arg15[%add3A_250] : memref<8192xf32, #tpu.memory_space<vmem>>[vector<16xi32>], vector<16xf32>,
      %add3A_254 = arith.addf %add3A_242, %gather3A_253 : vector<16xf32>
      %gather3A_255 = tpu.vector_load_idx %arg16[%add3A_250] : memref<8192xf32, #tpu.memory_space<vmem>>[vector<16xi32>], vector<16xf32>,
      %add3A_256 = arith.addf %add3A_244, %gather3A_255 : vector<16xf32>
      %gather3A_257 = tpu.vector_load_idx %arg18[%add3A_250] : memref<8192xf32, #tpu.memory_space<vmem>>[vector<16xi32>], vector<16xf32>,
      %add3A_258 = arith.addf %add3A_246, %gather3A_257 : vector<16xf32>
      %add3A_259 = arith.constant 48 : i32
      %add3A_260 = arith.addi %mul3A_223, %add3A_259 : i32
      %add3A_261 = vector.broadcast %add3A_260 : i32 to vector<16xi32>
      %add3A_262 = arith.addi %add3A_261, %iota3A : vector<16xi32>
      %gather3A_263 = tpu.vector_load_idx %arg14[%add3A_262] : memref<8192xf32, #tpu.memory_space<vmem>>[vector<16xi32>], vector<16xf32>,
      %add3A_264 = arith.addf %add3A_252, %gather3A_263 : vector<16xf32>
      %gather3A_265 = tpu.vector_load_idx %arg15[%add3A_262] : memref<8192xf32, #tpu.memory_space<vmem>>[vector<16xi32>], vector<16xf32>,
      %add3A_266 = arith.addf %add3A_254, %gather3A_265 : vector<16xf32>
      %gather3A_267 = tpu.vector_load_idx %arg16[%add3A_262] : memref<8192xf32, #tpu.memory_space<vmem>>[vector<16xi32>], vector<16xf32>,
      %add3A_268 = arith.addf %add3A_256, %gather3A_267 : vector<16xf32>
      %gather3A_269 = tpu.vector_load_idx %arg18[%add3A_262] : memref<8192xf32, #tpu.memory_space<vmem>>[vector<16xi32>], vector<16xf32>,
      %add3A_270 = arith.addf %add3A_258, %gather3A_269 : vector<16xf32>
      %add3A_271 = arith.constant 64 : i32
      %add3A_272 = arith.addi %mul3A_223, %add3A_271 : i32
      %add3A_273 = vector.broadcast %add3A_272 : i32 to vector<16xi32>
      %add3A_274 = arith.addi %add3A_273, %iota3A : vector<16xi32>
      %gather3A_275 = tpu.vector_load_idx %arg14[%add3A_274] : memref<8192xf32, #tpu.memory_space<vmem>>[vector<16xi32>], vector<16xf32>,
      %add3A_276 = arith.addf %add3A_264, %gather3A_275 : vector<16xf32>
      %gather3A_277 = tpu.vector_load_idx %arg15[%add3A_274] : memref<8192xf32, #tpu.memory_space<vmem>>[vector<16xi32>], vector<16xf32>,
      %add3A_278 = arith.addf %add3A_266, %gather3A_277 : vector<16xf32>
      %gather3A_279 = tpu.vector_load_idx %arg16[%add3A_274] : memref<8192xf32, #tpu.memory_space<vmem>>[vector<16xi32>], vector<16xf32>,
      %add3A_280 = arith.addf %add3A_268, %gather3A_279 : vector<16xf32>
      %gather3A_281 = tpu.vector_load_idx %arg18[%add3A_274] : memref<8192xf32, #tpu.memory_space<vmem>>[vector<16xi32>], vector<16xf32>,
      %add3A_282 = arith.addf %add3A_270, %gather3A_281 : vector<16xf32>
      %add3A_283 = arith.constant 80 : i32
      %add3A_284 = arith.addi %mul3A_223, %add3A_283 : i32
      %add3A_285 = vector.broadcast %add3A_284 : i32 to vector<16xi32>
      %add3A_286 = arith.addi %add3A_285, %iota3A : vector<16xi32>
      %gather3A_287 = tpu.vector_load_idx %arg14[%add3A_286] : memref<8192xf32, #tpu.memory_space<vmem>>[vector<16xi32>], vector<16xf32>,
      %add3A_288 = arith.addf %add3A_276, %gather3A_287 : vector<16xf32>
      %gather3A_289 = tpu.vector_load_idx %arg15[%add3A_286] : memref<8192xf32, #tpu.memory_space<vmem>>[vector<16xi32>], vector<16xf32>,
      %add3A_290 = arith.addf %add3A_278, %gather3A_289 : vector<16xf32>
      %gather3A_291 = tpu.vector_load_idx %arg16[%add3A_286] : memref<8192xf32, #tpu.memory_space<vmem>>[vector<16xi32>], vector<16xf32>,
      %add3A_292 = arith.addf %add3A_280, %gather3A_291 : vector<16xf32>
      %gather3A_293 = tpu.vector_load_idx %arg18[%add3A_286] : memref<8192xf32, #tpu.memory_space<vmem>>[vector<16xi32>], vector<16xf32>,
      %add3A_294 = arith.addf %add3A_282, %gather3A_293 : vector<16xf32>
      %add3A_295 = arith.constant 96 : i32
      %add3A_296 = arith.addi %mul3A_223, %add3A_295 : i32
      %add3A_297 = vector.broadcast %add3A_296 : i32 to vector<16xi32>
      %add3A_298 = arith.addi %add3A_297, %iota3A : vector<16xi32>
      %gather3A_299 = tpu.vector_load_idx %arg14[%add3A_298] : memref<8192xf32, #tpu.memory_space<vmem>>[vector<16xi32>], vector<16xf32>,
      %add3A_300 = arith.addf %add3A_288, %gather3A_299 : vector<16xf32>
      %gather3A_301 = tpu.vector_load_idx %arg15[%add3A_298] : memref<8192xf32, #tpu.memory_space<vmem>>[vector<16xi32>], vector<16xf32>,
      %add3A_302 = arith.addf %add3A_290, %gather3A_301 : vector<16xf32>
      %gather3A_303 = tpu.vector_load_idx %arg16[%add3A_298] : memref<8192xf32, #tpu.memory_space<vmem>>[vector<16xi32>], vector<16xf32>,
      %add3A_304 = arith.addf %add3A_292, %gather3A_303 : vector<16xf32>
      %gather3A_305 = tpu.vector_load_idx %arg18[%add3A_298] : memref<8192xf32, #tpu.memory_space<vmem>>[vector<16xi32>], vector<16xf32>,
      %add3A_306 = arith.addf %add3A_294, %gather3A_305 : vector<16xf32>
      %add3A_307 = arith.constant 112 : i32
      %add3A_308 = arith.addi %mul3A_223, %add3A_307 : i32
      %add3A_309 = vector.broadcast %add3A_308 : i32 to vector<16xi32>
      %add3A_310 = arith.addi %add3A_309, %iota3A : vector<16xi32>
      %gather3A_311 = tpu.vector_load_idx %arg14[%add3A_310] : memref<8192xf32, #tpu.memory_space<vmem>>[vector<16xi32>], vector<16xf32>,
      %add3A_312 = arith.addf %add3A_300, %gather3A_311 : vector<16xf32>
      %gather3A_313 = tpu.vector_load_idx %arg15[%add3A_310] : memref<8192xf32, #tpu.memory_space<vmem>>[vector<16xi32>], vector<16xf32>,
      %add3A_314 = arith.addf %add3A_302, %gather3A_313 : vector<16xf32>
      %gather3A_315 = tpu.vector_load_idx %arg16[%add3A_310] : memref<8192xf32, #tpu.memory_space<vmem>>[vector<16xi32>], vector<16xf32>,
      %add3A_316 = arith.addf %add3A_304, %gather3A_315 : vector<16xf32>
      %gather3A_317 = tpu.vector_load_idx %arg18[%add3A_310] : memref<8192xf32, #tpu.memory_space<vmem>>[vector<16xi32>], vector<16xf32>,
      %add3A_318 = arith.addf %add3A_306, %gather3A_317 : vector<16xf32>
      scf.yield %add3A_312, %add3A_314, %add3A_316, %add3A_318 : vector<16xf32>, vector<16xf32>, vector<16xf32>, vector<16xf32>
    }
    %scan3A_46 = arith.constant 64 : i32
    %reduce_sum3A = arith.constant true
    %reduce_sum3A_47 = vector.broadcast %reduce_sum3A : i1 to vector<16xi1>
    %reduce_sum3A_48 = tpu.scan <sum>, %scan3A_45#3 masked %reduce_sum3A_47 : vector<16xf32>, vector<16xi1> -> vector<16xf32>
    %reduce_sum3A_49 = vector.extract %reduce_sum3A_48[15] : f32 from vector<16xf32>
    %broadcast_in_dim3A_50 = vector.broadcast %reduce_sum3A_49 : f32 to vector<16xf32>
    %reduce_sum3A_51 = arith.constant true
    %reduce_sum3A_52 = vector.broadcast %reduce_sum3A_51 : i1 to vector<16xi1>
    %reduce_sum3A_53 = tpu.scan <sum>, %scan3A_45#0 masked %reduce_sum3A_52 : vector<16xf32>, vector<16xi1> -> vector<16xf32>
    %reduce_sum3A_54 = vector.extract %reduce_sum3A_53[15] : f32 from vector<16xf32>
    %broadcast_in_dim3A_55 = vector.broadcast %reduce_sum3A_54 : f32 to vector<16xf32>
    %div3A = arith.divf %broadcast_in_dim3A_55, %broadcast_in_dim3A_50 : vector<16xf32>
    %reduce_sum3A_56 = arith.constant true
    %reduce_sum3A_57 = vector.broadcast %reduce_sum3A_56 : i1 to vector<16xi1>
    %reduce_sum3A_58 = tpu.scan <sum>, %scan3A_45#1 masked %reduce_sum3A_57 : vector<16xf32>, vector<16xi1> -> vector<16xf32>
    %reduce_sum3A_59 = vector.extract %reduce_sum3A_58[15] : f32 from vector<16xf32>
    %broadcast_in_dim3A_60 = vector.broadcast %reduce_sum3A_59 : f32 to vector<16xf32>
    %div3A_61 = arith.divf %broadcast_in_dim3A_60, %broadcast_in_dim3A_50 : vector<16xf32>
    %reduce_sum3A_62 = arith.constant true
    %reduce_sum3A_63 = vector.broadcast %reduce_sum3A_62 : i1 to vector<16xi1>
    %reduce_sum3A_64 = tpu.scan <sum>, %scan3A_45#2 masked %reduce_sum3A_63 : vector<16xf32>, vector<16xi1> -> vector<16xf32>
    %reduce_sum3A_65 = vector.extract %reduce_sum3A_64[15] : f32 from vector<16xf32>
    %broadcast_in_dim3A_66 = vector.broadcast %reduce_sum3A_65 : f32 to vector<16xf32>
    %div3A_67 = arith.divf %broadcast_in_dim3A_66, %broadcast_in_dim3A_50 : vector<16xf32>
    %broadcast_in_dim3A_68 = arith.constant 2139095040 : i32
    %broadcast_in_dim3A_69 = vector.broadcast %broadcast_in_dim3A_68 : i32 to vector<16xi32>
    %scan3A_70 = arith.constant 0 : i32
    %scan3A_71 = arith.constant 64 : i32
    %scan3A_72 = arith.addi %scan3A_70, %scan3A_71 : i32
    %scan3A_73 = arith.constant 1 : i32
    %scan3A_74:2 = scf.for %scan3A_217 = %scan3A_70 to %scan3A_72 step %scan3A_73 iter_args(%scan3A_218 = %broadcast_in_dim3A_69, %scan3A_219 = %broadcast_in_dim3A_3) -> (vector<16xi32>, vector<16xi32>)  : i32 {
      %mul3A_220 = arith.constant 128 : i32
      %mul3A_221 = arith.muli %scan3A_217, %mul3A_220 : i32
      %add3A_222 = arith.constant 0 : i32
      %add3A_223 = arith.addi %mul3A_221, %add3A_222 : i32
      %add3A_224 = vector.broadcast %add3A_223 : i32 to vector<16xi32>
      %add3A_225 = arith.addi %add3A_224, %iota3A : vector<16xi32>
      %gather3A = tpu.vector_load_idx %arg11[%add3A_225] : memref<8192xf32, #tpu.memory_space<vmem>>[vector<16xi32>], vector<16xf32>,
      %sub3A = arith.subf %div3A, %gather3A : vector<16xf32>
      %gather3A_226 = tpu.vector_load_idx %arg12[%add3A_225] : memref<8192xf32, #tpu.memory_space<vmem>>[vector<16xi32>], vector<16xf32>,
      %sub3A_227 = arith.subf %div3A_61, %gather3A_226 : vector<16xf32>
      %gather3A_228 = tpu.vector_load_idx %arg13[%add3A_225] : memref<8192xf32, #tpu.memory_space<vmem>>[vector<16xi32>], vector<16xf32>,
      %sub3A_229 = arith.subf %div3A_67, %gather3A_228 : vector<16xf32>
      %gather3A_230 = tpu.vector_load_idx %arg17[%add3A_225] : memref<8192xf32, #tpu.memory_space<vmem>>[vector<16xi32>], vector<16xf32>,
      %mul3A_231 = arith.mulf %sub3A, %sub3A : vector<16xf32>
      %mul3A_232 = arith.mulf %sub3A_227, %sub3A_227 : vector<16xf32>
      %add3A_233 = arith.addf %mul3A_231, %mul3A_232 : vector<16xf32>
      %mul3A_234 = arith.mulf %sub3A_229, %sub3A_229 : vector<16xf32>
      %add3A_235 = arith.addf %add3A_233, %mul3A_234 : vector<16xf32>
      %add3A_236 = arith.constant 9.99999996E-13 : f32
      %add3A_237 = vector.broadcast %add3A_236 : f32 to vector<16xf32>
      %add3A_238 = arith.addf %add3A_235, %add3A_237 : vector<16xf32>
      %sub3A_239 = arith.constant 1.000000e+00 : f32
      %sub3A_240 = vector.broadcast %sub3A_239 : f32 to vector<16xf32>
      %sub3A_241 = arith.subf %sub3A_240, %gather3A_230 : vector<16xf32>
      %mul3A_242 = arith.constant 1.000000e+10 : f32
      %mul3A_243 = vector.broadcast %mul3A_242 : f32 to vector<16xf32>
      %mul3A_244 = arith.mulf %sub3A_241, %mul3A_243 : vector<16xf32>
      %add3A_245 = arith.addf %add3A_238, %mul3A_244 : vector<16xf32>
      %bitcast3A = vector.bitcast %add3A_245 : vector<16xf32> to vector<16xi32>
      tpu.vector_store_idx %arg19[%add3A_225], %bitcast3A : memref<8192xi32, #tpu.memory_space<vmem>>[vector<16xi32>], vector<16xi32>,
      %min3A = arith.minsi %scan3A_218, %bitcast3A : vector<16xi32>
      %max3A = arith.maxsi %scan3A_219, %bitcast3A : vector<16xi32>
      %add3A_246 = arith.constant 16 : i32
      %add3A_247 = arith.addi %mul3A_221, %add3A_246 : i32
      %add3A_248 = vector.broadcast %add3A_247 : i32 to vector<16xi32>
      %add3A_249 = arith.addi %add3A_248, %iota3A : vector<16xi32>
      %gather3A_250 = tpu.vector_load_idx %arg11[%add3A_249] : memref<8192xf32, #tpu.memory_space<vmem>>[vector<16xi32>], vector<16xf32>,
      %sub3A_251 = arith.subf %div3A, %gather3A_250 : vector<16xf32>
      %gather3A_252 = tpu.vector_load_idx %arg12[%add3A_249] : memref<8192xf32, #tpu.memory_space<vmem>>[vector<16xi32>], vector<16xf32>,
      %sub3A_253 = arith.subf %div3A_61, %gather3A_252 : vector<16xf32>
      %gather3A_254 = tpu.vector_load_idx %arg13[%add3A_249] : memref<8192xf32, #tpu.memory_space<vmem>>[vector<16xi32>], vector<16xf32>,
      %sub3A_255 = arith.subf %div3A_67, %gather3A_254 : vector<16xf32>
      %gather3A_256 = tpu.vector_load_idx %arg17[%add3A_249] : memref<8192xf32, #tpu.memory_space<vmem>>[vector<16xi32>], vector<16xf32>,
      %mul3A_257 = arith.mulf %sub3A_251, %sub3A_251 : vector<16xf32>
      %mul3A_258 = arith.mulf %sub3A_253, %sub3A_253 : vector<16xf32>
      %add3A_259 = arith.addf %mul3A_257, %mul3A_258 : vector<16xf32>
      %mul3A_260 = arith.mulf %sub3A_255, %sub3A_255 : vector<16xf32>
      %add3A_261 = arith.addf %add3A_259, %mul3A_260 : vector<16xf32>
      %add3A_262 = arith.constant 9.99999996E-13 : f32
      %add3A_263 = vector.broadcast %add3A_262 : f32 to vector<16xf32>
      %add3A_264 = arith.addf %add3A_261, %add3A_263 : vector<16xf32>
      %sub3A_265 = arith.constant 1.000000e+00 : f32
      %sub3A_266 = vector.broadcast %sub3A_265 : f32 to vector<16xf32>
      %sub3A_267 = arith.subf %sub3A_266, %gather3A_256 : vector<16xf32>
      %mul3A_268 = arith.constant 1.000000e+10 : f32
      %mul3A_269 = vector.broadcast %mul3A_268 : f32 to vector<16xf32>
      %mul3A_270 = arith.mulf %sub3A_267, %mul3A_269 : vector<16xf32>
      %add3A_271 = arith.addf %add3A_264, %mul3A_270 : vector<16xf32>
      %bitcast3A_272 = vector.bitcast %add3A_271 : vector<16xf32> to vector<16xi32>
      tpu.vector_store_idx %arg19[%add3A_249], %bitcast3A_272 : memref<8192xi32, #tpu.memory_space<vmem>>[vector<16xi32>], vector<16xi32>,
      %min3A_273 = arith.minsi %min3A, %bitcast3A_272 : vector<16xi32>
      %max3A_274 = arith.maxsi %max3A, %bitcast3A_272 : vector<16xi32>
      %add3A_275 = arith.constant 32 : i32
      %add3A_276 = arith.addi %mul3A_221, %add3A_275 : i32
      %add3A_277 = vector.broadcast %add3A_276 : i32 to vector<16xi32>
      %add3A_278 = arith.addi %add3A_277, %iota3A : vector<16xi32>
      %gather3A_279 = tpu.vector_load_idx %arg11[%add3A_278] : memref<8192xf32, #tpu.memory_space<vmem>>[vector<16xi32>], vector<16xf32>,
      %sub3A_280 = arith.subf %div3A, %gather3A_279 : vector<16xf32>
      %gather3A_281 = tpu.vector_load_idx %arg12[%add3A_278] : memref<8192xf32, #tpu.memory_space<vmem>>[vector<16xi32>], vector<16xf32>,
      %sub3A_282 = arith.subf %div3A_61, %gather3A_281 : vector<16xf32>
      %gather3A_283 = tpu.vector_load_idx %arg13[%add3A_278] : memref<8192xf32, #tpu.memory_space<vmem>>[vector<16xi32>], vector<16xf32>,
      %sub3A_284 = arith.subf %div3A_67, %gather3A_283 : vector<16xf32>
      %gather3A_285 = tpu.vector_load_idx %arg17[%add3A_278] : memref<8192xf32, #tpu.memory_space<vmem>>[vector<16xi32>], vector<16xf32>,
      %mul3A_286 = arith.mulf %sub3A_280, %sub3A_280 : vector<16xf32>
      %mul3A_287 = arith.mulf %sub3A_282, %sub3A_282 : vector<16xf32>
      %add3A_288 = arith.addf %mul3A_286, %mul3A_287 : vector<16xf32>
      %mul3A_289 = arith.mulf %sub3A_284, %sub3A_284 : vector<16xf32>
      %add3A_290 = arith.addf %add3A_288, %mul3A_289 : vector<16xf32>
      %add3A_291 = arith.constant 9.99999996E-13 : f32
      %add3A_292 = vector.broadcast %add3A_291 : f32 to vector<16xf32>
      %add3A_293 = arith.addf %add3A_290, %add3A_292 : vector<16xf32>
      %sub3A_294 = arith.constant 1.000000e+00 : f32
      %sub3A_295 = vector.broadcast %sub3A_294 : f32 to vector<16xf32>
      %sub3A_296 = arith.subf %sub3A_295, %gather3A_285 : vector<16xf32>
      %mul3A_297 = arith.constant 1.000000e+10 : f32
      %mul3A_298 = vector.broadcast %mul3A_297 : f32 to vector<16xf32>
      %mul3A_299 = arith.mulf %sub3A_296, %mul3A_298 : vector<16xf32>
      %add3A_300 = arith.addf %add3A_293, %mul3A_299 : vector<16xf32>
      %bitcast3A_301 = vector.bitcast %add3A_300 : vector<16xf32> to vector<16xi32>
      tpu.vector_store_idx %arg19[%add3A_278], %bitcast3A_301 : memref<8192xi32, #tpu.memory_space<vmem>>[vector<16xi32>], vector<16xi32>,
      %min3A_302 = arith.minsi %min3A_273, %bitcast3A_301 : vector<16xi32>
      %max3A_303 = arith.maxsi %max3A_274, %bitcast3A_301 : vector<16xi32>
      %add3A_304 = arith.constant 48 : i32
      %add3A_305 = arith.addi %mul3A_221, %add3A_304 : i32
      %add3A_306 = vector.broadcast %add3A_305 : i32 to vector<16xi32>
      %add3A_307 = arith.addi %add3A_306, %iota3A : vector<16xi32>
      %gather3A_308 = tpu.vector_load_idx %arg11[%add3A_307] : memref<8192xf32, #tpu.memory_space<vmem>>[vector<16xi32>], vector<16xf32>,
      %sub3A_309 = arith.subf %div3A, %gather3A_308 : vector<16xf32>
      %gather3A_310 = tpu.vector_load_idx %arg12[%add3A_307] : memref<8192xf32, #tpu.memory_space<vmem>>[vector<16xi32>], vector<16xf32>,
      %sub3A_311 = arith.subf %div3A_61, %gather3A_310 : vector<16xf32>
      %gather3A_312 = tpu.vector_load_idx %arg13[%add3A_307] : memref<8192xf32, #tpu.memory_space<vmem>>[vector<16xi32>], vector<16xf32>,
      %sub3A_313 = arith.subf %div3A_67, %gather3A_312 : vector<16xf32>
      %gather3A_314 = tpu.vector_load_idx %arg17[%add3A_307] : memref<8192xf32, #tpu.memory_space<vmem>>[vector<16xi32>], vector<16xf32>,
      %mul3A_315 = arith.mulf %sub3A_309, %sub3A_309 : vector<16xf32>
      %mul3A_316 = arith.mulf %sub3A_311, %sub3A_311 : vector<16xf32>
      %add3A_317 = arith.addf %mul3A_315, %mul3A_316 : vector<16xf32>
      %mul3A_318 = arith.mulf %sub3A_313, %sub3A_313 : vector<16xf32>
      %add3A_319 = arith.addf %add3A_317, %mul3A_318 : vector<16xf32>
      %add3A_320 = arith.constant 9.99999996E-13 : f32
      %add3A_321 = vector.broadcast %add3A_320 : f32 to vector<16xf32>
      %add3A_322 = arith.addf %add3A_319, %add3A_321 : vector<16xf32>
      %sub3A_323 = arith.constant 1.000000e+00 : f32
      %sub3A_324 = vector.broadcast %sub3A_323 : f32 to vector<16xf32>
      %sub3A_325 = arith.subf %sub3A_324, %gather3A_314 : vector<16xf32>
      %mul3A_326 = arith.constant 1.000000e+10 : f32
      %mul3A_327 = vector.broadcast %mul3A_326 : f32 to vector<16xf32>
      %mul3A_328 = arith.mulf %sub3A_325, %mul3A_327 : vector<16xf32>
      %add3A_329 = arith.addf %add3A_322, %mul3A_328 : vector<16xf32>
      %bitcast3A_330 = vector.bitcast %add3A_329 : vector<16xf32> to vector<16xi32>
      tpu.vector_store_idx %arg19[%add3A_307], %bitcast3A_330 : memref<8192xi32, #tpu.memory_space<vmem>>[vector<16xi32>], vector<16xi32>,
      %min3A_331 = arith.minsi %min3A_302, %bitcast3A_330 : vector<16xi32>
      %max3A_332 = arith.maxsi %max3A_303, %bitcast3A_330 : vector<16xi32>
      %add3A_333 = arith.constant 64 : i32
      %add3A_334 = arith.addi %mul3A_221, %add3A_333 : i32
      %add3A_335 = vector.broadcast %add3A_334 : i32 to vector<16xi32>
      %add3A_336 = arith.addi %add3A_335, %iota3A : vector<16xi32>
      %gather3A_337 = tpu.vector_load_idx %arg11[%add3A_336] : memref<8192xf32, #tpu.memory_space<vmem>>[vector<16xi32>], vector<16xf32>,
      %sub3A_338 = arith.subf %div3A, %gather3A_337 : vector<16xf32>
      %gather3A_339 = tpu.vector_load_idx %arg12[%add3A_336] : memref<8192xf32, #tpu.memory_space<vmem>>[vector<16xi32>], vector<16xf32>,
      %sub3A_340 = arith.subf %div3A_61, %gather3A_339 : vector<16xf32>
      %gather3A_341 = tpu.vector_load_idx %arg13[%add3A_336] : memref<8192xf32, #tpu.memory_space<vmem>>[vector<16xi32>], vector<16xf32>,
      %sub3A_342 = arith.subf %div3A_67, %gather3A_341 : vector<16xf32>
      %gather3A_343 = tpu.vector_load_idx %arg17[%add3A_336] : memref<8192xf32, #tpu.memory_space<vmem>>[vector<16xi32>], vector<16xf32>,
      %mul3A_344 = arith.mulf %sub3A_338, %sub3A_338 : vector<16xf32>
      %mul3A_345 = arith.mulf %sub3A_340, %sub3A_340 : vector<16xf32>
      %add3A_346 = arith.addf %mul3A_344, %mul3A_345 : vector<16xf32>
      %mul3A_347 = arith.mulf %sub3A_342, %sub3A_342 : vector<16xf32>
      %add3A_348 = arith.addf %add3A_346, %mul3A_347 : vector<16xf32>
      %add3A_349 = arith.constant 9.99999996E-13 : f32
      %add3A_350 = vector.broadcast %add3A_349 : f32 to vector<16xf32>
      %add3A_351 = arith.addf %add3A_348, %add3A_350 : vector<16xf32>
      %sub3A_352 = arith.constant 1.000000e+00 : f32
      %sub3A_353 = vector.broadcast %sub3A_352 : f32 to vector<16xf32>
      %sub3A_354 = arith.subf %sub3A_353, %gather3A_343 : vector<16xf32>
      %mul3A_355 = arith.constant 1.000000e+10 : f32
      %mul3A_356 = vector.broadcast %mul3A_355 : f32 to vector<16xf32>
      %mul3A_357 = arith.mulf %sub3A_354, %mul3A_356 : vector<16xf32>
      %add3A_358 = arith.addf %add3A_351, %mul3A_357 : vector<16xf32>
      %bitcast3A_359 = vector.bitcast %add3A_358 : vector<16xf32> to vector<16xi32>
      tpu.vector_store_idx %arg19[%add3A_336], %bitcast3A_359 : memref<8192xi32, #tpu.memory_space<vmem>>[vector<16xi32>], vector<16xi32>,
      %min3A_360 = arith.minsi %min3A_331, %bitcast3A_359 : vector<16xi32>
      %max3A_361 = arith.maxsi %max3A_332, %bitcast3A_359 : vector<16xi32>
      %add3A_362 = arith.constant 80 : i32
      %add3A_363 = arith.addi %mul3A_221, %add3A_362 : i32
      %add3A_364 = vector.broadcast %add3A_363 : i32 to vector<16xi32>
      %add3A_365 = arith.addi %add3A_364, %iota3A : vector<16xi32>
      %gather3A_366 = tpu.vector_load_idx %arg11[%add3A_365] : memref<8192xf32, #tpu.memory_space<vmem>>[vector<16xi32>], vector<16xf32>,
      %sub3A_367 = arith.subf %div3A, %gather3A_366 : vector<16xf32>
      %gather3A_368 = tpu.vector_load_idx %arg12[%add3A_365] : memref<8192xf32, #tpu.memory_space<vmem>>[vector<16xi32>], vector<16xf32>,
      %sub3A_369 = arith.subf %div3A_61, %gather3A_368 : vector<16xf32>
      %gather3A_370 = tpu.vector_load_idx %arg13[%add3A_365] : memref<8192xf32, #tpu.memory_space<vmem>>[vector<16xi32>], vector<16xf32>,
      %sub3A_371 = arith.subf %div3A_67, %gather3A_370 : vector<16xf32>
      %gather3A_372 = tpu.vector_load_idx %arg17[%add3A_365] : memref<8192xf32, #tpu.memory_space<vmem>>[vector<16xi32>], vector<16xf32>,
      %mul3A_373 = arith.mulf %sub3A_367, %sub3A_367 : vector<16xf32>
      %mul3A_374 = arith.mulf %sub3A_369, %sub3A_369 : vector<16xf32>
      %add3A_375 = arith.addf %mul3A_373, %mul3A_374 : vector<16xf32>
      %mul3A_376 = arith.mulf %sub3A_371, %sub3A_371 : vector<16xf32>
      %add3A_377 = arith.addf %add3A_375, %mul3A_376 : vector<16xf32>
      %add3A_378 = arith.constant 9.99999996E-13 : f32
      %add3A_379 = vector.broadcast %add3A_378 : f32 to vector<16xf32>
      %add3A_380 = arith.addf %add3A_377, %add3A_379 : vector<16xf32>
      %sub3A_381 = arith.constant 1.000000e+00 : f32
      %sub3A_382 = vector.broadcast %sub3A_381 : f32 to vector<16xf32>
      %sub3A_383 = arith.subf %sub3A_382, %gather3A_372 : vector<16xf32>
      %mul3A_384 = arith.constant 1.000000e+10 : f32
      %mul3A_385 = vector.broadcast %mul3A_384 : f32 to vector<16xf32>
      %mul3A_386 = arith.mulf %sub3A_383, %mul3A_385 : vector<16xf32>
      %add3A_387 = arith.addf %add3A_380, %mul3A_386 : vector<16xf32>
      %bitcast3A_388 = vector.bitcast %add3A_387 : vector<16xf32> to vector<16xi32>
      tpu.vector_store_idx %arg19[%add3A_365], %bitcast3A_388 : memref<8192xi32, #tpu.memory_space<vmem>>[vector<16xi32>], vector<16xi32>,
      %min3A_389 = arith.minsi %min3A_360, %bitcast3A_388 : vector<16xi32>
      %max3A_390 = arith.maxsi %max3A_361, %bitcast3A_388 : vector<16xi32>
      %add3A_391 = arith.constant 96 : i32
      %add3A_392 = arith.addi %mul3A_221, %add3A_391 : i32
      %add3A_393 = vector.broadcast %add3A_392 : i32 to vector<16xi32>
      %add3A_394 = arith.addi %add3A_393, %iota3A : vector<16xi32>
      %gather3A_395 = tpu.vector_load_idx %arg11[%add3A_394] : memref<8192xf32, #tpu.memory_space<vmem>>[vector<16xi32>], vector<16xf32>,
      %sub3A_396 = arith.subf %div3A, %gather3A_395 : vector<16xf32>
      %gather3A_397 = tpu.vector_load_idx %arg12[%add3A_394] : memref<8192xf32, #tpu.memory_space<vmem>>[vector<16xi32>], vector<16xf32>,
      %sub3A_398 = arith.subf %div3A_61, %gather3A_397 : vector<16xf32>
      %gather3A_399 = tpu.vector_load_idx %arg13[%add3A_394] : memref<8192xf32, #tpu.memory_space<vmem>>[vector<16xi32>], vector<16xf32>,
      %sub3A_400 = arith.subf %div3A_67, %gather3A_399 : vector<16xf32>
      %gather3A_401 = tpu.vector_load_idx %arg17[%add3A_394] : memref<8192xf32, #tpu.memory_space<vmem>>[vector<16xi32>], vector<16xf32>,
      %mul3A_402 = arith.mulf %sub3A_396, %sub3A_396 : vector<16xf32>
      %mul3A_403 = arith.mulf %sub3A_398, %sub3A_398 : vector<16xf32>
      %add3A_404 = arith.addf %mul3A_402, %mul3A_403 : vector<16xf32>
      %mul3A_405 = arith.mulf %sub3A_400, %sub3A_400 : vector<16xf32>
      %add3A_406 = arith.addf %add3A_404, %mul3A_405 : vector<16xf32>
      %add3A_407 = arith.constant 9.99999996E-13 : f32
      %add3A_408 = vector.broadcast %add3A_407 : f32 to vector<16xf32>
      %add3A_409 = arith.addf %add3A_406, %add3A_408 : vector<16xf32>
      %sub3A_410 = arith.constant 1.000000e+00 : f32
      %sub3A_411 = vector.broadcast %sub3A_410 : f32 to vector<16xf32>
      %sub3A_412 = arith.subf %sub3A_411, %gather3A_401 : vector<16xf32>
      %mul3A_413 = arith.constant 1.000000e+10 : f32
      %mul3A_414 = vector.broadcast %mul3A_413 : f32 to vector<16xf32>
      %mul3A_415 = arith.mulf %sub3A_412, %mul3A_414 : vector<16xf32>
      %add3A_416 = arith.addf %add3A_409, %mul3A_415 : vector<16xf32>
      %bitcast3A_417 = vector.bitcast %add3A_416 : vector<16xf32> to vector<16xi32>
      tpu.vector_store_idx %arg19[%add3A_394], %bitcast3A_417 : memref<8192xi32, #tpu.memory_space<vmem>>[vector<16xi32>], vector<16xi32>,
      %min3A_418 = arith.minsi %min3A_389, %bitcast3A_417 : vector<16xi32>
      %max3A_419 = arith.maxsi %max3A_390, %bitcast3A_417 : vector<16xi32>
      %add3A_420 = arith.constant 112 : i32
      %add3A_421 = arith.addi %mul3A_221, %add3A_420 : i32
      %add3A_422 = vector.broadcast %add3A_421 : i32 to vector<16xi32>
      %add3A_423 = arith.addi %add3A_422, %iota3A : vector<16xi32>
      %gather3A_424 = tpu.vector_load_idx %arg11[%add3A_423] : memref<8192xf32, #tpu.memory_space<vmem>>[vector<16xi32>], vector<16xf32>,
      %sub3A_425 = arith.subf %div3A, %gather3A_424 : vector<16xf32>
      %gather3A_426 = tpu.vector_load_idx %arg12[%add3A_423] : memref<8192xf32, #tpu.memory_space<vmem>>[vector<16xi32>], vector<16xf32>,
      %sub3A_427 = arith.subf %div3A_61, %gather3A_426 : vector<16xf32>
      %gather3A_428 = tpu.vector_load_idx %arg13[%add3A_423] : memref<8192xf32, #tpu.memory_space<vmem>>[vector<16xi32>], vector<16xf32>,
      %sub3A_429 = arith.subf %div3A_67, %gather3A_428 : vector<16xf32>
      %gather3A_430 = tpu.vector_load_idx %arg17[%add3A_423] : memref<8192xf32, #tpu.memory_space<vmem>>[vector<16xi32>], vector<16xf32>,
      %mul3A_431 = arith.mulf %sub3A_425, %sub3A_425 : vector<16xf32>
      %mul3A_432 = arith.mulf %sub3A_427, %sub3A_427 : vector<16xf32>
      %add3A_433 = arith.addf %mul3A_431, %mul3A_432 : vector<16xf32>
      %mul3A_434 = arith.mulf %sub3A_429, %sub3A_429 : vector<16xf32>
      %add3A_435 = arith.addf %add3A_433, %mul3A_434 : vector<16xf32>
      %add3A_436 = arith.constant 9.99999996E-13 : f32
      %add3A_437 = vector.broadcast %add3A_436 : f32 to vector<16xf32>
      %add3A_438 = arith.addf %add3A_435, %add3A_437 : vector<16xf32>
      %sub3A_439 = arith.constant 1.000000e+00 : f32
      %sub3A_440 = vector.broadcast %sub3A_439 : f32 to vector<16xf32>
      %sub3A_441 = arith.subf %sub3A_440, %gather3A_430 : vector<16xf32>
      %mul3A_442 = arith.constant 1.000000e+10 : f32
      %mul3A_443 = vector.broadcast %mul3A_442 : f32 to vector<16xf32>
      %mul3A_444 = arith.mulf %sub3A_441, %mul3A_443 : vector<16xf32>
      %add3A_445 = arith.addf %add3A_438, %mul3A_444 : vector<16xf32>
      %bitcast3A_446 = vector.bitcast %add3A_445 : vector<16xf32> to vector<16xi32>
      tpu.vector_store_idx %arg19[%add3A_423], %bitcast3A_446 : memref<8192xi32, #tpu.memory_space<vmem>>[vector<16xi32>], vector<16xi32>,
      %min3A_447 = arith.minsi %min3A_418, %bitcast3A_446 : vector<16xi32>
      %max3A_448 = arith.maxsi %max3A_419, %bitcast3A_446 : vector<16xi32>
      scf.yield %min3A_447, %max3A_448 : vector<16xi32>, vector<16xi32>
    }
    %scan3A_75 = arith.constant 64 : i32
    %reduce_min3A = arith.constant true
    %reduce_min3A_76 = vector.broadcast %reduce_min3A : i1 to vector<16xi1>
    %reduce_min3A_77 = arith.constant -2147483648 : i32
    %reduce_min3A_78 = vector.broadcast %reduce_min3A_77 : i32 to vector<16xi32>
    %reduce_min3A_79 = arith.xori %scan3A_74#0, %reduce_min3A_78 : vector<16xi32>
    %reduce_min3A_80 = tpu.scan <min>, %reduce_min3A_79 masked %reduce_min3A_76 : vector<16xi32>, vector<16xi1> -> vector<16xi32>
    %reduce_min3A_81 = arith.xori %reduce_min3A_80, %reduce_min3A_78 : vector<16xi32>
    %reduce_min3A_82 = vector.extract %reduce_min3A_81[15] : i32 from vector<16xi32>
    %reduce_max3A = arith.constant true
    %reduce_max3A_83 = vector.broadcast %reduce_max3A : i1 to vector<16xi1>
    %reduce_max3A_84 = arith.constant -2147483648 : i32
    %reduce_max3A_85 = vector.broadcast %reduce_max3A_84 : i32 to vector<16xi32>
    %reduce_max3A_86 = arith.xori %scan3A_74#1, %reduce_max3A_85 : vector<16xi32>
    %reduce_max3A_87 = tpu.scan <max>, %reduce_max3A_86 masked %reduce_max3A_83 : vector<16xi32>, vector<16xi1> -> vector<16xi32>
    %reduce_max3A_88 = arith.xori %reduce_max3A_87, %reduce_max3A_85 : vector<16xi32>
    %reduce_max3A_89 = vector.extract %reduce_max3A_88[15] : i32 from vector<16xi32>
    %while3A:2 = scf.while (%while3A_217 = %reduce_min3A_82, %while3A_218 = %reduce_max3A_89) : (i32, i32) -> (i32, i32) {
      %lt3A = arith.cmpi slt, %while3A_217, %while3A_218 : i32
      scf.condition(%lt3A) %while3A_217, %while3A_218 : i32, i32
    } do {
    ^bb0(%while3A_217: i32, %while3A_218: i32):
      %sub3A = arith.subi %while3A_218, %while3A_217 : i32
      %shift_right_arithmetic3A = arith.constant 2 : i32
      %shift_right_arithmetic3A_219 = arith.shrsi %sub3A, %shift_right_arithmetic3A : i32
      %add3A_220 = arith.addi %while3A_217, %shift_right_arithmetic3A_219 : i32
      %shift_right_arithmetic3A_221 = arith.constant 1 : i32
      %shift_right_arithmetic3A_222 = arith.shrsi %sub3A, %shift_right_arithmetic3A_221 : i32
      %add3A_223 = arith.addi %while3A_217, %shift_right_arithmetic3A_222 : i32
      %shift_right_arithmetic3A_224 = arith.constant 2 : i32
      %shift_right_arithmetic3A_225 = arith.shrsi %sub3A, %shift_right_arithmetic3A_224 : i32
      %sub3A_226 = arith.subi %sub3A, %shift_right_arithmetic3A_225 : i32
      %add3A_227 = arith.addi %while3A_217, %sub3A_226 : i32
      %scan3A_228 = arith.constant 0 : i32
      %scan3A_229 = arith.constant 64 : i32
      %scan3A_230 = arith.addi %scan3A_228, %scan3A_229 : i32
      %scan3A_231 = arith.constant 1 : i32
      %scan3A_232:3 = scf.for %scan3A_262 = %scan3A_228 to %scan3A_230 step %scan3A_231 iter_args(%scan3A_263 = %broadcast_in_dim3A_3, %scan3A_264 = %broadcast_in_dim3A_3, %scan3A_265 = %broadcast_in_dim3A_3) -> (vector<16xi32>, vector<16xi32>, vector<16xi32>)  : i32 {
        %mul3A_266 = arith.constant 128 : i32
        %mul3A_267 = arith.muli %scan3A_262, %mul3A_266 : i32
        %add3A_268 = arith.constant 0 : i32
        %add3A_269 = arith.addi %mul3A_267, %add3A_268 : i32
        %add3A_270 = vector.broadcast %add3A_269 : i32 to vector<16xi32>
        %add3A_271 = arith.addi %add3A_270, %iota3A : vector<16xi32>
        %gather3A = tpu.vector_load_idx %arg19[%add3A_271] : memref<8192xi32, #tpu.memory_space<vmem>>[vector<16xi32>], vector<16xi32>,
        %le3A = vector.broadcast %add3A_220 : i32 to vector<16xi32>
        %le3A_272 = arith.cmpi sle, %gather3A, %le3A : vector<16xi32>
        %select_n3A_273 = arith.select %le3A_272, %broadcast_in_dim3A_5, %broadcast_in_dim3A_3 : vector<16xi1>, vector<16xi32>
        %add3A_274 = arith.addi %scan3A_263, %select_n3A_273 : vector<16xi32>
        %le3A_275 = vector.broadcast %add3A_223 : i32 to vector<16xi32>
        %le3A_276 = arith.cmpi sle, %gather3A, %le3A_275 : vector<16xi32>
        %select_n3A_277 = arith.select %le3A_276, %broadcast_in_dim3A_5, %broadcast_in_dim3A_3 : vector<16xi1>, vector<16xi32>
        %add3A_278 = arith.addi %scan3A_264, %select_n3A_277 : vector<16xi32>
        %le3A_279 = vector.broadcast %add3A_227 : i32 to vector<16xi32>
        %le3A_280 = arith.cmpi sle, %gather3A, %le3A_279 : vector<16xi32>
        %select_n3A_281 = arith.select %le3A_280, %broadcast_in_dim3A_5, %broadcast_in_dim3A_3 : vector<16xi1>, vector<16xi32>
        %add3A_282 = arith.addi %scan3A_265, %select_n3A_281 : vector<16xi32>
        %add3A_283 = arith.constant 16 : i32
        %add3A_284 = arith.addi %mul3A_267, %add3A_283 : i32
        %add3A_285 = vector.broadcast %add3A_284 : i32 to vector<16xi32>
        %add3A_286 = arith.addi %add3A_285, %iota3A : vector<16xi32>
        %gather3A_287 = tpu.vector_load_idx %arg19[%add3A_286] : memref<8192xi32, #tpu.memory_space<vmem>>[vector<16xi32>], vector<16xi32>,
        %le3A_288 = vector.broadcast %add3A_220 : i32 to vector<16xi32>
        %le3A_289 = arith.cmpi sle, %gather3A_287, %le3A_288 : vector<16xi32>
        %select_n3A_290 = arith.select %le3A_289, %broadcast_in_dim3A_5, %broadcast_in_dim3A_3 : vector<16xi1>, vector<16xi32>
        %add3A_291 = arith.addi %add3A_274, %select_n3A_290 : vector<16xi32>
        %le3A_292 = vector.broadcast %add3A_223 : i32 to vector<16xi32>
        %le3A_293 = arith.cmpi sle, %gather3A_287, %le3A_292 : vector<16xi32>
        %select_n3A_294 = arith.select %le3A_293, %broadcast_in_dim3A_5, %broadcast_in_dim3A_3 : vector<16xi1>, vector<16xi32>
        %add3A_295 = arith.addi %add3A_278, %select_n3A_294 : vector<16xi32>
        %le3A_296 = vector.broadcast %add3A_227 : i32 to vector<16xi32>
        %le3A_297 = arith.cmpi sle, %gather3A_287, %le3A_296 : vector<16xi32>
        %select_n3A_298 = arith.select %le3A_297, %broadcast_in_dim3A_5, %broadcast_in_dim3A_3 : vector<16xi1>, vector<16xi32>
        %add3A_299 = arith.addi %add3A_282, %select_n3A_298 : vector<16xi32>
        %add3A_300 = arith.constant 32 : i32
        %add3A_301 = arith.addi %mul3A_267, %add3A_300 : i32
        %add3A_302 = vector.broadcast %add3A_301 : i32 to vector<16xi32>
        %add3A_303 = arith.addi %add3A_302, %iota3A : vector<16xi32>
        %gather3A_304 = tpu.vector_load_idx %arg19[%add3A_303] : memref<8192xi32, #tpu.memory_space<vmem>>[vector<16xi32>], vector<16xi32>,
        %le3A_305 = vector.broadcast %add3A_220 : i32 to vector<16xi32>
        %le3A_306 = arith.cmpi sle, %gather3A_304, %le3A_305 : vector<16xi32>
        %select_n3A_307 = arith.select %le3A_306, %broadcast_in_dim3A_5, %broadcast_in_dim3A_3 : vector<16xi1>, vector<16xi32>
        %add3A_308 = arith.addi %add3A_291, %select_n3A_307 : vector<16xi32>
        %le3A_309 = vector.broadcast %add3A_223 : i32 to vector<16xi32>
        %le3A_310 = arith.cmpi sle, %gather3A_304, %le3A_309 : vector<16xi32>
        %select_n3A_311 = arith.select %le3A_310, %broadcast_in_dim3A_5, %broadcast_in_dim3A_3 : vector<16xi1>, vector<16xi32>
        %add3A_312 = arith.addi %add3A_295, %select_n3A_311 : vector<16xi32>
        %le3A_313 = vector.broadcast %add3A_227 : i32 to vector<16xi32>
        %le3A_314 = arith.cmpi sle, %gather3A_304, %le3A_313 : vector<16xi32>
        %select_n3A_315 = arith.select %le3A_314, %broadcast_in_dim3A_5, %broadcast_in_dim3A_3 : vector<16xi1>, vector<16xi32>
        %add3A_316 = arith.addi %add3A_299, %select_n3A_315 : vector<16xi32>
        %add3A_317 = arith.constant 48 : i32
        %add3A_318 = arith.addi %mul3A_267, %add3A_317 : i32
        %add3A_319 = vector.broadcast %add3A_318 : i32 to vector<16xi32>
        %add3A_320 = arith.addi %add3A_319, %iota3A : vector<16xi32>
        %gather3A_321 = tpu.vector_load_idx %arg19[%add3A_320] : memref<8192xi32, #tpu.memory_space<vmem>>[vector<16xi32>], vector<16xi32>,
        %le3A_322 = vector.broadcast %add3A_220 : i32 to vector<16xi32>
        %le3A_323 = arith.cmpi sle, %gather3A_321, %le3A_322 : vector<16xi32>
        %select_n3A_324 = arith.select %le3A_323, %broadcast_in_dim3A_5, %broadcast_in_dim3A_3 : vector<16xi1>, vector<16xi32>
        %add3A_325 = arith.addi %add3A_308, %select_n3A_324 : vector<16xi32>
        %le3A_326 = vector.broadcast %add3A_223 : i32 to vector<16xi32>
        %le3A_327 = arith.cmpi sle, %gather3A_321, %le3A_326 : vector<16xi32>
        %select_n3A_328 = arith.select %le3A_327, %broadcast_in_dim3A_5, %broadcast_in_dim3A_3 : vector<16xi1>, vector<16xi32>
        %add3A_329 = arith.addi %add3A_312, %select_n3A_328 : vector<16xi32>
        %le3A_330 = vector.broadcast %add3A_227 : i32 to vector<16xi32>
        %le3A_331 = arith.cmpi sle, %gather3A_321, %le3A_330 : vector<16xi32>
        %select_n3A_332 = arith.select %le3A_331, %broadcast_in_dim3A_5, %broadcast_in_dim3A_3 : vector<16xi1>, vector<16xi32>
        %add3A_333 = arith.addi %add3A_316, %select_n3A_332 : vector<16xi32>
        %add3A_334 = arith.constant 64 : i32
        %add3A_335 = arith.addi %mul3A_267, %add3A_334 : i32
        %add3A_336 = vector.broadcast %add3A_335 : i32 to vector<16xi32>
        %add3A_337 = arith.addi %add3A_336, %iota3A : vector<16xi32>
        %gather3A_338 = tpu.vector_load_idx %arg19[%add3A_337] : memref<8192xi32, #tpu.memory_space<vmem>>[vector<16xi32>], vector<16xi32>,
        %le3A_339 = vector.broadcast %add3A_220 : i32 to vector<16xi32>
        %le3A_340 = arith.cmpi sle, %gather3A_338, %le3A_339 : vector<16xi32>
        %select_n3A_341 = arith.select %le3A_340, %broadcast_in_dim3A_5, %broadcast_in_dim3A_3 : vector<16xi1>, vector<16xi32>
        %add3A_342 = arith.addi %add3A_325, %select_n3A_341 : vector<16xi32>
        %le3A_343 = vector.broadcast %add3A_223 : i32 to vector<16xi32>
        %le3A_344 = arith.cmpi sle, %gather3A_338, %le3A_343 : vector<16xi32>
        %select_n3A_345 = arith.select %le3A_344, %broadcast_in_dim3A_5, %broadcast_in_dim3A_3 : vector<16xi1>, vector<16xi32>
        %add3A_346 = arith.addi %add3A_329, %select_n3A_345 : vector<16xi32>
        %le3A_347 = vector.broadcast %add3A_227 : i32 to vector<16xi32>
        %le3A_348 = arith.cmpi sle, %gather3A_338, %le3A_347 : vector<16xi32>
        %select_n3A_349 = arith.select %le3A_348, %broadcast_in_dim3A_5, %broadcast_in_dim3A_3 : vector<16xi1>, vector<16xi32>
        %add3A_350 = arith.addi %add3A_333, %select_n3A_349 : vector<16xi32>
        %add3A_351 = arith.constant 80 : i32
        %add3A_352 = arith.addi %mul3A_267, %add3A_351 : i32
        %add3A_353 = vector.broadcast %add3A_352 : i32 to vector<16xi32>
        %add3A_354 = arith.addi %add3A_353, %iota3A : vector<16xi32>
        %gather3A_355 = tpu.vector_load_idx %arg19[%add3A_354] : memref<8192xi32, #tpu.memory_space<vmem>>[vector<16xi32>], vector<16xi32>,
        %le3A_356 = vector.broadcast %add3A_220 : i32 to vector<16xi32>
        %le3A_357 = arith.cmpi sle, %gather3A_355, %le3A_356 : vector<16xi32>
        %select_n3A_358 = arith.select %le3A_357, %broadcast_in_dim3A_5, %broadcast_in_dim3A_3 : vector<16xi1>, vector<16xi32>
        %add3A_359 = arith.addi %add3A_342, %select_n3A_358 : vector<16xi32>
        %le3A_360 = vector.broadcast %add3A_223 : i32 to vector<16xi32>
        %le3A_361 = arith.cmpi sle, %gather3A_355, %le3A_360 : vector<16xi32>
        %select_n3A_362 = arith.select %le3A_361, %broadcast_in_dim3A_5, %broadcast_in_dim3A_3 : vector<16xi1>, vector<16xi32>
        %add3A_363 = arith.addi %add3A_346, %select_n3A_362 : vector<16xi32>
        %le3A_364 = vector.broadcast %add3A_227 : i32 to vector<16xi32>
        %le3A_365 = arith.cmpi sle, %gather3A_355, %le3A_364 : vector<16xi32>
        %select_n3A_366 = arith.select %le3A_365, %broadcast_in_dim3A_5, %broadcast_in_dim3A_3 : vector<16xi1>, vector<16xi32>
        %add3A_367 = arith.addi %add3A_350, %select_n3A_366 : vector<16xi32>
        %add3A_368 = arith.constant 96 : i32
        %add3A_369 = arith.addi %mul3A_267, %add3A_368 : i32
        %add3A_370 = vector.broadcast %add3A_369 : i32 to vector<16xi32>
        %add3A_371 = arith.addi %add3A_370, %iota3A : vector<16xi32>
        %gather3A_372 = tpu.vector_load_idx %arg19[%add3A_371] : memref<8192xi32, #tpu.memory_space<vmem>>[vector<16xi32>], vector<16xi32>,
        %le3A_373 = vector.broadcast %add3A_220 : i32 to vector<16xi32>
        %le3A_374 = arith.cmpi sle, %gather3A_372, %le3A_373 : vector<16xi32>
        %select_n3A_375 = arith.select %le3A_374, %broadcast_in_dim3A_5, %broadcast_in_dim3A_3 : vector<16xi1>, vector<16xi32>
        %add3A_376 = arith.addi %add3A_359, %select_n3A_375 : vector<16xi32>
        %le3A_377 = vector.broadcast %add3A_223 : i32 to vector<16xi32>
        %le3A_378 = arith.cmpi sle, %gather3A_372, %le3A_377 : vector<16xi32>
        %select_n3A_379 = arith.select %le3A_378, %broadcast_in_dim3A_5, %broadcast_in_dim3A_3 : vector<16xi1>, vector<16xi32>
        %add3A_380 = arith.addi %add3A_363, %select_n3A_379 : vector<16xi32>
        %le3A_381 = vector.broadcast %add3A_227 : i32 to vector<16xi32>
        %le3A_382 = arith.cmpi sle, %gather3A_372, %le3A_381 : vector<16xi32>
        %select_n3A_383 = arith.select %le3A_382, %broadcast_in_dim3A_5, %broadcast_in_dim3A_3 : vector<16xi1>, vector<16xi32>
        %add3A_384 = arith.addi %add3A_367, %select_n3A_383 : vector<16xi32>
        %add3A_385 = arith.constant 112 : i32
        %add3A_386 = arith.addi %mul3A_267, %add3A_385 : i32
        %add3A_387 = vector.broadcast %add3A_386 : i32 to vector<16xi32>
        %add3A_388 = arith.addi %add3A_387, %iota3A : vector<16xi32>
        %gather3A_389 = tpu.vector_load_idx %arg19[%add3A_388] : memref<8192xi32, #tpu.memory_space<vmem>>[vector<16xi32>], vector<16xi32>,
        %le3A_390 = vector.broadcast %add3A_220 : i32 to vector<16xi32>
        %le3A_391 = arith.cmpi sle, %gather3A_389, %le3A_390 : vector<16xi32>
        %select_n3A_392 = arith.select %le3A_391, %broadcast_in_dim3A_5, %broadcast_in_dim3A_3 : vector<16xi1>, vector<16xi32>
        %add3A_393 = arith.addi %add3A_376, %select_n3A_392 : vector<16xi32>
        %le3A_394 = vector.broadcast %add3A_223 : i32 to vector<16xi32>
        %le3A_395 = arith.cmpi sle, %gather3A_389, %le3A_394 : vector<16xi32>
        %select_n3A_396 = arith.select %le3A_395, %broadcast_in_dim3A_5, %broadcast_in_dim3A_3 : vector<16xi1>, vector<16xi32>
        %add3A_397 = arith.addi %add3A_380, %select_n3A_396 : vector<16xi32>
        %le3A_398 = vector.broadcast %add3A_227 : i32 to vector<16xi32>
        %le3A_399 = arith.cmpi sle, %gather3A_389, %le3A_398 : vector<16xi32>
        %select_n3A_400 = arith.select %le3A_399, %broadcast_in_dim3A_5, %broadcast_in_dim3A_3 : vector<16xi1>, vector<16xi32>
        %add3A_401 = arith.addi %add3A_384, %select_n3A_400 : vector<16xi32>
        scf.yield %add3A_393, %add3A_397, %add3A_401 : vector<16xi32>, vector<16xi32>, vector<16xi32>
      }
      %scan3A_233 = arith.constant 64 : i32
      %reduce_sum3A_234 = arith.constant true
      %reduce_sum3A_235 = vector.broadcast %reduce_sum3A_234 : i1 to vector<16xi1>
      %reduce_sum3A_236 = tpu.scan <sum>, %scan3A_232#0 masked %reduce_sum3A_235 : vector<16xi32>, vector<16xi1> -> vector<16xi32>
      %reduce_sum3A_237 = vector.extract %reduce_sum3A_236[15] : i32 from vector<16xi32>
      %reduce_sum3A_238 = arith.constant true
      %reduce_sum3A_239 = vector.broadcast %reduce_sum3A_238 : i1 to vector<16xi1>
      %reduce_sum3A_240 = tpu.scan <sum>, %scan3A_232#1 masked %reduce_sum3A_239 : vector<16xi32>, vector<16xi1> -> vector<16xi32>
      %reduce_sum3A_241 = vector.extract %reduce_sum3A_240[15] : i32 from vector<16xi32>
      %reduce_sum3A_242 = arith.constant true
      %reduce_sum3A_243 = vector.broadcast %reduce_sum3A_242 : i1 to vector<16xi1>
      %reduce_sum3A_244 = tpu.scan <sum>, %scan3A_232#2 masked %reduce_sum3A_243 : vector<16xi32>, vector<16xi1> -> vector<16xi32>
      %reduce_sum3A_245 = vector.extract %reduce_sum3A_244[15] : i32 from vector<16xi32>
      %ge3A = arith.constant 6970 : i32
      %ge3A_246 = arith.cmpi sge, %reduce_sum3A_237, %ge3A : i32
      %ge3A_247 = arith.constant 6970 : i32
      %ge3A_248 = arith.cmpi sge, %reduce_sum3A_241, %ge3A_247 : i32
      %ge3A_249 = arith.constant 6970 : i32
      %ge3A_250 = arith.cmpi sge, %reduce_sum3A_245, %ge3A_249 : i32
      %add3A_251 = arith.constant 1 : i32
      %add3A_252 = arith.addi %add3A_220, %add3A_251 : i32
      %add3A_253 = arith.constant 1 : i32
      %add3A_254 = arith.addi %add3A_223, %add3A_253 : i32
      %add3A_255 = arith.constant 1 : i32
      %add3A_256 = arith.addi %add3A_227, %add3A_255 : i32
      %select_n3A = arith.select %ge3A_250, %add3A_254, %add3A_256 : i32
      %select_n3A_257 = arith.select %ge3A_248, %add3A_252, %select_n3A : i32
      %select_n3A_258 = arith.select %ge3A_246, %while3A_217, %select_n3A_257 : i32
      %select_n3A_259 = arith.select %ge3A_250, %add3A_227, %while3A_218 : i32
      %select_n3A_260 = arith.select %ge3A_248, %add3A_223, %select_n3A_259 : i32
      %select_n3A_261 = arith.select %ge3A_246, %add3A_220, %select_n3A_260 : i32
      scf.yield %select_n3A_258, %select_n3A_261 : i32, i32
    }
    %scan3A_90 = arith.constant 0 : i32
    %scan3A_91 = arith.constant 64 : i32
    %scan3A_92 = arith.addi %scan3A_90, %scan3A_91 : i32
    %scan3A_93 = arith.constant 1 : i32
    %scan3A_94 = scf.for %scan3A_217 = %scan3A_90 to %scan3A_92 step %scan3A_93 iter_args(%scan3A_218 = %broadcast_in_dim3A_3) -> (vector<16xi32>)  : i32 {
      %mul3A_219 = arith.constant 128 : i32
      %mul3A_220 = arith.muli %scan3A_217, %mul3A_219 : i32
      %add3A_221 = arith.constant 0 : i32
      %add3A_222 = arith.addi %mul3A_220, %add3A_221 : i32
      %add3A_223 = vector.broadcast %add3A_222 : i32 to vector<16xi32>
      %add3A_224 = arith.addi %add3A_223, %iota3A : vector<16xi32>
      %gather3A = tpu.vector_load_idx %arg19[%add3A_224] : memref<8192xi32, #tpu.memory_space<vmem>>[vector<16xi32>], vector<16xi32>,
      %gather3A_225 = tpu.vector_load_idx %arg17[%add3A_224] : memref<8192xf32, #tpu.memory_space<vmem>>[vector<16xi32>], vector<16xf32>,
      %le3A = vector.broadcast %while3A#1 : i32 to vector<16xi32>
      %le3A_226 = arith.cmpi sle, %gather3A, %le3A : vector<16xi32>
      %jit3A = arith.constant 0.000000e+00 : f32
      %broadcast_in_dim3A_227 = vector.broadcast %jit3A : f32 to vector<16xf32>
      %select_n3A = arith.select %le3A_226, %broadcast_in_dim3A_227, %gather3A_225 : vector<16xi1>, vector<16xf32>
      tpu.vector_store_idx %arg20[%add3A_224], %select_n3A : memref<8192xf32, #tpu.memory_space<vmem>>[vector<16xi32>], vector<16xf32>,
      %select_n3A_228 = arith.select %le3A_226, %broadcast_in_dim3A_5, %broadcast_in_dim3A_3 : vector<16xi1>, vector<16xi32>
      %add3A_229 = arith.addi %scan3A_218, %select_n3A_228 : vector<16xi32>
      %add3A_230 = arith.constant 16 : i32
      %add3A_231 = arith.addi %mul3A_220, %add3A_230 : i32
      %add3A_232 = vector.broadcast %add3A_231 : i32 to vector<16xi32>
      %add3A_233 = arith.addi %add3A_232, %iota3A : vector<16xi32>
      %gather3A_234 = tpu.vector_load_idx %arg19[%add3A_233] : memref<8192xi32, #tpu.memory_space<vmem>>[vector<16xi32>], vector<16xi32>,
      %gather3A_235 = tpu.vector_load_idx %arg17[%add3A_233] : memref<8192xf32, #tpu.memory_space<vmem>>[vector<16xi32>], vector<16xf32>,
      %le3A_236 = vector.broadcast %while3A#1 : i32 to vector<16xi32>
      %le3A_237 = arith.cmpi sle, %gather3A_234, %le3A_236 : vector<16xi32>
      %jit3A_238 = arith.constant 0.000000e+00 : f32
      %broadcast_in_dim3A_239 = vector.broadcast %jit3A_238 : f32 to vector<16xf32>
      %select_n3A_240 = arith.select %le3A_237, %broadcast_in_dim3A_239, %gather3A_235 : vector<16xi1>, vector<16xf32>
      tpu.vector_store_idx %arg20[%add3A_233], %select_n3A_240 : memref<8192xf32, #tpu.memory_space<vmem>>[vector<16xi32>], vector<16xf32>,
      %select_n3A_241 = arith.select %le3A_237, %broadcast_in_dim3A_5, %broadcast_in_dim3A_3 : vector<16xi1>, vector<16xi32>
      %add3A_242 = arith.addi %add3A_229, %select_n3A_241 : vector<16xi32>
      %add3A_243 = arith.constant 32 : i32
      %add3A_244 = arith.addi %mul3A_220, %add3A_243 : i32
      %add3A_245 = vector.broadcast %add3A_244 : i32 to vector<16xi32>
      %add3A_246 = arith.addi %add3A_245, %iota3A : vector<16xi32>
      %gather3A_247 = tpu.vector_load_idx %arg19[%add3A_246] : memref<8192xi32, #tpu.memory_space<vmem>>[vector<16xi32>], vector<16xi32>,
      %gather3A_248 = tpu.vector_load_idx %arg17[%add3A_246] : memref<8192xf32, #tpu.memory_space<vmem>>[vector<16xi32>], vector<16xf32>,
      %le3A_249 = vector.broadcast %while3A#1 : i32 to vector<16xi32>
      %le3A_250 = arith.cmpi sle, %gather3A_247, %le3A_249 : vector<16xi32>
      %jit3A_251 = arith.constant 0.000000e+00 : f32
      %broadcast_in_dim3A_252 = vector.broadcast %jit3A_251 : f32 to vector<16xf32>
      %select_n3A_253 = arith.select %le3A_250, %broadcast_in_dim3A_252, %gather3A_248 : vector<16xi1>, vector<16xf32>
      tpu.vector_store_idx %arg20[%add3A_246], %select_n3A_253 : memref<8192xf32, #tpu.memory_space<vmem>>[vector<16xi32>], vector<16xf32>,
      %select_n3A_254 = arith.select %le3A_250, %broadcast_in_dim3A_5, %broadcast_in_dim3A_3 : vector<16xi1>, vector<16xi32>
      %add3A_255 = arith.addi %add3A_242, %select_n3A_254 : vector<16xi32>
      %add3A_256 = arith.constant 48 : i32
      %add3A_257 = arith.addi %mul3A_220, %add3A_256 : i32
      %add3A_258 = vector.broadcast %add3A_257 : i32 to vector<16xi32>
      %add3A_259 = arith.addi %add3A_258, %iota3A : vector<16xi32>
      %gather3A_260 = tpu.vector_load_idx %arg19[%add3A_259] : memref<8192xi32, #tpu.memory_space<vmem>>[vector<16xi32>], vector<16xi32>,
      %gather3A_261 = tpu.vector_load_idx %arg17[%add3A_259] : memref<8192xf32, #tpu.memory_space<vmem>>[vector<16xi32>], vector<16xf32>,
      %le3A_262 = vector.broadcast %while3A#1 : i32 to vector<16xi32>
      %le3A_263 = arith.cmpi sle, %gather3A_260, %le3A_262 : vector<16xi32>
      %jit3A_264 = arith.constant 0.000000e+00 : f32
      %broadcast_in_dim3A_265 = vector.broadcast %jit3A_264 : f32 to vector<16xf32>
      %select_n3A_266 = arith.select %le3A_263, %broadcast_in_dim3A_265, %gather3A_261 : vector<16xi1>, vector<16xf32>
      tpu.vector_store_idx %arg20[%add3A_259], %select_n3A_266 : memref<8192xf32, #tpu.memory_space<vmem>>[vector<16xi32>], vector<16xf32>,
      %select_n3A_267 = arith.select %le3A_263, %broadcast_in_dim3A_5, %broadcast_in_dim3A_3 : vector<16xi1>, vector<16xi32>
      %add3A_268 = arith.addi %add3A_255, %select_n3A_267 : vector<16xi32>
      %add3A_269 = arith.constant 64 : i32
      %add3A_270 = arith.addi %mul3A_220, %add3A_269 : i32
      %add3A_271 = vector.broadcast %add3A_270 : i32 to vector<16xi32>
      %add3A_272 = arith.addi %add3A_271, %iota3A : vector<16xi32>
      %gather3A_273 = tpu.vector_load_idx %arg19[%add3A_272] : memref<8192xi32, #tpu.memory_space<vmem>>[vector<16xi32>], vector<16xi32>,
      %gather3A_274 = tpu.vector_load_idx %arg17[%add3A_272] : memref<8192xf32, #tpu.memory_space<vmem>>[vector<16xi32>], vector<16xf32>,
      %le3A_275 = vector.broadcast %while3A#1 : i32 to vector<16xi32>
      %le3A_276 = arith.cmpi sle, %gather3A_273, %le3A_275 : vector<16xi32>
      %jit3A_277 = arith.constant 0.000000e+00 : f32
      %broadcast_in_dim3A_278 = vector.broadcast %jit3A_277 : f32 to vector<16xf32>
      %select_n3A_279 = arith.select %le3A_276, %broadcast_in_dim3A_278, %gather3A_274 : vector<16xi1>, vector<16xf32>
      tpu.vector_store_idx %arg20[%add3A_272], %select_n3A_279 : memref<8192xf32, #tpu.memory_space<vmem>>[vector<16xi32>], vector<16xf32>,
      %select_n3A_280 = arith.select %le3A_276, %broadcast_in_dim3A_5, %broadcast_in_dim3A_3 : vector<16xi1>, vector<16xi32>
      %add3A_281 = arith.addi %add3A_268, %select_n3A_280 : vector<16xi32>
      %add3A_282 = arith.constant 80 : i32
      %add3A_283 = arith.addi %mul3A_220, %add3A_282 : i32
      %add3A_284 = vector.broadcast %add3A_283 : i32 to vector<16xi32>
      %add3A_285 = arith.addi %add3A_284, %iota3A : vector<16xi32>
      %gather3A_286 = tpu.vector_load_idx %arg19[%add3A_285] : memref<8192xi32, #tpu.memory_space<vmem>>[vector<16xi32>], vector<16xi32>,
      %gather3A_287 = tpu.vector_load_idx %arg17[%add3A_285] : memref<8192xf32, #tpu.memory_space<vmem>>[vector<16xi32>], vector<16xf32>,
      %le3A_288 = vector.broadcast %while3A#1 : i32 to vector<16xi32>
      %le3A_289 = arith.cmpi sle, %gather3A_286, %le3A_288 : vector<16xi32>
      %jit3A_290 = arith.constant 0.000000e+00 : f32
      %broadcast_in_dim3A_291 = vector.broadcast %jit3A_290 : f32 to vector<16xf32>
      %select_n3A_292 = arith.select %le3A_289, %broadcast_in_dim3A_291, %gather3A_287 : vector<16xi1>, vector<16xf32>
      tpu.vector_store_idx %arg20[%add3A_285], %select_n3A_292 : memref<8192xf32, #tpu.memory_space<vmem>>[vector<16xi32>], vector<16xf32>,
      %select_n3A_293 = arith.select %le3A_289, %broadcast_in_dim3A_5, %broadcast_in_dim3A_3 : vector<16xi1>, vector<16xi32>
      %add3A_294 = arith.addi %add3A_281, %select_n3A_293 : vector<16xi32>
      %add3A_295 = arith.constant 96 : i32
      %add3A_296 = arith.addi %mul3A_220, %add3A_295 : i32
      %add3A_297 = vector.broadcast %add3A_296 : i32 to vector<16xi32>
      %add3A_298 = arith.addi %add3A_297, %iota3A : vector<16xi32>
      %gather3A_299 = tpu.vector_load_idx %arg19[%add3A_298] : memref<8192xi32, #tpu.memory_space<vmem>>[vector<16xi32>], vector<16xi32>,
      %gather3A_300 = tpu.vector_load_idx %arg17[%add3A_298] : memref<8192xf32, #tpu.memory_space<vmem>>[vector<16xi32>], vector<16xf32>,
      %le3A_301 = vector.broadcast %while3A#1 : i32 to vector<16xi32>
      %le3A_302 = arith.cmpi sle, %gather3A_299, %le3A_301 : vector<16xi32>
      %jit3A_303 = arith.constant 0.000000e+00 : f32
      %broadcast_in_dim3A_304 = vector.broadcast %jit3A_303 : f32 to vector<16xf32>
      %select_n3A_305 = arith.select %le3A_302, %broadcast_in_dim3A_304, %gather3A_300 : vector<16xi1>, vector<16xf32>
      tpu.vector_store_idx %arg20[%add3A_298], %select_n3A_305 : memref<8192xf32, #tpu.memory_space<vmem>>[vector<16xi32>], vector<16xf32>,
      %select_n3A_306 = arith.select %le3A_302, %broadcast_in_dim3A_5, %broadcast_in_dim3A_3 : vector<16xi1>, vector<16xi32>
      %add3A_307 = arith.addi %add3A_294, %select_n3A_306 : vector<16xi32>
      %add3A_308 = arith.constant 112 : i32
      %add3A_309 = arith.addi %mul3A_220, %add3A_308 : i32
      %add3A_310 = vector.broadcast %add3A_309 : i32 to vector<16xi32>
      %add3A_311 = arith.addi %add3A_310, %iota3A : vector<16xi32>
      %gather3A_312 = tpu.vector_load_idx %arg19[%add3A_311] : memref<8192xi32, #tpu.memory_space<vmem>>[vector<16xi32>], vector<16xi32>,
      %gather3A_313 = tpu.vector_load_idx %arg17[%add3A_311] : memref<8192xf32, #tpu.memory_space<vmem>>[vector<16xi32>], vector<16xf32>,
      %le3A_314 = vector.broadcast %while3A#1 : i32 to vector<16xi32>
      %le3A_315 = arith.cmpi sle, %gather3A_312, %le3A_314 : vector<16xi32>
      %jit3A_316 = arith.constant 0.000000e+00 : f32
      %broadcast_in_dim3A_317 = vector.broadcast %jit3A_316 : f32 to vector<16xf32>
      %select_n3A_318 = arith.select %le3A_315, %broadcast_in_dim3A_317, %gather3A_313 : vector<16xi1>, vector<16xf32>
      tpu.vector_store_idx %arg20[%add3A_311], %select_n3A_318 : memref<8192xf32, #tpu.memory_space<vmem>>[vector<16xi32>], vector<16xf32>,
      %select_n3A_319 = arith.select %le3A_315, %broadcast_in_dim3A_5, %broadcast_in_dim3A_3 : vector<16xi1>, vector<16xi32>
      %add3A_320 = arith.addi %add3A_307, %select_n3A_319 : vector<16xi32>
      scf.yield %add3A_320 : vector<16xi32>
    }
    %scan3A_95 = arith.constant 64 : i32
    %reduce_sum3A_96 = arith.constant true
    %reduce_sum3A_97 = vector.broadcast %reduce_sum3A_96 : i1 to vector<16xi1>
    %reduce_sum3A_98 = tpu.scan <sum>, %scan3A_94 masked %reduce_sum3A_97 : vector<16xi32>, vector<16xi1> -> vector<16xi32>
    %reduce_sum3A_99 = vector.extract %reduce_sum3A_98[15] : i32 from vector<16xi32>
    %eq3A = arith.constant 6970 : i32
    %eq3A_100 = arith.cmpi eq, %reduce_sum3A_99, %eq3A : i32
    %convert_element_type3A = arith.extui %eq3A_100 : i1 to i32
    %cond3A = arith.constant 0 : i32
    %cond3A_101 = arith.constant 0 : i32
    %cond3A_102 = arith.cmpi ne, %convert_element_type3A, %cond3A_101 : i32
    %cond3A_103 = scf.if %cond3A_102 -> (i32) {
      %cond3A_217 = arith.constant 0 : i32
      scf.yield %cond3A_217 : i32
    } else {
      %scan3A_217 = arith.constant 0 : i32
      %scan3A_218 = arith.constant 64 : i32
      %scan3A_219 = arith.addi %scan3A_217, %scan3A_218 : i32
      %scan3A_220 = arith.constant 1 : i32
      %scan3A_221 = scf.for %scan3A_235 = %scan3A_217 to %scan3A_219 step %scan3A_220 iter_args(%scan3A_236 = %broadcast_in_dim3A_3) -> (vector<16xi32>)  : i32 {
        %mul3A_237 = arith.constant 128 : i32
        %mul3A_238 = arith.muli %scan3A_235, %mul3A_237 : i32
        %add3A_239 = arith.constant 0 : i32
        %add3A_240 = arith.addi %mul3A_238, %add3A_239 : i32
        %add3A_241 = vector.broadcast %add3A_240 : i32 to vector<16xi32>
        %add3A_242 = arith.addi %add3A_241, %iota3A : vector<16xi32>
        %gather3A = tpu.vector_load_idx %arg19[%add3A_242] : memref<8192xi32, #tpu.memory_space<vmem>>[vector<16xi32>], vector<16xi32>,
        %lt3A = vector.broadcast %while3A#1 : i32 to vector<16xi32>
        %lt3A_243 = arith.cmpi slt, %gather3A, %lt3A : vector<16xi32>
        %select_n3A = arith.select %lt3A_243, %broadcast_in_dim3A_5, %broadcast_in_dim3A_3 : vector<16xi1>, vector<16xi32>
        %add3A_244 = arith.addi %scan3A_236, %select_n3A : vector<16xi32>
        %add3A_245 = arith.constant 16 : i32
        %add3A_246 = arith.addi %mul3A_238, %add3A_245 : i32
        %add3A_247 = vector.broadcast %add3A_246 : i32 to vector<16xi32>
        %add3A_248 = arith.addi %add3A_247, %iota3A : vector<16xi32>
        %gather3A_249 = tpu.vector_load_idx %arg19[%add3A_248] : memref<8192xi32, #tpu.memory_space<vmem>>[vector<16xi32>], vector<16xi32>,
        %lt3A_250 = vector.broadcast %while3A#1 : i32 to vector<16xi32>
        %lt3A_251 = arith.cmpi slt, %gather3A_249, %lt3A_250 : vector<16xi32>
        %select_n3A_252 = arith.select %lt3A_251, %broadcast_in_dim3A_5, %broadcast_in_dim3A_3 : vector<16xi1>, vector<16xi32>
        %add3A_253 = arith.addi %add3A_244, %select_n3A_252 : vector<16xi32>
        %add3A_254 = arith.constant 32 : i32
        %add3A_255 = arith.addi %mul3A_238, %add3A_254 : i32
        %add3A_256 = vector.broadcast %add3A_255 : i32 to vector<16xi32>
        %add3A_257 = arith.addi %add3A_256, %iota3A : vector<16xi32>
        %gather3A_258 = tpu.vector_load_idx %arg19[%add3A_257] : memref<8192xi32, #tpu.memory_space<vmem>>[vector<16xi32>], vector<16xi32>,
        %lt3A_259 = vector.broadcast %while3A#1 : i32 to vector<16xi32>
        %lt3A_260 = arith.cmpi slt, %gather3A_258, %lt3A_259 : vector<16xi32>
        %select_n3A_261 = arith.select %lt3A_260, %broadcast_in_dim3A_5, %broadcast_in_dim3A_3 : vector<16xi1>, vector<16xi32>
        %add3A_262 = arith.addi %add3A_253, %select_n3A_261 : vector<16xi32>
        %add3A_263 = arith.constant 48 : i32
        %add3A_264 = arith.addi %mul3A_238, %add3A_263 : i32
        %add3A_265 = vector.broadcast %add3A_264 : i32 to vector<16xi32>
        %add3A_266 = arith.addi %add3A_265, %iota3A : vector<16xi32>
        %gather3A_267 = tpu.vector_load_idx %arg19[%add3A_266] : memref<8192xi32, #tpu.memory_space<vmem>>[vector<16xi32>], vector<16xi32>,
        %lt3A_268 = vector.broadcast %while3A#1 : i32 to vector<16xi32>
        %lt3A_269 = arith.cmpi slt, %gather3A_267, %lt3A_268 : vector<16xi32>
        %select_n3A_270 = arith.select %lt3A_269, %broadcast_in_dim3A_5, %broadcast_in_dim3A_3 : vector<16xi1>, vector<16xi32>
        %add3A_271 = arith.addi %add3A_262, %select_n3A_270 : vector<16xi32>
        %add3A_272 = arith.constant 64 : i32
        %add3A_273 = arith.addi %mul3A_238, %add3A_272 : i32
        %add3A_274 = vector.broadcast %add3A_273 : i32 to vector<16xi32>
        %add3A_275 = arith.addi %add3A_274, %iota3A : vector<16xi32>
        %gather3A_276 = tpu.vector_load_idx %arg19[%add3A_275] : memref<8192xi32, #tpu.memory_space<vmem>>[vector<16xi32>], vector<16xi32>,
        %lt3A_277 = vector.broadcast %while3A#1 : i32 to vector<16xi32>
        %lt3A_278 = arith.cmpi slt, %gather3A_276, %lt3A_277 : vector<16xi32>
        %select_n3A_279 = arith.select %lt3A_278, %broadcast_in_dim3A_5, %broadcast_in_dim3A_3 : vector<16xi1>, vector<16xi32>
        %add3A_280 = arith.addi %add3A_271, %select_n3A_279 : vector<16xi32>
        %add3A_281 = arith.constant 80 : i32
        %add3A_282 = arith.addi %mul3A_238, %add3A_281 : i32
        %add3A_283 = vector.broadcast %add3A_282 : i32 to vector<16xi32>
        %add3A_284 = arith.addi %add3A_283, %iota3A : vector<16xi32>
        %gather3A_285 = tpu.vector_load_idx %arg19[%add3A_284] : memref<8192xi32, #tpu.memory_space<vmem>>[vector<16xi32>], vector<16xi32>,
        %lt3A_286 = vector.broadcast %while3A#1 : i32 to vector<16xi32>
        %lt3A_287 = arith.cmpi slt, %gather3A_285, %lt3A_286 : vector<16xi32>
        %select_n3A_288 = arith.select %lt3A_287, %broadcast_in_dim3A_5, %broadcast_in_dim3A_3 : vector<16xi1>, vector<16xi32>
        %add3A_289 = arith.addi %add3A_280, %select_n3A_288 : vector<16xi32>
        %add3A_290 = arith.constant 96 : i32
        %add3A_291 = arith.addi %mul3A_238, %add3A_290 : i32
        %add3A_292 = vector.broadcast %add3A_291 : i32 to vector<16xi32>
        %add3A_293 = arith.addi %add3A_292, %iota3A : vector<16xi32>
        %gather3A_294 = tpu.vector_load_idx %arg19[%add3A_293] : memref<8192xi32, #tpu.memory_space<vmem>>[vector<16xi32>], vector<16xi32>,
        %lt3A_295 = vector.broadcast %while3A#1 : i32 to vector<16xi32>
        %lt3A_296 = arith.cmpi slt, %gather3A_294, %lt3A_295 : vector<16xi32>
        %select_n3A_297 = arith.select %lt3A_296, %broadcast_in_dim3A_5, %broadcast_in_dim3A_3 : vector<16xi1>, vector<16xi32>
        %add3A_298 = arith.addi %add3A_289, %select_n3A_297 : vector<16xi32>
        %add3A_299 = arith.constant 112 : i32
        %add3A_300 = arith.addi %mul3A_238, %add3A_299 : i32
        %add3A_301 = vector.broadcast %add3A_300 : i32 to vector<16xi32>
        %add3A_302 = arith.addi %add3A_301, %iota3A : vector<16xi32>
        %gather3A_303 = tpu.vector_load_idx %arg19[%add3A_302] : memref<8192xi32, #tpu.memory_space<vmem>>[vector<16xi32>], vector<16xi32>,
        %lt3A_304 = vector.broadcast %while3A#1 : i32 to vector<16xi32>
        %lt3A_305 = arith.cmpi slt, %gather3A_303, %lt3A_304 : vector<16xi32>
        %select_n3A_306 = arith.select %lt3A_305, %broadcast_in_dim3A_5, %broadcast_in_dim3A_3 : vector<16xi1>, vector<16xi32>
        %add3A_307 = arith.addi %add3A_298, %select_n3A_306 : vector<16xi32>
        scf.yield %add3A_307 : vector<16xi32>
      }
      %scan3A_222 = arith.constant 64 : i32
      %reduce_sum3A_223 = arith.constant true
      %reduce_sum3A_224 = vector.broadcast %reduce_sum3A_223 : i1 to vector<16xi1>
      %reduce_sum3A_225 = tpu.scan <sum>, %scan3A_221 masked %reduce_sum3A_224 : vector<16xi32>, vector<16xi1> -> vector<16xi32>
      %reduce_sum3A_226 = vector.extract %reduce_sum3A_225[15] : i32 from vector<16xi32>
      %sub3A = arith.constant 6970 : i32
      %sub3A_227 = arith.subi %sub3A, %reduce_sum3A_226 : i32
      %scan3A_228 = arith.constant 0 : i32
      %scan3A_229 = arith.constant 0 : i32
      %scan3A_230 = arith.constant 512 : i32
      %scan3A_231 = arith.addi %scan3A_229, %scan3A_230 : i32
      %scan3A_232 = arith.constant 1 : i32
      %scan3A_233 = scf.for %scan3A_235 = %scan3A_229 to %scan3A_231 step %scan3A_232 iter_args(%scan3A_236 = %scan3A_228) -> (i32)  : i32 {
        %mul3A_237 = arith.constant 16 : i32
        %mul3A_238 = arith.muli %scan3A_235, %mul3A_237 : i32
        %add3A_239 = vector.broadcast %mul3A_238 : i32 to vector<16xi32>
        %add3A_240 = arith.addi %add3A_239, %iota3A : vector<16xi32>
        %gather3A = tpu.vector_load_idx %arg19[%add3A_240] : memref<8192xi32, #tpu.memory_space<vmem>>[vector<16xi32>], vector<16xi32>,
        %gather3A_241 = tpu.vector_load_idx %arg17[%add3A_240] : memref<8192xf32, #tpu.memory_space<vmem>>[vector<16xi32>], vector<16xf32>,
        %eq3A_242 = vector.broadcast %while3A#1 : i32 to vector<16xi32>
        %eq3A_243 = arith.cmpi eq, %gather3A, %eq3A_242 : vector<16xi32>
        %select_n3A = arith.select %eq3A_243, %broadcast_in_dim3A_5, %broadcast_in_dim3A_3 : vector<16xi1>, vector<16xi32>
        %broadcast_in_dim3A_244 = arith.constant true
        %broadcast_in_dim3A_245 = vector.broadcast %broadcast_in_dim3A_244 : i1 to vector<16xi1>
        %masked_cumsum3A = tpu.scan <sum>, %select_n3A masked %broadcast_in_dim3A_245 : vector<16xi32>, vector<16xi1> -> vector<16xi32>
        %sub3A_246 = arith.subi %masked_cumsum3A, %select_n3A : vector<16xi32>
        %add3A_247 = vector.broadcast %scan3A_236 : i32 to vector<16xi32>
        %add3A_248 = arith.addi %sub3A_246, %add3A_247 : vector<16xi32>
        %lt3A = vector.broadcast %while3A#1 : i32 to vector<16xi32>
        %lt3A_249 = arith.cmpi slt, %gather3A, %lt3A : vector<16xi32>
        %lt3A_250 = vector.broadcast %sub3A_227 : i32 to vector<16xi32>
        %lt3A_251 = arith.cmpi slt, %add3A_248, %lt3A_250 : vector<16xi32>
        %and3A = arith.andi %eq3A_243, %lt3A_251 : vector<16xi1>
        %or3A = arith.ori %lt3A_249, %and3A : vector<16xi1>
        %jit3A = arith.constant 0.000000e+00 : f32
        %broadcast_in_dim3A_252 = vector.broadcast %jit3A : f32 to vector<16xf32>
        %select_n3A_253 = arith.select %or3A, %broadcast_in_dim3A_252, %gather3A_241 : vector<16xi1>, vector<16xf32>
        tpu.vector_store_idx %arg20[%add3A_240], %select_n3A_253 : memref<8192xf32, #tpu.memory_space<vmem>>[vector<16xi32>], vector<16xf32>,
        %reduce_sum3A_254 = arith.constant true
        %reduce_sum3A_255 = vector.broadcast %reduce_sum3A_254 : i1 to vector<16xi1>
        %reduce_sum3A_256 = tpu.scan <sum>, %select_n3A masked %reduce_sum3A_255 : vector<16xi32>, vector<16xi1> -> vector<16xi32>
        %reduce_sum3A_257 = vector.extract %reduce_sum3A_256[15] : i32 from vector<16xi32>
        %add3A_258 = arith.addi %scan3A_236, %reduce_sum3A_257 : i32
        scf.yield %add3A_258 : i32
      }
      %scan3A_234 = arith.constant 512 : i32
      scf.yield %scan3A_233 : i32
    }
    %mul3A_104 = arith.constant 8192 : i32
    %mul3A_105 = arith.muli %add3A_9, %mul3A_104 : i32
    "tpu.region"() ({
      %run_scoped3A = tpu.sem_alloc : memref<!tpu.dma_semaphore, #tpu.memory_space<semaphore_mem>>
      %dma_start3A_217 = tpu.memref_slice %arg10[%mul3A_105] : memref<524288xf32, #tpu.memory_space<hbm>> -> memref<8192xf32, #tpu.memory_space<hbm>>
      %dma_start3A_218 = tpu.memref_slice %arg10[%mul3A_105] : memref<524288xf32, #tpu.memory_space<hbm>> -> memref<8192xf32, #tpu.memory_space<hbm>>
      tpu.enqueue_dma source(%arg20 : memref<8192xf32, #tpu.memory_space<vmem>>) target(%dma_start3A_218 : memref<8192xf32, #tpu.memory_space<hbm>>) target_semaphore(%run_scoped3A : memref<!tpu.dma_semaphore, #tpu.memory_space<semaphore_mem>>)
      %dma_wait3A_219 = tpu.memref_slice %arg10[%mul3A_105] : memref<524288xf32, #tpu.memory_space<hbm>> -> memref<8192xf32, #tpu.memory_space<hbm>>
      %dma_wait3A_220 = tpu.memref_slice %arg10[%mul3A_105] : memref<524288xf32, #tpu.memory_space<hbm>> -> memref<8192xf32, #tpu.memory_space<hbm>>
      tpu.wait_dma2 semaphore(%run_scoped3A : memref<!tpu.dma_semaphore, #tpu.memory_space<semaphore_mem>>) src(%arg20 : memref<8192xf32, #tpu.memory_space<vmem>>) dst(%dma_wait3A_220 : memref<8192xf32, #tpu.memory_space<hbm>>)
      tpu.yield
    }) : () -> ()
    %mul3A_106 = arith.constant 2 : i32
    %mul3A_107 = arith.muli %add3A, %mul3A_106 : i32
    %add3A_108 = arith.constant 1 : i32
    %add3A_109 = arith.addi %mul3A_107, %add3A_108 : i32
    %mul3A_110 = arith.constant 8192 : i32
    %mul3A_111 = arith.muli %add3A_109, %mul3A_110 : i32
    %dma_start3A_112 = tpu.memref_slice %arg2[%mul3A_111] : memref<524288xf32, #tpu.memory_space<hbm>> -> memref<8192xf32, #tpu.memory_space<hbm>>
    %dma_start3A_113 = tpu.memref_slice %arg2[%mul3A_111] : memref<524288xf32, #tpu.memory_space<hbm>> -> memref<8192xf32, #tpu.memory_space<hbm>>
    tpu.enqueue_dma source(%dma_start3A_113 : memref<8192xf32, #tpu.memory_space<hbm>>) target(%arg11 : memref<8192xf32, #tpu.memory_space<vmem>>) target_semaphore(%arg21 : memref<!tpu.dma_semaphore, #tpu.memory_space<semaphore_mem>>)
    %dma_start3A_114 = tpu.memref_slice %arg3[%mul3A_111] : memref<524288xf32, #tpu.memory_space<hbm>> -> memref<8192xf32, #tpu.memory_space<hbm>>
    %dma_start3A_115 = tpu.memref_slice %arg3[%mul3A_111] : memref<524288xf32, #tpu.memory_space<hbm>> -> memref<8192xf32, #tpu.memory_space<hbm>>
    tpu.enqueue_dma source(%dma_start3A_115 : memref<8192xf32, #tpu.memory_space<hbm>>) target(%arg12 : memref<8192xf32, #tpu.memory_space<vmem>>) target_semaphore(%arg21 : memref<!tpu.dma_semaphore, #tpu.memory_space<semaphore_mem>>)
    %dma_start3A_116 = tpu.memref_slice %arg4[%mul3A_111] : memref<524288xf32, #tpu.memory_space<hbm>> -> memref<8192xf32, #tpu.memory_space<hbm>>
    %dma_start3A_117 = tpu.memref_slice %arg4[%mul3A_111] : memref<524288xf32, #tpu.memory_space<hbm>> -> memref<8192xf32, #tpu.memory_space<hbm>>
    tpu.enqueue_dma source(%dma_start3A_117 : memref<8192xf32, #tpu.memory_space<hbm>>) target(%arg13 : memref<8192xf32, #tpu.memory_space<vmem>>) target_semaphore(%arg21 : memref<!tpu.dma_semaphore, #tpu.memory_space<semaphore_mem>>)
    %dma_start3A_118 = tpu.memref_slice %arg6[%mul3A_111] : memref<524288xf32, #tpu.memory_space<hbm>> -> memref<8192xf32, #tpu.memory_space<hbm>>
    %dma_start3A_119 = tpu.memref_slice %arg6[%mul3A_111] : memref<524288xf32, #tpu.memory_space<hbm>> -> memref<8192xf32, #tpu.memory_space<hbm>>
    tpu.enqueue_dma source(%dma_start3A_119 : memref<8192xf32, #tpu.memory_space<hbm>>) target(%arg14 : memref<8192xf32, #tpu.memory_space<vmem>>) target_semaphore(%arg21 : memref<!tpu.dma_semaphore, #tpu.memory_space<semaphore_mem>>)
    %dma_start3A_120 = tpu.memref_slice %arg7[%mul3A_111] : memref<524288xf32, #tpu.memory_space<hbm>> -> memref<8192xf32, #tpu.memory_space<hbm>>
    %dma_start3A_121 = tpu.memref_slice %arg7[%mul3A_111] : memref<524288xf32, #tpu.memory_space<hbm>> -> memref<8192xf32, #tpu.memory_space<hbm>>
    tpu.enqueue_dma source(%dma_start3A_121 : memref<8192xf32, #tpu.memory_space<hbm>>) target(%arg15 : memref<8192xf32, #tpu.memory_space<vmem>>) target_semaphore(%arg21 : memref<!tpu.dma_semaphore, #tpu.memory_space<semaphore_mem>>)
    %dma_start3A_122 = tpu.memref_slice %arg8[%mul3A_111] : memref<524288xf32, #tpu.memory_space<hbm>> -> memref<8192xf32, #tpu.memory_space<hbm>>
    %dma_start3A_123 = tpu.memref_slice %arg8[%mul3A_111] : memref<524288xf32, #tpu.memory_space<hbm>> -> memref<8192xf32, #tpu.memory_space<hbm>>
    tpu.enqueue_dma source(%dma_start3A_123 : memref<8192xf32, #tpu.memory_space<hbm>>) target(%arg16 : memref<8192xf32, #tpu.memory_space<vmem>>) target_semaphore(%arg21 : memref<!tpu.dma_semaphore, #tpu.memory_space<semaphore_mem>>)
    %dma_start3A_124 = tpu.memref_slice %arg5[%mul3A_111] : memref<524288xf32, #tpu.memory_space<hbm>> -> memref<8192xf32, #tpu.memory_space<hbm>>
    %dma_start3A_125 = tpu.memref_slice %arg5[%mul3A_111] : memref<524288xf32, #tpu.memory_space<hbm>> -> memref<8192xf32, #tpu.memory_space<hbm>>
    tpu.enqueue_dma source(%dma_start3A_125 : memref<8192xf32, #tpu.memory_space<hbm>>) target(%arg17 : memref<8192xf32, #tpu.memory_space<vmem>>) target_semaphore(%arg21 : memref<!tpu.dma_semaphore, #tpu.memory_space<semaphore_mem>>)
    %dma_start3A_126 = tpu.memref_slice %arg9[%mul3A_111] : memref<524288xf32, #tpu.memory_space<hbm>> -> memref<8192xf32, #tpu.memory_space<hbm>>
    %dma_start3A_127 = tpu.memref_slice %arg9[%mul3A_111] : memref<524288xf32, #tpu.memory_space<hbm>> -> memref<8192xf32, #tpu.memory_space<hbm>>
    tpu.enqueue_dma source(%dma_start3A_127 : memref<8192xf32, #tpu.memory_space<hbm>>) target(%arg18 : memref<8192xf32, #tpu.memory_space<vmem>>) target_semaphore(%arg21 : memref<!tpu.dma_semaphore, #tpu.memory_space<semaphore_mem>>)
    %dma_wait3A_128 = tpu.memref_slice %arg2[%mul3A_111] : memref<524288xf32, #tpu.memory_space<hbm>> -> memref<8192xf32, #tpu.memory_space<hbm>>
    %dma_wait3A_129 = tpu.memref_slice %arg2[%mul3A_111] : memref<524288xf32, #tpu.memory_space<hbm>> -> memref<8192xf32, #tpu.memory_space<hbm>>
    tpu.wait_dma2 semaphore(%arg21 : memref<!tpu.dma_semaphore, #tpu.memory_space<semaphore_mem>>) src(%dma_wait3A_129 : memref<8192xf32, #tpu.memory_space<hbm>>) dst(%arg11 : memref<8192xf32, #tpu.memory_space<vmem>>)
    %dma_wait3A_130 = tpu.memref_slice %arg3[%mul3A_111] : memref<524288xf32, #tpu.memory_space<hbm>> -> memref<8192xf32, #tpu.memory_space<hbm>>
    %dma_wait3A_131 = tpu.memref_slice %arg3[%mul3A_111] : memref<524288xf32, #tpu.memory_space<hbm>> -> memref<8192xf32, #tpu.memory_space<hbm>>
    tpu.wait_dma2 semaphore(%arg21 : memref<!tpu.dma_semaphore, #tpu.memory_space<semaphore_mem>>) src(%dma_wait3A_131 : memref<8192xf32, #tpu.memory_space<hbm>>) dst(%arg12 : memref<8192xf32, #tpu.memory_space<vmem>>)
    %dma_wait3A_132 = tpu.memref_slice %arg4[%mul3A_111] : memref<524288xf32, #tpu.memory_space<hbm>> -> memref<8192xf32, #tpu.memory_space<hbm>>
    %dma_wait3A_133 = tpu.memref_slice %arg4[%mul3A_111] : memref<524288xf32, #tpu.memory_space<hbm>> -> memref<8192xf32, #tpu.memory_space<hbm>>
    tpu.wait_dma2 semaphore(%arg21 : memref<!tpu.dma_semaphore, #tpu.memory_space<semaphore_mem>>) src(%dma_wait3A_133 : memref<8192xf32, #tpu.memory_space<hbm>>) dst(%arg13 : memref<8192xf32, #tpu.memory_space<vmem>>)
    %dma_wait3A_134 = tpu.memref_slice %arg6[%mul3A_111] : memref<524288xf32, #tpu.memory_space<hbm>> -> memref<8192xf32, #tpu.memory_space<hbm>>
    %dma_wait3A_135 = tpu.memref_slice %arg6[%mul3A_111] : memref<524288xf32, #tpu.memory_space<hbm>> -> memref<8192xf32, #tpu.memory_space<hbm>>
    tpu.wait_dma2 semaphore(%arg21 : memref<!tpu.dma_semaphore, #tpu.memory_space<semaphore_mem>>) src(%dma_wait3A_135 : memref<8192xf32, #tpu.memory_space<hbm>>) dst(%arg14 : memref<8192xf32, #tpu.memory_space<vmem>>)
    %dma_wait3A_136 = tpu.memref_slice %arg7[%mul3A_111] : memref<524288xf32, #tpu.memory_space<hbm>> -> memref<8192xf32, #tpu.memory_space<hbm>>
    %dma_wait3A_137 = tpu.memref_slice %arg7[%mul3A_111] : memref<524288xf32, #tpu.memory_space<hbm>> -> memref<8192xf32, #tpu.memory_space<hbm>>
    tpu.wait_dma2 semaphore(%arg21 : memref<!tpu.dma_semaphore, #tpu.memory_space<semaphore_mem>>) src(%dma_wait3A_137 : memref<8192xf32, #tpu.memory_space<hbm>>) dst(%arg15 : memref<8192xf32, #tpu.memory_space<vmem>>)
    %dma_wait3A_138 = tpu.memref_slice %arg8[%mul3A_111] : memref<524288xf32, #tpu.memory_space<hbm>> -> memref<8192xf32, #tpu.memory_space<hbm>>
    %dma_wait3A_139 = tpu.memref_slice %arg8[%mul3A_111] : memref<524288xf32, #tpu.memory_space<hbm>> -> memref<8192xf32, #tpu.memory_space<hbm>>
    tpu.wait_dma2 semaphore(%arg21 : memref<!tpu.dma_semaphore, #tpu.memory_space<semaphore_mem>>) src(%dma_wait3A_139 : memref<8192xf32, #tpu.memory_space<hbm>>) dst(%arg16 : memref<8192xf32, #tpu.memory_space<vmem>>)
    %dma_wait3A_140 = tpu.memref_slice %arg5[%mul3A_111] : memref<524288xf32, #tpu.memory_space<hbm>> -> memref<8192xf32, #tpu.memory_space<hbm>>
    %dma_wait3A_141 = tpu.memref_slice %arg5[%mul3A_111] : memref<524288xf32, #tpu.memory_space<hbm>> -> memref<8192xf32, #tpu.memory_space<hbm>>
    tpu.wait_dma2 semaphore(%arg21 : memref<!tpu.dma_semaphore, #tpu.memory_space<semaphore_mem>>) src(%dma_wait3A_141 : memref<8192xf32, #tpu.memory_space<hbm>>) dst(%arg17 : memref<8192xf32, #tpu.memory_space<vmem>>)
    %dma_wait3A_142 = tpu.memref_slice %arg9[%mul3A_111] : memref<524288xf32, #tpu.memory_space<hbm>> -> memref<8192xf32, #tpu.memory_space<hbm>>
    %dma_wait3A_143 = tpu.memref_slice %arg9[%mul3A_111] : memref<524288xf32, #tpu.memory_space<hbm>> -> memref<8192xf32, #tpu.memory_space<hbm>>
    tpu.wait_dma2 semaphore(%arg21 : memref<!tpu.dma_semaphore, #tpu.memory_space<semaphore_mem>>) src(%dma_wait3A_143 : memref<8192xf32, #tpu.memory_space<hbm>>) dst(%arg18 : memref<8192xf32, #tpu.memory_space<vmem>>)
    %scan3A_144 = arith.constant 0 : i32
    %scan3A_145 = arith.constant 64 : i32
    %scan3A_146 = arith.addi %scan3A_144, %scan3A_145 : i32
    %scan3A_147 = arith.constant 1 : i32
    %scan3A_148:4 = scf.for %scan3A_217 = %scan3A_144 to %scan3A_146 step %scan3A_147 iter_args(%scan3A_218 = %broadcast_in_dim3A_1, %scan3A_219 = %broadcast_in_dim3A_1, %scan3A_220 = %broadcast_in_dim3A_1, %scan3A_221 = %broadcast_in_dim3A_1) -> (vector<16xf32>, vector<16xf32>, vector<16xf32>, vector<16xf32>)  : i32 {
      %mul3A_222 = arith.constant 128 : i32
      %mul3A_223 = arith.muli %scan3A_217, %mul3A_222 : i32
      %add3A_224 = arith.constant 0 : i32
      %add3A_225 = arith.addi %mul3A_223, %add3A_224 : i32
      %add3A_226 = vector.broadcast %add3A_225 : i32 to vector<16xi32>
      %add3A_227 = arith.addi %add3A_226, %iota3A : vector<16xi32>
      %gather3A = tpu.vector_load_idx %arg14[%add3A_227] : memref<8192xf32, #tpu.memory_space<vmem>>[vector<16xi32>], vector<16xf32>,
      %add3A_228 = arith.addf %scan3A_218, %gather3A : vector<16xf32>
      %gather3A_229 = tpu.vector_load_idx %arg15[%add3A_227] : memref<8192xf32, #tpu.memory_space<vmem>>[vector<16xi32>], vector<16xf32>,
      %add3A_230 = arith.addf %scan3A_219, %gather3A_229 : vector<16xf32>
      %gather3A_231 = tpu.vector_load_idx %arg16[%add3A_227] : memref<8192xf32, #tpu.memory_space<vmem>>[vector<16xi32>], vector<16xf32>,
      %add3A_232 = arith.addf %scan3A_220, %gather3A_231 : vector<16xf32>
      %gather3A_233 = tpu.vector_load_idx %arg18[%add3A_227] : memref<8192xf32, #tpu.memory_space<vmem>>[vector<16xi32>], vector<16xf32>,
      %add3A_234 = arith.addf %scan3A_221, %gather3A_233 : vector<16xf32>
      %add3A_235 = arith.constant 16 : i32
      %add3A_236 = arith.addi %mul3A_223, %add3A_235 : i32
      %add3A_237 = vector.broadcast %add3A_236 : i32 to vector<16xi32>
      %add3A_238 = arith.addi %add3A_237, %iota3A : vector<16xi32>
      %gather3A_239 = tpu.vector_load_idx %arg14[%add3A_238] : memref<8192xf32, #tpu.memory_space<vmem>>[vector<16xi32>], vector<16xf32>,
      %add3A_240 = arith.addf %add3A_228, %gather3A_239 : vector<16xf32>
      %gather3A_241 = tpu.vector_load_idx %arg15[%add3A_238] : memref<8192xf32, #tpu.memory_space<vmem>>[vector<16xi32>], vector<16xf32>,
      %add3A_242 = arith.addf %add3A_230, %gather3A_241 : vector<16xf32>
      %gather3A_243 = tpu.vector_load_idx %arg16[%add3A_238] : memref<8192xf32, #tpu.memory_space<vmem>>[vector<16xi32>], vector<16xf32>,
      %add3A_244 = arith.addf %add3A_232, %gather3A_243 : vector<16xf32>
      %gather3A_245 = tpu.vector_load_idx %arg18[%add3A_238] : memref<8192xf32, #tpu.memory_space<vmem>>[vector<16xi32>], vector<16xf32>,
      %add3A_246 = arith.addf %add3A_234, %gather3A_245 : vector<16xf32>
      %add3A_247 = arith.constant 32 : i32
      %add3A_248 = arith.addi %mul3A_223, %add3A_247 : i32
      %add3A_249 = vector.broadcast %add3A_248 : i32 to vector<16xi32>
      %add3A_250 = arith.addi %add3A_249, %iota3A : vector<16xi32>
      %gather3A_251 = tpu.vector_load_idx %arg14[%add3A_250] : memref<8192xf32, #tpu.memory_space<vmem>>[vector<16xi32>], vector<16xf32>,
      %add3A_252 = arith.addf %add3A_240, %gather3A_251 : vector<16xf32>
      %gather3A_253 = tpu.vector_load_idx %arg15[%add3A_250] : memref<8192xf32, #tpu.memory_space<vmem>>[vector<16xi32>], vector<16xf32>,
      %add3A_254 = arith.addf %add3A_242, %gather3A_253 : vector<16xf32>
      %gather3A_255 = tpu.vector_load_idx %arg16[%add3A_250] : memref<8192xf32, #tpu.memory_space<vmem>>[vector<16xi32>], vector<16xf32>,
      %add3A_256 = arith.addf %add3A_244, %gather3A_255 : vector<16xf32>
      %gather3A_257 = tpu.vector_load_idx %arg18[%add3A_250] : memref<8192xf32, #tpu.memory_space<vmem>>[vector<16xi32>], vector<16xf32>,
      %add3A_258 = arith.addf %add3A_246, %gather3A_257 : vector<16xf32>
      %add3A_259 = arith.constant 48 : i32
      %add3A_260 = arith.addi %mul3A_223, %add3A_259 : i32
      %add3A_261 = vector.broadcast %add3A_260 : i32 to vector<16xi32>
      %add3A_262 = arith.addi %add3A_261, %iota3A : vector<16xi32>
      %gather3A_263 = tpu.vector_load_idx %arg14[%add3A_262] : memref<8192xf32, #tpu.memory_space<vmem>>[vector<16xi32>], vector<16xf32>,
      %add3A_264 = arith.addf %add3A_252, %gather3A_263 : vector<16xf32>
      %gather3A_265 = tpu.vector_load_idx %arg15[%add3A_262] : memref<8192xf32, #tpu.memory_space<vmem>>[vector<16xi32>], vector<16xf32>,
      %add3A_266 = arith.addf %add3A_254, %gather3A_265 : vector<16xf32>
      %gather3A_267 = tpu.vector_load_idx %arg16[%add3A_262] : memref<8192xf32, #tpu.memory_space<vmem>>[vector<16xi32>], vector<16xf32>,
      %add3A_268 = arith.addf %add3A_256, %gather3A_267 : vector<16xf32>
      %gather3A_269 = tpu.vector_load_idx %arg18[%add3A_262] : memref<8192xf32, #tpu.memory_space<vmem>>[vector<16xi32>], vector<16xf32>,
      %add3A_270 = arith.addf %add3A_258, %gather3A_269 : vector<16xf32>
      %add3A_271 = arith.constant 64 : i32
      %add3A_272 = arith.addi %mul3A_223, %add3A_271 : i32
      %add3A_273 = vector.broadcast %add3A_272 : i32 to vector<16xi32>
      %add3A_274 = arith.addi %add3A_273, %iota3A : vector<16xi32>
      %gather3A_275 = tpu.vector_load_idx %arg14[%add3A_274] : memref<8192xf32, #tpu.memory_space<vmem>>[vector<16xi32>], vector<16xf32>,
      %add3A_276 = arith.addf %add3A_264, %gather3A_275 : vector<16xf32>
      %gather3A_277 = tpu.vector_load_idx %arg15[%add3A_274] : memref<8192xf32, #tpu.memory_space<vmem>>[vector<16xi32>], vector<16xf32>,
      %add3A_278 = arith.addf %add3A_266, %gather3A_277 : vector<16xf32>
      %gather3A_279 = tpu.vector_load_idx %arg16[%add3A_274] : memref<8192xf32, #tpu.memory_space<vmem>>[vector<16xi32>], vector<16xf32>,
      %add3A_280 = arith.addf %add3A_268, %gather3A_279 : vector<16xf32>
      %gather3A_281 = tpu.vector_load_idx %arg18[%add3A_274] : memref<8192xf32, #tpu.memory_space<vmem>>[vector<16xi32>], vector<16xf32>,
      %add3A_282 = arith.addf %add3A_270, %gather3A_281 : vector<16xf32>
      %add3A_283 = arith.constant 80 : i32
      %add3A_284 = arith.addi %mul3A_223, %add3A_283 : i32
      %add3A_285 = vector.broadcast %add3A_284 : i32 to vector<16xi32>
      %add3A_286 = arith.addi %add3A_285, %iota3A : vector<16xi32>
      %gather3A_287 = tpu.vector_load_idx %arg14[%add3A_286] : memref<8192xf32, #tpu.memory_space<vmem>>[vector<16xi32>], vector<16xf32>,
      %add3A_288 = arith.addf %add3A_276, %gather3A_287 : vector<16xf32>
      %gather3A_289 = tpu.vector_load_idx %arg15[%add3A_286] : memref<8192xf32, #tpu.memory_space<vmem>>[vector<16xi32>], vector<16xf32>,
      %add3A_290 = arith.addf %add3A_278, %gather3A_289 : vector<16xf32>
      %gather3A_291 = tpu.vector_load_idx %arg16[%add3A_286] : memref<8192xf32, #tpu.memory_space<vmem>>[vector<16xi32>], vector<16xf32>,
      %add3A_292 = arith.addf %add3A_280, %gather3A_291 : vector<16xf32>
      %gather3A_293 = tpu.vector_load_idx %arg18[%add3A_286] : memref<8192xf32, #tpu.memory_space<vmem>>[vector<16xi32>], vector<16xf32>,
      %add3A_294 = arith.addf %add3A_282, %gather3A_293 : vector<16xf32>
      %add3A_295 = arith.constant 96 : i32
      %add3A_296 = arith.addi %mul3A_223, %add3A_295 : i32
      %add3A_297 = vector.broadcast %add3A_296 : i32 to vector<16xi32>
      %add3A_298 = arith.addi %add3A_297, %iota3A : vector<16xi32>
      %gather3A_299 = tpu.vector_load_idx %arg14[%add3A_298] : memref<8192xf32, #tpu.memory_space<vmem>>[vector<16xi32>], vector<16xf32>,
      %add3A_300 = arith.addf %add3A_288, %gather3A_299 : vector<16xf32>
      %gather3A_301 = tpu.vector_load_idx %arg15[%add3A_298] : memref<8192xf32, #tpu.memory_space<vmem>>[vector<16xi32>], vector<16xf32>,
      %add3A_302 = arith.addf %add3A_290, %gather3A_301 : vector<16xf32>
      %gather3A_303 = tpu.vector_load_idx %arg16[%add3A_298] : memref<8192xf32, #tpu.memory_space<vmem>>[vector<16xi32>], vector<16xf32>,
      %add3A_304 = arith.addf %add3A_292, %gather3A_303 : vector<16xf32>
      %gather3A_305 = tpu.vector_load_idx %arg18[%add3A_298] : memref<8192xf32, #tpu.memory_space<vmem>>[vector<16xi32>], vector<16xf32>,
      %add3A_306 = arith.addf %add3A_294, %gather3A_305 : vector<16xf32>
      %add3A_307 = arith.constant 112 : i32
      %add3A_308 = arith.addi %mul3A_223, %add3A_307 : i32
      %add3A_309 = vector.broadcast %add3A_308 : i32 to vector<16xi32>
      %add3A_310 = arith.addi %add3A_309, %iota3A : vector<16xi32>
      %gather3A_311 = tpu.vector_load_idx %arg14[%add3A_310] : memref<8192xf32, #tpu.memory_space<vmem>>[vector<16xi32>], vector<16xf32>,
      %add3A_312 = arith.addf %add3A_300, %gather3A_311 : vector<16xf32>
      %gather3A_313 = tpu.vector_load_idx %arg15[%add3A_310] : memref<8192xf32, #tpu.memory_space<vmem>>[vector<16xi32>], vector<16xf32>,
      %add3A_314 = arith.addf %add3A_302, %gather3A_313 : vector<16xf32>
      %gather3A_315 = tpu.vector_load_idx %arg16[%add3A_310] : memref<8192xf32, #tpu.memory_space<vmem>>[vector<16xi32>], vector<16xf32>,
      %add3A_316 = arith.addf %add3A_304, %gather3A_315 : vector<16xf32>
      %gather3A_317 = tpu.vector_load_idx %arg18[%add3A_310] : memref<8192xf32, #tpu.memory_space<vmem>>[vector<16xi32>], vector<16xf32>,
      %add3A_318 = arith.addf %add3A_306, %gather3A_317 : vector<16xf32>
      scf.yield %add3A_312, %add3A_314, %add3A_316, %add3A_318 : vector<16xf32>, vector<16xf32>, vector<16xf32>, vector<16xf32>
    }
    %scan3A_149 = arith.constant 64 : i32
    %reduce_sum3A_150 = arith.constant true
    %reduce_sum3A_151 = vector.broadcast %reduce_sum3A_150 : i1 to vector<16xi1>
    %reduce_sum3A_152 = tpu.scan <sum>, %scan3A_148#3 masked %reduce_sum3A_151 : vector<16xf32>, vector<16xi1> -> vector<16xf32>
    %reduce_sum3A_153 = vector.extract %reduce_sum3A_152[15] : f32 from vector<16xf32>
    %broadcast_in_dim3A_154 = vector.broadcast %reduce_sum3A_153 : f32 to vector<16xf32>
    %reduce_sum3A_155 = arith.constant true
    %reduce_sum3A_156 = vector.broadcast %reduce_sum3A_155 : i1 to vector<16xi1>
    %reduce_sum3A_157 = tpu.scan <sum>, %scan3A_148#0 masked %reduce_sum3A_156 : vector<16xf32>, vector<16xi1> -> vector<16xf32>
    %reduce_sum3A_158 = vector.extract %reduce_sum3A_157[15] : f32 from vector<16xf32>
    %broadcast_in_dim3A_159 = vector.broadcast %reduce_sum3A_158 : f32 to vector<16xf32>
    %div3A_160 = arith.divf %broadcast_in_dim3A_159, %broadcast_in_dim3A_154 : vector<16xf32>
    %reduce_sum3A_161 = arith.constant true
    %reduce_sum3A_162 = vector.broadcast %reduce_sum3A_161 : i1 to vector<16xi1>
    %reduce_sum3A_163 = tpu.scan <sum>, %scan3A_148#1 masked %reduce_sum3A_162 : vector<16xf32>, vector<16xi1> -> vector<16xf32>
    %reduce_sum3A_164 = vector.extract %reduce_sum3A_163[15] : f32 from vector<16xf32>
    %broadcast_in_dim3A_165 = vector.broadcast %reduce_sum3A_164 : f32 to vector<16xf32>
    %div3A_166 = arith.divf %broadcast_in_dim3A_165, %broadcast_in_dim3A_154 : vector<16xf32>
    %reduce_sum3A_167 = arith.constant true
    %reduce_sum3A_168 = vector.broadcast %reduce_sum3A_167 : i1 to vector<16xi1>
    %reduce_sum3A_169 = tpu.scan <sum>, %scan3A_148#2 masked %reduce_sum3A_168 : vector<16xf32>, vector<16xi1> -> vector<16xf32>
    %reduce_sum3A_170 = vector.extract %reduce_sum3A_169[15] : f32 from vector<16xf32>
    %broadcast_in_dim3A_171 = vector.broadcast %reduce_sum3A_170 : f32 to vector<16xf32>
    %div3A_172 = arith.divf %broadcast_in_dim3A_171, %broadcast_in_dim3A_154 : vector<16xf32>
    %broadcast_in_dim3A_173 = arith.constant 2139095040 : i32
    %broadcast_in_dim3A_174 = vector.broadcast %broadcast_in_dim3A_173 : i32 to vector<16xi32>
    %scan3A_175 = arith.constant 0 : i32
    %scan3A_176 = arith.constant 64 : i32
    %scan3A_177 = arith.addi %scan3A_175, %scan3A_176 : i32
    %scan3A_178 = arith.constant 1 : i32
    %scan3A_179:2 = scf.for %scan3A_217 = %scan3A_175 to %scan3A_177 step %scan3A_178 iter_args(%scan3A_218 = %broadcast_in_dim3A_174, %scan3A_219 = %broadcast_in_dim3A_3) -> (vector<16xi32>, vector<16xi32>)  : i32 {
      %mul3A_220 = arith.constant 128 : i32
      %mul3A_221 = arith.muli %scan3A_217, %mul3A_220 : i32
      %add3A_222 = arith.constant 0 : i32
      %add3A_223 = arith.addi %mul3A_221, %add3A_222 : i32
      %add3A_224 = vector.broadcast %add3A_223 : i32 to vector<16xi32>
      %add3A_225 = arith.addi %add3A_224, %iota3A : vector<16xi32>
      %gather3A = tpu.vector_load_idx %arg11[%add3A_225] : memref<8192xf32, #tpu.memory_space<vmem>>[vector<16xi32>], vector<16xf32>,
      %sub3A = arith.subf %div3A_160, %gather3A : vector<16xf32>
      %gather3A_226 = tpu.vector_load_idx %arg12[%add3A_225] : memref<8192xf32, #tpu.memory_space<vmem>>[vector<16xi32>], vector<16xf32>,
      %sub3A_227 = arith.subf %div3A_166, %gather3A_226 : vector<16xf32>
      %gather3A_228 = tpu.vector_load_idx %arg13[%add3A_225] : memref<8192xf32, #tpu.memory_space<vmem>>[vector<16xi32>], vector<16xf32>,
      %sub3A_229 = arith.subf %div3A_172, %gather3A_228 : vector<16xf32>
      %gather3A_230 = tpu.vector_load_idx %arg17[%add3A_225] : memref<8192xf32, #tpu.memory_space<vmem>>[vector<16xi32>], vector<16xf32>,
      %mul3A_231 = arith.mulf %sub3A, %sub3A : vector<16xf32>
      %mul3A_232 = arith.mulf %sub3A_227, %sub3A_227 : vector<16xf32>
      %add3A_233 = arith.addf %mul3A_231, %mul3A_232 : vector<16xf32>
      %mul3A_234 = arith.mulf %sub3A_229, %sub3A_229 : vector<16xf32>
      %add3A_235 = arith.addf %add3A_233, %mul3A_234 : vector<16xf32>
      %add3A_236 = arith.constant 9.99999996E-13 : f32
      %add3A_237 = vector.broadcast %add3A_236 : f32 to vector<16xf32>
      %add3A_238 = arith.addf %add3A_235, %add3A_237 : vector<16xf32>
      %sub3A_239 = arith.constant 1.000000e+00 : f32
      %sub3A_240 = vector.broadcast %sub3A_239 : f32 to vector<16xf32>
      %sub3A_241 = arith.subf %sub3A_240, %gather3A_230 : vector<16xf32>
      %mul3A_242 = arith.constant 1.000000e+10 : f32
      %mul3A_243 = vector.broadcast %mul3A_242 : f32 to vector<16xf32>
      %mul3A_244 = arith.mulf %sub3A_241, %mul3A_243 : vector<16xf32>
      %add3A_245 = arith.addf %add3A_238, %mul3A_244 : vector<16xf32>
      %bitcast3A = vector.bitcast %add3A_245 : vector<16xf32> to vector<16xi32>
      tpu.vector_store_idx %arg19[%add3A_225], %bitcast3A : memref<8192xi32, #tpu.memory_space<vmem>>[vector<16xi32>], vector<16xi32>,
      %min3A = arith.minsi %scan3A_218, %bitcast3A : vector<16xi32>
      %max3A = arith.maxsi %scan3A_219, %bitcast3A : vector<16xi32>
      %add3A_246 = arith.constant 16 : i32
      %add3A_247 = arith.addi %mul3A_221, %add3A_246 : i32
      %add3A_248 = vector.broadcast %add3A_247 : i32 to vector<16xi32>
      %add3A_249 = arith.addi %add3A_248, %iota3A : vector<16xi32>
      %gather3A_250 = tpu.vector_load_idx %arg11[%add3A_249] : memref<8192xf32, #tpu.memory_space<vmem>>[vector<16xi32>], vector<16xf32>,
      %sub3A_251 = arith.subf %div3A_160, %gather3A_250 : vector<16xf32>
      %gather3A_252 = tpu.vector_load_idx %arg12[%add3A_249] : memref<8192xf32, #tpu.memory_space<vmem>>[vector<16xi32>], vector<16xf32>,
      %sub3A_253 = arith.subf %div3A_166, %gather3A_252 : vector<16xf32>
      %gather3A_254 = tpu.vector_load_idx %arg13[%add3A_249] : memref<8192xf32, #tpu.memory_space<vmem>>[vector<16xi32>], vector<16xf32>,
      %sub3A_255 = arith.subf %div3A_172, %gather3A_254 : vector<16xf32>
      %gather3A_256 = tpu.vector_load_idx %arg17[%add3A_249] : memref<8192xf32, #tpu.memory_space<vmem>>[vector<16xi32>], vector<16xf32>,
      %mul3A_257 = arith.mulf %sub3A_251, %sub3A_251 : vector<16xf32>
      %mul3A_258 = arith.mulf %sub3A_253, %sub3A_253 : vector<16xf32>
      %add3A_259 = arith.addf %mul3A_257, %mul3A_258 : vector<16xf32>
      %mul3A_260 = arith.mulf %sub3A_255, %sub3A_255 : vector<16xf32>
      %add3A_261 = arith.addf %add3A_259, %mul3A_260 : vector<16xf32>
      %add3A_262 = arith.constant 9.99999996E-13 : f32
      %add3A_263 = vector.broadcast %add3A_262 : f32 to vector<16xf32>
      %add3A_264 = arith.addf %add3A_261, %add3A_263 : vector<16xf32>
      %sub3A_265 = arith.constant 1.000000e+00 : f32
      %sub3A_266 = vector.broadcast %sub3A_265 : f32 to vector<16xf32>
      %sub3A_267 = arith.subf %sub3A_266, %gather3A_256 : vector<16xf32>
      %mul3A_268 = arith.constant 1.000000e+10 : f32
      %mul3A_269 = vector.broadcast %mul3A_268 : f32 to vector<16xf32>
      %mul3A_270 = arith.mulf %sub3A_267, %mul3A_269 : vector<16xf32>
      %add3A_271 = arith.addf %add3A_264, %mul3A_270 : vector<16xf32>
      %bitcast3A_272 = vector.bitcast %add3A_271 : vector<16xf32> to vector<16xi32>
      tpu.vector_store_idx %arg19[%add3A_249], %bitcast3A_272 : memref<8192xi32, #tpu.memory_space<vmem>>[vector<16xi32>], vector<16xi32>,
      %min3A_273 = arith.minsi %min3A, %bitcast3A_272 : vector<16xi32>
      %max3A_274 = arith.maxsi %max3A, %bitcast3A_272 : vector<16xi32>
      %add3A_275 = arith.constant 32 : i32
      %add3A_276 = arith.addi %mul3A_221, %add3A_275 : i32
      %add3A_277 = vector.broadcast %add3A_276 : i32 to vector<16xi32>
      %add3A_278 = arith.addi %add3A_277, %iota3A : vector<16xi32>
      %gather3A_279 = tpu.vector_load_idx %arg11[%add3A_278] : memref<8192xf32, #tpu.memory_space<vmem>>[vector<16xi32>], vector<16xf32>,
      %sub3A_280 = arith.subf %div3A_160, %gather3A_279 : vector<16xf32>
      %gather3A_281 = tpu.vector_load_idx %arg12[%add3A_278] : memref<8192xf32, #tpu.memory_space<vmem>>[vector<16xi32>], vector<16xf32>,
      %sub3A_282 = arith.subf %div3A_166, %gather3A_281 : vector<16xf32>
      %gather3A_283 = tpu.vector_load_idx %arg13[%add3A_278] : memref<8192xf32, #tpu.memory_space<vmem>>[vector<16xi32>], vector<16xf32>,
      %sub3A_284 = arith.subf %div3A_172, %gather3A_283 : vector<16xf32>
      %gather3A_285 = tpu.vector_load_idx %arg17[%add3A_278] : memref<8192xf32, #tpu.memory_space<vmem>>[vector<16xi32>], vector<16xf32>,
      %mul3A_286 = arith.mulf %sub3A_280, %sub3A_280 : vector<16xf32>
      %mul3A_287 = arith.mulf %sub3A_282, %sub3A_282 : vector<16xf32>
      %add3A_288 = arith.addf %mul3A_286, %mul3A_287 : vector<16xf32>
      %mul3A_289 = arith.mulf %sub3A_284, %sub3A_284 : vector<16xf32>
      %add3A_290 = arith.addf %add3A_288, %mul3A_289 : vector<16xf32>
      %add3A_291 = arith.constant 9.99999996E-13 : f32
      %add3A_292 = vector.broadcast %add3A_291 : f32 to vector<16xf32>
      %add3A_293 = arith.addf %add3A_290, %add3A_292 : vector<16xf32>
      %sub3A_294 = arith.constant 1.000000e+00 : f32
      %sub3A_295 = vector.broadcast %sub3A_294 : f32 to vector<16xf32>
      %sub3A_296 = arith.subf %sub3A_295, %gather3A_285 : vector<16xf32>
      %mul3A_297 = arith.constant 1.000000e+10 : f32
      %mul3A_298 = vector.broadcast %mul3A_297 : f32 to vector<16xf32>
      %mul3A_299 = arith.mulf %sub3A_296, %mul3A_298 : vector<16xf32>
      %add3A_300 = arith.addf %add3A_293, %mul3A_299 : vector<16xf32>
      %bitcast3A_301 = vector.bitcast %add3A_300 : vector<16xf32> to vector<16xi32>
      tpu.vector_store_idx %arg19[%add3A_278], %bitcast3A_301 : memref<8192xi32, #tpu.memory_space<vmem>>[vector<16xi32>], vector<16xi32>,
      %min3A_302 = arith.minsi %min3A_273, %bitcast3A_301 : vector<16xi32>
      %max3A_303 = arith.maxsi %max3A_274, %bitcast3A_301 : vector<16xi32>
      %add3A_304 = arith.constant 48 : i32
      %add3A_305 = arith.addi %mul3A_221, %add3A_304 : i32
      %add3A_306 = vector.broadcast %add3A_305 : i32 to vector<16xi32>
      %add3A_307 = arith.addi %add3A_306, %iota3A : vector<16xi32>
      %gather3A_308 = tpu.vector_load_idx %arg11[%add3A_307] : memref<8192xf32, #tpu.memory_space<vmem>>[vector<16xi32>], vector<16xf32>,
      %sub3A_309 = arith.subf %div3A_160, %gather3A_308 : vector<16xf32>
      %gather3A_310 = tpu.vector_load_idx %arg12[%add3A_307] : memref<8192xf32, #tpu.memory_space<vmem>>[vector<16xi32>], vector<16xf32>,
      %sub3A_311 = arith.subf %div3A_166, %gather3A_310 : vector<16xf32>
      %gather3A_312 = tpu.vector_load_idx %arg13[%add3A_307] : memref<8192xf32, #tpu.memory_space<vmem>>[vector<16xi32>], vector<16xf32>,
      %sub3A_313 = arith.subf %div3A_172, %gather3A_312 : vector<16xf32>
      %gather3A_314 = tpu.vector_load_idx %arg17[%add3A_307] : memref<8192xf32, #tpu.memory_space<vmem>>[vector<16xi32>], vector<16xf32>,
      %mul3A_315 = arith.mulf %sub3A_309, %sub3A_309 : vector<16xf32>
      %mul3A_316 = arith.mulf %sub3A_311, %sub3A_311 : vector<16xf32>
      %add3A_317 = arith.addf %mul3A_315, %mul3A_316 : vector<16xf32>
      %mul3A_318 = arith.mulf %sub3A_313, %sub3A_313 : vector<16xf32>
      %add3A_319 = arith.addf %add3A_317, %mul3A_318 : vector<16xf32>
      %add3A_320 = arith.constant 9.99999996E-13 : f32
      %add3A_321 = vector.broadcast %add3A_320 : f32 to vector<16xf32>
      %add3A_322 = arith.addf %add3A_319, %add3A_321 : vector<16xf32>
      %sub3A_323 = arith.constant 1.000000e+00 : f32
      %sub3A_324 = vector.broadcast %sub3A_323 : f32 to vector<16xf32>
      %sub3A_325 = arith.subf %sub3A_324, %gather3A_314 : vector<16xf32>
      %mul3A_326 = arith.constant 1.000000e+10 : f32
      %mul3A_327 = vector.broadcast %mul3A_326 : f32 to vector<16xf32>
      %mul3A_328 = arith.mulf %sub3A_325, %mul3A_327 : vector<16xf32>
      %add3A_329 = arith.addf %add3A_322, %mul3A_328 : vector<16xf32>
      %bitcast3A_330 = vector.bitcast %add3A_329 : vector<16xf32> to vector<16xi32>
      tpu.vector_store_idx %arg19[%add3A_307], %bitcast3A_330 : memref<8192xi32, #tpu.memory_space<vmem>>[vector<16xi32>], vector<16xi32>,
      %min3A_331 = arith.minsi %min3A_302, %bitcast3A_330 : vector<16xi32>
      %max3A_332 = arith.maxsi %max3A_303, %bitcast3A_330 : vector<16xi32>
      %add3A_333 = arith.constant 64 : i32
      %add3A_334 = arith.addi %mul3A_221, %add3A_333 : i32
      %add3A_335 = vector.broadcast %add3A_334 : i32 to vector<16xi32>
      %add3A_336 = arith.addi %add3A_335, %iota3A : vector<16xi32>
      %gather3A_337 = tpu.vector_load_idx %arg11[%add3A_336] : memref<8192xf32, #tpu.memory_space<vmem>>[vector<16xi32>], vector<16xf32>,
      %sub3A_338 = arith.subf %div3A_160, %gather3A_337 : vector<16xf32>
      %gather3A_339 = tpu.vector_load_idx %arg12[%add3A_336] : memref<8192xf32, #tpu.memory_space<vmem>>[vector<16xi32>], vector<16xf32>,
      %sub3A_340 = arith.subf %div3A_166, %gather3A_339 : vector<16xf32>
      %gather3A_341 = tpu.vector_load_idx %arg13[%add3A_336] : memref<8192xf32, #tpu.memory_space<vmem>>[vector<16xi32>], vector<16xf32>,
      %sub3A_342 = arith.subf %div3A_172, %gather3A_341 : vector<16xf32>
      %gather3A_343 = tpu.vector_load_idx %arg17[%add3A_336] : memref<8192xf32, #tpu.memory_space<vmem>>[vector<16xi32>], vector<16xf32>,
      %mul3A_344 = arith.mulf %sub3A_338, %sub3A_338 : vector<16xf32>
      %mul3A_345 = arith.mulf %sub3A_340, %sub3A_340 : vector<16xf32>
      %add3A_346 = arith.addf %mul3A_344, %mul3A_345 : vector<16xf32>
      %mul3A_347 = arith.mulf %sub3A_342, %sub3A_342 : vector<16xf32>
      %add3A_348 = arith.addf %add3A_346, %mul3A_347 : vector<16xf32>
      %add3A_349 = arith.constant 9.99999996E-13 : f32
      %add3A_350 = vector.broadcast %add3A_349 : f32 to vector<16xf32>
      %add3A_351 = arith.addf %add3A_348, %add3A_350 : vector<16xf32>
      %sub3A_352 = arith.constant 1.000000e+00 : f32
      %sub3A_353 = vector.broadcast %sub3A_352 : f32 to vector<16xf32>
      %sub3A_354 = arith.subf %sub3A_353, %gather3A_343 : vector<16xf32>
      %mul3A_355 = arith.constant 1.000000e+10 : f32
      %mul3A_356 = vector.broadcast %mul3A_355 : f32 to vector<16xf32>
      %mul3A_357 = arith.mulf %sub3A_354, %mul3A_356 : vector<16xf32>
      %add3A_358 = arith.addf %add3A_351, %mul3A_357 : vector<16xf32>
      %bitcast3A_359 = vector.bitcast %add3A_358 : vector<16xf32> to vector<16xi32>
      tpu.vector_store_idx %arg19[%add3A_336], %bitcast3A_359 : memref<8192xi32, #tpu.memory_space<vmem>>[vector<16xi32>], vector<16xi32>,
      %min3A_360 = arith.minsi %min3A_331, %bitcast3A_359 : vector<16xi32>
      %max3A_361 = arith.maxsi %max3A_332, %bitcast3A_359 : vector<16xi32>
      %add3A_362 = arith.constant 80 : i32
      %add3A_363 = arith.addi %mul3A_221, %add3A_362 : i32
      %add3A_364 = vector.broadcast %add3A_363 : i32 to vector<16xi32>
      %add3A_365 = arith.addi %add3A_364, %iota3A : vector<16xi32>
      %gather3A_366 = tpu.vector_load_idx %arg11[%add3A_365] : memref<8192xf32, #tpu.memory_space<vmem>>[vector<16xi32>], vector<16xf32>,
      %sub3A_367 = arith.subf %div3A_160, %gather3A_366 : vector<16xf32>
      %gather3A_368 = tpu.vector_load_idx %arg12[%add3A_365] : memref<8192xf32, #tpu.memory_space<vmem>>[vector<16xi32>], vector<16xf32>,
      %sub3A_369 = arith.subf %div3A_166, %gather3A_368 : vector<16xf32>
      %gather3A_370 = tpu.vector_load_idx %arg13[%add3A_365] : memref<8192xf32, #tpu.memory_space<vmem>>[vector<16xi32>], vector<16xf32>,
      %sub3A_371 = arith.subf %div3A_172, %gather3A_370 : vector<16xf32>
      %gather3A_372 = tpu.vector_load_idx %arg17[%add3A_365] : memref<8192xf32, #tpu.memory_space<vmem>>[vector<16xi32>], vector<16xf32>,
      %mul3A_373 = arith.mulf %sub3A_367, %sub3A_367 : vector<16xf32>
      %mul3A_374 = arith.mulf %sub3A_369, %sub3A_369 : vector<16xf32>
      %add3A_375 = arith.addf %mul3A_373, %mul3A_374 : vector<16xf32>
      %mul3A_376 = arith.mulf %sub3A_371, %sub3A_371 : vector<16xf32>
      %add3A_377 = arith.addf %add3A_375, %mul3A_376 : vector<16xf32>
      %add3A_378 = arith.constant 9.99999996E-13 : f32
      %add3A_379 = vector.broadcast %add3A_378 : f32 to vector<16xf32>
      %add3A_380 = arith.addf %add3A_377, %add3A_379 : vector<16xf32>
      %sub3A_381 = arith.constant 1.000000e+00 : f32
      %sub3A_382 = vector.broadcast %sub3A_381 : f32 to vector<16xf32>
      %sub3A_383 = arith.subf %sub3A_382, %gather3A_372 : vector<16xf32>
      %mul3A_384 = arith.constant 1.000000e+10 : f32
      %mul3A_385 = vector.broadcast %mul3A_384 : f32 to vector<16xf32>
      %mul3A_386 = arith.mulf %sub3A_383, %mul3A_385 : vector<16xf32>
      %add3A_387 = arith.addf %add3A_380, %mul3A_386 : vector<16xf32>
      %bitcast3A_388 = vector.bitcast %add3A_387 : vector<16xf32> to vector<16xi32>
      tpu.vector_store_idx %arg19[%add3A_365], %bitcast3A_388 : memref<8192xi32, #tpu.memory_space<vmem>>[vector<16xi32>], vector<16xi32>,
      %min3A_389 = arith.minsi %min3A_360, %bitcast3A_388 : vector<16xi32>
      %max3A_390 = arith.maxsi %max3A_361, %bitcast3A_388 : vector<16xi32>
      %add3A_391 = arith.constant 96 : i32
      %add3A_392 = arith.addi %mul3A_221, %add3A_391 : i32
      %add3A_393 = vector.broadcast %add3A_392 : i32 to vector<16xi32>
      %add3A_394 = arith.addi %add3A_393, %iota3A : vector<16xi32>
      %gather3A_395 = tpu.vector_load_idx %arg11[%add3A_394] : memref<8192xf32, #tpu.memory_space<vmem>>[vector<16xi32>], vector<16xf32>,
      %sub3A_396 = arith.subf %div3A_160, %gather3A_395 : vector<16xf32>
      %gather3A_397 = tpu.vector_load_idx %arg12[%add3A_394] : memref<8192xf32, #tpu.memory_space<vmem>>[vector<16xi32>], vector<16xf32>,
      %sub3A_398 = arith.subf %div3A_166, %gather3A_397 : vector<16xf32>
      %gather3A_399 = tpu.vector_load_idx %arg13[%add3A_394] : memref<8192xf32, #tpu.memory_space<vmem>>[vector<16xi32>], vector<16xf32>,
      %sub3A_400 = arith.subf %div3A_172, %gather3A_399 : vector<16xf32>
      %gather3A_401 = tpu.vector_load_idx %arg17[%add3A_394] : memref<8192xf32, #tpu.memory_space<vmem>>[vector<16xi32>], vector<16xf32>,
      %mul3A_402 = arith.mulf %sub3A_396, %sub3A_396 : vector<16xf32>
      %mul3A_403 = arith.mulf %sub3A_398, %sub3A_398 : vector<16xf32>
      %add3A_404 = arith.addf %mul3A_402, %mul3A_403 : vector<16xf32>
      %mul3A_405 = arith.mulf %sub3A_400, %sub3A_400 : vector<16xf32>
      %add3A_406 = arith.addf %add3A_404, %mul3A_405 : vector<16xf32>
      %add3A_407 = arith.constant 9.99999996E-13 : f32
      %add3A_408 = vector.broadcast %add3A_407 : f32 to vector<16xf32>
      %add3A_409 = arith.addf %add3A_406, %add3A_408 : vector<16xf32>
      %sub3A_410 = arith.constant 1.000000e+00 : f32
      %sub3A_411 = vector.broadcast %sub3A_410 : f32 to vector<16xf32>
      %sub3A_412 = arith.subf %sub3A_411, %gather3A_401 : vector<16xf32>
      %mul3A_413 = arith.constant 1.000000e+10 : f32
      %mul3A_414 = vector.broadcast %mul3A_413 : f32 to vector<16xf32>
      %mul3A_415 = arith.mulf %sub3A_412, %mul3A_414 : vector<16xf32>
      %add3A_416 = arith.addf %add3A_409, %mul3A_415 : vector<16xf32>
      %bitcast3A_417 = vector.bitcast %add3A_416 : vector<16xf32> to vector<16xi32>
      tpu.vector_store_idx %arg19[%add3A_394], %bitcast3A_417 : memref<8192xi32, #tpu.memory_space<vmem>>[vector<16xi32>], vector<16xi32>,
      %min3A_418 = arith.minsi %min3A_389, %bitcast3A_417 : vector<16xi32>
      %max3A_419 = arith.maxsi %max3A_390, %bitcast3A_417 : vector<16xi32>
      %add3A_420 = arith.constant 112 : i32
      %add3A_421 = arith.addi %mul3A_221, %add3A_420 : i32
      %add3A_422 = vector.broadcast %add3A_421 : i32 to vector<16xi32>
      %add3A_423 = arith.addi %add3A_422, %iota3A : vector<16xi32>
      %gather3A_424 = tpu.vector_load_idx %arg11[%add3A_423] : memref<8192xf32, #tpu.memory_space<vmem>>[vector<16xi32>], vector<16xf32>,
      %sub3A_425 = arith.subf %div3A_160, %gather3A_424 : vector<16xf32>
      %gather3A_426 = tpu.vector_load_idx %arg12[%add3A_423] : memref<8192xf32, #tpu.memory_space<vmem>>[vector<16xi32>], vector<16xf32>,
      %sub3A_427 = arith.subf %div3A_166, %gather3A_426 : vector<16xf32>
      %gather3A_428 = tpu.vector_load_idx %arg13[%add3A_423] : memref<8192xf32, #tpu.memory_space<vmem>>[vector<16xi32>], vector<16xf32>,
      %sub3A_429 = arith.subf %div3A_172, %gather3A_428 : vector<16xf32>
      %gather3A_430 = tpu.vector_load_idx %arg17[%add3A_423] : memref<8192xf32, #tpu.memory_space<vmem>>[vector<16xi32>], vector<16xf32>,
      %mul3A_431 = arith.mulf %sub3A_425, %sub3A_425 : vector<16xf32>
      %mul3A_432 = arith.mulf %sub3A_427, %sub3A_427 : vector<16xf32>
      %add3A_433 = arith.addf %mul3A_431, %mul3A_432 : vector<16xf32>
      %mul3A_434 = arith.mulf %sub3A_429, %sub3A_429 : vector<16xf32>
      %add3A_435 = arith.addf %add3A_433, %mul3A_434 : vector<16xf32>
      %add3A_436 = arith.constant 9.99999996E-13 : f32
      %add3A_437 = vector.broadcast %add3A_436 : f32 to vector<16xf32>
      %add3A_438 = arith.addf %add3A_435, %add3A_437 : vector<16xf32>
      %sub3A_439 = arith.constant 1.000000e+00 : f32
      %sub3A_440 = vector.broadcast %sub3A_439 : f32 to vector<16xf32>
      %sub3A_441 = arith.subf %sub3A_440, %gather3A_430 : vector<16xf32>
      %mul3A_442 = arith.constant 1.000000e+10 : f32
      %mul3A_443 = vector.broadcast %mul3A_442 : f32 to vector<16xf32>
      %mul3A_444 = arith.mulf %sub3A_441, %mul3A_443 : vector<16xf32>
      %add3A_445 = arith.addf %add3A_438, %mul3A_444 : vector<16xf32>
      %bitcast3A_446 = vector.bitcast %add3A_445 : vector<16xf32> to vector<16xi32>
      tpu.vector_store_idx %arg19[%add3A_423], %bitcast3A_446 : memref<8192xi32, #tpu.memory_space<vmem>>[vector<16xi32>], vector<16xi32>,
      %min3A_447 = arith.minsi %min3A_418, %bitcast3A_446 : vector<16xi32>
      %max3A_448 = arith.maxsi %max3A_419, %bitcast3A_446 : vector<16xi32>
      scf.yield %min3A_447, %max3A_448 : vector<16xi32>, vector<16xi32>
    }
    %scan3A_180 = arith.constant 64 : i32
    %reduce_min3A_181 = arith.constant true
    %reduce_min3A_182 = vector.broadcast %reduce_min3A_181 : i1 to vector<16xi1>
    %reduce_min3A_183 = arith.constant -2147483648 : i32
    %reduce_min3A_184 = vector.broadcast %reduce_min3A_183 : i32 to vector<16xi32>
    %reduce_min3A_185 = arith.xori %scan3A_179#0, %reduce_min3A_184 : vector<16xi32>
    %reduce_min3A_186 = tpu.scan <min>, %reduce_min3A_185 masked %reduce_min3A_182 : vector<16xi32>, vector<16xi1> -> vector<16xi32>
    %reduce_min3A_187 = arith.xori %reduce_min3A_186, %reduce_min3A_184 : vector<16xi32>
    %reduce_min3A_188 = vector.extract %reduce_min3A_187[15] : i32 from vector<16xi32>
    %reduce_max3A_189 = arith.constant true
    %reduce_max3A_190 = vector.broadcast %reduce_max3A_189 : i1 to vector<16xi1>
    %reduce_max3A_191 = arith.constant -2147483648 : i32
    %reduce_max3A_192 = vector.broadcast %reduce_max3A_191 : i32 to vector<16xi32>
    %reduce_max3A_193 = arith.xori %scan3A_179#1, %reduce_max3A_192 : vector<16xi32>
    %reduce_max3A_194 = tpu.scan <max>, %reduce_max3A_193 masked %reduce_max3A_190 : vector<16xi32>, vector<16xi1> -> vector<16xi32>
    %reduce_max3A_195 = arith.xori %reduce_max3A_194, %reduce_max3A_192 : vector<16xi32>
    %reduce_max3A_196 = vector.extract %reduce_max3A_195[15] : i32 from vector<16xi32>
    %while3A_197:2 = scf.while (%while3A_217 = %reduce_min3A_188, %while3A_218 = %reduce_max3A_196) : (i32, i32) -> (i32, i32) {
      %lt3A = arith.cmpi slt, %while3A_217, %while3A_218 : i32
      scf.condition(%lt3A) %while3A_217, %while3A_218 : i32, i32
    } do {
    ^bb0(%while3A_217: i32, %while3A_218: i32):
      %sub3A = arith.subi %while3A_218, %while3A_217 : i32
      %shift_right_arithmetic3A = arith.constant 2 : i32
      %shift_right_arithmetic3A_219 = arith.shrsi %sub3A, %shift_right_arithmetic3A : i32
      %add3A_220 = arith.addi %while3A_217, %shift_right_arithmetic3A_219 : i32
      %shift_right_arithmetic3A_221 = arith.constant 1 : i32
      %shift_right_arithmetic3A_222 = arith.shrsi %sub3A, %shift_right_arithmetic3A_221 : i32
      %add3A_223 = arith.addi %while3A_217, %shift_right_arithmetic3A_222 : i32
      %shift_right_arithmetic3A_224 = arith.constant 2 : i32
      %shift_right_arithmetic3A_225 = arith.shrsi %sub3A, %shift_right_arithmetic3A_224 : i32
      %sub3A_226 = arith.subi %sub3A, %shift_right_arithmetic3A_225 : i32
      %add3A_227 = arith.addi %while3A_217, %sub3A_226 : i32
      %scan3A_228 = arith.constant 0 : i32
      %scan3A_229 = arith.constant 64 : i32
      %scan3A_230 = arith.addi %scan3A_228, %scan3A_229 : i32
      %scan3A_231 = arith.constant 1 : i32
      %scan3A_232:3 = scf.for %scan3A_262 = %scan3A_228 to %scan3A_230 step %scan3A_231 iter_args(%scan3A_263 = %broadcast_in_dim3A_3, %scan3A_264 = %broadcast_in_dim3A_3, %scan3A_265 = %broadcast_in_dim3A_3) -> (vector<16xi32>, vector<16xi32>, vector<16xi32>)  : i32 {
        %mul3A_266 = arith.constant 128 : i32
        %mul3A_267 = arith.muli %scan3A_262, %mul3A_266 : i32
        %add3A_268 = arith.constant 0 : i32
        %add3A_269 = arith.addi %mul3A_267, %add3A_268 : i32
        %add3A_270 = vector.broadcast %add3A_269 : i32 to vector<16xi32>
        %add3A_271 = arith.addi %add3A_270, %iota3A : vector<16xi32>
        %gather3A = tpu.vector_load_idx %arg19[%add3A_271] : memref<8192xi32, #tpu.memory_space<vmem>>[vector<16xi32>], vector<16xi32>,
        %le3A = vector.broadcast %add3A_220 : i32 to vector<16xi32>
        %le3A_272 = arith.cmpi sle, %gather3A, %le3A : vector<16xi32>
        %select_n3A_273 = arith.select %le3A_272, %broadcast_in_dim3A_5, %broadcast_in_dim3A_3 : vector<16xi1>, vector<16xi32>
        %add3A_274 = arith.addi %scan3A_263, %select_n3A_273 : vector<16xi32>
        %le3A_275 = vector.broadcast %add3A_223 : i32 to vector<16xi32>
        %le3A_276 = arith.cmpi sle, %gather3A, %le3A_275 : vector<16xi32>
        %select_n3A_277 = arith.select %le3A_276, %broadcast_in_dim3A_5, %broadcast_in_dim3A_3 : vector<16xi1>, vector<16xi32>
        %add3A_278 = arith.addi %scan3A_264, %select_n3A_277 : vector<16xi32>
        %le3A_279 = vector.broadcast %add3A_227 : i32 to vector<16xi32>
        %le3A_280 = arith.cmpi sle, %gather3A, %le3A_279 : vector<16xi32>
        %select_n3A_281 = arith.select %le3A_280, %broadcast_in_dim3A_5, %broadcast_in_dim3A_3 : vector<16xi1>, vector<16xi32>
        %add3A_282 = arith.addi %scan3A_265, %select_n3A_281 : vector<16xi32>
        %add3A_283 = arith.constant 16 : i32
        %add3A_284 = arith.addi %mul3A_267, %add3A_283 : i32
        %add3A_285 = vector.broadcast %add3A_284 : i32 to vector<16xi32>
        %add3A_286 = arith.addi %add3A_285, %iota3A : vector<16xi32>
        %gather3A_287 = tpu.vector_load_idx %arg19[%add3A_286] : memref<8192xi32, #tpu.memory_space<vmem>>[vector<16xi32>], vector<16xi32>,
        %le3A_288 = vector.broadcast %add3A_220 : i32 to vector<16xi32>
        %le3A_289 = arith.cmpi sle, %gather3A_287, %le3A_288 : vector<16xi32>
        %select_n3A_290 = arith.select %le3A_289, %broadcast_in_dim3A_5, %broadcast_in_dim3A_3 : vector<16xi1>, vector<16xi32>
        %add3A_291 = arith.addi %add3A_274, %select_n3A_290 : vector<16xi32>
        %le3A_292 = vector.broadcast %add3A_223 : i32 to vector<16xi32>
        %le3A_293 = arith.cmpi sle, %gather3A_287, %le3A_292 : vector<16xi32>
        %select_n3A_294 = arith.select %le3A_293, %broadcast_in_dim3A_5, %broadcast_in_dim3A_3 : vector<16xi1>, vector<16xi32>
        %add3A_295 = arith.addi %add3A_278, %select_n3A_294 : vector<16xi32>
        %le3A_296 = vector.broadcast %add3A_227 : i32 to vector<16xi32>
        %le3A_297 = arith.cmpi sle, %gather3A_287, %le3A_296 : vector<16xi32>
        %select_n3A_298 = arith.select %le3A_297, %broadcast_in_dim3A_5, %broadcast_in_dim3A_3 : vector<16xi1>, vector<16xi32>
        %add3A_299 = arith.addi %add3A_282, %select_n3A_298 : vector<16xi32>
        %add3A_300 = arith.constant 32 : i32
        %add3A_301 = arith.addi %mul3A_267, %add3A_300 : i32
        %add3A_302 = vector.broadcast %add3A_301 : i32 to vector<16xi32>
        %add3A_303 = arith.addi %add3A_302, %iota3A : vector<16xi32>
        %gather3A_304 = tpu.vector_load_idx %arg19[%add3A_303] : memref<8192xi32, #tpu.memory_space<vmem>>[vector<16xi32>], vector<16xi32>,
        %le3A_305 = vector.broadcast %add3A_220 : i32 to vector<16xi32>
        %le3A_306 = arith.cmpi sle, %gather3A_304, %le3A_305 : vector<16xi32>
        %select_n3A_307 = arith.select %le3A_306, %broadcast_in_dim3A_5, %broadcast_in_dim3A_3 : vector<16xi1>, vector<16xi32>
        %add3A_308 = arith.addi %add3A_291, %select_n3A_307 : vector<16xi32>
        %le3A_309 = vector.broadcast %add3A_223 : i32 to vector<16xi32>
        %le3A_310 = arith.cmpi sle, %gather3A_304, %le3A_309 : vector<16xi32>
        %select_n3A_311 = arith.select %le3A_310, %broadcast_in_dim3A_5, %broadcast_in_dim3A_3 : vector<16xi1>, vector<16xi32>
        %add3A_312 = arith.addi %add3A_295, %select_n3A_311 : vector<16xi32>
        %le3A_313 = vector.broadcast %add3A_227 : i32 to vector<16xi32>
        %le3A_314 = arith.cmpi sle, %gather3A_304, %le3A_313 : vector<16xi32>
        %select_n3A_315 = arith.select %le3A_314, %broadcast_in_dim3A_5, %broadcast_in_dim3A_3 : vector<16xi1>, vector<16xi32>
        %add3A_316 = arith.addi %add3A_299, %select_n3A_315 : vector<16xi32>
        %add3A_317 = arith.constant 48 : i32
        %add3A_318 = arith.addi %mul3A_267, %add3A_317 : i32
        %add3A_319 = vector.broadcast %add3A_318 : i32 to vector<16xi32>
        %add3A_320 = arith.addi %add3A_319, %iota3A : vector<16xi32>
        %gather3A_321 = tpu.vector_load_idx %arg19[%add3A_320] : memref<8192xi32, #tpu.memory_space<vmem>>[vector<16xi32>], vector<16xi32>,
        %le3A_322 = vector.broadcast %add3A_220 : i32 to vector<16xi32>
        %le3A_323 = arith.cmpi sle, %gather3A_321, %le3A_322 : vector<16xi32>
        %select_n3A_324 = arith.select %le3A_323, %broadcast_in_dim3A_5, %broadcast_in_dim3A_3 : vector<16xi1>, vector<16xi32>
        %add3A_325 = arith.addi %add3A_308, %select_n3A_324 : vector<16xi32>
        %le3A_326 = vector.broadcast %add3A_223 : i32 to vector<16xi32>
        %le3A_327 = arith.cmpi sle, %gather3A_321, %le3A_326 : vector<16xi32>
        %select_n3A_328 = arith.select %le3A_327, %broadcast_in_dim3A_5, %broadcast_in_dim3A_3 : vector<16xi1>, vector<16xi32>
        %add3A_329 = arith.addi %add3A_312, %select_n3A_328 : vector<16xi32>
        %le3A_330 = vector.broadcast %add3A_227 : i32 to vector<16xi32>
        %le3A_331 = arith.cmpi sle, %gather3A_321, %le3A_330 : vector<16xi32>
        %select_n3A_332 = arith.select %le3A_331, %broadcast_in_dim3A_5, %broadcast_in_dim3A_3 : vector<16xi1>, vector<16xi32>
        %add3A_333 = arith.addi %add3A_316, %select_n3A_332 : vector<16xi32>
        %add3A_334 = arith.constant 64 : i32
        %add3A_335 = arith.addi %mul3A_267, %add3A_334 : i32
        %add3A_336 = vector.broadcast %add3A_335 : i32 to vector<16xi32>
        %add3A_337 = arith.addi %add3A_336, %iota3A : vector<16xi32>
        %gather3A_338 = tpu.vector_load_idx %arg19[%add3A_337] : memref<8192xi32, #tpu.memory_space<vmem>>[vector<16xi32>], vector<16xi32>,
        %le3A_339 = vector.broadcast %add3A_220 : i32 to vector<16xi32>
        %le3A_340 = arith.cmpi sle, %gather3A_338, %le3A_339 : vector<16xi32>
        %select_n3A_341 = arith.select %le3A_340, %broadcast_in_dim3A_5, %broadcast_in_dim3A_3 : vector<16xi1>, vector<16xi32>
        %add3A_342 = arith.addi %add3A_325, %select_n3A_341 : vector<16xi32>
        %le3A_343 = vector.broadcast %add3A_223 : i32 to vector<16xi32>
        %le3A_344 = arith.cmpi sle, %gather3A_338, %le3A_343 : vector<16xi32>
        %select_n3A_345 = arith.select %le3A_344, %broadcast_in_dim3A_5, %broadcast_in_dim3A_3 : vector<16xi1>, vector<16xi32>
        %add3A_346 = arith.addi %add3A_329, %select_n3A_345 : vector<16xi32>
        %le3A_347 = vector.broadcast %add3A_227 : i32 to vector<16xi32>
        %le3A_348 = arith.cmpi sle, %gather3A_338, %le3A_347 : vector<16xi32>
        %select_n3A_349 = arith.select %le3A_348, %broadcast_in_dim3A_5, %broadcast_in_dim3A_3 : vector<16xi1>, vector<16xi32>
        %add3A_350 = arith.addi %add3A_333, %select_n3A_349 : vector<16xi32>
        %add3A_351 = arith.constant 80 : i32
        %add3A_352 = arith.addi %mul3A_267, %add3A_351 : i32
        %add3A_353 = vector.broadcast %add3A_352 : i32 to vector<16xi32>
        %add3A_354 = arith.addi %add3A_353, %iota3A : vector<16xi32>
        %gather3A_355 = tpu.vector_load_idx %arg19[%add3A_354] : memref<8192xi32, #tpu.memory_space<vmem>>[vector<16xi32>], vector<16xi32>,
        %le3A_356 = vector.broadcast %add3A_220 : i32 to vector<16xi32>
        %le3A_357 = arith.cmpi sle, %gather3A_355, %le3A_356 : vector<16xi32>
        %select_n3A_358 = arith.select %le3A_357, %broadcast_in_dim3A_5, %broadcast_in_dim3A_3 : vector<16xi1>, vector<16xi32>
        %add3A_359 = arith.addi %add3A_342, %select_n3A_358 : vector<16xi32>
        %le3A_360 = vector.broadcast %add3A_223 : i32 to vector<16xi32>
        %le3A_361 = arith.cmpi sle, %gather3A_355, %le3A_360 : vector<16xi32>
        %select_n3A_362 = arith.select %le3A_361, %broadcast_in_dim3A_5, %broadcast_in_dim3A_3 : vector<16xi1>, vector<16xi32>
        %add3A_363 = arith.addi %add3A_346, %select_n3A_362 : vector<16xi32>
        %le3A_364 = vector.broadcast %add3A_227 : i32 to vector<16xi32>
        %le3A_365 = arith.cmpi sle, %gather3A_355, %le3A_364 : vector<16xi32>
        %select_n3A_366 = arith.select %le3A_365, %broadcast_in_dim3A_5, %broadcast_in_dim3A_3 : vector<16xi1>, vector<16xi32>
        %add3A_367 = arith.addi %add3A_350, %select_n3A_366 : vector<16xi32>
        %add3A_368 = arith.constant 96 : i32
        %add3A_369 = arith.addi %mul3A_267, %add3A_368 : i32
        %add3A_370 = vector.broadcast %add3A_369 : i32 to vector<16xi32>
        %add3A_371 = arith.addi %add3A_370, %iota3A : vector<16xi32>
        %gather3A_372 = tpu.vector_load_idx %arg19[%add3A_371] : memref<8192xi32, #tpu.memory_space<vmem>>[vector<16xi32>], vector<16xi32>,
        %le3A_373 = vector.broadcast %add3A_220 : i32 to vector<16xi32>
        %le3A_374 = arith.cmpi sle, %gather3A_372, %le3A_373 : vector<16xi32>
        %select_n3A_375 = arith.select %le3A_374, %broadcast_in_dim3A_5, %broadcast_in_dim3A_3 : vector<16xi1>, vector<16xi32>
        %add3A_376 = arith.addi %add3A_359, %select_n3A_375 : vector<16xi32>
        %le3A_377 = vector.broadcast %add3A_223 : i32 to vector<16xi32>
        %le3A_378 = arith.cmpi sle, %gather3A_372, %le3A_377 : vector<16xi32>
        %select_n3A_379 = arith.select %le3A_378, %broadcast_in_dim3A_5, %broadcast_in_dim3A_3 : vector<16xi1>, vector<16xi32>
        %add3A_380 = arith.addi %add3A_363, %select_n3A_379 : vector<16xi32>
        %le3A_381 = vector.broadcast %add3A_227 : i32 to vector<16xi32>
        %le3A_382 = arith.cmpi sle, %gather3A_372, %le3A_381 : vector<16xi32>
        %select_n3A_383 = arith.select %le3A_382, %broadcast_in_dim3A_5, %broadcast_in_dim3A_3 : vector<16xi1>, vector<16xi32>
        %add3A_384 = arith.addi %add3A_367, %select_n3A_383 : vector<16xi32>
        %add3A_385 = arith.constant 112 : i32
        %add3A_386 = arith.addi %mul3A_267, %add3A_385 : i32
        %add3A_387 = vector.broadcast %add3A_386 : i32 to vector<16xi32>
        %add3A_388 = arith.addi %add3A_387, %iota3A : vector<16xi32>
        %gather3A_389 = tpu.vector_load_idx %arg19[%add3A_388] : memref<8192xi32, #tpu.memory_space<vmem>>[vector<16xi32>], vector<16xi32>,
        %le3A_390 = vector.broadcast %add3A_220 : i32 to vector<16xi32>
        %le3A_391 = arith.cmpi sle, %gather3A_389, %le3A_390 : vector<16xi32>
        %select_n3A_392 = arith.select %le3A_391, %broadcast_in_dim3A_5, %broadcast_in_dim3A_3 : vector<16xi1>, vector<16xi32>
        %add3A_393 = arith.addi %add3A_376, %select_n3A_392 : vector<16xi32>
        %le3A_394 = vector.broadcast %add3A_223 : i32 to vector<16xi32>
        %le3A_395 = arith.cmpi sle, %gather3A_389, %le3A_394 : vector<16xi32>
        %select_n3A_396 = arith.select %le3A_395, %broadcast_in_dim3A_5, %broadcast_in_dim3A_3 : vector<16xi1>, vector<16xi32>
        %add3A_397 = arith.addi %add3A_380, %select_n3A_396 : vector<16xi32>
        %le3A_398 = vector.broadcast %add3A_227 : i32 to vector<16xi32>
        %le3A_399 = arith.cmpi sle, %gather3A_389, %le3A_398 : vector<16xi32>
        %select_n3A_400 = arith.select %le3A_399, %broadcast_in_dim3A_5, %broadcast_in_dim3A_3 : vector<16xi1>, vector<16xi32>
        %add3A_401 = arith.addi %add3A_384, %select_n3A_400 : vector<16xi32>
        scf.yield %add3A_393, %add3A_397, %add3A_401 : vector<16xi32>, vector<16xi32>, vector<16xi32>
      }
      %scan3A_233 = arith.constant 64 : i32
      %reduce_sum3A_234 = arith.constant true
      %reduce_sum3A_235 = vector.broadcast %reduce_sum3A_234 : i1 to vector<16xi1>
      %reduce_sum3A_236 = tpu.scan <sum>, %scan3A_232#0 masked %reduce_sum3A_235 : vector<16xi32>, vector<16xi1> -> vector<16xi32>
      %reduce_sum3A_237 = vector.extract %reduce_sum3A_236[15] : i32 from vector<16xi32>
      %reduce_sum3A_238 = arith.constant true
      %reduce_sum3A_239 = vector.broadcast %reduce_sum3A_238 : i1 to vector<16xi1>
      %reduce_sum3A_240 = tpu.scan <sum>, %scan3A_232#1 masked %reduce_sum3A_239 : vector<16xi32>, vector<16xi1> -> vector<16xi32>
      %reduce_sum3A_241 = vector.extract %reduce_sum3A_240[15] : i32 from vector<16xi32>
      %reduce_sum3A_242 = arith.constant true
      %reduce_sum3A_243 = vector.broadcast %reduce_sum3A_242 : i1 to vector<16xi1>
      %reduce_sum3A_244 = tpu.scan <sum>, %scan3A_232#2 masked %reduce_sum3A_243 : vector<16xi32>, vector<16xi1> -> vector<16xi32>
      %reduce_sum3A_245 = vector.extract %reduce_sum3A_244[15] : i32 from vector<16xi32>
      %ge3A = arith.constant 6970 : i32
      %ge3A_246 = arith.cmpi sge, %reduce_sum3A_237, %ge3A : i32
      %ge3A_247 = arith.constant 6970 : i32
      %ge3A_248 = arith.cmpi sge, %reduce_sum3A_241, %ge3A_247 : i32
      %ge3A_249 = arith.constant 6970 : i32
      %ge3A_250 = arith.cmpi sge, %reduce_sum3A_245, %ge3A_249 : i32
      %add3A_251 = arith.constant 1 : i32
      %add3A_252 = arith.addi %add3A_220, %add3A_251 : i32
      %add3A_253 = arith.constant 1 : i32
      %add3A_254 = arith.addi %add3A_223, %add3A_253 : i32
      %add3A_255 = arith.constant 1 : i32
      %add3A_256 = arith.addi %add3A_227, %add3A_255 : i32
      %select_n3A = arith.select %ge3A_250, %add3A_254, %add3A_256 : i32
      %select_n3A_257 = arith.select %ge3A_248, %add3A_252, %select_n3A : i32
      %select_n3A_258 = arith.select %ge3A_246, %while3A_217, %select_n3A_257 : i32
      %select_n3A_259 = arith.select %ge3A_250, %add3A_227, %while3A_218 : i32
      %select_n3A_260 = arith.select %ge3A_248, %add3A_223, %select_n3A_259 : i32
      %select_n3A_261 = arith.select %ge3A_246, %add3A_220, %select_n3A_260 : i32
      scf.yield %select_n3A_258, %select_n3A_261 : i32, i32
    }
    %scan3A_198 = arith.constant 0 : i32
    %scan3A_199 = arith.constant 64 : i32
    %scan3A_200 = arith.addi %scan3A_198, %scan3A_199 : i32
    %scan3A_201 = arith.constant 1 : i32
    %scan3A_202 = scf.for %scan3A_217 = %scan3A_198 to %scan3A_200 step %scan3A_201 iter_args(%scan3A_218 = %broadcast_in_dim3A_3) -> (vector<16xi32>)  : i32 {
      %mul3A_219 = arith.constant 128 : i32
      %mul3A_220 = arith.muli %scan3A_217, %mul3A_219 : i32
      %add3A_221 = arith.constant 0 : i32
      %add3A_222 = arith.addi %mul3A_220, %add3A_221 : i32
      %add3A_223 = vector.broadcast %add3A_222 : i32 to vector<16xi32>
      %add3A_224 = arith.addi %add3A_223, %iota3A : vector<16xi32>
      %gather3A = tpu.vector_load_idx %arg19[%add3A_224] : memref<8192xi32, #tpu.memory_space<vmem>>[vector<16xi32>], vector<16xi32>,
      %gather3A_225 = tpu.vector_load_idx %arg17[%add3A_224] : memref<8192xf32, #tpu.memory_space<vmem>>[vector<16xi32>], vector<16xf32>,
      %le3A = vector.broadcast %while3A_197#1 : i32 to vector<16xi32>
      %le3A_226 = arith.cmpi sle, %gather3A, %le3A : vector<16xi32>
      %jit3A = arith.constant 0.000000e+00 : f32
      %broadcast_in_dim3A_227 = vector.broadcast %jit3A : f32 to vector<16xf32>
      %select_n3A = arith.select %le3A_226, %broadcast_in_dim3A_227, %gather3A_225 : vector<16xi1>, vector<16xf32>
      tpu.vector_store_idx %arg20[%add3A_224], %select_n3A : memref<8192xf32, #tpu.memory_space<vmem>>[vector<16xi32>], vector<16xf32>,
      %select_n3A_228 = arith.select %le3A_226, %broadcast_in_dim3A_5, %broadcast_in_dim3A_3 : vector<16xi1>, vector<16xi32>
      %add3A_229 = arith.addi %scan3A_218, %select_n3A_228 : vector<16xi32>
      %add3A_230 = arith.constant 16 : i32
      %add3A_231 = arith.addi %mul3A_220, %add3A_230 : i32
      %add3A_232 = vector.broadcast %add3A_231 : i32 to vector<16xi32>
      %add3A_233 = arith.addi %add3A_232, %iota3A : vector<16xi32>
      %gather3A_234 = tpu.vector_load_idx %arg19[%add3A_233] : memref<8192xi32, #tpu.memory_space<vmem>>[vector<16xi32>], vector<16xi32>,
      %gather3A_235 = tpu.vector_load_idx %arg17[%add3A_233] : memref<8192xf32, #tpu.memory_space<vmem>>[vector<16xi32>], vector<16xf32>,
      %le3A_236 = vector.broadcast %while3A_197#1 : i32 to vector<16xi32>
      %le3A_237 = arith.cmpi sle, %gather3A_234, %le3A_236 : vector<16xi32>
      %jit3A_238 = arith.constant 0.000000e+00 : f32
      %broadcast_in_dim3A_239 = vector.broadcast %jit3A_238 : f32 to vector<16xf32>
      %select_n3A_240 = arith.select %le3A_237, %broadcast_in_dim3A_239, %gather3A_235 : vector<16xi1>, vector<16xf32>
      tpu.vector_store_idx %arg20[%add3A_233], %select_n3A_240 : memref<8192xf32, #tpu.memory_space<vmem>>[vector<16xi32>], vector<16xf32>,
      %select_n3A_241 = arith.select %le3A_237, %broadcast_in_dim3A_5, %broadcast_in_dim3A_3 : vector<16xi1>, vector<16xi32>
      %add3A_242 = arith.addi %add3A_229, %select_n3A_241 : vector<16xi32>
      %add3A_243 = arith.constant 32 : i32
      %add3A_244 = arith.addi %mul3A_220, %add3A_243 : i32
      %add3A_245 = vector.broadcast %add3A_244 : i32 to vector<16xi32>
      %add3A_246 = arith.addi %add3A_245, %iota3A : vector<16xi32>
      %gather3A_247 = tpu.vector_load_idx %arg19[%add3A_246] : memref<8192xi32, #tpu.memory_space<vmem>>[vector<16xi32>], vector<16xi32>,
      %gather3A_248 = tpu.vector_load_idx %arg17[%add3A_246] : memref<8192xf32, #tpu.memory_space<vmem>>[vector<16xi32>], vector<16xf32>,
      %le3A_249 = vector.broadcast %while3A_197#1 : i32 to vector<16xi32>
      %le3A_250 = arith.cmpi sle, %gather3A_247, %le3A_249 : vector<16xi32>
      %jit3A_251 = arith.constant 0.000000e+00 : f32
      %broadcast_in_dim3A_252 = vector.broadcast %jit3A_251 : f32 to vector<16xf32>
      %select_n3A_253 = arith.select %le3A_250, %broadcast_in_dim3A_252, %gather3A_248 : vector<16xi1>, vector<16xf32>
      tpu.vector_store_idx %arg20[%add3A_246], %select_n3A_253 : memref<8192xf32, #tpu.memory_space<vmem>>[vector<16xi32>], vector<16xf32>,
      %select_n3A_254 = arith.select %le3A_250, %broadcast_in_dim3A_5, %broadcast_in_dim3A_3 : vector<16xi1>, vector<16xi32>
      %add3A_255 = arith.addi %add3A_242, %select_n3A_254 : vector<16xi32>
      %add3A_256 = arith.constant 48 : i32
      %add3A_257 = arith.addi %mul3A_220, %add3A_256 : i32
      %add3A_258 = vector.broadcast %add3A_257 : i32 to vector<16xi32>
      %add3A_259 = arith.addi %add3A_258, %iota3A : vector<16xi32>
      %gather3A_260 = tpu.vector_load_idx %arg19[%add3A_259] : memref<8192xi32, #tpu.memory_space<vmem>>[vector<16xi32>], vector<16xi32>,
      %gather3A_261 = tpu.vector_load_idx %arg17[%add3A_259] : memref<8192xf32, #tpu.memory_space<vmem>>[vector<16xi32>], vector<16xf32>,
      %le3A_262 = vector.broadcast %while3A_197#1 : i32 to vector<16xi32>
      %le3A_263 = arith.cmpi sle, %gather3A_260, %le3A_262 : vector<16xi32>
      %jit3A_264 = arith.constant 0.000000e+00 : f32
      %broadcast_in_dim3A_265 = vector.broadcast %jit3A_264 : f32 to vector<16xf32>
      %select_n3A_266 = arith.select %le3A_263, %broadcast_in_dim3A_265, %gather3A_261 : vector<16xi1>, vector<16xf32>
      tpu.vector_store_idx %arg20[%add3A_259], %select_n3A_266 : memref<8192xf32, #tpu.memory_space<vmem>>[vector<16xi32>], vector<16xf32>,
      %select_n3A_267 = arith.select %le3A_263, %broadcast_in_dim3A_5, %broadcast_in_dim3A_3 : vector<16xi1>, vector<16xi32>
      %add3A_268 = arith.addi %add3A_255, %select_n3A_267 : vector<16xi32>
      %add3A_269 = arith.constant 64 : i32
      %add3A_270 = arith.addi %mul3A_220, %add3A_269 : i32
      %add3A_271 = vector.broadcast %add3A_270 : i32 to vector<16xi32>
      %add3A_272 = arith.addi %add3A_271, %iota3A : vector<16xi32>
      %gather3A_273 = tpu.vector_load_idx %arg19[%add3A_272] : memref<8192xi32, #tpu.memory_space<vmem>>[vector<16xi32>], vector<16xi32>,
      %gather3A_274 = tpu.vector_load_idx %arg17[%add3A_272] : memref<8192xf32, #tpu.memory_space<vmem>>[vector<16xi32>], vector<16xf32>,
      %le3A_275 = vector.broadcast %while3A_197#1 : i32 to vector<16xi32>
      %le3A_276 = arith.cmpi sle, %gather3A_273, %le3A_275 : vector<16xi32>
      %jit3A_277 = arith.constant 0.000000e+00 : f32
      %broadcast_in_dim3A_278 = vector.broadcast %jit3A_277 : f32 to vector<16xf32>
      %select_n3A_279 = arith.select %le3A_276, %broadcast_in_dim3A_278, %gather3A_274 : vector<16xi1>, vector<16xf32>
      tpu.vector_store_idx %arg20[%add3A_272], %select_n3A_279 : memref<8192xf32, #tpu.memory_space<vmem>>[vector<16xi32>], vector<16xf32>,
      %select_n3A_280 = arith.select %le3A_276, %broadcast_in_dim3A_5, %broadcast_in_dim3A_3 : vector<16xi1>, vector<16xi32>
      %add3A_281 = arith.addi %add3A_268, %select_n3A_280 : vector<16xi32>
      %add3A_282 = arith.constant 80 : i32
      %add3A_283 = arith.addi %mul3A_220, %add3A_282 : i32
      %add3A_284 = vector.broadcast %add3A_283 : i32 to vector<16xi32>
      %add3A_285 = arith.addi %add3A_284, %iota3A : vector<16xi32>
      %gather3A_286 = tpu.vector_load_idx %arg19[%add3A_285] : memref<8192xi32, #tpu.memory_space<vmem>>[vector<16xi32>], vector<16xi32>,
      %gather3A_287 = tpu.vector_load_idx %arg17[%add3A_285] : memref<8192xf32, #tpu.memory_space<vmem>>[vector<16xi32>], vector<16xf32>,
      %le3A_288 = vector.broadcast %while3A_197#1 : i32 to vector<16xi32>
      %le3A_289 = arith.cmpi sle, %gather3A_286, %le3A_288 : vector<16xi32>
      %jit3A_290 = arith.constant 0.000000e+00 : f32
      %broadcast_in_dim3A_291 = vector.broadcast %jit3A_290 : f32 to vector<16xf32>
      %select_n3A_292 = arith.select %le3A_289, %broadcast_in_dim3A_291, %gather3A_287 : vector<16xi1>, vector<16xf32>
      tpu.vector_store_idx %arg20[%add3A_285], %select_n3A_292 : memref<8192xf32, #tpu.memory_space<vmem>>[vector<16xi32>], vector<16xf32>,
      %select_n3A_293 = arith.select %le3A_289, %broadcast_in_dim3A_5, %broadcast_in_dim3A_3 : vector<16xi1>, vector<16xi32>
      %add3A_294 = arith.addi %add3A_281, %select_n3A_293 : vector<16xi32>
      %add3A_295 = arith.constant 96 : i32
      %add3A_296 = arith.addi %mul3A_220, %add3A_295 : i32
      %add3A_297 = vector.broadcast %add3A_296 : i32 to vector<16xi32>
      %add3A_298 = arith.addi %add3A_297, %iota3A : vector<16xi32>
      %gather3A_299 = tpu.vector_load_idx %arg19[%add3A_298] : memref<8192xi32, #tpu.memory_space<vmem>>[vector<16xi32>], vector<16xi32>,
      %gather3A_300 = tpu.vector_load_idx %arg17[%add3A_298] : memref<8192xf32, #tpu.memory_space<vmem>>[vector<16xi32>], vector<16xf32>,
      %le3A_301 = vector.broadcast %while3A_197#1 : i32 to vector<16xi32>
      %le3A_302 = arith.cmpi sle, %gather3A_299, %le3A_301 : vector<16xi32>
      %jit3A_303 = arith.constant 0.000000e+00 : f32
      %broadcast_in_dim3A_304 = vector.broadcast %jit3A_303 : f32 to vector<16xf32>
      %select_n3A_305 = arith.select %le3A_302, %broadcast_in_dim3A_304, %gather3A_300 : vector<16xi1>, vector<16xf32>
      tpu.vector_store_idx %arg20[%add3A_298], %select_n3A_305 : memref<8192xf32, #tpu.memory_space<vmem>>[vector<16xi32>], vector<16xf32>,
      %select_n3A_306 = arith.select %le3A_302, %broadcast_in_dim3A_5, %broadcast_in_dim3A_3 : vector<16xi1>, vector<16xi32>
      %add3A_307 = arith.addi %add3A_294, %select_n3A_306 : vector<16xi32>
      %add3A_308 = arith.constant 112 : i32
      %add3A_309 = arith.addi %mul3A_220, %add3A_308 : i32
      %add3A_310 = vector.broadcast %add3A_309 : i32 to vector<16xi32>
      %add3A_311 = arith.addi %add3A_310, %iota3A : vector<16xi32>
      %gather3A_312 = tpu.vector_load_idx %arg19[%add3A_311] : memref<8192xi32, #tpu.memory_space<vmem>>[vector<16xi32>], vector<16xi32>,
      %gather3A_313 = tpu.vector_load_idx %arg17[%add3A_311] : memref<8192xf32, #tpu.memory_space<vmem>>[vector<16xi32>], vector<16xf32>,
      %le3A_314 = vector.broadcast %while3A_197#1 : i32 to vector<16xi32>
      %le3A_315 = arith.cmpi sle, %gather3A_312, %le3A_314 : vector<16xi32>
      %jit3A_316 = arith.constant 0.000000e+00 : f32
      %broadcast_in_dim3A_317 = vector.broadcast %jit3A_316 : f32 to vector<16xf32>
      %select_n3A_318 = arith.select %le3A_315, %broadcast_in_dim3A_317, %gather3A_313 : vector<16xi1>, vector<16xf32>
      tpu.vector_store_idx %arg20[%add3A_311], %select_n3A_318 : memref<8192xf32, #tpu.memory_space<vmem>>[vector<16xi32>], vector<16xf32>,
      %select_n3A_319 = arith.select %le3A_315, %broadcast_in_dim3A_5, %broadcast_in_dim3A_3 : vector<16xi1>, vector<16xi32>
      %add3A_320 = arith.addi %add3A_307, %select_n3A_319 : vector<16xi32>
      scf.yield %add3A_320 : vector<16xi32>
    }
    %scan3A_203 = arith.constant 64 : i32
    %reduce_sum3A_204 = arith.constant true
    %reduce_sum3A_205 = vector.broadcast %reduce_sum3A_204 : i1 to vector<16xi1>
    %reduce_sum3A_206 = tpu.scan <sum>, %scan3A_202 masked %reduce_sum3A_205 : vector<16xi32>, vector<16xi1> -> vector<16xi32>
    %reduce_sum3A_207 = vector.extract %reduce_sum3A_206[15] : i32 from vector<16xi32>
    %eq3A_208 = arith.constant 6970 : i32
    %eq3A_209 = arith.cmpi eq, %reduce_sum3A_207, %eq3A_208 : i32
    %convert_element_type3A_210 = arith.extui %eq3A_209 : i1 to i32
    %cond3A_211 = arith.constant 0 : i32
    %cond3A_212 = arith.constant 0 : i32
    %cond3A_213 = arith.cmpi ne, %convert_element_type3A_210, %cond3A_212 : i32
    %cond3A_214 = scf.if %cond3A_213 -> (i32) {
      %cond3A_217 = arith.constant 0 : i32
      scf.yield %cond3A_217 : i32
    } else {
      %scan3A_217 = arith.constant 0 : i32
      %scan3A_218 = arith.constant 64 : i32
      %scan3A_219 = arith.addi %scan3A_217, %scan3A_218 : i32
      %scan3A_220 = arith.constant 1 : i32
      %scan3A_221 = scf.for %scan3A_235 = %scan3A_217 to %scan3A_219 step %scan3A_220 iter_args(%scan3A_236 = %broadcast_in_dim3A_3) -> (vector<16xi32>)  : i32 {
        %mul3A_237 = arith.constant 128 : i32
        %mul3A_238 = arith.muli %scan3A_235, %mul3A_237 : i32
        %add3A_239 = arith.constant 0 : i32
        %add3A_240 = arith.addi %mul3A_238, %add3A_239 : i32
        %add3A_241 = vector.broadcast %add3A_240 : i32 to vector<16xi32>
        %add3A_242 = arith.addi %add3A_241, %iota3A : vector<16xi32>
        %gather3A = tpu.vector_load_idx %arg19[%add3A_242] : memref<8192xi32, #tpu.memory_space<vmem>>[vector<16xi32>], vector<16xi32>,
        %lt3A = vector.broadcast %while3A_197#1 : i32 to vector<16xi32>
        %lt3A_243 = arith.cmpi slt, %gather3A, %lt3A : vector<16xi32>
        %select_n3A = arith.select %lt3A_243, %broadcast_in_dim3A_5, %broadcast_in_dim3A_3 : vector<16xi1>, vector<16xi32>
        %add3A_244 = arith.addi %scan3A_236, %select_n3A : vector<16xi32>
        %add3A_245 = arith.constant 16 : i32
        %add3A_246 = arith.addi %mul3A_238, %add3A_245 : i32
        %add3A_247 = vector.broadcast %add3A_246 : i32 to vector<16xi32>
        %add3A_248 = arith.addi %add3A_247, %iota3A : vector<16xi32>
        %gather3A_249 = tpu.vector_load_idx %arg19[%add3A_248] : memref<8192xi32, #tpu.memory_space<vmem>>[vector<16xi32>], vector<16xi32>,
        %lt3A_250 = vector.broadcast %while3A_197#1 : i32 to vector<16xi32>
        %lt3A_251 = arith.cmpi slt, %gather3A_249, %lt3A_250 : vector<16xi32>
        %select_n3A_252 = arith.select %lt3A_251, %broadcast_in_dim3A_5, %broadcast_in_dim3A_3 : vector<16xi1>, vector<16xi32>
        %add3A_253 = arith.addi %add3A_244, %select_n3A_252 : vector<16xi32>
        %add3A_254 = arith.constant 32 : i32
        %add3A_255 = arith.addi %mul3A_238, %add3A_254 : i32
        %add3A_256 = vector.broadcast %add3A_255 : i32 to vector<16xi32>
        %add3A_257 = arith.addi %add3A_256, %iota3A : vector<16xi32>
        %gather3A_258 = tpu.vector_load_idx %arg19[%add3A_257] : memref<8192xi32, #tpu.memory_space<vmem>>[vector<16xi32>], vector<16xi32>,
        %lt3A_259 = vector.broadcast %while3A_197#1 : i32 to vector<16xi32>
        %lt3A_260 = arith.cmpi slt, %gather3A_258, %lt3A_259 : vector<16xi32>
        %select_n3A_261 = arith.select %lt3A_260, %broadcast_in_dim3A_5, %broadcast_in_dim3A_3 : vector<16xi1>, vector<16xi32>
        %add3A_262 = arith.addi %add3A_253, %select_n3A_261 : vector<16xi32>
        %add3A_263 = arith.constant 48 : i32
        %add3A_264 = arith.addi %mul3A_238, %add3A_263 : i32
        %add3A_265 = vector.broadcast %add3A_264 : i32 to vector<16xi32>
        %add3A_266 = arith.addi %add3A_265, %iota3A : vector<16xi32>
        %gather3A_267 = tpu.vector_load_idx %arg19[%add3A_266] : memref<8192xi32, #tpu.memory_space<vmem>>[vector<16xi32>], vector<16xi32>,
        %lt3A_268 = vector.broadcast %while3A_197#1 : i32 to vector<16xi32>
        %lt3A_269 = arith.cmpi slt, %gather3A_267, %lt3A_268 : vector<16xi32>
        %select_n3A_270 = arith.select %lt3A_269, %broadcast_in_dim3A_5, %broadcast_in_dim3A_3 : vector<16xi1>, vector<16xi32>
        %add3A_271 = arith.addi %add3A_262, %select_n3A_270 : vector<16xi32>
        %add3A_272 = arith.constant 64 : i32
        %add3A_273 = arith.addi %mul3A_238, %add3A_272 : i32
        %add3A_274 = vector.broadcast %add3A_273 : i32 to vector<16xi32>
        %add3A_275 = arith.addi %add3A_274, %iota3A : vector<16xi32>
        %gather3A_276 = tpu.vector_load_idx %arg19[%add3A_275] : memref<8192xi32, #tpu.memory_space<vmem>>[vector<16xi32>], vector<16xi32>,
        %lt3A_277 = vector.broadcast %while3A_197#1 : i32 to vector<16xi32>
        %lt3A_278 = arith.cmpi slt, %gather3A_276, %lt3A_277 : vector<16xi32>
        %select_n3A_279 = arith.select %lt3A_278, %broadcast_in_dim3A_5, %broadcast_in_dim3A_3 : vector<16xi1>, vector<16xi32>
        %add3A_280 = arith.addi %add3A_271, %select_n3A_279 : vector<16xi32>
        %add3A_281 = arith.constant 80 : i32
        %add3A_282 = arith.addi %mul3A_238, %add3A_281 : i32
        %add3A_283 = vector.broadcast %add3A_282 : i32 to vector<16xi32>
        %add3A_284 = arith.addi %add3A_283, %iota3A : vector<16xi32>
        %gather3A_285 = tpu.vector_load_idx %arg19[%add3A_284] : memref<8192xi32, #tpu.memory_space<vmem>>[vector<16xi32>], vector<16xi32>,
        %lt3A_286 = vector.broadcast %while3A_197#1 : i32 to vector<16xi32>
        %lt3A_287 = arith.cmpi slt, %gather3A_285, %lt3A_286 : vector<16xi32>
        %select_n3A_288 = arith.select %lt3A_287, %broadcast_in_dim3A_5, %broadcast_in_dim3A_3 : vector<16xi1>, vector<16xi32>
        %add3A_289 = arith.addi %add3A_280, %select_n3A_288 : vector<16xi32>
        %add3A_290 = arith.constant 96 : i32
        %add3A_291 = arith.addi %mul3A_238, %add3A_290 : i32
        %add3A_292 = vector.broadcast %add3A_291 : i32 to vector<16xi32>
        %add3A_293 = arith.addi %add3A_292, %iota3A : vector<16xi32>
        %gather3A_294 = tpu.vector_load_idx %arg19[%add3A_293] : memref<8192xi32, #tpu.memory_space<vmem>>[vector<16xi32>], vector<16xi32>,
        %lt3A_295 = vector.broadcast %while3A_197#1 : i32 to vector<16xi32>
        %lt3A_296 = arith.cmpi slt, %gather3A_294, %lt3A_295 : vector<16xi32>
        %select_n3A_297 = arith.select %lt3A_296, %broadcast_in_dim3A_5, %broadcast_in_dim3A_3 : vector<16xi1>, vector<16xi32>
        %add3A_298 = arith.addi %add3A_289, %select_n3A_297 : vector<16xi32>
        %add3A_299 = arith.constant 112 : i32
        %add3A_300 = arith.addi %mul3A_238, %add3A_299 : i32
        %add3A_301 = vector.broadcast %add3A_300 : i32 to vector<16xi32>
        %add3A_302 = arith.addi %add3A_301, %iota3A : vector<16xi32>
        %gather3A_303 = tpu.vector_load_idx %arg19[%add3A_302] : memref<8192xi32, #tpu.memory_space<vmem>>[vector<16xi32>], vector<16xi32>,
        %lt3A_304 = vector.broadcast %while3A_197#1 : i32 to vector<16xi32>
        %lt3A_305 = arith.cmpi slt, %gather3A_303, %lt3A_304 : vector<16xi32>
        %select_n3A_306 = arith.select %lt3A_305, %broadcast_in_dim3A_5, %broadcast_in_dim3A_3 : vector<16xi1>, vector<16xi32>
        %add3A_307 = arith.addi %add3A_298, %select_n3A_306 : vector<16xi32>
        scf.yield %add3A_307 : vector<16xi32>
      }
      %scan3A_222 = arith.constant 64 : i32
      %reduce_sum3A_223 = arith.constant true
      %reduce_sum3A_224 = vector.broadcast %reduce_sum3A_223 : i1 to vector<16xi1>
      %reduce_sum3A_225 = tpu.scan <sum>, %scan3A_221 masked %reduce_sum3A_224 : vector<16xi32>, vector<16xi1> -> vector<16xi32>
      %reduce_sum3A_226 = vector.extract %reduce_sum3A_225[15] : i32 from vector<16xi32>
      %sub3A = arith.constant 6970 : i32
      %sub3A_227 = arith.subi %sub3A, %reduce_sum3A_226 : i32
      %scan3A_228 = arith.constant 0 : i32
      %scan3A_229 = arith.constant 0 : i32
      %scan3A_230 = arith.constant 512 : i32
      %scan3A_231 = arith.addi %scan3A_229, %scan3A_230 : i32
      %scan3A_232 = arith.constant 1 : i32
      %scan3A_233 = scf.for %scan3A_235 = %scan3A_229 to %scan3A_231 step %scan3A_232 iter_args(%scan3A_236 = %scan3A_228) -> (i32)  : i32 {
        %mul3A_237 = arith.constant 16 : i32
        %mul3A_238 = arith.muli %scan3A_235, %mul3A_237 : i32
        %add3A_239 = vector.broadcast %mul3A_238 : i32 to vector<16xi32>
        %add3A_240 = arith.addi %add3A_239, %iota3A : vector<16xi32>
        %gather3A = tpu.vector_load_idx %arg19[%add3A_240] : memref<8192xi32, #tpu.memory_space<vmem>>[vector<16xi32>], vector<16xi32>,
        %gather3A_241 = tpu.vector_load_idx %arg17[%add3A_240] : memref<8192xf32, #tpu.memory_space<vmem>>[vector<16xi32>], vector<16xf32>,
        %eq3A_242 = vector.broadcast %while3A_197#1 : i32 to vector<16xi32>
        %eq3A_243 = arith.cmpi eq, %gather3A, %eq3A_242 : vector<16xi32>
        %select_n3A = arith.select %eq3A_243, %broadcast_in_dim3A_5, %broadcast_in_dim3A_3 : vector<16xi1>, vector<16xi32>
        %broadcast_in_dim3A_244 = arith.constant true
        %broadcast_in_dim3A_245 = vector.broadcast %broadcast_in_dim3A_244 : i1 to vector<16xi1>
        %masked_cumsum3A = tpu.scan <sum>, %select_n3A masked %broadcast_in_dim3A_245 : vector<16xi32>, vector<16xi1> -> vector<16xi32>
        %sub3A_246 = arith.subi %masked_cumsum3A, %select_n3A : vector<16xi32>
        %add3A_247 = vector.broadcast %scan3A_236 : i32 to vector<16xi32>
        %add3A_248 = arith.addi %sub3A_246, %add3A_247 : vector<16xi32>
        %lt3A = vector.broadcast %while3A_197#1 : i32 to vector<16xi32>
        %lt3A_249 = arith.cmpi slt, %gather3A, %lt3A : vector<16xi32>
        %lt3A_250 = vector.broadcast %sub3A_227 : i32 to vector<16xi32>
        %lt3A_251 = arith.cmpi slt, %add3A_248, %lt3A_250 : vector<16xi32>
        %and3A = arith.andi %eq3A_243, %lt3A_251 : vector<16xi1>
        %or3A = arith.ori %lt3A_249, %and3A : vector<16xi1>
        %jit3A = arith.constant 0.000000e+00 : f32
        %broadcast_in_dim3A_252 = vector.broadcast %jit3A : f32 to vector<16xf32>
        %select_n3A_253 = arith.select %or3A, %broadcast_in_dim3A_252, %gather3A_241 : vector<16xi1>, vector<16xf32>
        tpu.vector_store_idx %arg20[%add3A_240], %select_n3A_253 : memref<8192xf32, #tpu.memory_space<vmem>>[vector<16xi32>], vector<16xf32>,
        %reduce_sum3A_254 = arith.constant true
        %reduce_sum3A_255 = vector.broadcast %reduce_sum3A_254 : i1 to vector<16xi1>
        %reduce_sum3A_256 = tpu.scan <sum>, %select_n3A masked %reduce_sum3A_255 : vector<16xi32>, vector<16xi1> -> vector<16xi32>
        %reduce_sum3A_257 = vector.extract %reduce_sum3A_256[15] : i32 from vector<16xi32>
        %add3A_258 = arith.addi %scan3A_236, %reduce_sum3A_257 : i32
        scf.yield %add3A_258 : i32
      }
      %scan3A_234 = arith.constant 512 : i32
      scf.yield %scan3A_233 : i32
    }
    %mul3A_215 = arith.constant 8192 : i32
    %mul3A_216 = arith.muli %add3A_109, %mul3A_215 : i32
    "tpu.region"() ({
      %run_scoped3A = tpu.sem_alloc : memref<!tpu.dma_semaphore, #tpu.memory_space<semaphore_mem>>
      %dma_start3A_217 = tpu.memref_slice %arg10[%mul3A_216] : memref<524288xf32, #tpu.memory_space<hbm>> -> memref<8192xf32, #tpu.memory_space<hbm>>
      %dma_start3A_218 = tpu.memref_slice %arg10[%mul3A_216] : memref<524288xf32, #tpu.memory_space<hbm>> -> memref<8192xf32, #tpu.memory_space<hbm>>
      tpu.enqueue_dma source(%arg20 : memref<8192xf32, #tpu.memory_space<vmem>>) target(%dma_start3A_218 : memref<8192xf32, #tpu.memory_space<hbm>>) target_semaphore(%run_scoped3A : memref<!tpu.dma_semaphore, #tpu.memory_space<semaphore_mem>>)
      %dma_wait3A_219 = tpu.memref_slice %arg10[%mul3A_216] : memref<524288xf32, #tpu.memory_space<hbm>> -> memref<8192xf32, #tpu.memory_space<hbm>>
      %dma_wait3A_220 = tpu.memref_slice %arg10[%mul3A_216] : memref<524288xf32, #tpu.memory_space<hbm>> -> memref<8192xf32, #tpu.memory_space<hbm>>
      tpu.wait_dma2 semaphore(%run_scoped3A : memref<!tpu.dma_semaphore, #tpu.memory_space<semaphore_mem>>) src(%arg20 : memref<8192xf32, #tpu.memory_space<vmem>>) dst(%dma_wait3A_220 : memref<8192xf32, #tpu.memory_space<hbm>>)
      tpu.yield
    }) : () -> ()
    return
  }
}

</mosaic_0001>

<sc_bundles>
// kernel: kernel.3.cloned.1.call-start
scs
__scs_entry_jumppad:
0x0: {  	(pc) =	sbr.rel $0x88, $3  }
0x1: {  	(tag) =	ssettag $0x0;
	lr =	simm.s32 $0x1  }
0x2: {  	[smem:$0x3F9D] =	sst lr;
	_ =	strace $0xD0000000  }
0x3: {  	_ = 	snop  }
0x4: {  	_ = 	snop  }
0x5: {  	_ = 	snop  }
0x6: {  	_ = 	snop  }
0x7: {  	_ = 	snop  }
__scs_overlays_trampoline_lowered:
0x8: {  	[smem:$0x3FAC] =	sst s0  }
0x9: {  	[smem:$0x3FAD] =	sst s1  }
0xa: {  	[smem:$0x3FAE] =	sst s2  }
0xb: {  	[smem:$0x3FAF] =	sst s3  }
0xc: {  	[smem:$0x3FB0] =	sst s4  }
0xd: {  	[smem:$0x3FB1] =	sst s5  }
0xe: {  	[smem:$0x3FB2] =	sst s6  }
0xf: {  	[smem:$0x3FB3] =	sst s7  }
0x10: {  	[smem:$0x3FB4] =	sst s8  }
0x11: {  	[smem:$0x3FB5] =	sst s9;
	s0 =	simm.s32 @!p0 $0x0  }
0x12: {  	s1 =	sld [smem:$0x3F9B];
	s0 =	simm.s32 @p0 $0x1  }
0x13: {  	[smem:$0x3FB6] =	sst s0;
	s0 =	simm.s32 @!p1 $0x0  }
0x14: {  	s2 =	sld [smem:$0x3F9A];
	s0 =	simm.s32 @p1 $0x1  }
0x15: {  	[smem:$0x3FB7] =	sst s0;
	s0 =	simm.s32 @!p2 $0x0  }
0x16: {  	s3 =	sld [smem:$0x3FDB];
	s0 =	simm.s32 @p2 $0x1  }
0x17: {  	s4 =	simm.s32 $0x1BF5;
	[smem:$0x3FB9] =	sst s0  }
0x18: {  	s0 =	sld [smem:$0x3F9C];
	_ =	swait.ge [sflag:s4], $0x0  }
0x19: {  	s7 =	sld [smem:$0x3F9D]  }
0x1a: {  	s8 =	sadd.s32 $0xFFFFE003, lr  }
0x1b: {  	s9 =	sadd.s32 $0xFFFFFEF7, lr;
	s5 =	simm.s32 $0xFFFFFFFF;
	p2 =	slt.u32 s8, $0xFFFFF086  }
0x1c: {  	p1 =	slt.u32 s9, $0xF7A;
	s5 =	simm.s32 @!p2 $0x0  }
0x1d: {  	s5 =	simm.s32 @p1 $0x1;
	p0 =	seq.s32 s7, s2  }
0x1e: {  	s7 =	smul.u32 @!p0 $0xF7A, s2;
	p2 =	seq.s32 @!p0 s5, $0x0  }
0x1f: {  	s9 =	smul.u32 $0xF7A, s1;
	s8 =	simm.s32 @!p0 $0x1BF5;
	p2 =	por !p2, p0  }
0x20: {  	[sflag:s8] =	ssyncset.s32 @!p0 $0xFFFFF086;
	s6 =	sadd.s32 @!p0 s3, s7;
	s7 =	simm.s32 @!p0 $0x108  }
0x21: {  	s3 =	sadd.s32 s3, s9;
	s6 =	sadd.s32 @!p0 $0x88, s6;
	s7 =	simm.s32 @p2 $0x1082  }
0x22: {  	[simem:s7], [sflag:s8] =	dma.local @!p0 [hbm:s6], $0xF7A  }
0x23: {  	s9 =	sor.u32 $0xD0000000, s2;
	s6 =	simm.s32 $0x108;
	_ =	swait.ge @!p0 [sflag:s8], $0x0  }
0x24: {  	s3 =	sadd.s32 $0x88, s3;
	s6 =	simm.s32 @!p1 $0x1082;
	[sflag:s4] =	ssyncset.s32 $0xFFFFF086  }
0x25: {  	[simem:s6], [sflag:s4] =	dma.local [hbm:s3], $0xF7A  }
0x26: {  	[smem:$0x3F9D] =	sst s1;
	(tag) =	ssettag s2;
	_ =	strace s9  }
0x27: {  	s1 =	sld [smem:$0x3FAD]  }
0x28: {  	s2 =	sld [smem:$0x3FAE]  }
0x29: {  	s4 =	sld [smem:$0x3FB0]  }
0x2a: {  	p0 =	seq.s32 s5, $0x0;
	s5 =	sld [smem:$0x3FB1]  }
0x2b: {  	s6 =	sld [smem:$0x3FB2]  }
0x2c: {  	s7 =	sld [smem:$0x3FB3]  }
0x2d: {  	s3 =	simm.s32 $0x108;
	s8 =	sld [smem:$0x3FB4]  }
0x2e: {  	s3 =	simm.s32 @!p0 $0x1082;
	s9 =	sld [smem:$0x3FB5]  }
0x2f: {  	lr =	sadd.s32 s0, s3;
	s0 =	sld [smem:$0x3FAC]  }
0x30: {  	s3 =	sld [smem:$0x3FAF]  }
0x31: {  	[smem:$0x3FB8] =	sst s10  }
0x32: {  	s10 =	sld [smem:$0x3FB6];
	_ =	sdelay $0x3  }
0x33: {  	p0 =	seq.s32 s10, $0x1;
	s10 =	sld [smem:$0x3FB8];
	_ =	sdelay $0x3  }
0x34: {  	[smem:$0x3FB8] =	sst s10  }
0x35: {  	s10 =	sld [smem:$0x3FB7];
	_ =	sdelay $0x3  }
0x36: {  	p1 =	seq.s32 s10, $0x1;
	s10 =	sld [smem:$0x3FB8];
	_ =	sdelay $0x3  }
0x37: {  	[smem:$0x3FB8] =	sst s10  }
0x38: {  	s10 =	sld [smem:$0x3FB9]  }
0x39: {  	_ = 	snop;
	(pc) =	sbr.ind lr, $3  }
0x3a: {  	_ = 	snop  }
0x3b: {  	_ = 	snop  }
0x3c: {  	p2 =	seq.s32 s10, $0x1;
	s10 =	sld [smem:$0x3FB8]  }
0x3d: {  	_ =	shalt  }
0x3e: {  	_ =	shalt  }
0x3f: {  	_ =	shalt  }
0x40: {  	_ =	shalt  }
0x41: {  	_ =	shalt  }
0x42: {  	_ =	shalt  }
0x43: {  	_ =	shalt  }
0x44: {  	_ =	shalt  }
0x45: {  	_ =	shalt  }
0x46: {  	_ =	shalt  }
0x47: {  	_ =	shalt  }
0x48: {  	_ =	shalt  }
0x49: {  	_ =	shalt  }
0x4a: {  	_ =	shalt  }
0x4b: {  	_ =	shalt  }
0x4c: {  	_ =	shalt  }
0x4d: {  	_ =	shalt  }
0x4e: {  	_ =	shalt  }
0x4f: {  	_ =	shalt  }
0x50: {  	_ =	shalt  }
0x51: {  	_ =	shalt  }
0x52: {  	_ =	shalt  }
0x53: {  	_ =	shalt  }
0x54: {  	_ =	shalt  }
0x55: {  	_ =	shalt  }
0x56: {  	_ =	shalt  }
0x57: {  	_ =	shalt  }
0x58: {  	_ =	shalt  }
0x59: {  	_ =	shalt  }
0x5a: {  	_ =	shalt  }
0x5b: {  	_ =	shalt  }
0x5c: {  	_ =	shalt  }
0x5d: {  	_ =	shalt  }
0x5e: {  	_ =	shalt  }
0x5f: {  	_ =	shalt  }
0x60: {  	_ =	shalt  }
0x61: {  	_ =	shalt  }
0x62: {  	_ =	shalt  }
0x63: {  	_ =	shalt  }
0x64: {  	_ =	shalt  }
0x65: {  	_ =	shalt  }
0x66: {  	_ =	shalt  }
0x67: {  	_ =	shalt  }
0x68: {  	_ =	shalt  }
0x69: {  	_ =	shalt  }
0x6a: {  	_ =	shalt  }
0x6b: {  	_ =	shalt  }
0x6c: {  	_ =	shalt  }
0x6d: {  	_ =	shalt  }
0x6e: {  	_ =	shalt  }
0x6f: {  	_ =	shalt  }
0x70: {  	_ =	shalt  }
0x71: {  	_ =	shalt  }
0x72: {  	_ =	shalt  }
0x73: {  	_ =	shalt  }
0x74: {  	_ =	shalt  }
0x75: {  	_ =	shalt  }
0x76: {  	_ =	shalt  }
0x77: {  	_ =	shalt  }
0x78: {  	_ =	shalt  }
0x79: {  	_ =	shalt  }
0x7a: {  	_ =	shalt  }
0x7b: {  	_ =	shalt  }
0x7c: {  	_ =	shalt  }
0x7d: {  	_ =	shalt  }
0x7e: {  	_ =	shalt  }
0x7f: {  	_ =	shalt  }
0x80: {  	_ =	shalt  }
0x81: {  	_ =	shalt  }
0x82: {  	_ =	shalt  }
0x83: {  	_ =	shalt  }
0x84: {  	_ =	shalt  }
0x85: {  	_ =	shalt  }
0x86: {  	_ =	shalt  }
0x87: {  	_ =	shalt  }
.Lfunc_end0:
.L_simem_size_0:
called_computation_lowered:
.L_overlay_start_0:
0x88: {  	s2 =	sld [smem:$0x3FD9]  }
0x89: {  	s3 =	sld [smem:$0x3FFE];
	_ =	sdelay $0x1  }
0x8a: {  	s1 =	srdreg.scid  }
0x8b: {  	s0 =	sand.u32 $0x1, s1  }
0x8c: {  	s17 =	sshll.u32 s0, $0xA;
	s2 =	sadd.s32 s3, s2  }
0x8d: {  	s2 =	sadd.s32 s2, s17  }
0x8e: {  	[smem:$0x3FC4] =	sst s2  }
0x8f: {  	_ = 	snop  }
0x90: {  	s2 =	sld [smem:$0x3FD0];
	(tm) =	ssettm $0x1  }
0x91: {  	s18 =	sld [smem:$0x3FFB];
	_ =	sdelay $0x3  }
0x92: {  	_ =	strace s18  }
0x93: {  	s3 =	sld [smem:$0x3FFC];
	_ =	sdelay $0x3  }
0x94: {  	_ =	strace s3  }
0x95: {  	s3 =	sld [smem:$0x3FFD];
	_ =	sdelay $0x3  }
0x96: {  	_ =	strace s3  }
0x97: {  	_ =	strace $0x8FFFFFFF  }
0x98: {  	s19 =	sld [smem:$0x3FDB];
	_ =	sdelay $0x1  }
0x99: {  	s4 =	simm.s32 $_scs_section_size  }
0x9a: {  	s5 =	simm.s32 $_size__tile_overlayer_lowered;
	s6 =	simm.s32 $_tile_overlayer_lowered  }
0x9b: {  	s22 =	simm.s32 $0x1BFF;
	s21 =	sshll.u32 s6, $0x1;
	s3 =	sadd.s32 s4, s19  }
0x9c: {  	s7 =	simm.s32 $0x0;
	s20 =	sshll.u32 s5, $0x1;
	s5 =	sadd.s32 s21, s3  }
0x9d: {  	[timem:s7], [sflag:s22] =	dma.local [hbm:s5], s20  }
0x9e: {  	_ =	swait.ge [sflag:s22], s20  }
0x9f: {  	s4 =	ssub.s32 $0x0, s20;
	[sflag:s22] =	ssyncset.done $0x0  }
0xa0: {  	[sflag:s22] =	ssyncadd.s32 s4;
	_ =	sdelay $0x1  }
0xa1: {  	s23 =	simm.s32 $0x1B8B  }
0xa2: {  	_ =	swait.ge [sflag:s23], $0x1  }
0xa3: {  	[sflag:s23] =	ssyncset.done $0x0  }
0xa4: {  	s25 =	simm.s32 $0x1B8E;
	s24 =	sld [smem:$0x3FFE];
	[sflag:s23] =	ssyncadd.s32 $0xFFFFFFFF  }
0xa5: {  	s26 =	simm.s32 $execute0_lowered;
	[smem:$0x3FD2] =	sst s25  }
0xa6: {  	s5 =	sshll.u32 s26, $0x1;
	_ =	strace $0x80000046;
	[dreg:$0x1] =	wrdreg $0xFFFFFFFF  }
0xa7: {  	s28 =	simm.s32 $_size_execute0_lowered;
	s3 =	sadd.s32 s3, s5;
	[dreg:$0x0] =	wrdreg $0x0  }
0xa8: {  	s5 =	sshll.u32 s28, $0x1;
	[dreg:$0x2] =	wrdreg s3  }
0xa9: {  	[dreg:$0x3] =	wrdreg s5  }
0xaa: {  	[dreg:$0x4] =	wrdreg $0xC0  }
0xab: {  	_ =	task [dreg:s7], $0x5FFFF  }
0xac: {  	[dreg:$0x1] =	wrdreg $0xFFFFFFFF  }
0xad: {  	[dreg:$0x0] =	wrdreg $0x60  }
0xae: {  	[dreg:$0x2] =	wrdreg s2  }
0xaf: {  	[dreg:$0x3] =	wrdreg s24  }
0xb0: {  	[dreg:$0x4] =	wrdreg $0x9  }
0xb1: {  	_ =	task.clear_ibuf [dreg:s7], $0x5FFFF;
	_ =	strace $0x90000046  }
0xb2: {  	s29 =	simm.s32 $0x9;
	_ =	strace $0x80000048  }
0xb3: {  	_ =	swait.ge [sflag:s29], $0x1  }
0xb4: {  	[sflag:s29] =	ssyncadd.s32 $0xFFFFFFFF  }
0xb5: {  	_ =	strace $0x90000048  }
0xb6: {  	_ =	sfence  }
0xb7: {  	s30 =	sld [smem:$0x0];
	_ =	sdelay $0x2  }
0xb8: {  	s31 =	sshll.u32 s1, $0xD;
	s1 =	sshrl.u32 s1, $0x2  }
0xb9: {  	s3 =	sand.u32 $0x4000, s31;
	s1 =	sadd.s32 s1, s30  }
0xba: {  	s0 =	sor.u32 s3, s0;
	s1 =	sshll.u32 s1, $0x11  }
0xbb: {  	s0 =	sor.u32 s1, s0  }
0xbc: {  	s0 =	sadd.s32 $0x8F2B, s0  }
0xbd: {  	[sflag:s0] =	ssyncadd.remote.s32 $0x1  }
0xbe: {  	_ =	sfence.sel $0xFFFF  }
0xbf: {  	[dreg:$0x0] =	wrdreg $0xFFFFFFFF;
	(pc) =	sbr.abs _section_cstart, $3  }
0xc0: {  	[dreg:$0x1] =	wrdreg $0xFFFFFFFF  }
0xc1: {  	_ =	task.clear_ibuf [dreg:s7], $0x2FFFF;
	_ =	strace $0x9FFFFFFF  }
0xc2: {  	(tm) =	ssettm $0x7FFFFFFF  }
0xc3: {  	_ =	shalt  }
tec
execute0_lowered:
.L_overlay_start_1:
0x0: {  	(tag) =	ssettag $0x1  }
0x1: {  	s0 =	rddreg [dreg:$0x0]  }
0x2: {  	s2 =	rddreg [dreg:$0x1];
	s1 =	simm.s32 $0x0;
	s9 =	srdreg.scid  }
0x3: {  	s11 =	stileid.u32;
	s28 =	simm.s32 $0xC000;
	s29 =	simm.s32 $0xE000  }
0x4: {  	s30 =	simm.s32 $0x1;
	s31 =	simm.s32 $0x10000;
	s9 =	sand.u32 $0x1, s9  }
0x5: {  	s11 =	sshll.u32 s11, $0xC;
	s10 =	ssub.s32 $0x2, s9;
	s9 =	sshll.u32 s9, $0xB  }
0x6: {  	[smem:$0x7FF] =	sst s1;
	s3 =	sadd.s32 $0x31200, s2;
	s9 =	sor.u32 s9, s11  }
0x7: {  	s4 =	sadd.s32 $0x21200, s2;
	s5 =	sadd.s32 $0x1200, s2;
	s17 =	sadd.s32 s0, s9  }
0x8: {  	_ =	strace $0x80000047;
	s18 =	sadd.s32 s3, s9;
	[dreg:$0x3] =	wrdreg s17  }
0x9: {  	s6 =	sadd.s32 $0x61200, s2;
	s20 =	sadd.s32 s4, s9;
	[dreg:$0x4] =	wrdreg s18  }
0xa: {  	s7 =	sadd.s32 $0x51200, s2;
	s22 =	sadd.s32 s6, s9;
	[dreg:$0x5] =	wrdreg s20  }
0xb: {  	s8 =	sadd.s32 $0x41200, s2;
	s23 =	sadd.s32 s7, s9;
	[dreg:$0x6] =	wrdreg s22  }
0xc: {  	s19 =	sadd.s32 $0x11200, s2;
	s24 =	sadd.s32 s8, s9;
	[dreg:$0x7] =	wrdreg s23  }
0xd: {  	s2 =	sadd.s32 $0x71200, s2;
	s25 =	sadd.s32 s5, s9;
	[dreg:$0x8] =	wrdreg s24  }
0xe: {  	s12 =	sshrl.u32 s10, $0x1;
	s26 =	sadd.s32 s19, s9;
	[dreg:$0x9] =	wrdreg s25  }
0xf: {  	s21 =	ssub.s32 s10, s12;
	s20 =	sor.u32 $0x400, s9;
	[dreg:$0xa] =	wrdreg s26  }
0x10: {  	s9 =	sadd.s32 s2, s9;
	s21 =	smax.u32 s21, $0x1;
	s22 =	simm.s32 $0x2000  }
0x11: {  	s23 =	simm.s32 $0x4000;
	s24 =	simm.s32 $0x6000;
	s25 =	simm.s32 $0x8000  }
.Ltmp0:
0x12: {  	s26 =	simm.s32 $0xA000;
	[dreg:$0xb] =	wrdreg s9;
	(pc) =	sbr.rel .LBB2_1-.Ltmp0, $4  }
0x13: {  	v0 =	vlaneseq.u32;
	s12 =	sadd.s32 s0, s20;
	s13 =	sadd.s32 s3, s20;
	s14 =	sadd.s32 s4, s20  }
0x14: {  	v8 =	vimm.s32 $0x0;
	v1 =	vor.u32 $0x10, v0;
	s15 =	sadd.s32 s6, s20;
	s16 =	sadd.s32 s7, s20;
	s17 =	sadd.s32 s8, s20  }
0x15: {  	v2 =	vor.u32 $0x20, v0;
	v3 =	vor.u32 $0x30, v0;
	v4 =	vor.u32 $0x40, v0;
	s18 =	sadd.s32 s5, s20;
	s19 =	sadd.s32 s19, s20;
	s20 =	sadd.s32 s2, s20  }
0x16: {  	v5 =	vor.u32 $0x50, v0;
	v6 =	vor.u32 $0x60, v0;
	v7 =	vor.u32 $0x70, v0;
	s0 =	simm.s32 $0x12000;
	s2 =	simm.s32 $0x2;
	s3 =	simm.s32 $0x0  }
.LBB2_27:
0x17: {  	s3 =	sadd.s32 $0x1, s3  }
0x18: {  	p0 =	sne.s32 s3, s21  }
.Ltmp1:
0x19: {  	_ = 	snop;
	(pc) =	sbr.rel @!p0 .LBB2_28-.Ltmp1, $4  }
0x1a: {  	[hbm4b:s20+s1] =	stream.linear.scatter [tilespmem:s0], [sflag:$0x2], $0x2000, $0x38;
	[tilespmem:$0x14000] =	vst v63  }
0x1b: {  	_ =	swait.ge [sflag:s2], $0x2000  }
0x1c: {  	[sflag:s2] =	ssyncset.done $0x0  }
0x1d: {  	[sflag:s2] =	ssyncadd.s32 $0xFFFFE000  }
.LBB2_1:
0x1e: {  	s4 =	rddreg [dreg:$0x3]  }
0x1f: {  	[tilespmem:s1], [sflag:$0x1] =	stream.linear.gather [hbm4b:s4+s1], $0x2000, $0x38;
	[tilespmem:$0x14000] =	vst v63  }
0x20: {  	s5 =	rddreg [dreg:$0x4]  }
0x21: {  	[tilespmem:s22], [sflag:$0x1] =	stream.linear.gather [hbm4b:s5+s1], $0x2000, $0x38;
	[tilespmem:$0x14000] =	vst v63  }
0x22: {  	s6 =	rddreg [dreg:$0x5]  }
0x23: {  	[tilespmem:s23], [sflag:$0x1] =	stream.linear.gather [hbm4b:s6+s1], $0x2000, $0x38;
	[tilespmem:$0x14000] =	vst v63  }
0x24: {  	s7 =	rddreg [dreg:$0x6]  }
0x25: {  	[tilespmem:s24], [sflag:$0x1] =	stream.linear.gather [hbm4b:s7+s1], $0x2000, $0x38;
	[tilespmem:$0x14000] =	vst v63  }
0x26: {  	s8 =	rddreg [dreg:$0x7]  }
0x27: {  	[tilespmem:s25], [sflag:$0x1] =	stream.linear.gather [hbm4b:s8+s1], $0x2000, $0x38;
	[tilespmem:$0x14000] =	vst v63  }
0x28: {  	s9 =	rddreg [dreg:$0x8]  }
0x29: {  	[tilespmem:s26], [sflag:$0x1] =	stream.linear.gather [hbm4b:s9+s1], $0x2000, $0x38;
	[tilespmem:$0x14000] =	vst v63  }
0x2a: {  	s10 =	rddreg [dreg:$0x9]  }
0x2b: {  	[tilespmem:s28], [sflag:$0x1] =	stream.linear.gather [hbm4b:s10+s1], $0x2000, $0x38;
	[tilespmem:$0x14000] =	vst v63  }
0x2c: {  	s11 =	rddreg [dreg:$0xa]  }
0x2d: {  	[tilespmem:s29], [sflag:$0x1] =	stream.linear.gather [hbm4b:s11+s1], $0x2000, $0x38;
	[tilespmem:$0x14000] =	vst v63  }
0x2e: {  	_ =	swait.ge [sflag:s30], $0x2000  }
0x2f: {  	[sflag:s30] =	ssyncset.done $0x0  }
0x30: {  	[sflag:s30] =	ssyncadd.s32 $0xFFFFE000  }
0x31: {  	_ =	swait.ge [sflag:s30], $0x2000  }
0x32: {  	[sflag:s30] =	ssyncset.done $0x0  }
0x33: {  	[sflag:s30] =	ssyncadd.s32 $0xFFFFE000  }
0x34: {  	_ =	swait.ge [sflag:s30], $0x2000  }
0x35: {  	[sflag:s30] =	ssyncset.done $0x0  }
0x36: {  	[sflag:s30] =	ssyncadd.s32 $0xFFFFE000  }
0x37: {  	_ =	swait.ge [sflag:s30], $0x2000  }
0x38: {  	[sflag:s30] =	ssyncset.done $0x0  }
0x39: {  	[sflag:s30] =	ssyncadd.s32 $0xFFFFE000  }
0x3a: {  	_ =	swait.ge [sflag:s30], $0x2000  }
0x3b: {  	[sflag:s30] =	ssyncset.done $0x0  }
0x3c: {  	v9 =	vmov s1;
	[sflag:s30] =	ssyncadd.s32 $0xFFFFE000  }
0x3d: {  	v9 =	vshrl.u32 v9, $0x7;
	_ =	swait.ge [sflag:s30], $0x2000  }
0x3e: {  	v9 =	vshll.u32 v9, $0x7;
	[sflag:s30] =	ssyncset.done $0x0  }
0x3f: {  	v22 =	vbroadcast v9, $0x0;
	[sflag:s30] =	ssyncadd.s32 $0xFFFFE000  }
0x40: {  	_ =	swait.ge [sflag:s30], $0x2000  }
0x41: {  	v9 =	vor.u32 v7, v22;
	[sflag:s30] =	ssyncset.done $0x0  }
0x42: {  	[sflag:s30] =	ssyncadd.s32 $0xFFFFE000  }
0x43: {  	v10 =	vor.u32 v6, v22;
	_ =	swait.ge [sflag:s30], $0x2000  }
0x44: {  	[sflag:s30] =	ssyncset.done $0x0  }
0x45: {  	v15 =	vor.u32 v5, v22;
	[sflag:s30] =	ssyncadd.s32 $0xFFFFE000  }
0x46: {  	v13 =	vld.idx.msk [tilespmem:v9+s24+$0x0], $0xffff  }
0x47: {  	v18 =	vor.u32 v4, v22;
	v14 =	vld.idx.msk [tilespmem:v9+s25+$0x0], $0xffff  }
0x48: {  	v11 =	vld.idx.msk [tilespmem:v10+s24+$0x0], $0xffff  }
0x49: {  	v21 =	vor.u32 v3, v22;
	v12 =	vld.idx.msk [tilespmem:v10+s25+$0x0], $0xffff  }
0x4a: {  	v16 =	vld.idx.msk [tilespmem:v15+s24+$0x0], $0xffff  }
0x4b: {  	v25 =	vor.u32 v2, v22;
	v17 =	vld.idx.msk [tilespmem:v15+s25+$0x0], $0xffff  }
0x4c: {  	v23 =	vimm.f32 $0.0e+00;
	v26 =	vimm.f32 $0.0e+00;
	v19 =	vld.idx.msk [tilespmem:v18+s24+$0x0], $0xffff  }
0x4d: {  	v24 =	vimm.f32 $0.0e+00;
	v28 =	vimm.f32 $0.0e+00;
	s4 =	simm.s32 $0x80;
	v27 =	vor.u32 v1, v22;
	v20 =	vld.idx.msk [tilespmem:v18+s25+$0x0], $0xffff  }
.LBB2_2:
0x4e: {  	p0 =	sne.s32 s4, $0x1F80;
	v29 =	vld.idx.msk [tilespmem:v21+s24+$0x0], $0xffff  }
0x4f: {  	v22 =	vor.u32 v0, v22;
	v30 =	vld.idx.msk [tilespmem:v21+s25+$0x0], $0xffff  }
0x50: {  	v31 =	vld.idx.msk [tilespmem:v25+s24+$0x0], $0xffff  }
0x51: {  	v32 =	vld.idx.msk [tilespmem:v25+s25+$0x0], $0xffff  }
0x52: {  	v33 =	vld.idx.msk [tilespmem:v27+s24+$0x0], $0xffff  }
0x53: {  	v34 =	vld.idx.msk [tilespmem:v27+s25+$0x0], $0xffff  }
0x54: {  	v35 =	vld.idx.msk [tilespmem:v22+s24+$0x0], $0xffff  }
0x55: {  	v36 =	vld.idx.msk [tilespmem:v22+s25+$0x0], $0xffff  }
0x56: {  	v37 =	vld.idx.msk [tilespmem:v22+s26+$0x0], $0xffff  }
0x57: {  	v22 =	vld.idx.msk [tilespmem:v22+s29+$0x0], $0xffff  }
0x58: {  	v38 =	vld.idx.msk [tilespmem:v27+s26+$0x0], $0xffff  }
0x59: {  	v27 =	vld.idx.msk [tilespmem:v27+s29+$0x0], $0xffff  }
0x5a: {  	v39 =	vld.idx.msk [tilespmem:v25+s26+$0x0], $0xffff  }
0x5b: {  	v25 =	vld.idx.msk [tilespmem:v25+s29+$0x0], $0xffff  }
0x5c: {  	v40 =	vmov s4;
	v23 =	vadd.f32 v35, v23;
	v26 =	vadd.f32 v36, v26;
	v35 =	vld.idx.msk [tilespmem:v21+s26+$0x0], $0xffff  }
0x5d: {  	v36 =	vshrl.u32 v40, $0x7;
	v24 =	vadd.f32 v37, v24;
	v28 =	vadd.f32 v22, v28;
	v21 =	vld.idx.msk [tilespmem:v21+s29+$0x0], $0xffff  }
0x5e: {  	v23 =	vadd.f32 v33, v23;
	v22 =	vshll.u32 v36, $0x7;
	v26 =	vadd.f32 v34, v26;
	v33 =	vld.idx.msk [tilespmem:v18+s26+$0x0], $0xffff  }
0x5f: {  	v22 =	vbroadcast v22, $0x0;
	v24 =	vadd.f32 v38, v24;
	v27 =	vadd.f32 v27, v28;
	v18 =	vld.idx.msk [tilespmem:v18+s29+$0x0], $0xffff  }
0x60: {  	v23 =	vadd.f32 v31, v23;
	v26 =	vadd.f32 v32, v26;
	v28 =	vld.idx.msk [tilespmem:v15+s26+$0x0], $0xffff  }
0x61: {  	v31 =	vor.u32 v7, v22;
	v24 =	vadd.f32 v39, v24;
	v25 =	vadd.f32 v25, v27;
	v27 =	vld.idx.msk [tilespmem:v15+s29+$0x0], $0xffff  }
0x62: {  	v15 =	vadd.f32 v29, v23;
	v23 =	vadd.f32 v30, v26;
	v26 =	vld.idx.msk [tilespmem:v10+s26+$0x0], $0xffff  }
0x63: {  	v24 =	vadd.f32 v35, v24;
	v21 =	vadd.f32 v21, v25;
	v25 =	vld.idx.msk [tilespmem:v10+s29+$0x0], $0xffff;
	v10 =	vor.u32 v6, v22  }
0x64: {  	v19 =	vadd.f32 v19, v15;
	v20 =	vadd.f32 v20, v23;
	v29 =	vld.idx.msk [tilespmem:v9+s26+$0x0], $0xffff  }
0x65: {  	v15 =	vor.u32 v5, v22;
	v23 =	vadd.f32 v33, v24;
	v21 =	vadd.f32 v18, v21;
	v30 =	vld.idx.msk [tilespmem:v9+s29+$0x0], $0xffff  }
0x66: {  	v16 =	vadd.f32 v16, v19;
	v17 =	vadd.f32 v17, v20;
	v9 =	vmov v31;
	v32 =	vld.idx.msk [tilespmem:v31+s24+$0x0], $0xffff  }
0x67: {  	v18 =	vor.u32 v4, v22;
	v19 =	vadd.f32 v28, v23;
	v20 =	vadd.f32 v27, v21;
	v31 =	vld.idx.msk [tilespmem:v31+s25+$0x0], $0xffff  }
0x68: {  	v23 =	vadd.f32 v11, v16;
	v17 =	vadd.f32 v12, v17;
	v11 =	vld.idx.msk [tilespmem:v10+s24+$0x0], $0xffff  }
.Ltmp2:
0x69: {  	v21 =	vor.u32 v3, v22;
	v19 =	vadd.f32 v26, v19;
	v20 =	vadd.f32 v25, v20;
	v12 =	vld.idx.msk [tilespmem:v10+s25+$0x0], $0xffff;
	(pc) =	sbr.rel @p0 .LBB2_2-.Ltmp2, $4  }
0x6a: {  	v23 =	vadd.f32 v13, v23;
	v26 =	vadd.f32 v14, v17;
	v16 =	vld.idx.msk [tilespmem:v15+s24+$0x0], $0xffff  }
0x6b: {  	v25 =	vor.u32 v2, v22;
	v24 =	vadd.f32 v29, v19;
	v28 =	vadd.f32 v30, v20;
	v17 =	vld.idx.msk [tilespmem:v15+s25+$0x0], $0xffff  }
0x6c: {  	v13 =	vmov v32;
	v19 =	vld.idx.msk [tilespmem:v18+s24+$0x0], $0xffff  }
0x6d: {  	s4 =	sadd.s32 $0x80, s4;
	v27 =	vor.u32 v1, v22;
	v14 =	vmov v31;
	v20 =	vld.idx.msk [tilespmem:v18+s25+$0x0], $0xffff  }
0x6e: {  	v22 =	vor.u32 v0, v22;
	_ =	sdelay $0x4  }
0x6f: {  	v30 =	vld.idx.msk [tilespmem:v22+s29+$0x0], $0xffff;
	_ =	sdelay $0x1  }
0x70: {  	v32 =	vld.idx.msk [tilespmem:v27+s29+$0x0], $0xffff  }
0x71: {  	v29 =	vld.idx.msk [tilespmem:v21+s24+$0x0], $0xffff  }
0x72: {  	v34 =	vld.idx.msk [tilespmem:v25+s29+$0x0], $0xffff  }
0x73: {  	v31 =	vld.idx.msk [tilespmem:v25+s24+$0x0], $0xffff;
	v28 =	vadd.f32 v30, v28  }
0x74: {  	v52 =	vld.idx.msk [tilespmem:v21+s29+$0x0], $0xffff  }
0x75: {  	v35 =	vld.idx.msk [tilespmem:v27+s24+$0x0], $0xffff;
	v28 =	vadd.f32 v32, v28  }
0x76: {  	v53 =	vld.idx.msk [tilespmem:v18+s29+$0x0], $0xffff  }
0x77: {  	v54 =	vld.idx.msk [tilespmem:v15+s29+$0x0], $0xffff;
	v28 =	vadd.f32 v34, v28  }
0x78: {  	v37 =	vld.idx.msk [tilespmem:v22+s24+$0x0], $0xffff  }
0x79: {  	v36 =	vld.idx.msk [tilespmem:v27+s25+$0x0], $0xffff;
	v28 =	vadd.f32 v52, v28  }
0x7a: {  	v55 =	vld.idx.msk [tilespmem:v10+s29+$0x0], $0xffff  }
0x7b: {  	v38 =	vld.idx.msk [tilespmem:v22+s25+$0x0], $0xffff;
	v28 =	vadd.f32 v53, v28  }
0x7c: {  	v56 =	vld.idx.msk [tilespmem:v9+s29+$0x0], $0xffff  }
0x7d: {  	v22 =	vld.idx.msk [tilespmem:v22+s26+$0x0], $0xffff;
	v23 =	vadd.f32 v37, v23;
	v28 =	vadd.f32 v54, v28  }
0x7e: {  	v33 =	vld.idx.msk [tilespmem:v25+s25+$0x0], $0xffff  }
0x7f: {  	v57 =	vld.idx.msk [tilespmem:v27+s26+$0x0], $0xffff;
	v23 =	vadd.f32 v35, v23;
	v28 =	vadd.f32 v55, v28  }
0x80: {  	v58 =	vld.idx.msk [tilespmem:v21+s25+$0x0], $0xffff;
	v26 =	vadd.f32 v38, v26  }
0x81: {  	v59 =	vld.idx.msk [tilespmem:v25+s26+$0x0], $0xffff;
	v23 =	vadd.f32 v31, v23;
	v62 =	vadd.f32 v56, v28  }
0x82: {  	v22 =	vadd.f32 v22, v24;
	v60 =	vadd.f32 v36, v26  }
0x83: {  	v61 =	vld.idx.msk [tilespmem:v21+s26+$0x0], $0xffff;
	v23 =	vadd.f32 v29, v23;
	(xrf2) =	vadd.scan.msk.f32 $0xffff, v62  }
0x84: {  	v22 =	vadd.f32 v57, v22;
	v24 =	vadd.f32 v33, v60  }
0x85: {  	v18 =	vld.idx.msk [tilespmem:v18+s26+$0x0], $0xffff;
	v19 =	vadd.f32 v19, v23  }
0x86: {  	v22 =	vadd.f32 v59, v22;
	v24 =	vadd.f32 v58, v24  }
0x87: {  	v15 =	vld.idx.msk [tilespmem:v15+s26+$0x0], $0xffff;
	v16 =	vadd.f32 v16, v19  }
0x88: {  	v21 =	vadd.f32 v61, v22;
	v20 =	vadd.f32 v20, v24  }
0x89: {  	v10 =	vld.idx.msk [tilespmem:v10+s26+$0x0], $0xffff;
	v11 =	vadd.f32 v11, v16  }
0x8a: {  	v18 =	vadd.f32 v18, v21;
	v17 =	vadd.f32 v17, v20  }
0x8b: {  	v9 =	vld.idx.msk [tilespmem:v9+s26+$0x0], $0xffff;
	v11 =	vadd.f32 v13, v11  }
0x8c: {  	v15 =	vadd.f32 v15, v18;
	v12 =	vadd.f32 v12, v17  }
0x8d: {  	v13, _, _ =	vpop (xrf2);
	(xrf2) =	vadd.scan.msk.f32 $0xffff, v11  }
0x8e: {  	s4 =	simm.s32 $0x0;
	v10 =	vadd.f32 v10, v15;
	v12 =	vadd.f32 v14, v12  }
0x8f: {  	v11 =	vmov s4  }
0x90: {  	v9 =	vadd.f32 v9, v10;
	v10 =	vbroadcast v13, $0xF;
	(xrf2) =	vadd.scan.msk.f32 $0xffff, v12;
	v11 =	vshrl.u32 v11, $0x7  }
0x91: {  	v11 =	vshll.u32 v11, $0x7  }
0x92: {  	(xrf2) =	vadd.scan.msk.f32 $0xffff, v9;
	(erf) = vrcp.f32 v10;
	v12 =	vbroadcast v11, $0x0;
	_ =	sdelay $0x1  }
0x93: {  	v13 =	vor.u32 v0, v12;
	_ =	sdelay $0x2  }
0x94: {  	v9, _, _ =	vpop (xrf2)  }
0x95: {  	v9 =	vbroadcast v9, $0xF  }
0x96: {  	v14 =	vld.idx.msk [tilespmem:v13+s1+$0x0], $0xffff  }
0x97: {  	v15 =	vld.idx.msk [tilespmem:v13+s22+$0x0], $0xffff;
	v10, _, _ =	vpop (xrf2)  }
0x98: {  	v16 =	vpop (erf);
	v11 =	vbroadcast v10, $0xF  }
0x99: {  	v17 =	vld.idx.msk [tilespmem:v13+s23+$0x0], $0xffff;
	v10 =	vmul.f32 v16, v9;
	v9, _, _ =	vpop (xrf2)  }
0x9a: {  	v11 =	vmul.f32 v16, v11;
	v9 =	vbroadcast v9, $0xF;
	_ =	sdelay $0x1  }
0x9b: {  	v14 =	vsub.f32 v10, v14;
	v15 =	vsub.f32 v11, v15;
	v9 =	vmul.f32 v16, v9  }
0x9c: {  	v16 =	vld.idx.msk [tilespmem:v13+s28+$0x0], $0xffff  }
0x9d: {  	v14 =	vmul.f32 v14, v14;
	v15 =	vmul.f32 v15, v15;
	v17 =	vsub.f32 v9, v17;
	_ =	sdelay $0x1  }
0x9e: {  	v14 =	vadd.f32 v15, v14;
	v15 =	vmul.f32 v17, v17;
	_ =	sdelay $0x1  }
0x9f: {  	v14 =	vadd.f32 v15, v14;
	v15 =	vsub.f32 $1.000000000e+00, v16;
	_ =	sdelay $0x1  }
0xa0: {  	v16 =	vor.u32 v1, v12;
	v14 =	vadd.f32 $9.999999960e-13, v14;
	v15 =	vmul.f32 $1.000000000e+10, v15;
	_ =	sdelay $0x1  }
0xa1: {  	v14 =	vadd.f32 v14, v15;
	_ =	sdelay $0x1  }
0xa2: {  	[tilespmem:v13+s31+$0x0] =	vst.idx.msk $0xffff, v14  }
0xa3: {  	v13 =	vld.idx.msk [tilespmem:v16+s1+$0x0], $0xffff  }
0xa4: {  	v15 =	vld.idx.msk [tilespmem:v16+s22+$0x0], $0xffff;
	_ =	sdelay $0x1  }
0xa5: {  	v17 =	vld.idx.msk [tilespmem:v16+s23+$0x0], $0xffff;
	_ =	sdelay $0x2  }
0xa6: {  	v13 =	vsub.f32 v10, v13;
	v15 =	vsub.f32 v11, v15  }
0xa7: {  	v18 =	vld.idx.msk [tilespmem:v16+s28+$0x0], $0xffff  }
0xa8: {  	v17 =	vsub.f32 v9, v17;
	v13 =	vmul.f32 v13, v13;
	v15 =	vmul.f32 v15, v15;
	_ =	sdelay $0x1  }
0xa9: {  	v13 =	vadd.f32 v15, v13;
	v15 =	vmul.f32 v17, v17;
	_ =	sdelay $0x1  }
0xaa: {  	v13 =	vadd.f32 v15, v13;
	v15 =	vsub.f32 $1.000000000e+00, v18;
	_ =	sdelay $0x1  }
0xab: {  	v17 =	vor.u32 v2, v12;
	v13 =	vadd.f32 $9.999999960e-13, v13;
	v15 =	vmul.f32 $1.000000000e+10, v15;
	_ =	sdelay $0x1  }
0xac: {  	v15 =	vadd.f32 v13, v15;
	_ =	sdelay $0x1  }
0xad: {  	[tilespmem:v16+s31+$0x0] =	vst.idx.msk $0xffff, v15  }
0xae: {  	v13 =	vld.idx.msk [tilespmem:v17+s1+$0x0], $0xffff  }
0xaf: {  	v16 =	vld.idx.msk [tilespmem:v17+s22+$0x0], $0xffff;
	_ =	sdelay $0x1  }
0xb0: {  	v18 =	vld.idx.msk [tilespmem:v17+s23+$0x0], $0xffff;
	_ =	sdelay $0x2  }
0xb1: {  	v13 =	vsub.f32 v10, v13;
	v16 =	vsub.f32 v11, v16;
	_ =	sdelay $0x1  }
0xb2: {  	v19 =	vld.idx.msk [tilespmem:v17+s28+$0x0], $0xffff;
	v18 =	vsub.f32 v9, v18;
	v13 =	vmul.f32 v13, v13;
	v16 =	vmul.f32 v16, v16;
	_ =	sdelay $0x1  }
0xb3: {  	v13 =	vadd.f32 v16, v13;
	v16 =	vmul.f32 v18, v18  }
0xb4: {  	v63 =	vimm.s32 $0x0;
	v20 =	vimm.s32 $0x7F800000  }
0xb5: {  	vm0 =	vlt.s32 v20, v14;
	vm1 =	vgt.s32 v63, v14;
	v13 =	vadd.f32 v16, v13  }
0xb6: {  	v18 =	vsel vm0, v20, v14;
	v14 =	vsel vm1, v63, v14;
	v16 =	vsub.f32 $1.000000000e+00, v19  }
0xb7: {  	vm0 =	vlt.s32 v18, v15;
	vm1 =	vgt.s32 v14, v15;
	v20 =	vadd.f32 $9.999999960e-13, v13  }
0xb8: {  	s11 =	simm.s32 $0x80;
	v16 =	vmul.f32 $1.000000000e+10, v16;
	v13 =	vsel vm0, v18, v15;
	v18 =	vor.u32 v3, v12  }
0xb9: {  	v14 =	vsel vm1, v14, v15;
	v15 =	vmov s11  }
0xba: {  	s4 =	simm.s32 $0x100;
	v19 =	vshrl.u32 v15, $0x7;
	v15 =	vadd.f32 v20, v16  }
.LBB2_4:
0xbb: {  	p0 =	sne.s32 s4, $0x1F80;
	v16 =	vshll.u32 v19, $0x7;
	s5 =	smov.u32 s4;
	s4 =	sadd.s32 $0x80, s4  }
0xbc: {  	v16 =	vbroadcast v16, $0x0;
	[tilespmem:v17+s31+$0x0] =	vst.idx.msk $0xffff, v15;
	vm0 =	vlt.s32 v13, v15;
	vm1 =	vgt.s32 v14, v15  }
0xbd: {  	v17 =	vsel vm1, v14, v15;
	v19 =	vld.idx.msk [tilespmem:v18+s1+$0x0], $0xffff  }
0xbe: {  	v14 =	vor.u32 v0, v16;
	v20 =	vld.idx.msk [tilespmem:v18+s22+$0x0], $0xffff;
	_ =	sdelay $0x1  }
0xbf: {  	v21 =	vld.idx.msk [tilespmem:v18+s23+$0x0], $0xffff;
	_ =	sdelay $0x2  }
0xc0: {  	v19 =	vsub.f32 v10, v19  }
0xc1: {  	v20 =	vsub.f32 v11, v20;
	v22 =	vld.idx.msk [tilespmem:v18+s28+$0x0], $0xffff  }
0xc2: {  	v19 =	vmul.f32 v19, v19  }
0xc3: {  	v21 =	vsub.f32 v9, v21;
	v20 =	vmul.f32 v20, v20;
	_ =	sdelay $0x1  }
0xc4: {  	v19 =	vadd.f32 v20, v19;
	v20 =	vmul.f32 v21, v21;
	_ =	sdelay $0x1  }
0xc5: {  	v19 =	vadd.f32 v20, v19;
	v20 =	vsub.f32 $1.000000000e+00, v22;
	_ =	sdelay $0x1  }
0xc6: {  	v21 =	vor.u32 v4, v12;
	v19 =	vadd.f32 $9.999999960e-13, v19;
	v20 =	vmul.f32 $1.000000000e+10, v20;
	_ =	sdelay $0x1  }
0xc7: {  	v19 =	vadd.f32 v19, v20  }
0xc8: {  	v13 =	vsel vm0, v13, v15  }
0xc9: {  	vm0 =	vlt.s32 v13, v19;
	[tilespmem:v18+s31+$0x0] =	vst.idx.msk $0xffff, v19  }
0xca: {  	v15 =	vld.idx.msk [tilespmem:v21+s1+$0x0], $0xffff  }
0xcb: {  	v18 =	vld.idx.msk [tilespmem:v21+s22+$0x0], $0xffff;
	_ =	sdelay $0x1  }
0xcc: {  	v20 =	vld.idx.msk [tilespmem:v21+s23+$0x0], $0xffff;
	_ =	sdelay $0x2  }
0xcd: {  	v15 =	vsub.f32 v10, v15  }
0xce: {  	v18 =	vsub.f32 v11, v18;
	v22 =	vld.idx.msk [tilespmem:v21+s28+$0x0], $0xffff  }
0xcf: {  	v15 =	vmul.f32 v15, v15  }
0xd0: {  	v20 =	vsub.f32 v9, v20;
	v18 =	vmul.f32 v18, v18;
	_ =	sdelay $0x1  }
0xd1: {  	v15 =	vadd.f32 v18, v15;
	v18 =	vmul.f32 v20, v20;
	_ =	sdelay $0x1  }
0xd2: {  	v15 =	vadd.f32 v18, v15;
	v18 =	vsub.f32 $1.000000000e+00, v22;
	_ =	sdelay $0x1  }
0xd3: {  	v20 =	vor.u32 v5, v12;
	v15 =	vadd.f32 $9.999999960e-13, v15;
	v18 =	vmul.f32 $1.000000000e+10, v18;
	_ =	sdelay $0x1  }
0xd4: {  	vm1 =	vgt.s32 v17, v19;
	v15 =	vadd.f32 v15, v18  }
0xd5: {  	v13 =	vsel vm0, v13, v19;
	v17 =	vsel vm1, v17, v19  }
0xd6: {  	vm0 =	vlt.s32 v13, v15;
	vm1 =	vgt.s32 v17, v15;
	[tilespmem:v21+s31+$0x0] =	vst.idx.msk $0xffff, v15  }
0xd7: {  	v13 =	vsel vm0, v13, v15;
	v15 =	vsel vm1, v17, v15;
	v17 =	vld.idx.msk [tilespmem:v20+s1+$0x0], $0xffff  }
0xd8: {  	v18 =	vld.idx.msk [tilespmem:v20+s22+$0x0], $0xffff  }
0xd9: {  	v19 =	vld.idx.msk [tilespmem:v20+s23+$0x0], $0xffff  }
0xda: {  	v21 =	vld.idx.msk [tilespmem:v20+s28+$0x0], $0xffff;
	_ =	sdelay $0x2  }
0xdb: {  	v17 =	vsub.f32 v10, v17  }
0xdc: {  	v18 =	vsub.f32 v11, v18  }
0xdd: {  	v19 =	vsub.f32 v9, v19;
	v17 =	vmul.f32 v17, v17  }
0xde: {  	v18 =	vmul.f32 v18, v18;
	v21 =	vsub.f32 $1.000000000e+00, v21;
	_ =	sdelay $0x1  }
0xdf: {  	v17 =	vadd.f32 v18, v17;
	v18 =	vmul.f32 v19, v19;
	_ =	sdelay $0x1  }
0xe0: {  	v17 =	vadd.f32 v18, v17;
	_ =	sdelay $0x1  }
0xe1: {  	v19 =	vor.u32 v6, v12;
	v18 =	vmul.f32 $1.000000000e+10, v21;
	v17 =	vadd.f32 $9.999999960e-13, v17;
	_ =	sdelay $0x1  }
0xe2: {  	v17 =	vadd.f32 v17, v18;
	_ =	sdelay $0x1  }
0xe3: {  	vm0 =	vlt.s32 v13, v17;
	vm1 =	vgt.s32 v15, v17;
	[tilespmem:v20+s31+$0x0] =	vst.idx.msk $0xffff, v17  }
0xe4: {  	v13 =	vsel vm0, v13, v17;
	v15 =	vsel vm1, v15, v17;
	v17 =	vld.idx.msk [tilespmem:v19+s1+$0x0], $0xffff  }
0xe5: {  	v18 =	vld.idx.msk [tilespmem:v19+s22+$0x0], $0xffff  }
0xe6: {  	v20 =	vld.idx.msk [tilespmem:v19+s23+$0x0], $0xffff  }
0xe7: {  	v21 =	vld.idx.msk [tilespmem:v19+s28+$0x0], $0xffff;
	_ =	sdelay $0x2  }
0xe8: {  	v17 =	vsub.f32 v10, v17  }
0xe9: {  	v18 =	vsub.f32 v11, v18  }
0xea: {  	v20 =	vsub.f32 v9, v20  }
0xeb: {  	v17 =	vmul.f32 v17, v17;
	v18 =	vmul.f32 v18, v18;
	v21 =	vsub.f32 $1.000000000e+00, v21;
	_ =	sdelay $0x1  }
0xec: {  	v17 =	vadd.f32 v18, v17;
	v18 =	vmul.f32 v20, v20;
	_ =	sdelay $0x1  }
0xed: {  	v17 =	vadd.f32 v18, v17;
	_ =	sdelay $0x1  }
0xee: {  	v20 =	vor.u32 v7, v12;
	v12 =	vmovc v16;
	v18 =	vmul.f32 $1.000000000e+10, v21;
	v17 =	vadd.f32 $9.999999960e-13, v17;
	_ =	sdelay $0x1  }
0xef: {  	v16 =	vadd.f32 v17, v18;
	_ =	sdelay $0x1  }
0xf0: {  	vm0 =	vlt.s32 v13, v16;
	vm1 =	vgt.s32 v15, v16;
	[tilespmem:v19+s31+$0x0] =	vst.idx.msk $0xffff, v16  }
0xf1: {  	v17 =	vld.idx.msk [tilespmem:v20+s1+$0x0], $0xffff  }
0xf2: {  	v18 =	vld.idx.msk [tilespmem:v20+s22+$0x0], $0xffff  }
0xf3: {  	v19 =	vld.idx.msk [tilespmem:v20+s23+$0x0], $0xffff  }
0xf4: {  	v21 =	vld.idx.msk [tilespmem:v20+s28+$0x0], $0xffff;
	_ =	sdelay $0x2  }
0xf5: {  	v17 =	vsub.f32 v10, v17  }
0xf6: {  	v18 =	vsub.f32 v11, v18  }
0xf7: {  	v19 =	vsub.f32 v9, v19;
	v17 =	vmul.f32 v17, v17  }
0xf8: {  	v18 =	vmul.f32 v18, v18;
	v21 =	vsub.f32 $1.000000000e+00, v21  }
0xf9: {  	v19 =	vmul.f32 v19, v19  }
0xfa: {  	v17 =	vadd.f32 v18, v17;
	_ =	sdelay $0x1  }
0xfb: {  	v17 =	vadd.f32 v19, v17  }
0xfc: {  	v18 =	vmul.f32 $1.000000000e+10, v21  }
0xfd: {  	v17 =	vadd.f32 $9.999999960e-13, v17;
	_ =	sdelay $0x1  }
0xfe: {  	v13 =	vsel vm0, v13, v16;
	v15 =	vsel vm1, v15, v16;
	v16 =	vadd.f32 v17, v18;
	_ =	sdelay $0x1  }
0xff: {  	vm0 =	vlt.s32 v13, v16;
	vm1 =	vgt.s32 v15, v16;
	[tilespmem:v20+s31+$0x0] =	vst.idx.msk $0xffff, v16  }
0x100: {  	v13 =	vsel vm0, v13, v16;
	v15 =	vsel vm1, v15, v16;
	v17 =	vld.idx.msk [tilespmem:v14+s1+$0x0], $0xffff  }
0x101: {  	v16 =	vld.idx.msk [tilespmem:v14+s22+$0x0], $0xffff;
	_ =	sdelay $0x1  }
0x102: {  	v18 =	vld.idx.msk [tilespmem:v14+s23+$0x0], $0xffff;
	_ =	sdelay $0x2  }
0x103: {  	v17 =	vsub.f32 v10, v17  }
0x104: {  	v16 =	vsub.f32 v11, v16;
	v19 =	vld.idx.msk [tilespmem:v14+s28+$0x0], $0xffff;
	_ =	sdelay $0x1  }
0x105: {  	v17 =	vmul.f32 v17, v17;
	v18 =	vsub.f32 v9, v18;
	v16 =	vmul.f32 v16, v16;
	_ =	sdelay $0x1  }
0x106: {  	v16 =	vadd.f32 v16, v17;
	v17 =	vmul.f32 v18, v18;
	_ =	sdelay $0x1  }
0x107: {  	v16 =	vadd.f32 v17, v16;
	v17 =	vsub.f32 $1.000000000e+00, v19;
	_ =	sdelay $0x1  }
0x108: {  	v18 =	vor.u32 v1, v12;
	v16 =	vadd.f32 $9.999999960e-13, v16;
	v17 =	vmul.f32 $1.000000000e+10, v17;
	_ =	sdelay $0x1  }
0x109: {  	v16 =	vadd.f32 v16, v17;
	_ =	sdelay $0x1  }
0x10a: {  	vm0 =	vlt.s32 v13, v16;
	vm1 =	vgt.s32 v15, v16;
	[tilespmem:v14+s31+$0x0] =	vst.idx.msk $0xffff, v16  }
0x10b: {  	v14 =	vsel vm1, v15, v16;
	v15 =	vld.idx.msk [tilespmem:v18+s1+$0x0], $0xffff  }
0x10c: {  	v17 =	vld.idx.msk [tilespmem:v18+s22+$0x0], $0xffff;
	_ =	sdelay $0x1  }
0x10d: {  	v19 =	vld.idx.msk [tilespmem:v18+s23+$0x0], $0xffff;
	_ =	sdelay $0x2  }
0x10e: {  	v15 =	vsub.f32 v10, v15  }
0x10f: {  	v17 =	vsub.f32 v11, v17;
	v20 =	vld.idx.msk [tilespmem:v18+s28+$0x0], $0xffff  }
0x110: {  	v15 =	vmul.f32 v15, v15  }
0x111: {  	v19 =	vsub.f32 v9, v19;
	v17 =	vmul.f32 v17, v17;
	_ =	sdelay $0x1  }
0x112: {  	v15 =	vadd.f32 v17, v15;
	v17 =	vmul.f32 v19, v19;
	_ =	sdelay $0x1  }
0x113: {  	v15 =	vadd.f32 v17, v15;
	v17 =	vsub.f32 $1.000000000e+00, v20;
	_ =	sdelay $0x1  }
0x114: {  	v15 =	vadd.f32 $9.999999960e-13, v15;
	v19 =	vmul.f32 $1.000000000e+10, v17;
	v17 =	vor.u32 v2, v12;
	_ =	sdelay $0x1  }
0x115: {  	v15 =	vadd.f32 v15, v19  }
0x116: {  	v13 =	vsel vm0, v13, v16  }
0x117: {  	vm0 =	vlt.s32 v13, v15;
	vm1 =	vgt.s32 v14, v15;
	[tilespmem:v18+s31+$0x0] =	vst.idx.msk $0xffff, v15  }
0x118: {  	v13 =	vsel vm0, v13, v15;
	v14 =	vsel vm1, v14, v15;
	v15 =	vld.idx.msk [tilespmem:v17+s1+$0x0], $0xffff  }
0x119: {  	v16 =	vld.idx.msk [tilespmem:v17+s22+$0x0], $0xffff;
	_ =	sdelay $0x1  }
0x11a: {  	v18 =	vld.idx.msk [tilespmem:v17+s23+$0x0], $0xffff;
	_ =	sdelay $0x2  }
0x11b: {  	v15 =	vsub.f32 v10, v15  }
0x11c: {  	v16 =	vsub.f32 v11, v16;
	v19 =	vld.idx.msk [tilespmem:v17+s28+$0x0], $0xffff;
	_ =	sdelay $0x1  }
0x11d: {  	v15 =	vmul.f32 v15, v15;
	v18 =	vsub.f32 v9, v18;
	v16 =	vmul.f32 v16, v16;
	_ =	sdelay $0x1  }
0x11e: {  	v15 =	vadd.f32 v16, v15;
	v16 =	vmul.f32 v18, v18;
	_ =	sdelay $0x1  }
.Ltmp3:
0x11f: {  	v15 =	vadd.f32 v16, v15;
	v16 =	vsub.f32 $1.000000000e+00, v19;
	(pc) =	sbr.rel @p0 .LBB2_4-.Ltmp3, $4  }
0x120: {  	_ = 	snop  }
0x121: {  	v18 =	vor.u32 v3, v12;
	v15 =	vadd.f32 $9.999999960e-13, v15;
	v16 =	vmul.f32 $1.000000000e+10, v16  }
0x122: {  	v19 =	vmov s5  }
0x123: {  	v19 =	vshrl.u32 v19, $0x7;
	v15 =	vadd.f32 v15, v16  }
0x124: {  	_ =	sdelay $0x3  }
0x125: {  	[tilespmem:v17+s31+$0x0] =	vst.idx.msk $0xffff, v15  }
0x126: {  	v16 =	vld.idx.msk [tilespmem:v18+s1+$0x0], $0xffff  }
0x127: {  	v17 =	vld.idx.msk [tilespmem:v18+s22+$0x0], $0xffff;
	_ =	sdelay $0x1  }
0x128: {  	v20 =	vld.idx.msk [tilespmem:v18+s23+$0x0], $0xffff;
	_ =	sdelay $0x2  }
0x129: {  	v16 =	vsub.f32 v10, v16;
	v17 =	vsub.f32 v11, v17  }
0x12a: {  	v21 =	vld.idx.msk [tilespmem:v18+s28+$0x0], $0xffff  }
0x12b: {  	v20 =	vsub.f32 v9, v20;
	v16 =	vmul.f32 v16, v16;
	v17 =	vmul.f32 v17, v17;
	_ =	sdelay $0x1  }
0x12c: {  	v33 =	vmul.f32 v20, v20;
	v16 =	vadd.f32 v17, v16;
	_ =	sdelay $0x1  }
0x12d: {  	v34 =	vsub.f32 $1.000000000e+00, v21;
	v16 =	vadd.f32 v33, v16;
	_ =	sdelay $0x1  }
0x12e: {  	v35 =	vor.u32 v4, v12;
	v17 =	vmul.f32 $1.000000000e+10, v34;
	v16 =	vadd.f32 $9.999999960e-13, v16;
	_ =	sdelay $0x1  }
0x12f: {  	v16 =	vadd.f32 v16, v17;
	_ =	sdelay $0x1  }
0x130: {  	[tilespmem:v18+s31+$0x0] =	vst.idx.msk $0xffff, v16  }
0x131: {  	v36 =	vld.idx.msk [tilespmem:v35+s1+$0x0], $0xffff  }
0x132: {  	v18 =	vld.idx.msk [tilespmem:v35+s22+$0x0], $0xffff;
	_ =	sdelay $0x1  }
0x133: {  	v37 =	vld.idx.msk [tilespmem:v35+s23+$0x0], $0xffff;
	_ =	sdelay $0x2  }
0x134: {  	v17 =	vsub.f32 v10, v36;
	v18 =	vsub.f32 v11, v18  }
0x135: {  	v22 =	vld.idx.msk [tilespmem:v35+s28+$0x0], $0xffff  }
0x136: {  	v21 =	vsub.f32 v9, v37;
	v17 =	vmul.f32 v17, v17;
	v18 =	vmul.f32 v18, v18;
	_ =	sdelay $0x1  }
0x137: {  	v38 =	vmul.f32 v21, v21;
	v17 =	vadd.f32 v18, v17;
	_ =	sdelay $0x1  }
0x138: {  	v39 =	vsub.f32 $1.000000000e+00, v22;
	v17 =	vadd.f32 v38, v17;
	_ =	sdelay $0x1  }
0x139: {  	v40 =	vor.u32 v5, v12;
	v18 =	vmul.f32 $1.000000000e+10, v39;
	v17 =	vadd.f32 $9.999999960e-13, v17;
	_ =	sdelay $0x1  }
0x13a: {  	v17 =	vadd.f32 v17, v18;
	_ =	sdelay $0x1  }
0x13b: {  	[tilespmem:v35+s31+$0x0] =	vst.idx.msk $0xffff, v17  }
0x13c: {  	v41 =	vld.idx.msk [tilespmem:v40+s1+$0x0], $0xffff  }
0x13d: {  	v20 =	vld.idx.msk [tilespmem:v40+s22+$0x0], $0xffff;
	_ =	sdelay $0x1  }
0x13e: {  	v42 =	vld.idx.msk [tilespmem:v40+s23+$0x0], $0xffff;
	_ =	sdelay $0x2  }
0x13f: {  	v18 =	vsub.f32 v10, v41;
	v20 =	vsub.f32 v11, v20  }
0x140: {  	v23 =	vld.idx.msk [tilespmem:v40+s28+$0x0], $0xffff  }
0x141: {  	v22 =	vsub.f32 v9, v42;
	v18 =	vmul.f32 v18, v18;
	v20 =	vmul.f32 v20, v20;
	_ =	sdelay $0x1  }
0x142: {  	v43 =	vmul.f32 v22, v22;
	v18 =	vadd.f32 v20, v18;
	_ =	sdelay $0x1  }
0x143: {  	v44 =	vsub.f32 $1.000000000e+00, v23;
	v18 =	vadd.f32 v43, v18;
	_ =	sdelay $0x1  }
0x144: {  	v46 =	vor.u32 v6, v12;
	v45 =	vmul.f32 $1.000000000e+10, v44;
	v18 =	vadd.f32 $9.999999960e-13, v18;
	_ =	sdelay $0x1  }
0x145: {  	v18 =	vadd.f32 v18, v45;
	_ =	sdelay $0x1  }
0x146: {  	[tilespmem:v40+s31+$0x0] =	vst.idx.msk $0xffff, v18  }
0x147: {  	v47 =	vld.idx.msk [tilespmem:v46+s1+$0x0], $0xffff  }
0x148: {  	v21 =	vld.idx.msk [tilespmem:v46+s22+$0x0], $0xffff;
	_ =	sdelay $0x1  }
0x149: {  	v48 =	vld.idx.msk [tilespmem:v46+s23+$0x0], $0xffff;
	_ =	sdelay $0x2  }
0x14a: {  	v20 =	vsub.f32 v10, v47;
	v21 =	vsub.f32 v11, v21  }
0x14b: {  	v24 =	vld.idx.msk [tilespmem:v46+s28+$0x0], $0xffff  }
0x14c: {  	v23 =	vsub.f32 v9, v48;
	v20 =	vmul.f32 v20, v20;
	v21 =	vmul.f32 v21, v21;
	_ =	sdelay $0x1  }
0x14d: {  	v49 =	vmul.f32 v23, v23;
	v20 =	vadd.f32 v21, v20;
	_ =	sdelay $0x1  }
0x14e: {  	v50 =	vsub.f32 $1.000000000e+00, v24;
	v20 =	vadd.f32 v49, v20;
	_ =	sdelay $0x1  }
0x14f: {  	v52 =	vor.u32 v7, v12;
	v51 =	vmul.f32 $1.000000000e+10, v50;
	v20 =	vadd.f32 $9.999999960e-13, v20;
	_ =	sdelay $0x1  }
0x150: {  	v12 =	vadd.f32 v20, v51;
	_ =	sdelay $0x1  }
0x151: {  	[tilespmem:v46+s31+$0x0] =	vst.idx.msk $0xffff, v12  }
0x152: {  	v53 =	vld.idx.msk [tilespmem:v52+s1+$0x0], $0xffff  }
0x153: {  	v54 =	vld.idx.msk [tilespmem:v52+s22+$0x0], $0xffff;
	_ =	sdelay $0x1  }
0x154: {  	v22 =	vld.idx.msk [tilespmem:v52+s23+$0x0], $0xffff;
	_ =	sdelay $0x2  }
0x155: {  	v20 =	vsub.f32 v10, v53;
	v21 =	vsub.f32 v11, v54  }
0x156: {  	v55 =	vld.idx.msk [tilespmem:v52+s28+$0x0], $0xffff  }
0x157: {  	v22 =	vsub.f32 v9, v22;
	v20 =	vmul.f32 v20, v20;
	v21 =	vmul.f32 v21, v21;
	_ =	sdelay $0x1  }
0x158: {  	v22 =	vmul.f32 v22, v22;
	v21 =	vadd.f32 v21, v20  }
0x159: {  	v19 =	vshll.u32 v19, $0x7  }
0x15a: {  	v56 =	vsub.f32 $1.000000000e+00, v55;
	v20 =	vbroadcast v19, $0x0;
	v21 =	vadd.f32 v22, v21;
	_ =	sdelay $0x1  }
0x15b: {  	v19 =	vmul.f32 $1.000000000e+10, v56;
	v57 =	vor.u32 v0, v20;
	v21 =	vadd.f32 $9.999999960e-13, v21;
	_ =	sdelay $0x1  }
0x15c: {  	v19 =	vadd.f32 v21, v19;
	_ =	sdelay $0x1  }
0x15d: {  	[tilespmem:v52+s31+$0x0] =	vst.idx.msk $0xffff, v19  }
0x15e: {  	v58 =	vld.idx.msk [tilespmem:v57+s1+$0x0], $0xffff  }
0x15f: {  	v23 =	vld.idx.msk [tilespmem:v57+s22+$0x0], $0xffff;
	_ =	sdelay $0x1  }
0x160: {  	v59 =	vld.idx.msk [tilespmem:v57+s23+$0x0], $0xffff;
	_ =	sdelay $0x2  }
0x161: {  	v21 =	vsub.f32 v10, v58;
	v23 =	vsub.f32 v11, v23  }
0x162: {  	v25 =	vld.idx.msk [tilespmem:v57+s28+$0x0], $0xffff  }
0x163: {  	v24 =	vsub.f32 v9, v59;
	v21 =	vmul.f32 v21, v21;
	v23 =	vmul.f32 v23, v23;
	_ =	sdelay $0x1  }
0x164: {  	v60 =	vmul.f32 v24, v24;
	v21 =	vadd.f32 v23, v21;
	_ =	sdelay $0x1  }
0x165: {  	v61 =	vsub.f32 $1.000000000e+00, v25;
	v21 =	vadd.f32 v60, v21;
	_ =	sdelay $0x1  }
0x166: {  	v62 =	vor.u32 v1, v20;
	v23 =	vmul.f32 $1.000000000e+10, v61;
	v21 =	vadd.f32 $9.999999960e-13, v21;
	_ =	sdelay $0x1  }
0x167: {  	v21 =	vadd.f32 v21, v23;
	_ =	sdelay $0x1  }
0x168: {  	[tilespmem:v57+s31+$0x0] =	vst.idx.msk $0xffff, v21  }
0x169: {  	v22 =	vld.idx.msk [tilespmem:v62+s1+$0x0], $0xffff  }
0x16a: {  	v63 =	vld.idx.msk [tilespmem:v62+s22+$0x0], $0xffff;
	_ =	sdelay $0x1  }
0x16b: {  	v28 =	vld.idx.msk [tilespmem:v62+s23+$0x0], $0xffff;
	_ =	sdelay $0x2  }
0x16c: {  	v22 =	vsub.f32 v10, v22;
	v23 =	vsub.f32 v11, v63  }
0x16d: {  	v26 =	vld.idx.msk [tilespmem:v62+s28+$0x0], $0xffff  }
0x16e: {  	v25 =	vsub.f32 v9, v28;
	v22 =	vmul.f32 v22, v22;
	v23 =	vmul.f32 v23, v23;
	_ =	sdelay $0x1  }
0x16f: {  	v29 =	vmul.f32 v25, v25;
	v22 =	vadd.f32 v23, v22;
	_ =	sdelay $0x1  }
0x170: {  	v30 =	vsub.f32 $1.000000000e+00, v26;
	v22 =	vadd.f32 v29, v22;
	_ =	sdelay $0x1  }
0x171: {  	v31 =	vor.u32 v2, v20;
	v23 =	vmul.f32 $1.000000000e+10, v30;
	v22 =	vadd.f32 $9.999999960e-13, v22;
	_ =	sdelay $0x1  }
0x172: {  	v22 =	vadd.f32 v22, v23;
	_ =	sdelay $0x1  }
0x173: {  	[tilespmem:v62+s31+$0x0] =	vst.idx.msk $0xffff, v22  }
0x174: {  	v32 =	vld.idx.msk [tilespmem:v31+s1+$0x0], $0xffff  }
0x175: {  	v24 =	vld.idx.msk [tilespmem:v31+s22+$0x0], $0xffff;
	_ =	sdelay $0x1  }
0x176: {  	v33 =	vld.idx.msk [tilespmem:v31+s23+$0x0], $0xffff;
	_ =	sdelay $0x2  }
0x177: {  	v23 =	vsub.f32 v10, v32;
	v24 =	vsub.f32 v11, v24  }
0x178: {  	v27 =	vld.idx.msk [tilespmem:v31+s28+$0x0], $0xffff  }
0x179: {  	v26 =	vsub.f32 v9, v33;
	v23 =	vmul.f32 v23, v23;
	v24 =	vmul.f32 v24, v24;
	_ =	sdelay $0x1  }
0x17a: {  	v34 =	vmul.f32 v26, v26;
	v23 =	vadd.f32 v24, v23;
	_ =	sdelay $0x1  }
0x17b: {  	v35 =	vsub.f32 $1.000000000e+00, v27;
	v23 =	vadd.f32 v34, v23;
	_ =	sdelay $0x1  }
0x17c: {  	v36 =	vor.u32 v3, v20;
	v24 =	vmul.f32 $1.000000000e+10, v35;
	v23 =	vadd.f32 $9.999999960e-13, v23;
	_ =	sdelay $0x1  }
0x17d: {  	v23 =	vadd.f32 v23, v24;
	_ =	sdelay $0x1  }
0x17e: {  	[tilespmem:v31+s31+$0x0] =	vst.idx.msk $0xffff, v23  }
0x17f: {  	v37 =	vld.idx.msk [tilespmem:v36+s1+$0x0], $0xffff  }
0x180: {  	v25 =	vld.idx.msk [tilespmem:v36+s22+$0x0], $0xffff;
	_ =	sdelay $0x1  }
0x181: {  	v38 =	vld.idx.msk [tilespmem:v36+s23+$0x0], $0xffff;
	_ =	sdelay $0x2  }
0x182: {  	v24 =	vsub.f32 v10, v37;
	v25 =	vsub.f32 v11, v25  }
0x183: {  	v28 =	vld.idx.msk [tilespmem:v36+s28+$0x0], $0xffff  }
0x184: {  	v27 =	vsub.f32 v9, v38;
	v24 =	vmul.f32 v24, v24;
	v25 =	vmul.f32 v25, v25;
	_ =	sdelay $0x1  }
0x185: {  	v39 =	vmul.f32 v27, v27;
	v24 =	vadd.f32 v25, v24;
	_ =	sdelay $0x1  }
0x186: {  	v40 =	vsub.f32 $1.000000000e+00, v28;
	v24 =	vadd.f32 v39, v24;
	_ =	sdelay $0x1  }
0x187: {  	v41 =	vor.u32 v4, v20;
	v25 =	vmul.f32 $1.000000000e+10, v40;
	v24 =	vadd.f32 $9.999999960e-13, v24;
	_ =	sdelay $0x1  }
0x188: {  	v24 =	vadd.f32 v24, v25;
	_ =	sdelay $0x1  }
0x189: {  	[tilespmem:v36+s31+$0x0] =	vst.idx.msk $0xffff, v24  }
0x18a: {  	v42 =	vld.idx.msk [tilespmem:v41+s1+$0x0], $0xffff  }
0x18b: {  	v26 =	vld.idx.msk [tilespmem:v41+s22+$0x0], $0xffff;
	_ =	sdelay $0x1  }
0x18c: {  	v43 =	vld.idx.msk [tilespmem:v41+s23+$0x0], $0xffff;
	_ =	sdelay $0x2  }
0x18d: {  	v25 =	vsub.f32 v10, v42;
	v26 =	vsub.f32 v11, v26  }
0x18e: {  	v29 =	vld.idx.msk [tilespmem:v41+s28+$0x0], $0xffff  }
0x18f: {  	v28 =	vsub.f32 v9, v43;
	v25 =	vmul.f32 v25, v25;
	v26 =	vmul.f32 v26, v26;
	_ =	sdelay $0x1  }
0x190: {  	v44 =	vmul.f32 v28, v28;
	v25 =	vadd.f32 v26, v25;
	_ =	sdelay $0x1  }
0x191: {  	v45 =	vsub.f32 $1.000000000e+00, v29;
	v25 =	vadd.f32 v44, v25;
	_ =	sdelay $0x1  }
0x192: {  	v46 =	vor.u32 v5, v20;
	v26 =	vmul.f32 $1.000000000e+10, v45;
	v25 =	vadd.f32 $9.999999960e-13, v25;
	_ =	sdelay $0x1  }
0x193: {  	v25 =	vadd.f32 v25, v26;
	_ =	sdelay $0x1  }
0x194: {  	[tilespmem:v41+s31+$0x0] =	vst.idx.msk $0xffff, v25  }
0x195: {  	v47 =	vld.idx.msk [tilespmem:v46+s1+$0x0], $0xffff  }
0x196: {  	v27 =	vld.idx.msk [tilespmem:v46+s22+$0x0], $0xffff;
	_ =	sdelay $0x1  }
0x197: {  	v48 =	vld.idx.msk [tilespmem:v46+s23+$0x0], $0xffff;
	_ =	sdelay $0x2  }
0x198: {  	v26 =	vsub.f32 v10, v47;
	v27 =	vsub.f32 v11, v27  }
0x199: {  	v30 =	vld.idx.msk [tilespmem:v46+s28+$0x0], $0xffff  }
0x19a: {  	v29 =	vsub.f32 v9, v48;
	v26 =	vmul.f32 v26, v26;
	v27 =	vmul.f32 v27, v27;
	_ =	sdelay $0x1  }
0x19b: {  	v49 =	vmul.f32 v29, v29;
	v26 =	vadd.f32 v27, v26;
	_ =	sdelay $0x1  }
0x19c: {  	v50 =	vsub.f32 $1.000000000e+00, v30;
	v26 =	vadd.f32 v49, v26;
	_ =	sdelay $0x1  }
0x19d: {  	v52 =	vor.u32 v6, v20;
	v51 =	vmul.f32 $1.000000000e+10, v50;
	v26 =	vadd.f32 $9.999999960e-13, v26;
	_ =	sdelay $0x1  }
0x19e: {  	v26 =	vadd.f32 v26, v51;
	_ =	sdelay $0x1  }
0x19f: {  	[tilespmem:v46+s31+$0x0] =	vst.idx.msk $0xffff, v26  }
0x1a0: {  	v53 =	vld.idx.msk [tilespmem:v52+s1+$0x0], $0xffff  }
0x1a1: {  	v28 =	vld.idx.msk [tilespmem:v52+s22+$0x0], $0xffff;
	_ =	sdelay $0x1  }
0x1a2: {  	v54 =	vld.idx.msk [tilespmem:v52+s23+$0x0], $0xffff;
	_ =	sdelay $0x2  }
0x1a3: {  	vm0 =	vlt.s32 v13, v15;
	v27 =	vsub.f32 v10, v53;
	v28 =	vsub.f32 v11, v28  }
0x1a4: {  	vm1 =	vgt.s32 v14, v15;
	v13 =	vsel vm0, v13, v15;
	v31 =	vld.idx.msk [tilespmem:v52+s28+$0x0], $0xffff  }
0x1a5: {  	v30 =	vsub.f32 v9, v54;
	v27 =	vmul.f32 v27, v27;
	v28 =	vmul.f32 v28, v28  }
0x1a6: {  	v14 =	vsel vm1, v14, v15;
	vm0 =	vlt.s32 v13, v16  }
0x1a7: {  	vm14 =	vgt.s32 v14, v16;
	v56 =	vmul.f32 v30, v30;
	v55 =	vadd.f32 v28, v27  }
0x1a8: {  	v13 =	vsel vm0, v13, v16;
	v14 =	vsel vm14, v14, v16  }
0x1a9: {  	vm15 =	vlt.s32 v13, v17;
	v57 =	vsub.f32 $1.000000000e+00, v31;
	v15 =	vadd.f32 v56, v55  }
0x1aa: {  	vm4 =	vgt.s32 v14, v17;
	v13 =	vsel vm15, v13, v17  }
0x1ab: {  	v58 =	vor.u32 v7, v20;
	v16 =	vmul.f32 $1.000000000e+10, v57;
	v15 =	vadd.f32 $9.999999960e-13, v15  }
0x1ac: {  	v14 =	vsel vm4, v14, v17;
	vm5 =	vlt.s32 v13, v18  }
0x1ad: {  	vm6 =	vgt.s32 v14, v18;
	v13 =	vsel vm5, v13, v18;
	v15 =	vadd.f32 v15, v16  }
0x1ae: {  	v14 =	vsel vm6, v14, v18;
	vm7 =	vlt.s32 v13, v12  }
0x1af: {  	vm8 =	vgt.s32 v14, v12;
	v13 =	vsel vm7, v13, v12;
	[tilespmem:v52+s31+$0x0] =	vst.idx.msk $0xffff, v15  }
0x1b0: {  	v12 =	vsel vm8, v14, v12;
	vm9 =	vlt.s32 v13, v19;
	v59 =	vld.idx.msk [tilespmem:v58+s1+$0x0], $0xffff  }
0x1b1: {  	vm10 =	vgt.s32 v12, v19;
	v13 =	vsel vm9, v13, v19;
	v60 =	vld.idx.msk [tilespmem:v58+s22+$0x0], $0xffff  }
0x1b2: {  	v12 =	vsel vm10, v12, v19;
	vm0 =	vlt.s32 v13, v21  }
0x1b3: {  	vm11 =	vgt.s32 v12, v21;
	v13 =	vsel vm0, v13, v21;
	v61 =	vld.idx.msk [tilespmem:v58+s23+$0x0], $0xffff  }
0x1b4: {  	v12 =	vsel vm11, v12, v21;
	vm12 =	vlt.s32 v13, v22  }
0x1b5: {  	vm13 =	vgt.s32 v12, v22;
	v13 =	vsel vm12, v13, v22  }
0x1b6: {  	v12 =	vsel vm13, v12, v22;
	v62 =	vld.idx.msk [tilespmem:v58+s28+$0x0], $0xffff;
	v10 =	vsub.f32 v10, v59;
	v11 =	vsub.f32 v11, v60  }
0x1b7: {  	vm14 =	vlt.s32 v13, v23;
	vm15 =	vgt.s32 v12, v23  }
0x1b8: {  	v9 =	vsub.f32 v9, v61;
	v10 =	vmul.f32 v10, v10;
	v11 =	vmul.f32 v11, v11  }
0x1b9: {  	v12 =	vsel vm15, v12, v23;
	v13 =	vsel vm14, v13, v23  }
0x1ba: {  	vm0 =	vlt.s32 v13, v24;
	v9 =	vmul.f32 v9, v9;
	v10 =	vadd.f32 v11, v10  }
0x1bb: {  	vm1 =	vgt.s32 v12, v24;
	v13 =	vsel vm0, v13, v24;
	v63 =	vsub.f32 $1.000000000e+00, v62  }
0x1bc: {  	vm0 =	vlt.s32 v13, v25;
	v11 =	vsel vm1, v12, v24;
	v9 =	vadd.f32 v9, v10  }
0x1bd: {  	v12 =	vmul.f32 $1.000000000e+10, v63;
	vm1 =	vgt.s32 v11, v25;
	v10 =	vsel vm0, v13, v25  }
0x1be: {  	v11 =	vsel vm1, v11, v25;
	vm0 =	vlt.s32 v10, v26;
	v9 =	vadd.f32 $9.999999960e-13, v9  }
0x1bf: {  	vm1 =	vgt.s32 v11, v26;
	v10 =	vsel vm0, v10, v26  }
0x1c0: {  	v11 =	vsel vm1, v11, v26;
	vm0 =	vlt.s32 v10, v15;
	v9 =	vadd.f32 v9, v12  }
0x1c1: {  	vm1 =	vgt.s32 v11, v15;
	v10 =	vsel vm0, v10, v15  }
0x1c2: {  	v11 =	vsel vm1, v11, v15;
	vm0 =	vlt.s32 v10, v9  }
0x1c3: {  	vm1 =	vgt.s32 v11, v9;
	v10 =	vsel vm0, v10, v9  }
0x1c4: {  	v11 =	vsel vm1, v11, v9;
	v10 =	vxor.u32 $0x80000000, v10  }
0x1c5: {  	(xrf0) =	vmin.scan.msk.u32 $0xffff, v10;
	v10 =	vxor.u32 $0x80000000, v11  }
0x1c6: {  	(xrf0) =	vmax.scan.msk.u32 $0xffff, v10;
	_ =	sdelay $0x4  }
0x1c7: {  	v10, _, _ =	vpop (xrf0)  }
0x1c8: {  	(v2sf) =	vpush v10, $0xF;
	v10, _, _ =	vpop (xrf0)  }
0x1c9: {  	(v2sf) =	vpush v10, $0xF;
	_ =	sdelay $0xd  }
0x1ca: {  	s4 =	spop (v2sf)  }
0x1cb: {  	s6 =	spop (v2sf)  }
0x1cc: {  	s5 =	sxor.u32 $0x80000000, s4;
	s4 =	sxor.u32 $0x80000000, s6  }
0x1cd: {  	p0 =	slt.s32 s5, s4  }
.Ltmp4:
0x1ce: {  	_ = 	snop;
	(pc) =	sbr.rel @!p0 .LBB2_6-.Ltmp4, $2  }
0x1cf: {  	_ =	sdelay $0x2  }
0x1d0: {  	[tilespmem:v58+s31+$0x0] =	vst.idx.msk $0xffff, v9  }
.LBB2_29:
0x1d1: {  	s6 =	simm.s32 $0x0  }
0x1d2: {  	v9 =	vmov s6  }
0x1d3: {  	v9 =	vshrl.u32 v9, $0x7  }
0x1d4: {  	v9 =	vshll.u32 v9, $0x7  }
0x1d5: {  	v13 =	vbroadcast v9, $0x0;
	_ =	sdelay $0x1  }
0x1d6: {  	v9 =	vor.u32 v0, v13  }
0x1d7: {  	v10 =	vor.u32 v2, v13  }
0x1d8: {  	v11 =	vor.u32 v4, v13  }
0x1d9: {  	v12 =	vor.u32 v1, v13  }
0x1da: {  	v14 =	vor.u32 v6, v13  }
0x1db: {  	v17 =	vld.idx.msk [tilespmem:v9+s31+$0x0], $0xffff  }
0x1dc: {  	v18 =	vor.u32 v7, v13;
	v19 =	vld.idx.msk [tilespmem:v10+s31+$0x0], $0xffff  }
0x1dd: {  	s8 =	ssub.s32 s4, s5;
	v15 =	vld.idx.msk [tilespmem:v11+s31+$0x0], $0xffff  }
0x1de: {  	s9 =	sshra.s32 s8, $0x2;
	s7 =	sshra.s32 s8, $0x1;
	v12 =	vld.idx.msk [tilespmem:v12+s31+$0x0], $0xffff  }
0x1df: {  	v24 =	vimm.s32 $0x0;
	s6 =	sadd.s32 s5, s9;
	s7 =	sadd.s32 s5, s7;
	s8 =	ssub.s32 s8, s9;
	v21 =	vor.u32 v3, v13;
	v16 =	vld.idx.msk [tilespmem:v14+s31+$0x0], $0xffff  }
0x1e0: {  	s8 =	sadd.s32 s5, s8;
	v13 =	vor.u32 v5, v13;
	v9 =	vmov s6;
	v11 =	vmov s7  }
0x1e1: {  	v10 =	vmov s8;
	v20 =	vld.idx.msk [tilespmem:v18+s31+$0x0], $0xffff;
	vm0 =	vle.s32 v19, v9;
	vm1 =	vle.s32 v19, v11  }
0x1e2: {  	vm4 =	vle.s32 v19, v10;
	vm5 =	vle.s32 v17, v11;
	vm6 =	vle.s32 v17, v10  }
0x1e3: {  	vm2 =	vle.s32 v12, v11;
	vm7 =	vle.s32 v12, v10;
	vm3 =	vle.s32 v15, v11  }
0x1e4: {  	vm8 =	vle.s32 v17, v9;
	vm9 =	vle.s32 v16, v10;
	v19 =	vld.idx.msk [tilespmem:v21+s31+$0x0], $0xffff;
	v18 =	vsel vm5, $0x1, v8  }
0x1e5: {  	v14 =	vsel vm1, $0x1, v8;
	vm5 =	vle.s32 v15, v10;
	v25 =	vsel vm6, $0x1, v8  }
0x1e6: {  	v22 =	vsel vm7, $0x1, v8;
	vm1 =	vle.s32 v20, v10;
	v23 =	vsel vm8, $0x1, v8  }
0x1e7: {  	v21 =	vsel vm0, $0x1, v8;
	vm0 =	vle.s32 v20, v9;
	v17 =	vadd.s32 v18, v24  }
0x1e8: {  	s9 =	simm.s32 $0x80;
	v18 =	vld.idx.msk [tilespmem:v13+s31+$0x0], $0xffff;
	v23 =	vadd.s32 v23, v24;
	v24 =	vadd.s32 v25, v24;
	v13 =	vsel vm9, $0x1, v8  }
.LBB2_30:
0x1e9: {  	p0 =	sne.s32 s9, $0x1F80;
	vm6 =	vle.s32 v19, v9;
	vm7 =	vle.s32 v19, v11;
	v25 =	vsel vm5, $0x1, v8;
	s10 =	smov.u32 s9;
	s9 =	sadd.s32 $0x80, s9  }
0x1ea: {  	v26 =	vsel vm4, $0x1, v8;
	vm4 =	vle.s32 v15, v9;
	v27 =	vsel vm6, $0x1, v8  }
0x1eb: {  	v15 =	vsel vm7, $0x1, v8;
	v28 =	vsel vm4, $0x1, v8;
	vm4 =	vle.s32 v20, v11  }
0x1ec: {  	v29 =	vsel vm3, $0x1, v8;
	v20 =	vmov s10;
	v30 =	vsel vm4, $0x1, v8  }
0x1ed: {  	vm3 =	vle.s32 v16, v9;
	v20 =	vshrl.u32 v20, $0x7;
	vm4 =	vle.s32 v16, v11  }
0x1ee: {  	v31 =	vsel vm3, $0x1, v8;
	v16 =	vshll.u32 v20, $0x7;
	v20 =	vsel vm2, $0x1, v8  }
0x1ef: {  	vm2 =	vle.s32 v12, v9;
	v32 =	vsel vm4, $0x1, v8;
	v16 =	vbroadcast v16, $0x0  }
0x1f0: {  	v22 =	vadd.s32 v22, v24;
	v12 =	vsel vm2, $0x1, v8;
	vm2 =	vle.s32 v18, v11  }
0x1f1: {  	v12 =	vadd.s32 v12, v23;
	v24 =	vor.u32 v0, v16;
	v33 =	vor.u32 v1, v16  }
0x1f2: {  	v23 =	vor.u32 v2, v16;
	v34 =	vor.u32 v3, v16;
	v12 =	vadd.s32 v21, v12  }
0x1f3: {  	vm3 =	vle.s32 v19, v10;
	v19 =	vsel vm2, $0x1, v8;
	v21 =	vor.u32 v4, v16  }
0x1f4: {  	v22 =	vadd.s32 v26, v22;
	vm2 =	vle.s32 v18, v10;
	v35 =	vor.u32 v5, v16  }
0x1f5: {  	vm4 =	vle.s32 v18, v9;
	v17 =	vadd.s32 v20, v17;
	v26 =	vor.u32 v6, v16  }
0x1f6: {  	v14 =	vadd.s32 v14, v17;
	v18 =	vor.u32 v7, v16;
	v17 =	vadd.s32 v27, v12;
	v24 =	vld.idx.msk [tilespmem:v24+s31+$0x0], $0xffff  }
0x1f7: {  	v12 =	vadd.s32 v15, v14;
	v14 =	vsel vm3, $0x1, v8;
	v27 =	vsel vm4, $0x1, v8;
	v23 =	vld.idx.msk [tilespmem:v23+s31+$0x0], $0xffff  }
0x1f8: {  	v14 =	vadd.s32 v14, v22;
	v16 =	vadd.s32 v29, v12;
	v15 =	vld.idx.msk [tilespmem:v21+s31+$0x0], $0xffff;
	v21 =	vsel vm1, $0x1, v8  }
0x1f9: {  	v20 =	vsel vm2, $0x1, v8;
	v14 =	vadd.s32 v25, v14;
	v19 =	vadd.s32 v19, v16;
	v12 =	vld.idx.msk [tilespmem:v33+s31+$0x0], $0xffff  }
0x1fa: {  	v17 =	vadd.s32 v28, v17;
	v14 =	vadd.s32 v20, v14;
	v19 =	vadd.s32 v32, v19;
	v16 =	vld.idx.msk [tilespmem:v26+s31+$0x0], $0xffff  }
0x1fb: {  	v17 =	vadd.s32 v27, v17;
	v13 =	vadd.s32 v13, v14;
	v22 =	vadd.s32 v30, v19;
	v20 =	vld.idx.msk [tilespmem:v18+s31+$0x0], $0xffff  }
0x1fc: {  	v14 =	vadd.s32 v31, v17;
	v17 =	vsel vm0, $0x1, v8;
	v13 =	vadd.s32 v21, v13  }
0x1fd: {  	vm0 =	vle.s32 v23, v9;
	vm1 =	vle.s32 v23, v11;
	vm4 =	vle.s32 v23, v10  }
0x1fe: {  	vm5 =	vle.s32 v24, v11;
	vm6 =	vle.s32 v24, v10;
	v23 =	vadd.s32 v17, v14;
	v19 =	vld.idx.msk [tilespmem:v34+s31+$0x0], $0xffff  }
0x1ff: {  	vm3 =	vle.s32 v15, v11;
	vm2 =	vle.s32 v12, v11;
	vm7 =	vle.s32 v12, v10;
	v18 =	vld.idx.msk [tilespmem:v35+s31+$0x0], $0xffff  }
.Ltmp5:
0x200: {  	v17 =	vsel vm5, $0x1, v8;
	v14 =	vsel vm1, $0x1, v8;
	vm5 =	vle.s32 v15, v10;
	(pc) =	sbr.rel @p0 .LBB2_30-.Ltmp5, $4  }
0x201: {  	vm8 =	vle.s32 v24, v9;
	v17 =	vadd.s32 v17, v22;
	vm9 =	vle.s32 v16, v10  }
0x202: {  	v24 =	vsel vm6, $0x1, v8;
	v22 =	vsel vm7, $0x1, v8;
	vm1 =	vle.s32 v20, v10  }
0x203: {  	v25 =	vsel vm8, $0x1, v8;
	v21 =	vsel vm0, $0x1, v8;
	vm0 =	vle.s32 v20, v9  }
0x204: {  	v23 =	vadd.s32 v25, v23;
	v24 =	vadd.s32 v24, v13;
	v13 =	vsel vm9, $0x1, v8  }
0x205: {  	vm6 =	vle.s32 v19, v9;
	vm7 =	vle.s32 v19, v11;
	v25 =	vsel vm5, $0x1, v8  }
0x206: {  	v26 =	vsel vm4, $0x1, v8;
	vm15 =	vle.s32 v15, v9;
	vm8 =	vle.s32 v20, v11  }
0x207: {  	v55 =	vsel vm3, $0x1, v8;
	vm9 =	vle.s32 v16, v9;
	vm10 =	vle.s32 v16, v11  }
0x208: {  	v56 =	vsel vm2, $0x1, v8;
	vm11 =	vle.s32 v12, v9;
	v22 =	vadd.s32 v22, v24  }
0x209: {  	vm12 =	vle.s32 v18, v11;
	vm13 =	vle.s32 v19, v10;
	vm14 =	vle.s32 v18, v10  }
0x20a: {  	v62 =	vsel vm0, $0x1, v8;
	v27 =	vsel vm6, $0x1, v8;
	v54 =	vsel vm7, $0x1, v8  }
0x20b: {  	v28 =	vsel vm15, $0x1, v8;
	v29 =	vsel vm8, $0x1, v8;
	v57 =	vsel vm9, $0x1, v8  }
0x20c: {  	v30 =	vsel vm10, $0x1, v8;
	v31 =	vsel vm11, $0x1, v8;
	v58 =	vsel vm12, $0x1, v8  }
0x20d: {  	v59 =	vadd.s32 v26, v22;
	v10 =	vadd.s32 v56, v17;
	v11 =	vadd.s32 v31, v23  }
0x20e: {  	vm15 =	vle.s32 v18, v9;
	v61 =	vsel vm14, $0x1, v8;
	v11 =	vadd.s32 v21, v11  }
0x20f: {  	v9 =	vadd.s32 v14, v10;
	v60 =	vsel vm15, $0x1, v8;
	v10 =	vadd.s32 v27, v11  }
0x210: {  	v9 =	vadd.s32 v54, v9;
	v11 =	vsel vm13, $0x1, v8;
	v10 =	vadd.s32 v28, v10  }
0x211: {  	v9 =	vadd.s32 v55, v9;
	v11 =	vadd.s32 v11, v59;
	v10 =	vadd.s32 v60, v10  }
0x212: {  	v9 =	vadd.s32 v58, v9;
	v11 =	vadd.s32 v25, v11;
	v10 =	vadd.s32 v57, v10  }
0x213: {  	v9 =	vadd.s32 v30, v9;
	v11 =	vadd.s32 v61, v11;
	v10 =	vadd.s32 v62, v10  }
0x214: {  	v63 =	vsel vm1, $0x1, v8;
	v9 =	vadd.s32 v29, v9;
	v11 =	vadd.s32 v13, v11;
	(xrf0) =	vadd.scan.msk.s32 $0xffff, v10  }
0x215: {  	v10 =	vadd.s32 v63, v11;
	(xrf0) =	vadd.scan.msk.s32 $0xffff, v9  }
0x216: {  	(xrf0) =	vadd.scan.msk.s32 $0xffff, v10;
	_ =	sdelay $0x3  }
0x217: {  	v9, _, _ =	vpop (xrf0)  }
0x218: {  	v10, _, _ =	vpop (xrf0);
	(v2sf) =	vpush v9, $0xF  }
0x219: {  	(v2sf) =	vpush v10, $0xF;
	v9, _, _ =	vpop (xrf0)  }
0x21a: {  	(v2sf) =	vpush v9, $0xF;
	_ =	sdelay $0xc  }
0x21b: {  	s9 =	spop (v2sf)  }
0x21c: {  	s10 =	spop (v2sf)  }
0x21d: {  	s11 =	spop (v2sf)  }
0x21e: {  	p0 =	sgt.s32 s11, $0x1B39;
	s11 =	smov.u32 s8  }
0x21f: {  	p1 =	sgt.s32 s10, $0x1B39;
	s11 =	smov.u32 @p0 s7  }
0x220: {  	s4 =	smov.u32 @p0 s8;
	s11 =	smov.u32 @p1 s6  }
0x221: {  	p0 =	sgt.s32 s9, $0x1B39;
	s4 =	smov.u32 @p1 s7;
	s8 =	sadd.s32 $0x1, s11  }
0x222: {  	s4 =	smov.u32 @p0 s6;
	s8 =	smov.u32 @p0 s5  }
0x223: {  	p0 =	slt.s32 s8, s4  }
.Ltmp6:
0x224: {  	_ = 	snop;
	(pc) =	sbr.rel @p0 .LBB2_29-.Ltmp6, $2  }
0x225: {  	_ =	sdelay $0x2  }
0x226: {  	s5 =	smov.u32 s8  }
.LBB2_6:
0x227: {  	s10 =	simm.s32 $0x0  }
0x228: {  	v11 =	vmov s10  }
0x229: {  	v11 =	vshrl.u32 v11, $0x7  }
0x22a: {  	v11 =	vshll.u32 v11, $0x7  }
0x22b: {  	v11 =	vbroadcast v11, $0x0;
	_ =	sdelay $0x1  }
0x22c: {  	v12 =	vor.u32 v0, v11;
	_ =	sdelay $0x4  }
0x22d: {  	v13 =	vld.idx.msk [tilespmem:v12+s31+$0x0], $0xffff  }
0x22e: {  	v14 =	vld.idx.msk [tilespmem:v12+s28+$0x0], $0xffff;
	_ =	sdelay $0x1  }
0x22f: {  	v15 =	vor.u32 v1, v11  }
0x230: {  	v9 =	vmov s4  }
0x231: {  	vm0 =	vle.s32 v13, v9  }
0x232: {  	v13 =	vsel vm0, $0x0, v14  }
0x233: {  	[tilespmem:v12+s0+$0x0] =	vst.idx.msk $0xffff, v13  }
0x234: {  	v12 =	vld.idx.msk [tilespmem:v15+s31+$0x0], $0xffff  }
0x235: {  	v13 =	vld.idx.msk [tilespmem:v15+s28+$0x0], $0xffff;
	_ =	sdelay $0x1  }
0x236: {  	v14 =	vor.u32 v2, v11;
	_ =	sdelay $0x1  }
0x237: {  	vm1 =	vle.s32 v12, v9  }
0x238: {  	v12 =	vsel vm1, $0x0, v13  }
0x239: {  	[tilespmem:v15+s0+$0x0] =	vst.idx.msk $0xffff, v12  }
0x23a: {  	v12 =	vld.idx.msk [tilespmem:v14+s31+$0x0], $0xffff  }
0x23b: {  	v13 =	vld.idx.msk [tilespmem:v14+s28+$0x0], $0xffff;
	_ =	sdelay $0x1  }
0x23c: {  	v15 =	vor.u32 v3, v11;
	_ =	sdelay $0x1  }
0x23d: {  	vm2 =	vle.s32 v12, v9  }
0x23e: {  	v12 =	vsel vm2, $0x0, v13  }
0x23f: {  	[tilespmem:v14+s0+$0x0] =	vst.idx.msk $0xffff, v12  }
0x240: {  	v12 =	vld.idx.msk [tilespmem:v15+s31+$0x0], $0xffff  }
0x241: {  	v13 =	vld.idx.msk [tilespmem:v15+s28+$0x0], $0xffff;
	_ =	sdelay $0x1  }
0x242: {  	v14 =	vor.u32 v4, v11;
	_ =	sdelay $0x1  }
0x243: {  	vm3 =	vle.s32 v12, v9  }
0x244: {  	v12 =	vsel vm3, $0x0, v13  }
0x245: {  	[tilespmem:v15+s0+$0x0] =	vst.idx.msk $0xffff, v12  }
0x246: {  	v12 =	vld.idx.msk [tilespmem:v14+s31+$0x0], $0xffff  }
0x247: {  	v13 =	vld.idx.msk [tilespmem:v14+s28+$0x0], $0xffff;
	_ =	sdelay $0x1  }
0x248: {  	v15 =	vor.u32 v5, v11;
	_ =	sdelay $0x1  }
0x249: {  	vm4 =	vle.s32 v12, v9  }
0x24a: {  	v12 =	vsel vm4, $0x0, v13  }
0x24b: {  	[tilespmem:v14+s0+$0x0] =	vst.idx.msk $0xffff, v12  }
0x24c: {  	v12 =	vld.idx.msk [tilespmem:v15+s31+$0x0], $0xffff  }
0x24d: {  	v13 =	vld.idx.msk [tilespmem:v15+s28+$0x0], $0xffff;
	_ =	sdelay $0x1  }
0x24e: {  	v14 =	vor.u32 v6, v11;
	_ =	sdelay $0x1  }
0x24f: {  	vm5 =	vle.s32 v12, v9  }
0x250: {  	v12 =	vsel vm5, $0x0, v13  }
0x251: {  	[tilespmem:v15+s0+$0x0] =	vst.idx.msk $0xffff, v12  }
0x252: {  	v12 =	vld.idx.msk [tilespmem:v14+s31+$0x0], $0xffff  }
0x253: {  	v13 =	vld.idx.msk [tilespmem:v14+s28+$0x0], $0xffff;
	_ =	sdelay $0x2  }
0x254: {  	v11 =	vor.u32 v7, v11  }
0x255: {  	vm6 =	vle.s32 v12, v9  }
0x256: {  	s11 =	simm.s32 $0x80;
	v12 =	vsel vm6, $0x0, v13  }
0x257: {  	v10 =	vimm.s32 $0x0;
	v13 =	vsel vm0, $0x1, v8;
	[tilespmem:v14+s0+$0x0] =	vst.idx.msk $0xffff, v12;
	v14 =	vmov s11  }
0x258: {  	v12 =	vsel vm1, $0x1, v8;
	v10 =	vadd.s32 v13, v10;
	v14 =	vshrl.u32 v14, $0x7  }
0x259: {  	v13 =	vsel vm2, $0x1, v8;
	v15 =	vld.idx.msk [tilespmem:v11+s31+$0x0], $0xffff;
	v10 =	vadd.s32 v12, v10;
	v14 =	vshll.u32 v14, $0x7  }
0x25a: {  	v16 =	vld.idx.msk [tilespmem:v11+s28+$0x0], $0xffff;
	v13 =	vadd.s32 v13, v10;
	v10 =	vbroadcast v14, $0x0  }
0x25b: {  	v12 =	vsel vm3, $0x1, v8  }
0x25c: {  	v17 =	vsel vm4, $0x1, v8;
	v12 =	vadd.s32 v12, v13;
	v14 =	vor.u32 v0, v10  }
0x25d: {  	v13 =	vsel vm5, $0x1, v8;
	v12 =	vadd.s32 v17, v12  }
0x25e: {  	v18 =	vsel vm6, $0x1, v8;
	v12 =	vadd.s32 v13, v12;
	vm15 =	vle.s32 v15, v9  }
0x25f: {  	s4 =	simm.s32 $0x100;
	v12 =	vadd.s32 v18, v12;
	v15 =	vsel vm15, $0x0, v16;
	v13 =	vsel vm15, $0x1, v8  }
.LBB2_7:
0x260: {  	p0 =	sne.s32 s4, $0x1F80;
	[tilespmem:v11+s0+$0x0] =	vst.idx.msk $0xffff, v15;
	v12 =	vadd.s32 v13, v12;
	s5 =	smov.u32 s4;
	s4 =	sadd.s32 $0x80, s4  }
0x261: {  	v11 =	vld.idx.msk [tilespmem:v14+s31+$0x0], $0xffff  }
0x262: {  	v13 =	vld.idx.msk [tilespmem:v14+s28+$0x0], $0xffff;
	_ =	sdelay $0x2  }
0x263: {  	v15 =	vor.u32 v1, v10;
	_ =	sdelay $0x1  }
0x264: {  	vm0 =	vle.s32 v11, v9  }
0x265: {  	v11 =	vsel vm0, $0x0, v13;
	v13 =	vsel vm0, $0x1, v8  }
0x266: {  	[tilespmem:v14+s0+$0x0] =	vst.idx.msk $0xffff, v11  }
0x267: {  	v11 =	vld.idx.msk [tilespmem:v15+s31+$0x0], $0xffff  }
0x268: {  	v14 =	vld.idx.msk [tilespmem:v15+s28+$0x0], $0xffff;
	_ =	sdelay $0x2  }
0x269: {  	v16 =	vor.u32 v2, v10;
	_ =	sdelay $0x1  }
0x26a: {  	vm0 =	vle.s32 v11, v9  }
0x26b: {  	v11 =	vsel vm0, $0x0, v14;
	v14 =	vsel vm0, $0x1, v8  }
0x26c: {  	[tilespmem:v15+s0+$0x0] =	vst.idx.msk $0xffff, v11  }
0x26d: {  	v11 =	vld.idx.msk [tilespmem:v16+s31+$0x0], $0xffff  }
0x26e: {  	v15 =	vld.idx.msk [tilespmem:v16+s28+$0x0], $0xffff;
	_ =	sdelay $0x2  }
0x26f: {  	v17 =	vor.u32 v3, v10;
	_ =	sdelay $0x1  }
0x270: {  	vm0 =	vle.s32 v11, v9  }
0x271: {  	v11 =	vsel vm0, $0x0, v15;
	v15 =	vsel vm0, $0x1, v8  }
0x272: {  	[tilespmem:v16+s0+$0x0] =	vst.idx.msk $0xffff, v11  }
0x273: {  	v11 =	vld.idx.msk [tilespmem:v17+s31+$0x0], $0xffff  }
0x274: {  	v16 =	vld.idx.msk [tilespmem:v17+s28+$0x0], $0xffff;
	_ =	sdelay $0x2  }
0x275: {  	v18 =	vor.u32 v4, v10;
	_ =	sdelay $0x1  }
0x276: {  	vm0 =	vle.s32 v11, v9  }
0x277: {  	v11 =	vsel vm0, $0x0, v16;
	v16 =	vsel vm0, $0x1, v8  }
0x278: {  	[tilespmem:v17+s0+$0x0] =	vst.idx.msk $0xffff, v11  }
0x279: {  	v11 =	vld.idx.msk [tilespmem:v18+s31+$0x0], $0xffff  }
0x27a: {  	v17 =	vld.idx.msk [tilespmem:v18+s28+$0x0], $0xffff;
	_ =	sdelay $0x2  }
0x27b: {  	v19 =	vor.u32 v5, v10;
	_ =	sdelay $0x1  }
0x27c: {  	vm0 =	vle.s32 v11, v9  }
0x27d: {  	v11 =	vsel vm0, $0x0, v17;
	v17 =	vsel vm0, $0x1, v8  }
0x27e: {  	[tilespmem:v18+s0+$0x0] =	vst.idx.msk $0xffff, v11  }
0x27f: {  	v11 =	vld.idx.msk [tilespmem:v19+s31+$0x0], $0xffff  }
0x280: {  	v18 =	vld.idx.msk [tilespmem:v19+s28+$0x0], $0xffff;
	_ =	sdelay $0x2  }
0x281: {  	v20 =	vor.u32 v6, v10;
	_ =	sdelay $0x1  }
0x282: {  	vm0 =	vle.s32 v11, v9  }
0x283: {  	v11 =	vsel vm0, $0x0, v18;
	v18 =	vsel vm0, $0x1, v8  }
0x284: {  	[tilespmem:v19+s0+$0x0] =	vst.idx.msk $0xffff, v11  }
0x285: {  	v19 =	vld.idx.msk [tilespmem:v20+s31+$0x0], $0xffff  }
0x286: {  	v21 =	vld.idx.msk [tilespmem:v20+s28+$0x0], $0xffff;
	_ =	sdelay $0x2  }
0x287: {  	v11 =	vor.u32 v7, v10;
	_ =	sdelay $0x1  }
0x288: {  	vm0 =	vle.s32 v19, v9  }
0x289: {  	v10 =	vsel vm0, $0x0, v21;
	v19 =	vsel vm0, $0x1, v8  }
0x28a: {  	v21 =	vmov s5;
	[tilespmem:v20+s0+$0x0] =	vst.idx.msk $0xffff, v10  }
0x28b: {  	v10 =	vshrl.u32 v21, $0x7;
	v20 =	vld.idx.msk [tilespmem:v11+s31+$0x0], $0xffff  }
0x28c: {  	v12 =	vadd.s32 v13, v12;
	v10 =	vshll.u32 v10, $0x7;
	v13 =	vld.idx.msk [tilespmem:v11+s28+$0x0], $0xffff  }
0x28d: {  	v12 =	vadd.s32 v14, v12;
	v10 =	vbroadcast v10, $0x0  }
.Ltmp7:
0x28e: {  	v12 =	vadd.s32 v15, v12;
	(pc) =	sbr.rel @p0 .LBB2_7-.Ltmp7, $4  }
0x28f: {  	v12 =	vadd.s32 v16, v12;
	v14 =	vor.u32 v0, v10  }
0x290: {  	v12 =	vadd.s32 v17, v12  }
0x291: {  	v12 =	vadd.s32 v18, v12;
	vm0 =	vle.s32 v20, v9  }
0x292: {  	v12 =	vadd.s32 v19, v12;
	v15 =	vsel vm0, $0x0, v13;
	v13 =	vsel vm0, $0x1, v8  }
0x293: {  	_ =	sdelay $0x3  }
0x294: {  	[tilespmem:v11+s0+$0x0] =	vst.idx.msk $0xffff, v15  }
0x295: {  	v11 =	vld.idx.msk [tilespmem:v14+s31+$0x0], $0xffff  }
0x296: {  	v15 =	vld.idx.msk [tilespmem:v14+s28+$0x0], $0xffff;
	_ =	sdelay $0x1  }
0x297: {  	v16 =	vor.u32 v1, v10;
	_ =	sdelay $0x1  }
0x298: {  	vm0 =	vle.s32 v11, v9  }
0x299: {  	v11 =	vsel vm0, $0x0, v15  }
0x29a: {  	[tilespmem:v14+s0+$0x0] =	vst.idx.msk $0xffff, v11  }
0x29b: {  	v11 =	vld.idx.msk [tilespmem:v16+s31+$0x0], $0xffff  }
0x29c: {  	v14 =	vld.idx.msk [tilespmem:v16+s28+$0x0], $0xffff;
	_ =	sdelay $0x1  }
0x29d: {  	v46 =	vor.u32 v2, v10;
	_ =	sdelay $0x1  }
0x29e: {  	vm1 =	vle.s32 v11, v9  }
0x29f: {  	v11 =	vsel vm1, $0x0, v14  }
0x2a0: {  	[tilespmem:v16+s0+$0x0] =	vst.idx.msk $0xffff, v11  }
0x2a1: {  	v11 =	vld.idx.msk [tilespmem:v46+s31+$0x0], $0xffff  }
0x2a2: {  	v47 =	vld.idx.msk [tilespmem:v46+s28+$0x0], $0xffff;
	_ =	sdelay $0x1  }
0x2a3: {  	v48 =	vor.u32 v3, v10;
	_ =	sdelay $0x1  }
0x2a4: {  	vm2 =	vle.s32 v11, v9  }
0x2a5: {  	v11 =	vsel vm2, $0x0, v47  }
0x2a6: {  	[tilespmem:v46+s0+$0x0] =	vst.idx.msk $0xffff, v11  }
0x2a7: {  	v11 =	vld.idx.msk [tilespmem:v48+s31+$0x0], $0xffff  }
0x2a8: {  	v49 =	vld.idx.msk [tilespmem:v48+s28+$0x0], $0xffff;
	_ =	sdelay $0x1  }
0x2a9: {  	v50 =	vor.u32 v4, v10;
	_ =	sdelay $0x1  }
0x2aa: {  	vm3 =	vle.s32 v11, v9  }
0x2ab: {  	v11 =	vsel vm3, $0x0, v49  }
0x2ac: {  	[tilespmem:v48+s0+$0x0] =	vst.idx.msk $0xffff, v11  }
0x2ad: {  	v11 =	vld.idx.msk [tilespmem:v50+s31+$0x0], $0xffff  }
0x2ae: {  	v51 =	vld.idx.msk [tilespmem:v50+s28+$0x0], $0xffff;
	_ =	sdelay $0x1  }
0x2af: {  	v52 =	vor.u32 v5, v10;
	_ =	sdelay $0x1  }
0x2b0: {  	vm4 =	vle.s32 v11, v9  }
0x2b1: {  	v11 =	vsel vm4, $0x0, v51  }
0x2b2: {  	[tilespmem:v50+s0+$0x0] =	vst.idx.msk $0xffff, v11  }
0x2b3: {  	v11 =	vld.idx.msk [tilespmem:v52+s31+$0x0], $0xffff  }
0x2b4: {  	v53 =	vld.idx.msk [tilespmem:v52+s28+$0x0], $0xffff;
	_ =	sdelay $0x1  }
0x2b5: {  	v54 =	vor.u32 v6, v10;
	_ =	sdelay $0x1  }
0x2b6: {  	vm5 =	vle.s32 v11, v9  }
0x2b7: {  	v11 =	vsel vm5, $0x0, v53  }
0x2b8: {  	[tilespmem:v52+s0+$0x0] =	vst.idx.msk $0xffff, v11  }
0x2b9: {  	v11 =	vld.idx.msk [tilespmem:v54+s31+$0x0], $0xffff  }
0x2ba: {  	v55 =	vld.idx.msk [tilespmem:v54+s28+$0x0], $0xffff;
	_ =	sdelay $0x1  }
0x2bb: {  	v10 =	vor.u32 v7, v10;
	_ =	sdelay $0x1  }
0x2bc: {  	vm6 =	vle.s32 v11, v9  }
0x2bd: {  	v11 =	vsel vm6, $0x0, v55  }
0x2be: {  	v12 =	vadd.s32 v13, v12;
	v56 =	vsel vm0, $0x1, v8;
	[tilespmem:v54+s0+$0x0] =	vst.idx.msk $0xffff, v11  }
0x2bf: {  	v12 =	vadd.s32 v56, v12;
	v11 =	vsel vm1, $0x1, v8;
	v57 =	vld.idx.msk [tilespmem:v10+s31+$0x0], $0xffff  }
0x2c0: {  	v58 =	vsel vm2, $0x1, v8;
	v11 =	vadd.s32 v11, v12  }
0x2c1: {  	v59 =	vsel vm3, $0x1, v8;
	v11 =	vadd.s32 v58, v11  }
0x2c2: {  	v60 =	vsel vm4, $0x1, v8;
	v11 =	vadd.s32 v59, v11  }
0x2c3: {  	v61 =	vsel vm5, $0x1, v8;
	v11 =	vadd.s32 v60, v11  }
0x2c4: {  	v62 =	vsel vm6, $0x1, v8;
	v11 =	vadd.s32 v61, v11;
	vm15 =	vle.s32 v57, v9  }
0x2c5: {  	v11 =	vadd.s32 v62, v11;
	v63 =	vsel vm15, $0x1, v8  }
0x2c6: {  	v11 =	vadd.s32 v63, v11  }
0x2c7: {  	(xrf0) =	vadd.scan.msk.s32 $0xffff, v11;
	_ =	sdelay $0x5  }
0x2c8: {  	v11, _, _ =	vpop (xrf0)  }
0x2c9: {  	(v2sf) =	vpush v11, $0xF;
	_ =	sdelay $0xe  }
0x2ca: {  	v11 =	vld.idx.msk [tilespmem:v10+s28+$0x0], $0xffff;
	s4 =	spop (v2sf)  }
0x2cb: {  	p0 =	seq.s32 s4, $0x1B3A  }
.Ltmp8:
0x2cc: {  	_ = 	snop;
	(pc) =	sbr.rel @p0 .LBB2_14-.Ltmp8, $3  }
0x2cd: {  	_ =	sdelay $0x1  }
0x2ce: {  	v11 =	vsel vm15, $0x0, v11  }
0x2cf: {  	[tilespmem:v10+s0+$0x0] =	vst.idx.msk $0xffff, v11  }
0x2d0: {  	s4 =	simm.s32 $0x0  }
0x2d1: {  	v10 =	vmov s4  }
0x2d2: {  	v10 =	vshrl.u32 v10, $0x7  }
0x2d3: {  	v10 =	vshll.u32 v10, $0x7  }
0x2d4: {  	v10 =	vbroadcast v10, $0x0;
	_ =	sdelay $0x1  }
0x2d5: {  	v11 =	vor.u32 v0, v10  }
0x2d6: {  	v12 =	vor.u32 v2, v10  }
0x2d7: {  	v13 =	vor.u32 v3, v10  }
0x2d8: {  	v15 =	vor.u32 v4, v10  }
0x2d9: {  	s11 =	simm.s32 $0x80;
	v14 =	vor.u32 v1, v10  }
0x2da: {  	v17 =	vor.u32 v5, v10;
	v16 =	vld.idx.msk [tilespmem:v11+s31+$0x0], $0xffff;
	v11 =	vmov s11  }
0x2db: {  	v19 =	vor.u32 v6, v10;
	v18 =	vld.idx.msk [tilespmem:v12+s31+$0x0], $0xffff;
	v11 =	vshrl.u32 v11, $0x7  }
0x2dc: {  	v13 =	vld.idx.msk [tilespmem:v13+s31+$0x0], $0xffff;
	v11 =	vshll.u32 v11, $0x7  }
0x2dd: {  	v15 =	vld.idx.msk [tilespmem:v15+s31+$0x0], $0xffff;
	v11 =	vbroadcast v11, $0x0  }
0x2de: {  	v20 =	vimm.s32 $0x0;
	v21 =	vor.u32 v7, v10;
	v14 =	vld.idx.msk [tilespmem:v14+s31+$0x0], $0xffff  }
0x2df: {  	vm0 =	vlt.s32 v16, v9;
	v16 =	vld.idx.msk [tilespmem:v17+s31+$0x0], $0xffff;
	v22 =	vor.u32 v0, v11;
	v12 =	vor.u32 v1, v11  }
0x2e0: {  	v23 =	vld.idx.msk [tilespmem:v19+s31+$0x0], $0xffff;
	v19 =	vor.u32 v2, v11;
	v10 =	vor.u32 v6, v11;
	vm1 =	vlt.s32 v18, v9  }
0x2e1: {  	v24 =	vor.u32 v3, v11;
	v17 =	vor.u32 v4, v11;
	vm2 =	vlt.s32 v13, v9  }
0x2e2: {  	vm3 =	vlt.s32 v15, v9;
	v13 =	vor.u32 v5, v11;
	v18 =	vsel vm0, $0x1, v8  }
0x2e3: {  	v15 =	vld.idx.msk [tilespmem:v21+s31+$0x0], $0xffff;
	vm0 =	vlt.s32 v14, v9;
	v21 =	vsel vm1, $0x1, v8;
	v14 =	vadd.s32 v18, v20  }
0x2e4: {  	v20 =	vsel vm2, $0x1, v8;
	v18 =	vld.idx.msk [tilespmem:v22+s31+$0x0], $0xffff;
	v22 =	vsel vm0, $0x1, v8;
	vm1 =	vlt.s32 v16, v9  }
0x2e5: {  	s5 =	simm.s32 $0x100;
	v16 =	vld.idx.msk [tilespmem:v19+s31+$0x0], $0xffff;
	v19 =	vsel vm3, $0x1, v8;
	vm0 =	vlt.s32 v23, v9;
	v25 =	vadd.s32 v22, v14  }
0x2e6: {  	s4 =	simm.s32 $0x180;
	v22 =	vmov s5;
	v14 =	vld.idx.msk [tilespmem:v24+s31+$0x0], $0xffff;
	v23 =	vadd.s32 v21, v25;
	v21 =	vsel vm1, $0x1, v8  }
.LBB2_10:
0x2e7: {  	p0 =	sne.s32 s4, $0x1F80;
	v22 =	vshrl.u32 v22, $0x7;
	v24 =	vld.idx.msk [tilespmem:v12+s31+$0x0], $0xffff;
	v12 =	vadd.s32 v20, v23;
	v20 =	vsel vm0, $0x1, v8;
	s5 =	smov.u32 s4;
	s4 =	sadd.s32 $0x80, s4  }
0x2e8: {  	v22 =	vshll.u32 v22, $0x7;
	v23 =	vld.idx.msk [tilespmem:v17+s31+$0x0], $0xffff;
	v17 =	vor.u32 v7, v11;
	v12 =	vadd.s32 v19, v12  }
0x2e9: {  	vm0 =	vlt.s32 v15, v9;
	v11 =	vbroadcast v22, $0x0;
	v12 =	vadd.s32 v21, v12  }
0x2ea: {  	v15 =	vsel vm0, $0x1, v8;
	vm1 =	vlt.s32 v18, v9;
	v19 =	vld.idx.msk [tilespmem:v13+s31+$0x0], $0xffff;
	v13 =	vadd.s32 v20, v12  }
0x2eb: {  	v18 =	vor.u32 v0, v11;
	v12 =	vor.u32 v1, v11;
	v21 =	vld.idx.msk [tilespmem:v10+s31+$0x0], $0xffff;
	v20 =	vadd.s32 v15, v13  }
0x2ec: {  	vm0 =	vlt.s32 v16, v9;
	v22 =	vor.u32 v2, v11;
	v10 =	vor.u32 v6, v11  }
0x2ed: {  	v16 =	vsel vm1, $0x1, v8;
	v25 =	vor.u32 v3, v11;
	vm1 =	vlt.s32 v24, v9;
	v15 =	vld.idx.msk [tilespmem:v17+s31+$0x0], $0xffff  }
.Ltmp9:
0x2ee: {  	vm2 =	vlt.s32 v14, v9;
	v17 =	vor.u32 v4, v11;
	vm3 =	vlt.s32 v23, v9;
	(pc) =	sbr.rel @p0 .LBB2_10-.Ltmp9, $4  }
0x2ef: {  	v13 =	vor.u32 v5, v11;
	v14 =	vadd.s32 v16, v20;
	v23 =	vsel vm0, $0x1, v8  }
0x2f0: {  	v20 =	vsel vm2, $0x1, v8;
	v24 =	vsel vm1, $0x1, v8;
	vm1 =	vlt.s32 v19, v9;
	v18 =	vld.idx.msk [tilespmem:v18+s31+$0x0], $0xffff  }
0x2f1: {  	v24 =	vadd.s32 v24, v14;
	v19 =	vsel vm3, $0x1, v8;
	vm0 =	vlt.s32 v21, v9;
	v16 =	vld.idx.msk [tilespmem:v22+s31+$0x0], $0xffff  }
0x2f2: {  	v23 =	vadd.s32 v23, v24;
	v21 =	vsel vm1, $0x1, v8;
	v22 =	vmov s5;
	v14 =	vld.idx.msk [tilespmem:v25+s31+$0x0], $0xffff  }
0x2f3: {  	_ =	sdelay $0x1  }
0x2f4: {  	v22 =	vshrl.u32 v22, $0x7;
	v20 =	vadd.s32 v20, v23  }
0x2f5: {  	v48 =	vsel vm0, $0x1, v8;
	v11 =	vor.u32 v7, v11;
	v22 =	vshll.u32 v22, $0x7  }
0x2f6: {  	v12 =	vld.idx.msk [tilespmem:v12+s31+$0x0], $0xffff;
	vm0 =	vlt.s32 v15, v9;
	v19 =	vadd.s32 v19, v20;
	v49 =	vbroadcast v22, $0x0  }
0x2f7: {  	v50 =	vsel vm0, $0x1, v8;
	v19 =	vadd.s32 v21, v19;
	vm1 =	vlt.s32 v18, v9  }
0x2f8: {  	v17 =	vld.idx.msk [tilespmem:v17+s31+$0x0], $0xffff;
	v15 =	vadd.s32 v48, v19;
	vm0 =	vlt.s32 v16, v9;
	v51 =	vor.u32 v0, v49  }
0x2f9: {  	v13 =	vld.idx.msk [tilespmem:v13+s31+$0x0], $0xffff;
	v55 =	vsel vm1, $0x1, v8;
	v52 =	vor.u32 v1, v49;
	v15 =	vadd.s32 v50, v15  }
0x2fa: {  	v53 =	vor.u32 v2, v49;
	v22 =	vor.u32 v6, v49;
	v54 =	vor.u32 v3, v49  }
0x2fb: {  	v10 =	vld.idx.msk [tilespmem:v10+s31+$0x0], $0xffff;
	vm2 =	vlt.s32 v14, v9;
	v56 =	vor.u32 v5, v49;
	vm1 =	vlt.s32 v12, v9  }
0x2fc: {  	v12 =	vor.u32 v4, v49;
	v11 =	vld.idx.msk [tilespmem:v11+s31+$0x0], $0xffff;
	v14 =	vadd.s32 v55, v15;
	v15 =	vsel vm1, $0x1, v8  }
0x2fd: {  	v57 =	vsel vm0, $0x1, v8;
	vm3 =	vlt.s32 v17, v9;
	v14 =	vadd.s32 v15, v14;
	v19 =	vld.idx.msk [tilespmem:v51+s31+$0x0], $0xffff  }
0x2fe: {  	vm0 =	vlt.s32 v13, v9;
	v15 =	vsel vm2, $0x1, v8;
	v13 =	vadd.s32 v57, v14;
	v14 =	vld.idx.msk [tilespmem:v52+s31+$0x0], $0xffff  }
0x2ff: {  	v58 =	vsel vm3, $0x1, v8;
	v18 =	vld.idx.msk [tilespmem:v53+s31+$0x0], $0xffff;
	v13 =	vadd.s32 v15, v13;
	v15 =	vor.u32 v7, v49  }
0x300: {  	vm1 =	vlt.s32 v10, v9;
	v59 =	vsel vm0, $0x1, v8;
	v10 =	vld.idx.msk [tilespmem:v54+s31+$0x0], $0xffff;
	v13 =	vadd.s32 v58, v13  }
0x301: {  	v60 =	vsel vm1, $0x1, v8;
	v12 =	vld.idx.msk [tilespmem:v12+s31+$0x0], $0xffff;
	vm0 =	vlt.s32 v11, v9;
	v13 =	vadd.s32 v59, v13  }
0x302: {  	v11 =	vld.idx.msk [tilespmem:v56+s31+$0x0], $0xffff;
	v61 =	vsel vm0, $0x1, v8;
	v13 =	vadd.s32 v60, v13;
	vm1 =	vlt.s32 v19, v9  }
0x303: {  	v62 =	vld.idx.msk [tilespmem:v22+s31+$0x0], $0xffff;
	v13 =	vadd.s32 v61, v13;
	vm0 =	vlt.s32 v14, v9;
	v63 =	vsel vm1, $0x1, v8  }
0x304: {  	v14 =	vld.idx.msk [tilespmem:v15+s31+$0x0], $0xffff;
	vm1 =	vlt.s32 v18, v9;
	v15 =	vsel vm0, $0x1, v8;
	v13 =	vadd.s32 v63, v13  }
0x305: {  	vm0 =	vlt.s32 v10, v9;
	v10 =	vsel vm1, $0x1, v8;
	v13 =	vadd.s32 v15, v13  }
0x306: {  	vm1 =	vlt.s32 v12, v9;
	v12 =	vsel vm0, $0x1, v8;
	v10 =	vadd.s32 v10, v13  }
0x307: {  	vm0 =	vlt.s32 v11, v9;
	v11 =	vsel vm1, $0x1, v8;
	v10 =	vadd.s32 v12, v10  }
0x308: {  	vm1 =	vlt.s32 v62, v9;
	v12 =	vsel vm0, $0x1, v8;
	v10 =	vadd.s32 v11, v10  }
0x309: {  	vm0 =	vlt.s32 v14, v9;
	v11 =	vsel vm1, $0x1, v8;
	v10 =	vadd.s32 v12, v10  }
0x30a: {  	v10 =	vadd.s32 v11, v10;
	v11 =	vsel vm0, $0x1, v8  }
0x30b: {  	v10 =	vadd.s32 v11, v10  }
0x30c: {  	(xrf0) =	vadd.scan.msk.s32 $0xffff, v10;
	_ =	sdelay $0x2  }
0x30d: {  	s4 =	simm.s32 $0x0  }
0x30e: {  	v11 =	vor.u32 s4, v0;
	_ =	sdelay $0x1  }
0x30f: {  	v10, _, _ =	vpop (xrf0)  }
0x310: {  	(v2sf) =	vpush v10, $0xF;
	_ =	sdelay $0x1  }
0x311: {  	v12 =	vld.idx.msk [tilespmem:v11+s31+$0x0], $0xffff;
	_ =	sdelay $0x4  }
0x312: {  	vm0 =	veq.s32 v12, v9  }
0x313: {  	v10 =	vsel vm0, $0x1, v8  }
0x314: {  	(xrf0) =	vadd.scan.msk.s32 $0xffff, v10;
	_ =	sdelay $0x4  }
0x315: {  	v10 =	vsel vm0, $0xFFFFFFFF, v8  }
0x316: {  	v13 =	vadd.s32 s4, v10;
	v14, _, _ =	vpop (xrf0);
	s5 =	spop (v2sf)  }
0x317: {  	v15 =	vadd.s32 v14, v13;
	v13 =	vld.idx.msk [tilespmem:v11+s28+$0x0], $0xffff;
	s5 =	ssub.s32 $0x1B3A, s5  }
0x318: {  	s11 =	simm.s32 $0x10;
	(v2sf) =	vpush v14, $0xF;
	v10 =	vmov s5  }
0x319: {  	vm1 =	vlt.s32 v12, v9;
	v12 =	vor.u32 s11, v0;
	s5 =	simm.s32 $0x20;
	vm2 =	vlt.s32 v15, v10  }
.LBB2_12:
0x31a: {  	p0 =	sne.s32 s5, $0x1FF0;
	vm0 =	vmand vm0, vm2  }
0x31b: {  	vm0 =	vmor vm1, vm0  }
0x31c: {  	v13 =	vsel vm0, $0x0, v13  }
0x31d: {  	[tilespmem:v11+s0+$0x0] =	vst.idx.msk $0xffff, v13;
	v11 =	vmov v12  }
0x31e: {  	v12 =	vld.idx.msk [tilespmem:v12+s31+$0x0], $0xffff;
	_ =	sdelay $0x5  }
0x31f: {  	vm0 =	veq.s32 v12, v9;
	vm1 =	vlt.s32 v12, v9  }
0x320: {  	v12 =	vsel vm0, $0xFFFFFFFF, v8;
	v13 =	vsel vm0, $0x1, v8  }
0x321: {  	(xrf0) =	vadd.scan.msk.s32 $0xffff, v13  }
0x322: {  	s6 =	spop (v2sf)  }
0x323: {  	s4 =	sadd.s32 s4, s6  }
0x324: {  	v12 =	vadd.s32 s4, v12  }
.Ltmp10:
0x325: {  	(pc) =	sbr.rel @p0 .LBB2_12-.Ltmp10, $4  }
0x326: {  	v13 =	vld.idx.msk [tilespmem:v11+s28+$0x0], $0xffff  }
0x327: {  	v14, _, _ =	vpop (xrf0)  }
0x328: {  	v15 =	vadd.s32 v14, v12;
	(v2sf) =	vpush v14, $0xF  }
0x329: {  	v12 =	vor.u32 s5, v0;
	s5 =	sadd.s32 $0x10, s5;
	vm2 =	vlt.s32 v15, v10  }
0x32a: {  	_ = 	snop  }
0x32b: {  	vm0 =	vmand vm0, vm2  }
0x32c: {  	vm0 =	vmor vm1, vm0  }
0x32d: {  	v13 =	vsel vm0, $0x0, v13  }
0x32e: {  	[tilespmem:v11+s0+$0x0] =	vst.idx.msk $0xffff, v13  }
0x32f: {  	v11 =	vld.idx.msk [tilespmem:v12+s31+$0x0], $0xffff;
	_ =	sdelay $0x4  }
0x330: {  	vm13 =	veq.s32 v11, v9  }
0x331: {  	v63 =	vsel vm13, $0x1, v8  }
0x332: {  	(xrf0) =	vadd.scan.msk.s32 $0xffff, v63;
	_ =	sdelay $0x5  }
0x333: {  	v13, _, _ =	vpop (xrf0)  }
0x334: {  	(v2sf) =	vpush v13, $0xF;
	_ =	sdelay $0x6  }
0x335: {  	s5 =	spop (v2sf)  }
0x336: {  	v14 =	vsel vm13, $0xFFFFFFFF, v8;
	s4 =	sadd.s32 s4, s5  }
0x337: {  	v15 =	vld.idx.msk [tilespmem:v12+s28+$0x0], $0xffff;
	v14 =	vadd.s32 s4, v14  }
0x338: {  	v13 =	vadd.s32 v13, v14  }
0x339: {  	vm14 =	vlt.s32 v13, v10  }
0x33a: {  	vm15 =	vlt.s32 v11, v9;
	vm0 =	vmand vm13, vm14  }
0x33b: {  	vm0 =	vmor vm15, vm0  }
0x33c: {  	v9 =	vsel vm0, $0x0, v15  }
0x33d: {  	[tilespmem:v12+s0+$0x0] =	vst.idx.msk $0xffff, v9;
	s11 =	spop (v2sf)  }
.LBB2_14:
0x33e: {  	s4 =	simm.s32 $0x0;
	s5 =	rddreg [dreg:$0xb]  }
0x33f: {  	[hbm4b:s5+s4] =	stream.linear.scatter [tilespmem:s0], [sflag:$0x2], $0x2000, $0x38;
	[tilespmem:$0x14000] =	vst v63  }
0x340: {  	_ =	swait.ge [sflag:s2], $0x2000  }
0x341: {  	[sflag:s2] =	ssyncset.done $0x0  }
0x342: {  	[sflag:s2] =	ssyncadd.s32 $0xFFFFE000  }
0x343: {  	[tilespmem:s4], [sflag:$0x1] =	stream.linear.gather [hbm4b:s12+s4], $0x2000, $0x38;
	[tilespmem:$0x14000] =	vst v63  }
0x344: {  	_ = 	snop  }
0x345: {  	[tilespmem:s22], [sflag:$0x1] =	stream.linear.gather [hbm4b:s13+s4], $0x2000, $0x38;
	[tilespmem:$0x14000] =	vst v63  }
0x346: {  	_ = 	snop  }
0x347: {  	[tilespmem:s23], [sflag:$0x1] =	stream.linear.gather [hbm4b:s14+s4], $0x2000, $0x38;
	[tilespmem:$0x14000] =	vst v63  }
0x348: {  	_ = 	snop  }
0x349: {  	[tilespmem:s24], [sflag:$0x1] =	stream.linear.gather [hbm4b:s15+s4], $0x2000, $0x38;
	[tilespmem:$0x14000] =	vst v63  }
0x34a: {  	_ = 	snop  }
0x34b: {  	[tilespmem:s25], [sflag:$0x1] =	stream.linear.gather [hbm4b:s16+s4], $0x2000, $0x38;
	[tilespmem:$0x14000] =	vst v63  }
0x34c: {  	_ = 	snop  }
0x34d: {  	[tilespmem:s26], [sflag:$0x1] =	stream.linear.gather [hbm4b:s17+s4], $0x2000, $0x38;
	[tilespmem:$0x14000] =	vst v63  }
0x34e: {  	_ = 	snop  }
0x34f: {  	[tilespmem:s28], [sflag:$0x1] =	stream.linear.gather [hbm4b:s18+s4], $0x2000, $0x38;
	[tilespmem:$0x14000] =	vst v63  }
0x350: {  	_ = 	snop  }
0x351: {  	[tilespmem:s29], [sflag:$0x1] =	stream.linear.gather [hbm4b:s19+s4], $0x2000, $0x38;
	[tilespmem:$0x14000] =	vst v63  }
0x352: {  	_ =	swait.ge [sflag:s30], $0x2000  }
0x353: {  	[sflag:s30] =	ssyncset.done $0x0  }
0x354: {  	[sflag:s30] =	ssyncadd.s32 $0xFFFFE000  }
0x355: {  	_ =	swait.ge [sflag:s30], $0x2000  }
0x356: {  	[sflag:s30] =	ssyncset.done $0x0  }
0x357: {  	[sflag:s30] =	ssyncadd.s32 $0xFFFFE000  }
0x358: {  	_ =	swait.ge [sflag:s30], $0x2000  }
0x359: {  	[sflag:s30] =	ssyncset.done $0x0  }
0x35a: {  	[sflag:s30] =	ssyncadd.s32 $0xFFFFE000  }
0x35b: {  	_ =	swait.ge [sflag:s30], $0x2000  }
0x35c: {  	[sflag:s30] =	ssyncset.done $0x0  }
0x35d: {  	[sflag:s30] =	ssyncadd.s32 $0xFFFFE000  }
0x35e: {  	_ =	swait.ge [sflag:s30], $0x2000  }
0x35f: {  	[sflag:s30] =	ssyncset.done $0x0  }
0x360: {  	v9 =	vmov s4;
	[sflag:s30] =	ssyncadd.s32 $0xFFFFE000  }
0x361: {  	v9 =	vshrl.u32 v9, $0x7;
	_ =	swait.ge [sflag:s30], $0x2000  }
0x362: {  	v9 =	vshll.u32 v9, $0x7;
	[sflag:s30] =	ssyncset.done $0x0  }
0x363: {  	v22 =	vbroadcast v9, $0x0;
	[sflag:s30] =	ssyncadd.s32 $0xFFFFE000  }
0x364: {  	_ =	swait.ge [sflag:s30], $0x2000  }
0x365: {  	v9 =	vor.u32 v7, v22;
	[sflag:s30] =	ssyncset.done $0x0  }
0x366: {  	[sflag:s30] =	ssyncadd.s32 $0xFFFFE000  }
0x367: {  	v10 =	vor.u32 v6, v22;
	_ =	swait.ge [sflag:s30], $0x2000  }
0x368: {  	[sflag:s30] =	ssyncset.done $0x0  }
0x369: {  	v15 =	vor.u32 v5, v22;
	[sflag:s30] =	ssyncadd.s32 $0xFFFFE000  }
0x36a: {  	v13 =	vld.idx.msk [tilespmem:v9+s24+$0x0], $0xffff  }
0x36b: {  	v18 =	vor.u32 v4, v22;
	v14 =	vld.idx.msk [tilespmem:v9+s25+$0x0], $0xffff  }
0x36c: {  	v11 =	vld.idx.msk [tilespmem:v10+s24+$0x0], $0xffff  }
0x36d: {  	v21 =	vor.u32 v3, v22;
	v12 =	vld.idx.msk [tilespmem:v10+s25+$0x0], $0xffff  }
0x36e: {  	v16 =	vld.idx.msk [tilespmem:v15+s24+$0x0], $0xffff  }
0x36f: {  	v25 =	vor.u32 v2, v22;
	v17 =	vld.idx.msk [tilespmem:v15+s25+$0x0], $0xffff  }
0x370: {  	v23 =	vimm.f32 $0.0e+00;
	v26 =	vimm.f32 $0.0e+00;
	v19 =	vld.idx.msk [tilespmem:v18+s24+$0x0], $0xffff  }
0x371: {  	v24 =	vimm.f32 $0.0e+00;
	v28 =	vimm.f32 $0.0e+00;
	v27 =	vor.u32 v1, v22;
	s4 =	simm.s32 $0x80;
	v20 =	vld.idx.msk [tilespmem:v18+s25+$0x0], $0xffff  }
.LBB2_15:
0x372: {  	p0 =	sne.s32 s4, $0x1F80;
	v29 =	vld.idx.msk [tilespmem:v21+s24+$0x0], $0xffff  }
0x373: {  	v22 =	vor.u32 v0, v22;
	v30 =	vld.idx.msk [tilespmem:v21+s25+$0x0], $0xffff  }
0x374: {  	v31 =	vld.idx.msk [tilespmem:v25+s24+$0x0], $0xffff  }
0x375: {  	v32 =	vld.idx.msk [tilespmem:v25+s25+$0x0], $0xffff  }
0x376: {  	v33 =	vld.idx.msk [tilespmem:v27+s24+$0x0], $0xffff  }
0x377: {  	v34 =	vld.idx.msk [tilespmem:v27+s25+$0x0], $0xffff  }
0x378: {  	v35 =	vld.idx.msk [tilespmem:v22+s24+$0x0], $0xffff  }
0x379: {  	v36 =	vld.idx.msk [tilespmem:v22+s25+$0x0], $0xffff  }
0x37a: {  	v37 =	vld.idx.msk [tilespmem:v22+s26+$0x0], $0xffff  }
0x37b: {  	v22 =	vld.idx.msk [tilespmem:v22+s29+$0x0], $0xffff  }
0x37c: {  	v38 =	vld.idx.msk [tilespmem:v27+s26+$0x0], $0xffff  }
0x37d: {  	v27 =	vld.idx.msk [tilespmem:v27+s29+$0x0], $0xffff  }
0x37e: {  	v39 =	vld.idx.msk [tilespmem:v25+s26+$0x0], $0xffff  }
0x37f: {  	v25 =	vld.idx.msk [tilespmem:v25+s29+$0x0], $0xffff  }
0x380: {  	v40 =	vmov s4;
	v23 =	vadd.f32 v35, v23;
	v26 =	vadd.f32 v36, v26;
	v35 =	vld.idx.msk [tilespmem:v21+s26+$0x0], $0xffff  }
0x381: {  	v36 =	vshrl.u32 v40, $0x7;
	v24 =	vadd.f32 v37, v24;
	v28 =	vadd.f32 v22, v28;
	v21 =	vld.idx.msk [tilespmem:v21+s29+$0x0], $0xffff  }
0x382: {  	v23 =	vadd.f32 v33, v23;
	v22 =	vshll.u32 v36, $0x7;
	v26 =	vadd.f32 v34, v26;
	v33 =	vld.idx.msk [tilespmem:v18+s26+$0x0], $0xffff  }
0x383: {  	v22 =	vbroadcast v22, $0x0;
	v24 =	vadd.f32 v38, v24;
	v27 =	vadd.f32 v27, v28;
	v18 =	vld.idx.msk [tilespmem:v18+s29+$0x0], $0xffff  }
0x384: {  	v23 =	vadd.f32 v31, v23;
	v26 =	vadd.f32 v32, v26;
	v28 =	vld.idx.msk [tilespmem:v15+s26+$0x0], $0xffff  }
0x385: {  	v31 =	vor.u32 v7, v22;
	v24 =	vadd.f32 v39, v24;
	v25 =	vadd.f32 v25, v27;
	v27 =	vld.idx.msk [tilespmem:v15+s29+$0x0], $0xffff  }
0x386: {  	v15 =	vadd.f32 v29, v23;
	v23 =	vadd.f32 v30, v26;
	v26 =	vld.idx.msk [tilespmem:v10+s26+$0x0], $0xffff  }
0x387: {  	v24 =	vadd.f32 v35, v24;
	v21 =	vadd.f32 v21, v25;
	v25 =	vld.idx.msk [tilespmem:v10+s29+$0x0], $0xffff;
	v10 =	vor.u32 v6, v22  }
0x388: {  	v19 =	vadd.f32 v19, v15;
	v20 =	vadd.f32 v20, v23;
	v29 =	vld.idx.msk [tilespmem:v9+s26+$0x0], $0xffff  }
0x389: {  	v15 =	vor.u32 v5, v22;
	v23 =	vadd.f32 v33, v24;
	v21 =	vadd.f32 v18, v21;
	v30 =	vld.idx.msk [tilespmem:v9+s29+$0x0], $0xffff  }
0x38a: {  	v16 =	vadd.f32 v16, v19;
	v17 =	vadd.f32 v17, v20;
	v9 =	vmov v31;
	v32 =	vld.idx.msk [tilespmem:v31+s24+$0x0], $0xffff  }
0x38b: {  	v18 =	vor.u32 v4, v22;
	v19 =	vadd.f32 v28, v23;
	v20 =	vadd.f32 v27, v21;
	v31 =	vld.idx.msk [tilespmem:v31+s25+$0x0], $0xffff  }
0x38c: {  	v23 =	vadd.f32 v11, v16;
	v17 =	vadd.f32 v12, v17;
	v11 =	vld.idx.msk [tilespmem:v10+s24+$0x0], $0xffff  }
.Ltmp11:
0x38d: {  	v21 =	vor.u32 v3, v22;
	v19 =	vadd.f32 v26, v19;
	v20 =	vadd.f32 v25, v20;
	v12 =	vld.idx.msk [tilespmem:v10+s25+$0x0], $0xffff;
	(pc) =	sbr.rel @p0 .LBB2_15-.Ltmp11, $4  }
0x38e: {  	v23 =	vadd.f32 v13, v23;
	v26 =	vadd.f32 v14, v17;
	v16 =	vld.idx.msk [tilespmem:v15+s24+$0x0], $0xffff  }
0x38f: {  	v25 =	vor.u32 v2, v22;
	v24 =	vadd.f32 v29, v19;
	v28 =	vadd.f32 v30, v20;
	v17 =	vld.idx.msk [tilespmem:v15+s25+$0x0], $0xffff  }
0x390: {  	v13 =	vmov v32;
	v19 =	vld.idx.msk [tilespmem:v18+s24+$0x0], $0xffff  }
0x391: {  	s4 =	sadd.s32 $0x80, s4;
	v27 =	vor.u32 v1, v22;
	v14 =	vmov v31;
	v20 =	vld.idx.msk [tilespmem:v18+s25+$0x0], $0xffff  }
0x392: {  	v22 =	vor.u32 v0, v22;
	_ =	sdelay $0x4  }
0x393: {  	v30 =	vld.idx.msk [tilespmem:v22+s29+$0x0], $0xffff;
	_ =	sdelay $0x1  }
0x394: {  	v32 =	vld.idx.msk [tilespmem:v27+s29+$0x0], $0xffff  }
0x395: {  	v29 =	vld.idx.msk [tilespmem:v21+s24+$0x0], $0xffff  }
0x396: {  	v34 =	vld.idx.msk [tilespmem:v25+s29+$0x0], $0xffff  }
0x397: {  	v31 =	vld.idx.msk [tilespmem:v25+s24+$0x0], $0xffff;
	v28 =	vadd.f32 v30, v28  }
0x398: {  	v52 =	vld.idx.msk [tilespmem:v21+s29+$0x0], $0xffff  }
0x399: {  	v35 =	vld.idx.msk [tilespmem:v27+s24+$0x0], $0xffff;
	v28 =	vadd.f32 v32, v28  }
0x39a: {  	v53 =	vld.idx.msk [tilespmem:v18+s29+$0x0], $0xffff  }
0x39b: {  	v54 =	vld.idx.msk [tilespmem:v15+s29+$0x0], $0xffff;
	v28 =	vadd.f32 v34, v28  }
0x39c: {  	v37 =	vld.idx.msk [tilespmem:v22+s24+$0x0], $0xffff  }
0x39d: {  	v36 =	vld.idx.msk [tilespmem:v27+s25+$0x0], $0xffff;
	v28 =	vadd.f32 v52, v28  }
0x39e: {  	v55 =	vld.idx.msk [tilespmem:v10+s29+$0x0], $0xffff  }
0x39f: {  	v38 =	vld.idx.msk [tilespmem:v22+s25+$0x0], $0xffff;
	v28 =	vadd.f32 v53, v28  }
0x3a0: {  	v56 =	vld.idx.msk [tilespmem:v9+s29+$0x0], $0xffff  }
0x3a1: {  	v22 =	vld.idx.msk [tilespmem:v22+s26+$0x0], $0xffff;
	v23 =	vadd.f32 v37, v23;
	v28 =	vadd.f32 v54, v28  }
0x3a2: {  	v33 =	vld.idx.msk [tilespmem:v25+s25+$0x0], $0xffff  }
0x3a3: {  	v57 =	vld.idx.msk [tilespmem:v27+s26+$0x0], $0xffff;
	v23 =	vadd.f32 v35, v23;
	v28 =	vadd.f32 v55, v28  }
0x3a4: {  	v58 =	vld.idx.msk [tilespmem:v21+s25+$0x0], $0xffff;
	v26 =	vadd.f32 v38, v26  }
0x3a5: {  	v59 =	vld.idx.msk [tilespmem:v25+s26+$0x0], $0xffff;
	v23 =	vadd.f32 v31, v23;
	v62 =	vadd.f32 v56, v28  }
0x3a6: {  	v22 =	vadd.f32 v22, v24;
	v60 =	vadd.f32 v36, v26  }
0x3a7: {  	v61 =	vld.idx.msk [tilespmem:v21+s26+$0x0], $0xffff;
	v23 =	vadd.f32 v29, v23;
	(xrf2) =	vadd.scan.msk.f32 $0xffff, v62  }
0x3a8: {  	v22 =	vadd.f32 v57, v22;
	v24 =	vadd.f32 v33, v60  }
0x3a9: {  	v18 =	vld.idx.msk [tilespmem:v18+s26+$0x0], $0xffff;
	v19 =	vadd.f32 v19, v23  }
0x3aa: {  	v22 =	vadd.f32 v59, v22;
	v24 =	vadd.f32 v58, v24  }
0x3ab: {  	v15 =	vld.idx.msk [tilespmem:v15+s26+$0x0], $0xffff;
	v16 =	vadd.f32 v16, v19  }
0x3ac: {  	v21 =	vadd.f32 v61, v22;
	v20 =	vadd.f32 v20, v24  }
0x3ad: {  	v10 =	vld.idx.msk [tilespmem:v10+s26+$0x0], $0xffff;
	v11 =	vadd.f32 v11, v16  }
0x3ae: {  	v18 =	vadd.f32 v18, v21;
	v17 =	vadd.f32 v17, v20  }
0x3af: {  	v9 =	vld.idx.msk [tilespmem:v9+s26+$0x0], $0xffff;
	v11 =	vadd.f32 v13, v11  }
0x3b0: {  	v15 =	vadd.f32 v15, v18;
	v12 =	vadd.f32 v12, v17  }
0x3b1: {  	v13, _, _ =	vpop (xrf2);
	(xrf2) =	vadd.scan.msk.f32 $0xffff, v11  }
0x3b2: {  	s4 =	simm.s32 $0x0;
	v10 =	vadd.f32 v10, v15;
	v12 =	vadd.f32 v14, v12  }
0x3b3: {  	v11 =	vmov s4  }
0x3b4: {  	v9 =	vadd.f32 v9, v10;
	v10 =	vbroadcast v13, $0xF;
	(xrf2) =	vadd.scan.msk.f32 $0xffff, v12;
	v11 =	vshrl.u32 v11, $0x7  }
0x3b5: {  	v11 =	vshll.u32 v11, $0x7  }
0x3b6: {  	(xrf2) =	vadd.scan.msk.f32 $0xffff, v9;
	(erf) = vrcp.f32 v10;
	v12 =	vbroadcast v11, $0x0;
	_ =	sdelay $0x1  }
0x3b7: {  	v13 =	vor.u32 v0, v12;
	_ =	sdelay $0x2  }
0x3b8: {  	v9, _, _ =	vpop (xrf2)  }
0x3b9: {  	v9 =	vbroadcast v9, $0xF  }
0x3ba: {  	v14 =	vld.idx.msk [tilespmem:v13+s1+$0x0], $0xffff  }
0x3bb: {  	v15 =	vld.idx.msk [tilespmem:v13+s22+$0x0], $0xffff;
	v10, _, _ =	vpop (xrf2)  }
0x3bc: {  	v16 =	vpop (erf);
	v11 =	vbroadcast v10, $0xF  }
0x3bd: {  	v17 =	vld.idx.msk [tilespmem:v13+s23+$0x0], $0xffff;
	v10 =	vmul.f32 v16, v9;
	v9, _, _ =	vpop (xrf2)  }
0x3be: {  	v11 =	vmul.f32 v16, v11;
	v9 =	vbroadcast v9, $0xF;
	_ =	sdelay $0x1  }
0x3bf: {  	v14 =	vsub.f32 v10, v14;
	v15 =	vsub.f32 v11, v15;
	v9 =	vmul.f32 v16, v9  }
0x3c0: {  	v16 =	vld.idx.msk [tilespmem:v13+s28+$0x0], $0xffff  }
0x3c1: {  	v14 =	vmul.f32 v14, v14;
	v15 =	vmul.f32 v15, v15;
	v17 =	vsub.f32 v9, v17;
	_ =	sdelay $0x1  }
0x3c2: {  	v14 =	vadd.f32 v15, v14;
	v15 =	vmul.f32 v17, v17;
	_ =	sdelay $0x1  }
0x3c3: {  	v14 =	vadd.f32 v15, v14;
	v15 =	vsub.f32 $1.000000000e+00, v16;
	_ =	sdelay $0x1  }
0x3c4: {  	v16 =	vor.u32 v1, v12;
	v14 =	vadd.f32 $9.999999960e-13, v14;
	v15 =	vmul.f32 $1.000000000e+10, v15;
	_ =	sdelay $0x1  }
0x3c5: {  	v14 =	vadd.f32 v14, v15;
	_ =	sdelay $0x1  }
0x3c6: {  	[tilespmem:v13+s31+$0x0] =	vst.idx.msk $0xffff, v14  }
0x3c7: {  	v13 =	vld.idx.msk [tilespmem:v16+s1+$0x0], $0xffff  }
0x3c8: {  	v15 =	vld.idx.msk [tilespmem:v16+s22+$0x0], $0xffff;
	_ =	sdelay $0x1  }
0x3c9: {  	v17 =	vld.idx.msk [tilespmem:v16+s23+$0x0], $0xffff;
	_ =	sdelay $0x2  }
0x3ca: {  	v13 =	vsub.f32 v10, v13;
	v15 =	vsub.f32 v11, v15  }
0x3cb: {  	v18 =	vld.idx.msk [tilespmem:v16+s28+$0x0], $0xffff  }
0x3cc: {  	v17 =	vsub.f32 v9, v17;
	v13 =	vmul.f32 v13, v13;
	v15 =	vmul.f32 v15, v15;
	_ =	sdelay $0x1  }
0x3cd: {  	v13 =	vadd.f32 v15, v13;
	v15 =	vmul.f32 v17, v17;
	_ =	sdelay $0x1  }
0x3ce: {  	v13 =	vadd.f32 v15, v13;
	v15 =	vsub.f32 $1.000000000e+00, v18;
	_ =	sdelay $0x1  }
0x3cf: {  	v17 =	vor.u32 v2, v12;
	v13 =	vadd.f32 $9.999999960e-13, v13;
	v15 =	vmul.f32 $1.000000000e+10, v15;
	_ =	sdelay $0x1  }
0x3d0: {  	v15 =	vadd.f32 v13, v15;
	_ =	sdelay $0x1  }
0x3d1: {  	[tilespmem:v16+s31+$0x0] =	vst.idx.msk $0xffff, v15  }
0x3d2: {  	v13 =	vld.idx.msk [tilespmem:v17+s1+$0x0], $0xffff  }
0x3d3: {  	v16 =	vld.idx.msk [tilespmem:v17+s22+$0x0], $0xffff;
	_ =	sdelay $0x1  }
0x3d4: {  	v18 =	vld.idx.msk [tilespmem:v17+s23+$0x0], $0xffff;
	_ =	sdelay $0x2  }
0x3d5: {  	v13 =	vsub.f32 v10, v13;
	v16 =	vsub.f32 v11, v16;
	_ =	sdelay $0x1  }
0x3d6: {  	v19 =	vld.idx.msk [tilespmem:v17+s28+$0x0], $0xffff;
	v18 =	vsub.f32 v9, v18;
	v13 =	vmul.f32 v13, v13;
	v16 =	vmul.f32 v16, v16;
	_ =	sdelay $0x1  }
0x3d7: {  	v13 =	vadd.f32 v16, v13;
	v16 =	vmul.f32 v18, v18  }
0x3d8: {  	v63 =	vimm.s32 $0x0;
	v20 =	vimm.s32 $0x7F800000  }
0x3d9: {  	vm0 =	vlt.s32 v20, v14;
	vm1 =	vgt.s32 v63, v14;
	v13 =	vadd.f32 v16, v13  }
0x3da: {  	v18 =	vsel vm0, v20, v14;
	v14 =	vsel vm1, v63, v14;
	v16 =	vsub.f32 $1.000000000e+00, v19  }
0x3db: {  	vm0 =	vlt.s32 v18, v15;
	vm1 =	vgt.s32 v14, v15;
	v20 =	vadd.f32 $9.999999960e-13, v13  }
0x3dc: {  	s11 =	simm.s32 $0x80;
	v16 =	vmul.f32 $1.000000000e+10, v16;
	v13 =	vsel vm0, v18, v15;
	v18 =	vor.u32 v3, v12  }
0x3dd: {  	v14 =	vsel vm1, v14, v15;
	v15 =	vmov s11  }
0x3de: {  	s4 =	simm.s32 $0x100;
	v19 =	vshrl.u32 v15, $0x7;
	v15 =	vadd.f32 v20, v16  }
.LBB2_17:
0x3df: {  	p0 =	sne.s32 s4, $0x1F80;
	v16 =	vshll.u32 v19, $0x7;
	s5 =	smov.u32 s4;
	s4 =	sadd.s32 $0x80, s4  }
0x3e0: {  	v16 =	vbroadcast v16, $0x0;
	[tilespmem:v17+s31+$0x0] =	vst.idx.msk $0xffff, v15;
	vm0 =	vlt.s32 v13, v15;
	vm1 =	vgt.s32 v14, v15  }
0x3e1: {  	v17 =	vsel vm1, v14, v15;
	v19 =	vld.idx.msk [tilespmem:v18+s1+$0x0], $0xffff  }
0x3e2: {  	v14 =	vor.u32 v0, v16;
	v20 =	vld.idx.msk [tilespmem:v18+s22+$0x0], $0xffff;
	_ =	sdelay $0x1  }
0x3e3: {  	v21 =	vld.idx.msk [tilespmem:v18+s23+$0x0], $0xffff;
	_ =	sdelay $0x2  }
0x3e4: {  	v19 =	vsub.f32 v10, v19  }
0x3e5: {  	v20 =	vsub.f32 v11, v20;
	v22 =	vld.idx.msk [tilespmem:v18+s28+$0x0], $0xffff  }
0x3e6: {  	v19 =	vmul.f32 v19, v19  }
0x3e7: {  	v21 =	vsub.f32 v9, v21;
	v20 =	vmul.f32 v20, v20;
	_ =	sdelay $0x1  }
0x3e8: {  	v19 =	vadd.f32 v20, v19;
	v20 =	vmul.f32 v21, v21;
	_ =	sdelay $0x1  }
0x3e9: {  	v19 =	vadd.f32 v20, v19;
	v20 =	vsub.f32 $1.000000000e+00, v22;
	_ =	sdelay $0x1  }
0x3ea: {  	v21 =	vor.u32 v4, v12;
	v19 =	vadd.f32 $9.999999960e-13, v19;
	v20 =	vmul.f32 $1.000000000e+10, v20;
	_ =	sdelay $0x1  }
0x3eb: {  	v19 =	vadd.f32 v19, v20  }
0x3ec: {  	v13 =	vsel vm0, v13, v15  }
0x3ed: {  	vm0 =	vlt.s32 v13, v19;
	[tilespmem:v18+s31+$0x0] =	vst.idx.msk $0xffff, v19  }
0x3ee: {  	v15 =	vld.idx.msk [tilespmem:v21+s1+$0x0], $0xffff  }
0x3ef: {  	v18 =	vld.idx.msk [tilespmem:v21+s22+$0x0], $0xffff;
	_ =	sdelay $0x1  }
0x3f0: {  	v20 =	vld.idx.msk [tilespmem:v21+s23+$0x0], $0xffff;
	_ =	sdelay $0x2  }
0x3f1: {  	v15 =	vsub.f32 v10, v15  }
0x3f2: {  	v18 =	vsub.f32 v11, v18;
	v22 =	vld.idx.msk [tilespmem:v21+s28+$0x0], $0xffff  }
0x3f3: {  	v15 =	vmul.f32 v15, v15  }
0x3f4: {  	v20 =	vsub.f32 v9, v20;
	v18 =	vmul.f32 v18, v18;
	_ =	sdelay $0x1  }
0x3f5: {  	v15 =	vadd.f32 v18, v15;
	v18 =	vmul.f32 v20, v20;
	_ =	sdelay $0x1  }
0x3f6: {  	v15 =	vadd.f32 v18, v15;
	v18 =	vsub.f32 $1.000000000e+00, v22;
	_ =	sdelay $0x1  }
0x3f7: {  	v20 =	vor.u32 v5, v12;
	v15 =	vadd.f32 $9.999999960e-13, v15;
	v18 =	vmul.f32 $1.000000000e+10, v18;
	_ =	sdelay $0x1  }
0x3f8: {  	vm1 =	vgt.s32 v17, v19;
	v15 =	vadd.f32 v15, v18  }
0x3f9: {  	v13 =	vsel vm0, v13, v19;
	v17 =	vsel vm1, v17, v19  }
0x3fa: {  	vm0 =	vlt.s32 v13, v15;
	vm1 =	vgt.s32 v17, v15;
	[tilespmem:v21+s31+$0x0] =	vst.idx.msk $0xffff, v15  }
0x3fb: {  	v13 =	vsel vm0, v13, v15;
	v15 =	vsel vm1, v17, v15;
	v17 =	vld.idx.msk [tilespmem:v20+s1+$0x0], $0xffff  }
0x3fc: {  	v18 =	vld.idx.msk [tilespmem:v20+s22+$0x0], $0xffff  }
0x3fd: {  	v19 =	vld.idx.msk [tilespmem:v20+s23+$0x0], $0xffff  }
0x3fe: {  	v21 =	vld.idx.msk [tilespmem:v20+s28+$0x0], $0xffff;
	_ =	sdelay $0x2  }
0x3ff: {  	v17 =	vsub.f32 v10, v17  }
0x400: {  	v18 =	vsub.f32 v11, v18  }
0x401: {  	v19 =	vsub.f32 v9, v19;
	v17 =	vmul.f32 v17, v17  }
0x402: {  	v18 =	vmul.f32 v18, v18;
	v21 =	vsub.f32 $1.000000000e+00, v21;
	_ =	sdelay $0x1  }
0x403: {  	v17 =	vadd.f32 v18, v17;
	v18 =	vmul.f32 v19, v19;
	_ =	sdelay $0x1  }
0x404: {  	v17 =	vadd.f32 v18, v17;
	_ =	sdelay $0x1  }
0x405: {  	v19 =	vor.u32 v6, v12;
	v18 =	vmul.f32 $1.000000000e+10, v21;
	v17 =	vadd.f32 $9.999999960e-13, v17;
	_ =	sdelay $0x1  }
0x406: {  	v17 =	vadd.f32 v17, v18;
	_ =	sdelay $0x1  }
0x407: {  	vm0 =	vlt.s32 v13, v17;
	vm1 =	vgt.s32 v15, v17;
	[tilespmem:v20+s31+$0x0] =	vst.idx.msk $0xffff, v17  }
0x408: {  	v13 =	vsel vm0, v13, v17;
	v15 =	vsel vm1, v15, v17;
	v17 =	vld.idx.msk [tilespmem:v19+s1+$0x0], $0xffff  }
0x409: {  	v18 =	vld.idx.msk [tilespmem:v19+s22+$0x0], $0xffff  }
0x40a: {  	v20 =	vld.idx.msk [tilespmem:v19+s23+$0x0], $0xffff  }
0x40b: {  	v21 =	vld.idx.msk [tilespmem:v19+s28+$0x0], $0xffff;
	_ =	sdelay $0x2  }
0x40c: {  	v17 =	vsub.f32 v10, v17  }
0x40d: {  	v18 =	vsub.f32 v11, v18  }
0x40e: {  	v20 =	vsub.f32 v9, v20  }
0x40f: {  	v17 =	vmul.f32 v17, v17;
	v18 =	vmul.f32 v18, v18;
	v21 =	vsub.f32 $1.000000000e+00, v21;
	_ =	sdelay $0x1  }
0x410: {  	v17 =	vadd.f32 v18, v17;
	v18 =	vmul.f32 v20, v20;
	_ =	sdelay $0x1  }
0x411: {  	v17 =	vadd.f32 v18, v17;
	_ =	sdelay $0x1  }
0x412: {  	v20 =	vor.u32 v7, v12;
	v12 =	vmovc v16;
	v18 =	vmul.f32 $1.000000000e+10, v21;
	v17 =	vadd.f32 $9.999999960e-13, v17;
	_ =	sdelay $0x1  }
0x413: {  	v16 =	vadd.f32 v17, v18;
	_ =	sdelay $0x1  }
0x414: {  	vm0 =	vlt.s32 v13, v16;
	vm1 =	vgt.s32 v15, v16;
	[tilespmem:v19+s31+$0x0] =	vst.idx.msk $0xffff, v16  }
0x415: {  	v17 =	vld.idx.msk [tilespmem:v20+s1+$0x0], $0xffff  }
0x416: {  	v18 =	vld.idx.msk [tilespmem:v20+s22+$0x0], $0xffff  }
0x417: {  	v19 =	vld.idx.msk [tilespmem:v20+s23+$0x0], $0xffff  }
0x418: {  	v21 =	vld.idx.msk [tilespmem:v20+s28+$0x0], $0xffff;
	_ =	sdelay $0x2  }
0x419: {  	v17 =	vsub.f32 v10, v17  }
0x41a: {  	v18 =	vsub.f32 v11, v18  }
0x41b: {  	v19 =	vsub.f32 v9, v19;
	v17 =	vmul.f32 v17, v17  }
0x41c: {  	v18 =	vmul.f32 v18, v18;
	v21 =	vsub.f32 $1.000000000e+00, v21  }
0x41d: {  	v19 =	vmul.f32 v19, v19  }
0x41e: {  	v17 =	vadd.f32 v18, v17;
	_ =	sdelay $0x1  }
0x41f: {  	v17 =	vadd.f32 v19, v17  }
0x420: {  	v18 =	vmul.f32 $1.000000000e+10, v21  }
0x421: {  	v17 =	vadd.f32 $9.999999960e-13, v17;
	_ =	sdelay $0x1  }
0x422: {  	v13 =	vsel vm0, v13, v16;
	v15 =	vsel vm1, v15, v16;
	v16 =	vadd.f32 v17, v18;
	_ =	sdelay $0x1  }
0x423: {  	vm0 =	vlt.s32 v13, v16;
	vm1 =	vgt.s32 v15, v16;
	[tilespmem:v20+s31+$0x0] =	vst.idx.msk $0xffff, v16  }
0x424: {  	v13 =	vsel vm0, v13, v16;
	v15 =	vsel vm1, v15, v16;
	v17 =	vld.idx.msk [tilespmem:v14+s1+$0x0], $0xffff  }
0x425: {  	v16 =	vld.idx.msk [tilespmem:v14+s22+$0x0], $0xffff;
	_ =	sdelay $0x1  }
0x426: {  	v18 =	vld.idx.msk [tilespmem:v14+s23+$0x0], $0xffff;
	_ =	sdelay $0x2  }
0x427: {  	v17 =	vsub.f32 v10, v17  }
0x428: {  	v16 =	vsub.f32 v11, v16;
	v19 =	vld.idx.msk [tilespmem:v14+s28+$0x0], $0xffff;
	_ =	sdelay $0x1  }
0x429: {  	v17 =	vmul.f32 v17, v17;
	v18 =	vsub.f32 v9, v18;
	v16 =	vmul.f32 v16, v16;
	_ =	sdelay $0x1  }
0x42a: {  	v16 =	vadd.f32 v16, v17;
	v17 =	vmul.f32 v18, v18;
	_ =	sdelay $0x1  }
0x42b: {  	v16 =	vadd.f32 v17, v16;
	v17 =	vsub.f32 $1.000000000e+00, v19;
	_ =	sdelay $0x1  }
0x42c: {  	v18 =	vor.u32 v1, v12;
	v16 =	vadd.f32 $9.999999960e-13, v16;
	v17 =	vmul.f32 $1.000000000e+10, v17;
	_ =	sdelay $0x1  }
0x42d: {  	v16 =	vadd.f32 v16, v17;
	_ =	sdelay $0x1  }
0x42e: {  	vm0 =	vlt.s32 v13, v16;
	vm1 =	vgt.s32 v15, v16;
	[tilespmem:v14+s31+$0x0] =	vst.idx.msk $0xffff, v16  }
0x42f: {  	v14 =	vsel vm1, v15, v16;
	v15 =	vld.idx.msk [tilespmem:v18+s1+$0x0], $0xffff  }
0x430: {  	v17 =	vld.idx.msk [tilespmem:v18+s22+$0x0], $0xffff;
	_ =	sdelay $0x1  }
0x431: {  	v19 =	vld.idx.msk [tilespmem:v18+s23+$0x0], $0xffff;
	_ =	sdelay $0x2  }
0x432: {  	v15 =	vsub.f32 v10, v15  }
0x433: {  	v17 =	vsub.f32 v11, v17;
	v20 =	vld.idx.msk [tilespmem:v18+s28+$0x0], $0xffff  }
0x434: {  	v15 =	vmul.f32 v15, v15  }
0x435: {  	v19 =	vsub.f32 v9, v19;
	v17 =	vmul.f32 v17, v17;
	_ =	sdelay $0x1  }
0x436: {  	v15 =	vadd.f32 v17, v15;
	v17 =	vmul.f32 v19, v19;
	_ =	sdelay $0x1  }
0x437: {  	v15 =	vadd.f32 v17, v15;
	v17 =	vsub.f32 $1.000000000e+00, v20;
	_ =	sdelay $0x1  }
0x438: {  	v15 =	vadd.f32 $9.999999960e-13, v15;
	v19 =	vmul.f32 $1.000000000e+10, v17;
	v17 =	vor.u32 v2, v12;
	_ =	sdelay $0x1  }
0x439: {  	v15 =	vadd.f32 v15, v19  }
0x43a: {  	v13 =	vsel vm0, v13, v16  }
0x43b: {  	vm0 =	vlt.s32 v13, v15;
	vm1 =	vgt.s32 v14, v15;
	[tilespmem:v18+s31+$0x0] =	vst.idx.msk $0xffff, v15  }
0x43c: {  	v13 =	vsel vm0, v13, v15;
	v14 =	vsel vm1, v14, v15;
	v15 =	vld.idx.msk [tilespmem:v17+s1+$0x0], $0xffff  }
0x43d: {  	v16 =	vld.idx.msk [tilespmem:v17+s22+$0x0], $0xffff;
	_ =	sdelay $0x1  }
0x43e: {  	v18 =	vld.idx.msk [tilespmem:v17+s23+$0x0], $0xffff;
	_ =	sdelay $0x2  }
0x43f: {  	v15 =	vsub.f32 v10, v15  }
0x440: {  	v16 =	vsub.f32 v11, v16;
	v19 =	vld.idx.msk [tilespmem:v17+s28+$0x0], $0xffff;
	_ =	sdelay $0x1  }
0x441: {  	v15 =	vmul.f32 v15, v15;
	v18 =	vsub.f32 v9, v18;
	v16 =	vmul.f32 v16, v16;
	_ =	sdelay $0x1  }
0x442: {  	v15 =	vadd.f32 v16, v15;
	v16 =	vmul.f32 v18, v18;
	_ =	sdelay $0x1  }
.Ltmp12:
0x443: {  	v15 =	vadd.f32 v16, v15;
	v16 =	vsub.f32 $1.000000000e+00, v19;
	(pc) =	sbr.rel @p0 .LBB2_17-.Ltmp12, $4  }
0x444: {  	_ = 	snop  }
0x445: {  	v18 =	vor.u32 v3, v12;
	v15 =	vadd.f32 $9.999999960e-13, v15;
	v16 =	vmul.f32 $1.000000000e+10, v16  }
0x446: {  	v19 =	vmov s5  }
0x447: {  	v19 =	vshrl.u32 v19, $0x7;
	v15 =	vadd.f32 v15, v16  }
0x448: {  	_ =	sdelay $0x3  }
0x449: {  	[tilespmem:v17+s31+$0x0] =	vst.idx.msk $0xffff, v15  }
0x44a: {  	v16 =	vld.idx.msk [tilespmem:v18+s1+$0x0], $0xffff  }
0x44b: {  	v17 =	vld.idx.msk [tilespmem:v18+s22+$0x0], $0xffff;
	_ =	sdelay $0x1  }
0x44c: {  	v20 =	vld.idx.msk [tilespmem:v18+s23+$0x0], $0xffff;
	_ =	sdelay $0x2  }
0x44d: {  	v16 =	vsub.f32 v10, v16;
	v17 =	vsub.f32 v11, v17  }
0x44e: {  	v21 =	vld.idx.msk [tilespmem:v18+s28+$0x0], $0xffff  }
0x44f: {  	v20 =	vsub.f32 v9, v20;
	v16 =	vmul.f32 v16, v16;
	v17 =	vmul.f32 v17, v17;
	_ =	sdelay $0x1  }
0x450: {  	v33 =	vmul.f32 v20, v20;
	v16 =	vadd.f32 v17, v16;
	_ =	sdelay $0x1  }
0x451: {  	v34 =	vsub.f32 $1.000000000e+00, v21;
	v16 =	vadd.f32 v33, v16;
	_ =	sdelay $0x1  }
0x452: {  	v35 =	vor.u32 v4, v12;
	v17 =	vmul.f32 $1.000000000e+10, v34;
	v16 =	vadd.f32 $9.999999960e-13, v16;
	_ =	sdelay $0x1  }
0x453: {  	v16 =	vadd.f32 v16, v17;
	_ =	sdelay $0x1  }
0x454: {  	[tilespmem:v18+s31+$0x0] =	vst.idx.msk $0xffff, v16  }
0x455: {  	v36 =	vld.idx.msk [tilespmem:v35+s1+$0x0], $0xffff  }
0x456: {  	v18 =	vld.idx.msk [tilespmem:v35+s22+$0x0], $0xffff;
	_ =	sdelay $0x1  }
0x457: {  	v37 =	vld.idx.msk [tilespmem:v35+s23+$0x0], $0xffff;
	_ =	sdelay $0x2  }
0x458: {  	v17 =	vsub.f32 v10, v36;
	v18 =	vsub.f32 v11, v18  }
0x459: {  	v22 =	vld.idx.msk [tilespmem:v35+s28+$0x0], $0xffff  }
0x45a: {  	v21 =	vsub.f32 v9, v37;
	v17 =	vmul.f32 v17, v17;
	v18 =	vmul.f32 v18, v18;
	_ =	sdelay $0x1  }
0x45b: {  	v38 =	vmul.f32 v21, v21;
	v17 =	vadd.f32 v18, v17;
	_ =	sdelay $0x1  }
0x45c: {  	v39 =	vsub.f32 $1.000000000e+00, v22;
	v17 =	vadd.f32 v38, v17;
	_ =	sdelay $0x1  }
0x45d: {  	v40 =	vor.u32 v5, v12;
	v18 =	vmul.f32 $1.000000000e+10, v39;
	v17 =	vadd.f32 $9.999999960e-13, v17;
	_ =	sdelay $0x1  }
0x45e: {  	v17 =	vadd.f32 v17, v18;
	_ =	sdelay $0x1  }
0x45f: {  	[tilespmem:v35+s31+$0x0] =	vst.idx.msk $0xffff, v17  }
0x460: {  	v41 =	vld.idx.msk [tilespmem:v40+s1+$0x0], $0xffff  }
0x461: {  	v20 =	vld.idx.msk [tilespmem:v40+s22+$0x0], $0xffff;
	_ =	sdelay $0x1  }
0x462: {  	v42 =	vld.idx.msk [tilespmem:v40+s23+$0x0], $0xffff;
	_ =	sdelay $0x2  }
0x463: {  	v18 =	vsub.f32 v10, v41;
	v20 =	vsub.f32 v11, v20  }
0x464: {  	v23 =	vld.idx.msk [tilespmem:v40+s28+$0x0], $0xffff  }
0x465: {  	v22 =	vsub.f32 v9, v42;
	v18 =	vmul.f32 v18, v18;
	v20 =	vmul.f32 v20, v20;
	_ =	sdelay $0x1  }
0x466: {  	v43 =	vmul.f32 v22, v22;
	v18 =	vadd.f32 v20, v18;
	_ =	sdelay $0x1  }
0x467: {  	v44 =	vsub.f32 $1.000000000e+00, v23;
	v18 =	vadd.f32 v43, v18;
	_ =	sdelay $0x1  }
0x468: {  	v46 =	vor.u32 v6, v12;
	v45 =	vmul.f32 $1.000000000e+10, v44;
	v18 =	vadd.f32 $9.999999960e-13, v18;
	_ =	sdelay $0x1  }
0x469: {  	v18 =	vadd.f32 v18, v45;
	_ =	sdelay $0x1  }
0x46a: {  	[tilespmem:v40+s31+$0x0] =	vst.idx.msk $0xffff, v18  }
0x46b: {  	v47 =	vld.idx.msk [tilespmem:v46+s1+$0x0], $0xffff  }
0x46c: {  	v21 =	vld.idx.msk [tilespmem:v46+s22+$0x0], $0xffff;
	_ =	sdelay $0x1  }
0x46d: {  	v48 =	vld.idx.msk [tilespmem:v46+s23+$0x0], $0xffff;
	_ =	sdelay $0x2  }
0x46e: {  	v20 =	vsub.f32 v10, v47;
	v21 =	vsub.f32 v11, v21  }
0x46f: {  	v24 =	vld.idx.msk [tilespmem:v46+s28+$0x0], $0xffff  }
0x470: {  	v23 =	vsub.f32 v9, v48;
	v20 =	vmul.f32 v20, v20;
	v21 =	vmul.f32 v21, v21;
	_ =	sdelay $0x1  }
0x471: {  	v49 =	vmul.f32 v23, v23;
	v20 =	vadd.f32 v21, v20;
	_ =	sdelay $0x1  }
0x472: {  	v50 =	vsub.f32 $1.000000000e+00, v24;
	v20 =	vadd.f32 v49, v20;
	_ =	sdelay $0x1  }
0x473: {  	v52 =	vor.u32 v7, v12;
	v51 =	vmul.f32 $1.000000000e+10, v50;
	v20 =	vadd.f32 $9.999999960e-13, v20;
	_ =	sdelay $0x1  }
0x474: {  	v12 =	vadd.f32 v20, v51;
	_ =	sdelay $0x1  }
0x475: {  	[tilespmem:v46+s31+$0x0] =	vst.idx.msk $0xffff, v12  }
0x476: {  	v53 =	vld.idx.msk [tilespmem:v52+s1+$0x0], $0xffff  }
0x477: {  	v54 =	vld.idx.msk [tilespmem:v52+s22+$0x0], $0xffff;
	_ =	sdelay $0x1  }
0x478: {  	v22 =	vld.idx.msk [tilespmem:v52+s23+$0x0], $0xffff;
	_ =	sdelay $0x2  }
0x479: {  	v20 =	vsub.f32 v10, v53;
	v21 =	vsub.f32 v11, v54  }
0x47a: {  	v55 =	vld.idx.msk [tilespmem:v52+s28+$0x0], $0xffff  }
0x47b: {  	v22 =	vsub.f32 v9, v22;
	v20 =	vmul.f32 v20, v20;
	v21 =	vmul.f32 v21, v21;
	_ =	sdelay $0x1  }
0x47c: {  	v22 =	vmul.f32 v22, v22;
	v21 =	vadd.f32 v21, v20  }
0x47d: {  	v19 =	vshll.u32 v19, $0x7  }
0x47e: {  	v56 =	vsub.f32 $1.000000000e+00, v55;
	v20 =	vbroadcast v19, $0x0;
	v21 =	vadd.f32 v22, v21;
	_ =	sdelay $0x1  }
0x47f: {  	v19 =	vmul.f32 $1.000000000e+10, v56;
	v57 =	vor.u32 v0, v20;
	v21 =	vadd.f32 $9.999999960e-13, v21;
	_ =	sdelay $0x1  }
0x480: {  	v19 =	vadd.f32 v21, v19;
	_ =	sdelay $0x1  }
0x481: {  	[tilespmem:v52+s31+$0x0] =	vst.idx.msk $0xffff, v19  }
0x482: {  	v58 =	vld.idx.msk [tilespmem:v57+s1+$0x0], $0xffff  }
0x483: {  	v23 =	vld.idx.msk [tilespmem:v57+s22+$0x0], $0xffff;
	_ =	sdelay $0x1  }
0x484: {  	v59 =	vld.idx.msk [tilespmem:v57+s23+$0x0], $0xffff;
	_ =	sdelay $0x2  }
0x485: {  	v21 =	vsub.f32 v10, v58;
	v23 =	vsub.f32 v11, v23  }
0x486: {  	v25 =	vld.idx.msk [tilespmem:v57+s28+$0x0], $0xffff  }
0x487: {  	v24 =	vsub.f32 v9, v59;
	v21 =	vmul.f32 v21, v21;
	v23 =	vmul.f32 v23, v23;
	_ =	sdelay $0x1  }
0x488: {  	v60 =	vmul.f32 v24, v24;
	v21 =	vadd.f32 v23, v21;
	_ =	sdelay $0x1  }
0x489: {  	v61 =	vsub.f32 $1.000000000e+00, v25;
	v21 =	vadd.f32 v60, v21;
	_ =	sdelay $0x1  }
0x48a: {  	v62 =	vor.u32 v1, v20;
	v23 =	vmul.f32 $1.000000000e+10, v61;
	v21 =	vadd.f32 $9.999999960e-13, v21;
	_ =	sdelay $0x1  }
0x48b: {  	v21 =	vadd.f32 v21, v23;
	_ =	sdelay $0x1  }
0x48c: {  	[tilespmem:v57+s31+$0x0] =	vst.idx.msk $0xffff, v21  }
0x48d: {  	v22 =	vld.idx.msk [tilespmem:v62+s1+$0x0], $0xffff  }
0x48e: {  	v63 =	vld.idx.msk [tilespmem:v62+s22+$0x0], $0xffff;
	_ =	sdelay $0x1  }
0x48f: {  	v28 =	vld.idx.msk [tilespmem:v62+s23+$0x0], $0xffff;
	_ =	sdelay $0x2  }
0x490: {  	v22 =	vsub.f32 v10, v22;
	v23 =	vsub.f32 v11, v63  }
0x491: {  	v26 =	vld.idx.msk [tilespmem:v62+s28+$0x0], $0xffff  }
0x492: {  	v25 =	vsub.f32 v9, v28;
	v22 =	vmul.f32 v22, v22;
	v23 =	vmul.f32 v23, v23;
	_ =	sdelay $0x1  }
0x493: {  	v29 =	vmul.f32 v25, v25;
	v22 =	vadd.f32 v23, v22;
	_ =	sdelay $0x1  }
0x494: {  	v30 =	vsub.f32 $1.000000000e+00, v26;
	v22 =	vadd.f32 v29, v22;
	_ =	sdelay $0x1  }
0x495: {  	v31 =	vor.u32 v2, v20;
	v23 =	vmul.f32 $1.000000000e+10, v30;
	v22 =	vadd.f32 $9.999999960e-13, v22;
	_ =	sdelay $0x1  }
0x496: {  	v22 =	vadd.f32 v22, v23;
	_ =	sdelay $0x1  }
0x497: {  	[tilespmem:v62+s31+$0x0] =	vst.idx.msk $0xffff, v22  }
0x498: {  	v32 =	vld.idx.msk [tilespmem:v31+s1+$0x0], $0xffff  }
0x499: {  	v24 =	vld.idx.msk [tilespmem:v31+s22+$0x0], $0xffff;
	_ =	sdelay $0x1  }
0x49a: {  	v33 =	vld.idx.msk [tilespmem:v31+s23+$0x0], $0xffff;
	_ =	sdelay $0x2  }
0x49b: {  	v23 =	vsub.f32 v10, v32;
	v24 =	vsub.f32 v11, v24  }
0x49c: {  	v27 =	vld.idx.msk [tilespmem:v31+s28+$0x0], $0xffff  }
0x49d: {  	v26 =	vsub.f32 v9, v33;
	v23 =	vmul.f32 v23, v23;
	v24 =	vmul.f32 v24, v24;
	_ =	sdelay $0x1  }
0x49e: {  	v34 =	vmul.f32 v26, v26;
	v23 =	vadd.f32 v24, v23;
	_ =	sdelay $0x1  }
0x49f: {  	v35 =	vsub.f32 $1.000000000e+00, v27;
	v23 =	vadd.f32 v34, v23;
	_ =	sdelay $0x1  }
0x4a0: {  	v36 =	vor.u32 v3, v20;
	v24 =	vmul.f32 $1.000000000e+10, v35;
	v23 =	vadd.f32 $9.999999960e-13, v23;
	_ =	sdelay $0x1  }
0x4a1: {  	v23 =	vadd.f32 v23, v24;
	_ =	sdelay $0x1  }
0x4a2: {  	[tilespmem:v31+s31+$0x0] =	vst.idx.msk $0xffff, v23  }
0x4a3: {  	v37 =	vld.idx.msk [tilespmem:v36+s1+$0x0], $0xffff  }
0x4a4: {  	v25 =	vld.idx.msk [tilespmem:v36+s22+$0x0], $0xffff;
	_ =	sdelay $0x1  }
0x4a5: {  	v38 =	vld.idx.msk [tilespmem:v36+s23+$0x0], $0xffff;
	_ =	sdelay $0x2  }
0x4a6: {  	v24 =	vsub.f32 v10, v37;
	v25 =	vsub.f32 v11, v25  }
0x4a7: {  	v28 =	vld.idx.msk [tilespmem:v36+s28+$0x0], $0xffff  }
0x4a8: {  	v27 =	vsub.f32 v9, v38;
	v24 =	vmul.f32 v24, v24;
	v25 =	vmul.f32 v25, v25;
	_ =	sdelay $0x1  }
0x4a9: {  	v39 =	vmul.f32 v27, v27;
	v24 =	vadd.f32 v25, v24;
	_ =	sdelay $0x1  }
0x4aa: {  	v40 =	vsub.f32 $1.000000000e+00, v28;
	v24 =	vadd.f32 v39, v24;
	_ =	sdelay $0x1  }
0x4ab: {  	v41 =	vor.u32 v4, v20;
	v25 =	vmul.f32 $1.000000000e+10, v40;
	v24 =	vadd.f32 $9.999999960e-13, v24;
	_ =	sdelay $0x1  }
0x4ac: {  	v24 =	vadd.f32 v24, v25;
	_ =	sdelay $0x1  }
0x4ad: {  	[tilespmem:v36+s31+$0x0] =	vst.idx.msk $0xffff, v24  }
0x4ae: {  	v42 =	vld.idx.msk [tilespmem:v41+s1+$0x0], $0xffff  }
0x4af: {  	v26 =	vld.idx.msk [tilespmem:v41+s22+$0x0], $0xffff;
	_ =	sdelay $0x1  }
0x4b0: {  	v43 =	vld.idx.msk [tilespmem:v41+s23+$0x0], $0xffff;
	_ =	sdelay $0x2  }
0x4b1: {  	v25 =	vsub.f32 v10, v42;
	v26 =	vsub.f32 v11, v26  }
0x4b2: {  	v29 =	vld.idx.msk [tilespmem:v41+s28+$0x0], $0xffff  }
0x4b3: {  	v28 =	vsub.f32 v9, v43;
	v25 =	vmul.f32 v25, v25;
	v26 =	vmul.f32 v26, v26;
	_ =	sdelay $0x1  }
0x4b4: {  	v44 =	vmul.f32 v28, v28;
	v25 =	vadd.f32 v26, v25;
	_ =	sdelay $0x1  }
0x4b5: {  	v45 =	vsub.f32 $1.000000000e+00, v29;
	v25 =	vadd.f32 v44, v25;
	_ =	sdelay $0x1  }
0x4b6: {  	v46 =	vor.u32 v5, v20;
	v26 =	vmul.f32 $1.000000000e+10, v45;
	v25 =	vadd.f32 $9.999999960e-13, v25;
	_ =	sdelay $0x1  }
0x4b7: {  	v25 =	vadd.f32 v25, v26;
	_ =	sdelay $0x1  }
0x4b8: {  	[tilespmem:v41+s31+$0x0] =	vst.idx.msk $0xffff, v25  }
0x4b9: {  	v47 =	vld.idx.msk [tilespmem:v46+s1+$0x0], $0xffff  }
0x4ba: {  	v27 =	vld.idx.msk [tilespmem:v46+s22+$0x0], $0xffff;
	_ =	sdelay $0x1  }
0x4bb: {  	v48 =	vld.idx.msk [tilespmem:v46+s23+$0x0], $0xffff;
	_ =	sdelay $0x2  }
0x4bc: {  	v26 =	vsub.f32 v10, v47;
	v27 =	vsub.f32 v11, v27  }
0x4bd: {  	v30 =	vld.idx.msk [tilespmem:v46+s28+$0x0], $0xffff  }
0x4be: {  	v29 =	vsub.f32 v9, v48;
	v26 =	vmul.f32 v26, v26;
	v27 =	vmul.f32 v27, v27;
	_ =	sdelay $0x1  }
0x4bf: {  	v49 =	vmul.f32 v29, v29;
	v26 =	vadd.f32 v27, v26;
	_ =	sdelay $0x1  }
0x4c0: {  	v50 =	vsub.f32 $1.000000000e+00, v30;
	v26 =	vadd.f32 v49, v26;
	_ =	sdelay $0x1  }
0x4c1: {  	v52 =	vor.u32 v6, v20;
	v51 =	vmul.f32 $1.000000000e+10, v50;
	v26 =	vadd.f32 $9.999999960e-13, v26;
	_ =	sdelay $0x1  }
0x4c2: {  	v26 =	vadd.f32 v26, v51;
	_ =	sdelay $0x1  }
0x4c3: {  	[tilespmem:v46+s31+$0x0] =	vst.idx.msk $0xffff, v26  }
0x4c4: {  	v53 =	vld.idx.msk [tilespmem:v52+s1+$0x0], $0xffff  }
0x4c5: {  	v28 =	vld.idx.msk [tilespmem:v52+s22+$0x0], $0xffff;
	_ =	sdelay $0x1  }
0x4c6: {  	v54 =	vld.idx.msk [tilespmem:v52+s23+$0x0], $0xffff;
	_ =	sdelay $0x2  }
0x4c7: {  	vm0 =	vlt.s32 v13, v15;
	v27 =	vsub.f32 v10, v53;
	v28 =	vsub.f32 v11, v28  }
0x4c8: {  	vm1 =	vgt.s32 v14, v15;
	v13 =	vsel vm0, v13, v15;
	v31 =	vld.idx.msk [tilespmem:v52+s28+$0x0], $0xffff  }
0x4c9: {  	v30 =	vsub.f32 v9, v54;
	v27 =	vmul.f32 v27, v27;
	v28 =	vmul.f32 v28, v28  }
0x4ca: {  	v14 =	vsel vm1, v14, v15;
	vm0 =	vlt.s32 v13, v16  }
0x4cb: {  	vm14 =	vgt.s32 v14, v16;
	v56 =	vmul.f32 v30, v30;
	v55 =	vadd.f32 v28, v27  }
0x4cc: {  	v13 =	vsel vm0, v13, v16;
	v14 =	vsel vm14, v14, v16  }
0x4cd: {  	vm15 =	vlt.s32 v13, v17;
	v57 =	vsub.f32 $1.000000000e+00, v31;
	v15 =	vadd.f32 v56, v55  }
0x4ce: {  	vm4 =	vgt.s32 v14, v17;
	v13 =	vsel vm15, v13, v17  }
0x4cf: {  	v58 =	vor.u32 v7, v20;
	v16 =	vmul.f32 $1.000000000e+10, v57;
	v15 =	vadd.f32 $9.999999960e-13, v15  }
0x4d0: {  	v14 =	vsel vm4, v14, v17;
	vm5 =	vlt.s32 v13, v18  }
0x4d1: {  	vm6 =	vgt.s32 v14, v18;
	v13 =	vsel vm5, v13, v18;
	v15 =	vadd.f32 v15, v16  }
0x4d2: {  	v14 =	vsel vm6, v14, v18;
	vm7 =	vlt.s32 v13, v12  }
0x4d3: {  	vm8 =	vgt.s32 v14, v12;
	v13 =	vsel vm7, v13, v12;
	[tilespmem:v52+s31+$0x0] =	vst.idx.msk $0xffff, v15  }
0x4d4: {  	v12 =	vsel vm8, v14, v12;
	vm9 =	vlt.s32 v13, v19;
	v59 =	vld.idx.msk [tilespmem:v58+s1+$0x0], $0xffff  }
0x4d5: {  	vm10 =	vgt.s32 v12, v19;
	v13 =	vsel vm9, v13, v19;
	v60 =	vld.idx.msk [tilespmem:v58+s22+$0x0], $0xffff  }
0x4d6: {  	v12 =	vsel vm10, v12, v19;
	vm0 =	vlt.s32 v13, v21  }
0x4d7: {  	vm11 =	vgt.s32 v12, v21;
	v13 =	vsel vm0, v13, v21;
	v61 =	vld.idx.msk [tilespmem:v58+s23+$0x0], $0xffff  }
0x4d8: {  	v12 =	vsel vm11, v12, v21;
	vm12 =	vlt.s32 v13, v22  }
0x4d9: {  	vm13 =	vgt.s32 v12, v22;
	v13 =	vsel vm12, v13, v22  }
0x4da: {  	v12 =	vsel vm13, v12, v22;
	v62 =	vld.idx.msk [tilespmem:v58+s28+$0x0], $0xffff;
	v10 =	vsub.f32 v10, v59;
	v11 =	vsub.f32 v11, v60  }
0x4db: {  	vm14 =	vlt.s32 v13, v23;
	vm15 =	vgt.s32 v12, v23  }
0x4dc: {  	v9 =	vsub.f32 v9, v61;
	v10 =	vmul.f32 v10, v10;
	v11 =	vmul.f32 v11, v11  }
0x4dd: {  	v12 =	vsel vm15, v12, v23;
	v13 =	vsel vm14, v13, v23  }
0x4de: {  	vm0 =	vlt.s32 v13, v24;
	v9 =	vmul.f32 v9, v9;
	v10 =	vadd.f32 v11, v10  }
0x4df: {  	vm1 =	vgt.s32 v12, v24;
	v13 =	vsel vm0, v13, v24;
	v63 =	vsub.f32 $1.000000000e+00, v62  }
0x4e0: {  	vm0 =	vlt.s32 v13, v25;
	v11 =	vsel vm1, v12, v24;
	v9 =	vadd.f32 v9, v10  }
0x4e1: {  	v12 =	vmul.f32 $1.000000000e+10, v63;
	vm1 =	vgt.s32 v11, v25;
	v10 =	vsel vm0, v13, v25  }
0x4e2: {  	v11 =	vsel vm1, v11, v25;
	vm0 =	vlt.s32 v10, v26;
	v9 =	vadd.f32 $9.999999960e-13, v9  }
0x4e3: {  	vm1 =	vgt.s32 v11, v26;
	v10 =	vsel vm0, v10, v26  }
0x4e4: {  	v11 =	vsel vm1, v11, v26;
	vm0 =	vlt.s32 v10, v15;
	v9 =	vadd.f32 v9, v12  }
0x4e5: {  	vm1 =	vgt.s32 v11, v15;
	v10 =	vsel vm0, v10, v15  }
0x4e6: {  	v11 =	vsel vm1, v11, v15;
	vm0 =	vlt.s32 v10, v9  }
0x4e7: {  	vm1 =	vgt.s32 v11, v9;
	v10 =	vsel vm0, v10, v9  }
0x4e8: {  	v11 =	vsel vm1, v11, v9;
	v10 =	vxor.u32 $0x80000000, v10  }
0x4e9: {  	(xrf0) =	vmin.scan.msk.u32 $0xffff, v10;
	v10 =	vxor.u32 $0x80000000, v11  }
0x4ea: {  	(xrf0) =	vmax.scan.msk.u32 $0xffff, v10;
	_ =	sdelay $0x4  }
0x4eb: {  	v10, _, _ =	vpop (xrf0)  }
0x4ec: {  	(v2sf) =	vpush v10, $0xF;
	v10, _, _ =	vpop (xrf0)  }
0x4ed: {  	(v2sf) =	vpush v10, $0xF;
	_ =	sdelay $0xd  }
0x4ee: {  	s4 =	spop (v2sf)  }
0x4ef: {  	s6 =	spop (v2sf)  }
0x4f0: {  	s5 =	sxor.u32 $0x80000000, s4;
	s4 =	sxor.u32 $0x80000000, s6  }
0x4f1: {  	p0 =	slt.s32 s5, s4  }
.Ltmp13:
0x4f2: {  	_ = 	snop;
	(pc) =	sbr.rel @!p0 .LBB2_19-.Ltmp13, $2  }
0x4f3: {  	_ =	sdelay $0x2  }
0x4f4: {  	[tilespmem:v58+s31+$0x0] =	vst.idx.msk $0xffff, v9  }
.LBB2_32:
0x4f5: {  	s6 =	simm.s32 $0x0  }
0x4f6: {  	v9 =	vmov s6  }
0x4f7: {  	v9 =	vshrl.u32 v9, $0x7  }
0x4f8: {  	v9 =	vshll.u32 v9, $0x7  }
0x4f9: {  	v13 =	vbroadcast v9, $0x0;
	_ =	sdelay $0x1  }
0x4fa: {  	v9 =	vor.u32 v0, v13  }
0x4fb: {  	v10 =	vor.u32 v2, v13  }
0x4fc: {  	v11 =	vor.u32 v4, v13  }
0x4fd: {  	v12 =	vor.u32 v1, v13  }
0x4fe: {  	v14 =	vor.u32 v6, v13  }
0x4ff: {  	v17 =	vld.idx.msk [tilespmem:v9+s31+$0x0], $0xffff  }
0x500: {  	v18 =	vor.u32 v7, v13;
	v19 =	vld.idx.msk [tilespmem:v10+s31+$0x0], $0xffff  }
0x501: {  	s8 =	ssub.s32 s4, s5;
	v15 =	vld.idx.msk [tilespmem:v11+s31+$0x0], $0xffff  }
0x502: {  	s9 =	sshra.s32 s8, $0x2;
	s7 =	sshra.s32 s8, $0x1;
	v12 =	vld.idx.msk [tilespmem:v12+s31+$0x0], $0xffff  }
0x503: {  	v24 =	vimm.s32 $0x0;
	s6 =	sadd.s32 s5, s9;
	s7 =	sadd.s32 s5, s7;
	s8 =	ssub.s32 s8, s9;
	v21 =	vor.u32 v3, v13;
	v16 =	vld.idx.msk [tilespmem:v14+s31+$0x0], $0xffff  }
0x504: {  	s8 =	sadd.s32 s5, s8;
	v13 =	vor.u32 v5, v13;
	v9 =	vmov s6;
	v11 =	vmov s7  }
0x505: {  	v10 =	vmov s8;
	v20 =	vld.idx.msk [tilespmem:v18+s31+$0x0], $0xffff;
	vm0 =	vle.s32 v19, v9;
	vm1 =	vle.s32 v19, v11  }
0x506: {  	vm4 =	vle.s32 v19, v10;
	vm5 =	vle.s32 v17, v11;
	vm6 =	vle.s32 v17, v10  }
0x507: {  	vm2 =	vle.s32 v12, v11;
	vm7 =	vle.s32 v12, v10;
	vm3 =	vle.s32 v15, v11  }
0x508: {  	vm8 =	vle.s32 v17, v9;
	vm9 =	vle.s32 v16, v10;
	v19 =	vld.idx.msk [tilespmem:v21+s31+$0x0], $0xffff;
	v18 =	vsel vm5, $0x1, v8  }
0x509: {  	v14 =	vsel vm1, $0x1, v8;
	vm5 =	vle.s32 v15, v10;
	v25 =	vsel vm6, $0x1, v8  }
0x50a: {  	v22 =	vsel vm7, $0x1, v8;
	vm1 =	vle.s32 v20, v10;
	v23 =	vsel vm8, $0x1, v8  }
0x50b: {  	v21 =	vsel vm0, $0x1, v8;
	vm0 =	vle.s32 v20, v9;
	v17 =	vadd.s32 v18, v24  }
0x50c: {  	s9 =	simm.s32 $0x80;
	v18 =	vld.idx.msk [tilespmem:v13+s31+$0x0], $0xffff;
	v23 =	vadd.s32 v23, v24;
	v24 =	vadd.s32 v25, v24;
	v13 =	vsel vm9, $0x1, v8  }
.LBB2_33:
0x50d: {  	p0 =	sne.s32 s9, $0x1F80;
	vm6 =	vle.s32 v19, v9;
	vm7 =	vle.s32 v19, v11;
	v25 =	vsel vm5, $0x1, v8;
	s10 =	smov.u32 s9;
	s9 =	sadd.s32 $0x80, s9  }
0x50e: {  	v26 =	vsel vm4, $0x1, v8;
	vm4 =	vle.s32 v15, v9;
	v27 =	vsel vm6, $0x1, v8  }
0x50f: {  	v15 =	vsel vm7, $0x1, v8;
	v28 =	vsel vm4, $0x1, v8;
	vm4 =	vle.s32 v20, v11  }
0x510: {  	v29 =	vsel vm3, $0x1, v8;
	v20 =	vmov s10;
	v30 =	vsel vm4, $0x1, v8  }
0x511: {  	vm3 =	vle.s32 v16, v9;
	v20 =	vshrl.u32 v20, $0x7;
	vm4 =	vle.s32 v16, v11  }
0x512: {  	v31 =	vsel vm3, $0x1, v8;
	v16 =	vshll.u32 v20, $0x7;
	v20 =	vsel vm2, $0x1, v8  }
0x513: {  	vm2 =	vle.s32 v12, v9;
	v32 =	vsel vm4, $0x1, v8;
	v16 =	vbroadcast v16, $0x0  }
0x514: {  	v22 =	vadd.s32 v22, v24;
	v12 =	vsel vm2, $0x1, v8;
	vm2 =	vle.s32 v18, v11  }
0x515: {  	v12 =	vadd.s32 v12, v23;
	v24 =	vor.u32 v0, v16;
	v33 =	vor.u32 v1, v16  }
0x516: {  	v23 =	vor.u32 v2, v16;
	v34 =	vor.u32 v3, v16;
	v12 =	vadd.s32 v21, v12  }
0x517: {  	vm3 =	vle.s32 v19, v10;
	v19 =	vsel vm2, $0x1, v8;
	v21 =	vor.u32 v4, v16  }
0x518: {  	v22 =	vadd.s32 v26, v22;
	vm2 =	vle.s32 v18, v10;
	v35 =	vor.u32 v5, v16  }
0x519: {  	vm4 =	vle.s32 v18, v9;
	v17 =	vadd.s32 v20, v17;
	v26 =	vor.u32 v6, v16  }
0x51a: {  	v14 =	vadd.s32 v14, v17;
	v18 =	vor.u32 v7, v16;
	v17 =	vadd.s32 v27, v12;
	v24 =	vld.idx.msk [tilespmem:v24+s31+$0x0], $0xffff  }
0x51b: {  	v12 =	vadd.s32 v15, v14;
	v14 =	vsel vm3, $0x1, v8;
	v27 =	vsel vm4, $0x1, v8;
	v23 =	vld.idx.msk [tilespmem:v23+s31+$0x0], $0xffff  }
0x51c: {  	v14 =	vadd.s32 v14, v22;
	v16 =	vadd.s32 v29, v12;
	v15 =	vld.idx.msk [tilespmem:v21+s31+$0x0], $0xffff;
	v21 =	vsel vm1, $0x1, v8  }
0x51d: {  	v20 =	vsel vm2, $0x1, v8;
	v14 =	vadd.s32 v25, v14;
	v19 =	vadd.s32 v19, v16;
	v12 =	vld.idx.msk [tilespmem:v33+s31+$0x0], $0xffff  }
0x51e: {  	v17 =	vadd.s32 v28, v17;
	v14 =	vadd.s32 v20, v14;
	v19 =	vadd.s32 v32, v19;
	v16 =	vld.idx.msk [tilespmem:v26+s31+$0x0], $0xffff  }
0x51f: {  	v17 =	vadd.s32 v27, v17;
	v13 =	vadd.s32 v13, v14;
	v22 =	vadd.s32 v30, v19;
	v20 =	vld.idx.msk [tilespmem:v18+s31+$0x0], $0xffff  }
0x520: {  	v14 =	vadd.s32 v31, v17;
	v17 =	vsel vm0, $0x1, v8;
	v13 =	vadd.s32 v21, v13  }
0x521: {  	vm0 =	vle.s32 v23, v9;
	vm1 =	vle.s32 v23, v11;
	vm4 =	vle.s32 v23, v10  }
0x522: {  	vm5 =	vle.s32 v24, v11;
	vm6 =	vle.s32 v24, v10;
	v23 =	vadd.s32 v17, v14;
	v19 =	vld.idx.msk [tilespmem:v34+s31+$0x0], $0xffff  }
0x523: {  	vm3 =	vle.s32 v15, v11;
	vm2 =	vle.s32 v12, v11;
	vm7 =	vle.s32 v12, v10;
	v18 =	vld.idx.msk [tilespmem:v35+s31+$0x0], $0xffff  }
.Ltmp14:
0x524: {  	v17 =	vsel vm5, $0x1, v8;
	v14 =	vsel vm1, $0x1, v8;
	vm5 =	vle.s32 v15, v10;
	(pc) =	sbr.rel @p0 .LBB2_33-.Ltmp14, $4  }
0x525: {  	vm8 =	vle.s32 v24, v9;
	v17 =	vadd.s32 v17, v22;
	vm9 =	vle.s32 v16, v10  }
0x526: {  	v24 =	vsel vm6, $0x1, v8;
	v22 =	vsel vm7, $0x1, v8;
	vm1 =	vle.s32 v20, v10  }
0x527: {  	v25 =	vsel vm8, $0x1, v8;
	v21 =	vsel vm0, $0x1, v8;
	vm0 =	vle.s32 v20, v9  }
0x528: {  	v23 =	vadd.s32 v25, v23;
	v24 =	vadd.s32 v24, v13;
	v13 =	vsel vm9, $0x1, v8  }
0x529: {  	vm6 =	vle.s32 v19, v9;
	vm7 =	vle.s32 v19, v11;
	v25 =	vsel vm5, $0x1, v8  }
0x52a: {  	v26 =	vsel vm4, $0x1, v8;
	vm15 =	vle.s32 v15, v9;
	vm8 =	vle.s32 v20, v11  }
0x52b: {  	v55 =	vsel vm3, $0x1, v8;
	vm9 =	vle.s32 v16, v9;
	vm10 =	vle.s32 v16, v11  }
0x52c: {  	v56 =	vsel vm2, $0x1, v8;
	vm11 =	vle.s32 v12, v9;
	v22 =	vadd.s32 v22, v24  }
0x52d: {  	vm12 =	vle.s32 v18, v11;
	vm13 =	vle.s32 v19, v10;
	vm14 =	vle.s32 v18, v10  }
0x52e: {  	v62 =	vsel vm0, $0x1, v8;
	v27 =	vsel vm6, $0x1, v8;
	v54 =	vsel vm7, $0x1, v8  }
0x52f: {  	v28 =	vsel vm15, $0x1, v8;
	v29 =	vsel vm8, $0x1, v8;
	v57 =	vsel vm9, $0x1, v8  }
0x530: {  	v30 =	vsel vm10, $0x1, v8;
	v31 =	vsel vm11, $0x1, v8;
	v58 =	vsel vm12, $0x1, v8  }
0x531: {  	v59 =	vadd.s32 v26, v22;
	v10 =	vadd.s32 v56, v17;
	v11 =	vadd.s32 v31, v23  }
0x532: {  	vm15 =	vle.s32 v18, v9;
	v61 =	vsel vm14, $0x1, v8;
	v11 =	vadd.s32 v21, v11  }
0x533: {  	v9 =	vadd.s32 v14, v10;
	v60 =	vsel vm15, $0x1, v8;
	v10 =	vadd.s32 v27, v11  }
0x534: {  	v9 =	vadd.s32 v54, v9;
	v11 =	vsel vm13, $0x1, v8;
	v10 =	vadd.s32 v28, v10  }
0x535: {  	v9 =	vadd.s32 v55, v9;
	v11 =	vadd.s32 v11, v59;
	v10 =	vadd.s32 v60, v10  }
0x536: {  	v9 =	vadd.s32 v58, v9;
	v11 =	vadd.s32 v25, v11;
	v10 =	vadd.s32 v57, v10  }
0x537: {  	v9 =	vadd.s32 v30, v9;
	v11 =	vadd.s32 v61, v11;
	v10 =	vadd.s32 v62, v10  }
0x538: {  	v63 =	vsel vm1, $0x1, v8;
	v9 =	vadd.s32 v29, v9;
	v11 =	vadd.s32 v13, v11;
	(xrf0) =	vadd.scan.msk.s32 $0xffff, v10  }
0x539: {  	v10 =	vadd.s32 v63, v11;
	(xrf0) =	vadd.scan.msk.s32 $0xffff, v9  }
0x53a: {  	(xrf0) =	vadd.scan.msk.s32 $0xffff, v10;
	_ =	sdelay $0x3  }
0x53b: {  	v9, _, _ =	vpop (xrf0)  }
0x53c: {  	v10, _, _ =	vpop (xrf0);
	(v2sf) =	vpush v9, $0xF  }
0x53d: {  	(v2sf) =	vpush v10, $0xF;
	v9, _, _ =	vpop (xrf0)  }
0x53e: {  	(v2sf) =	vpush v9, $0xF;
	_ =	sdelay $0xc  }
0x53f: {  	s9 =	spop (v2sf)  }
0x540: {  	s10 =	spop (v2sf)  }
0x541: {  	s11 =	spop (v2sf)  }
0x542: {  	p0 =	sgt.s32 s11, $0x1B39;
	s11 =	smov.u32 s8  }
0x543: {  	p1 =	sgt.s32 s10, $0x1B39;
	s11 =	smov.u32 @p0 s7  }
0x544: {  	s4 =	smov.u32 @p0 s8;
	s11 =	smov.u32 @p1 s6  }
0x545: {  	p0 =	sgt.s32 s9, $0x1B39;
	s4 =	smov.u32 @p1 s7;
	s8 =	sadd.s32 $0x1, s11  }
0x546: {  	s4 =	smov.u32 @p0 s6;
	s8 =	smov.u32 @p0 s5  }
0x547: {  	p0 =	slt.s32 s8, s4  }
.Ltmp15:
0x548: {  	_ = 	snop;
	(pc) =	sbr.rel @p0 .LBB2_32-.Ltmp15, $2  }
0x549: {  	_ =	sdelay $0x2  }
0x54a: {  	s5 =	smov.u32 s8  }
.LBB2_19:
0x54b: {  	s10 =	simm.s32 $0x0  }
0x54c: {  	v11 =	vmov s10  }
0x54d: {  	v11 =	vshrl.u32 v11, $0x7  }
0x54e: {  	v11 =	vshll.u32 v11, $0x7  }
0x54f: {  	v11 =	vbroadcast v11, $0x0;
	_ =	sdelay $0x1  }
0x550: {  	v12 =	vor.u32 v0, v11;
	_ =	sdelay $0x4  }
0x551: {  	v13 =	vld.idx.msk [tilespmem:v12+s31+$0x0], $0xffff  }
0x552: {  	v14 =	vld.idx.msk [tilespmem:v12+s28+$0x0], $0xffff;
	_ =	sdelay $0x1  }
0x553: {  	v15 =	vor.u32 v1, v11  }
0x554: {  	v9 =	vmov s4  }
0x555: {  	vm0 =	vle.s32 v13, v9  }
0x556: {  	v13 =	vsel vm0, $0x0, v14  }
0x557: {  	[tilespmem:v12+s0+$0x0] =	vst.idx.msk $0xffff, v13  }
0x558: {  	v12 =	vld.idx.msk [tilespmem:v15+s31+$0x0], $0xffff  }
0x559: {  	v13 =	vld.idx.msk [tilespmem:v15+s28+$0x0], $0xffff;
	_ =	sdelay $0x1  }
0x55a: {  	v14 =	vor.u32 v2, v11;
	_ =	sdelay $0x1  }
0x55b: {  	vm1 =	vle.s32 v12, v9  }
0x55c: {  	v12 =	vsel vm1, $0x0, v13  }
0x55d: {  	[tilespmem:v15+s0+$0x0] =	vst.idx.msk $0xffff, v12  }
0x55e: {  	v12 =	vld.idx.msk [tilespmem:v14+s31+$0x0], $0xffff  }
0x55f: {  	v13 =	vld.idx.msk [tilespmem:v14+s28+$0x0], $0xffff;
	_ =	sdelay $0x1  }
0x560: {  	v15 =	vor.u32 v3, v11;
	_ =	sdelay $0x1  }
0x561: {  	vm2 =	vle.s32 v12, v9  }
0x562: {  	v12 =	vsel vm2, $0x0, v13  }
0x563: {  	[tilespmem:v14+s0+$0x0] =	vst.idx.msk $0xffff, v12  }
0x564: {  	v12 =	vld.idx.msk [tilespmem:v15+s31+$0x0], $0xffff  }
0x565: {  	v13 =	vld.idx.msk [tilespmem:v15+s28+$0x0], $0xffff;
	_ =	sdelay $0x1  }
0x566: {  	v14 =	vor.u32 v4, v11;
	_ =	sdelay $0x1  }
0x567: {  	vm3 =	vle.s32 v12, v9  }
0x568: {  	v12 =	vsel vm3, $0x0, v13  }
0x569: {  	[tilespmem:v15+s0+$0x0] =	vst.idx.msk $0xffff, v12  }
0x56a: {  	v12 =	vld.idx.msk [tilespmem:v14+s31+$0x0], $0xffff  }
0x56b: {  	v13 =	vld.idx.msk [tilespmem:v14+s28+$0x0], $0xffff;
	_ =	sdelay $0x1  }
0x56c: {  	v15 =	vor.u32 v5, v11;
	_ =	sdelay $0x1  }
0x56d: {  	vm4 =	vle.s32 v12, v9  }
0x56e: {  	v12 =	vsel vm4, $0x0, v13  }
0x56f: {  	[tilespmem:v14+s0+$0x0] =	vst.idx.msk $0xffff, v12  }
0x570: {  	v12 =	vld.idx.msk [tilespmem:v15+s31+$0x0], $0xffff  }
0x571: {  	v13 =	vld.idx.msk [tilespmem:v15+s28+$0x0], $0xffff;
	_ =	sdelay $0x1  }
0x572: {  	v14 =	vor.u32 v6, v11;
	_ =	sdelay $0x1  }
0x573: {  	vm5 =	vle.s32 v12, v9  }
0x574: {  	v12 =	vsel vm5, $0x0, v13  }
0x575: {  	[tilespmem:v15+s0+$0x0] =	vst.idx.msk $0xffff, v12  }
0x576: {  	v12 =	vld.idx.msk [tilespmem:v14+s31+$0x0], $0xffff  }
0x577: {  	v13 =	vld.idx.msk [tilespmem:v14+s28+$0x0], $0xffff;
	_ =	sdelay $0x2  }
0x578: {  	v11 =	vor.u32 v7, v11  }
0x579: {  	vm6 =	vle.s32 v12, v9  }
0x57a: {  	s11 =	simm.s32 $0x80;
	v12 =	vsel vm6, $0x0, v13  }
0x57b: {  	v10 =	vimm.s32 $0x0;
	v13 =	vsel vm0, $0x1, v8;
	[tilespmem:v14+s0+$0x0] =	vst.idx.msk $0xffff, v12;
	v14 =	vmov s11  }
0x57c: {  	v12 =	vsel vm1, $0x1, v8;
	v10 =	vadd.s32 v13, v10;
	v14 =	vshrl.u32 v14, $0x7  }
0x57d: {  	v13 =	vsel vm2, $0x1, v8;
	v15 =	vld.idx.msk [tilespmem:v11+s31+$0x0], $0xffff;
	v10 =	vadd.s32 v12, v10;
	v14 =	vshll.u32 v14, $0x7  }
0x57e: {  	v16 =	vld.idx.msk [tilespmem:v11+s28+$0x0], $0xffff;
	v13 =	vadd.s32 v13, v10;
	v10 =	vbroadcast v14, $0x0  }
0x57f: {  	v12 =	vsel vm3, $0x1, v8  }
0x580: {  	v17 =	vsel vm4, $0x1, v8;
	v12 =	vadd.s32 v12, v13;
	v14 =	vor.u32 v0, v10  }
0x581: {  	v13 =	vsel vm5, $0x1, v8;
	v12 =	vadd.s32 v17, v12  }
0x582: {  	v18 =	vsel vm6, $0x1, v8;
	v12 =	vadd.s32 v13, v12;
	vm15 =	vle.s32 v15, v9  }
0x583: {  	s4 =	simm.s32 $0x100;
	v12 =	vadd.s32 v18, v12;
	v15 =	vsel vm15, $0x0, v16;
	v13 =	vsel vm15, $0x1, v8  }
.LBB2_20:
0x584: {  	p0 =	sne.s32 s4, $0x1F80;
	[tilespmem:v11+s0+$0x0] =	vst.idx.msk $0xffff, v15;
	v12 =	vadd.s32 v13, v12;
	s5 =	smov.u32 s4;
	s4 =	sadd.s32 $0x80, s4  }
0x585: {  	v11 =	vld.idx.msk [tilespmem:v14+s31+$0x0], $0xffff  }
0x586: {  	v13 =	vld.idx.msk [tilespmem:v14+s28+$0x0], $0xffff;
	_ =	sdelay $0x2  }
0x587: {  	v15 =	vor.u32 v1, v10;
	_ =	sdelay $0x1  }
0x588: {  	vm0 =	vle.s32 v11, v9  }
0x589: {  	v11 =	vsel vm0, $0x0, v13;
	v13 =	vsel vm0, $0x1, v8  }
0x58a: {  	[tilespmem:v14+s0+$0x0] =	vst.idx.msk $0xffff, v11  }
0x58b: {  	v11 =	vld.idx.msk [tilespmem:v15+s31+$0x0], $0xffff  }
0x58c: {  	v14 =	vld.idx.msk [tilespmem:v15+s28+$0x0], $0xffff;
	_ =	sdelay $0x2  }
0x58d: {  	v16 =	vor.u32 v2, v10;
	_ =	sdelay $0x1  }
0x58e: {  	vm0 =	vle.s32 v11, v9  }
0x58f: {  	v11 =	vsel vm0, $0x0, v14;
	v14 =	vsel vm0, $0x1, v8  }
0x590: {  	[tilespmem:v15+s0+$0x0] =	vst.idx.msk $0xffff, v11  }
0x591: {  	v11 =	vld.idx.msk [tilespmem:v16+s31+$0x0], $0xffff  }
0x592: {  	v15 =	vld.idx.msk [tilespmem:v16+s28+$0x0], $0xffff;
	_ =	sdelay $0x2  }
0x593: {  	v17 =	vor.u32 v3, v10;
	_ =	sdelay $0x1  }
0x594: {  	vm0 =	vle.s32 v11, v9  }
0x595: {  	v11 =	vsel vm0, $0x0, v15;
	v15 =	vsel vm0, $0x1, v8  }
0x596: {  	[tilespmem:v16+s0+$0x0] =	vst.idx.msk $0xffff, v11  }
0x597: {  	v11 =	vld.idx.msk [tilespmem:v17+s31+$0x0], $0xffff  }
0x598: {  	v16 =	vld.idx.msk [tilespmem:v17+s28+$0x0], $0xffff;
	_ =	sdelay $0x2  }
0x599: {  	v18 =	vor.u32 v4, v10;
	_ =	sdelay $0x1  }
0x59a: {  	vm0 =	vle.s32 v11, v9  }
0x59b: {  	v11 =	vsel vm0, $0x0, v16;
	v16 =	vsel vm0, $0x1, v8  }
0x59c: {  	[tilespmem:v17+s0+$0x0] =	vst.idx.msk $0xffff, v11  }
0x59d: {  	v11 =	vld.idx.msk [tilespmem:v18+s31+$0x0], $0xffff  }
0x59e: {  	v17 =	vld.idx.msk [tilespmem:v18+s28+$0x0], $0xffff;
	_ =	sdelay $0x2  }
0x59f: {  	v19 =	vor.u32 v5, v10;
	_ =	sdelay $0x1  }
0x5a0: {  	vm0 =	vle.s32 v11, v9  }
0x5a1: {  	v11 =	vsel vm0, $0x0, v17;
	v17 =	vsel vm0, $0x1, v8  }
0x5a2: {  	[tilespmem:v18+s0+$0x0] =	vst.idx.msk $0xffff, v11  }
0x5a3: {  	v11 =	vld.idx.msk [tilespmem:v19+s31+$0x0], $0xffff  }
0x5a4: {  	v18 =	vld.idx.msk [tilespmem:v19+s28+$0x0], $0xffff;
	_ =	sdelay $0x2  }
0x5a5: {  	v20 =	vor.u32 v6, v10;
	_ =	sdelay $0x1  }
0x5a6: {  	vm0 =	vle.s32 v11, v9  }
0x5a7: {  	v11 =	vsel vm0, $0x0, v18;
	v18 =	vsel vm0, $0x1, v8  }
0x5a8: {  	[tilespmem:v19+s0+$0x0] =	vst.idx.msk $0xffff, v11  }
0x5a9: {  	v19 =	vld.idx.msk [tilespmem:v20+s31+$0x0], $0xffff  }
0x5aa: {  	v21 =	vld.idx.msk [tilespmem:v20+s28+$0x0], $0xffff;
	_ =	sdelay $0x2  }
0x5ab: {  	v11 =	vor.u32 v7, v10;
	_ =	sdelay $0x1  }
0x5ac: {  	vm0 =	vle.s32 v19, v9  }
0x5ad: {  	v10 =	vsel vm0, $0x0, v21;
	v19 =	vsel vm0, $0x1, v8  }
0x5ae: {  	v21 =	vmov s5;
	[tilespmem:v20+s0+$0x0] =	vst.idx.msk $0xffff, v10  }
0x5af: {  	v10 =	vshrl.u32 v21, $0x7;
	v20 =	vld.idx.msk [tilespmem:v11+s31+$0x0], $0xffff  }
0x5b0: {  	v12 =	vadd.s32 v13, v12;
	v10 =	vshll.u32 v10, $0x7;
	v13 =	vld.idx.msk [tilespmem:v11+s28+$0x0], $0xffff  }
0x5b1: {  	v12 =	vadd.s32 v14, v12;
	v10 =	vbroadcast v10, $0x0  }
.Ltmp16:
0x5b2: {  	v12 =	vadd.s32 v15, v12;
	(pc) =	sbr.rel @p0 .LBB2_20-.Ltmp16, $4  }
0x5b3: {  	v12 =	vadd.s32 v16, v12;
	v14 =	vor.u32 v0, v10  }
0x5b4: {  	v12 =	vadd.s32 v17, v12  }
0x5b5: {  	v12 =	vadd.s32 v18, v12;
	vm0 =	vle.s32 v20, v9  }
0x5b6: {  	v12 =	vadd.s32 v19, v12;
	v15 =	vsel vm0, $0x0, v13;
	v13 =	vsel vm0, $0x1, v8  }
0x5b7: {  	_ =	sdelay $0x3  }
0x5b8: {  	[tilespmem:v11+s0+$0x0] =	vst.idx.msk $0xffff, v15  }
0x5b9: {  	v11 =	vld.idx.msk [tilespmem:v14+s31+$0x0], $0xffff  }
0x5ba: {  	v15 =	vld.idx.msk [tilespmem:v14+s28+$0x0], $0xffff;
	_ =	sdelay $0x1  }
0x5bb: {  	v16 =	vor.u32 v1, v10;
	_ =	sdelay $0x1  }
0x5bc: {  	vm0 =	vle.s32 v11, v9  }
0x5bd: {  	v11 =	vsel vm0, $0x0, v15  }
0x5be: {  	[tilespmem:v14+s0+$0x0] =	vst.idx.msk $0xffff, v11  }
0x5bf: {  	v11 =	vld.idx.msk [tilespmem:v16+s31+$0x0], $0xffff  }
0x5c0: {  	v14 =	vld.idx.msk [tilespmem:v16+s28+$0x0], $0xffff;
	_ =	sdelay $0x1  }
0x5c1: {  	v46 =	vor.u32 v2, v10;
	_ =	sdelay $0x1  }
0x5c2: {  	vm1 =	vle.s32 v11, v9  }
0x5c3: {  	v11 =	vsel vm1, $0x0, v14  }
0x5c4: {  	[tilespmem:v16+s0+$0x0] =	vst.idx.msk $0xffff, v11  }
0x5c5: {  	v11 =	vld.idx.msk [tilespmem:v46+s31+$0x0], $0xffff  }
0x5c6: {  	v47 =	vld.idx.msk [tilespmem:v46+s28+$0x0], $0xffff;
	_ =	sdelay $0x1  }
0x5c7: {  	v48 =	vor.u32 v3, v10;
	_ =	sdelay $0x1  }
0x5c8: {  	vm2 =	vle.s32 v11, v9  }
0x5c9: {  	v11 =	vsel vm2, $0x0, v47  }
0x5ca: {  	[tilespmem:v46+s0+$0x0] =	vst.idx.msk $0xffff, v11  }
0x5cb: {  	v11 =	vld.idx.msk [tilespmem:v48+s31+$0x0], $0xffff  }
0x5cc: {  	v49 =	vld.idx.msk [tilespmem:v48+s28+$0x0], $0xffff;
	_ =	sdelay $0x1  }
0x5cd: {  	v50 =	vor.u32 v4, v10;
	_ =	sdelay $0x1  }
0x5ce: {  	vm3 =	vle.s32 v11, v9  }
0x5cf: {  	v11 =	vsel vm3, $0x0, v49  }
0x5d0: {  	[tilespmem:v48+s0+$0x0] =	vst.idx.msk $0xffff, v11  }
0x5d1: {  	v11 =	vld.idx.msk [tilespmem:v50+s31+$0x0], $0xffff  }
0x5d2: {  	v51 =	vld.idx.msk [tilespmem:v50+s28+$0x0], $0xffff;
	_ =	sdelay $0x1  }
0x5d3: {  	v52 =	vor.u32 v5, v10;
	_ =	sdelay $0x1  }
0x5d4: {  	vm4 =	vle.s32 v11, v9  }
0x5d5: {  	v11 =	vsel vm4, $0x0, v51  }
0x5d6: {  	[tilespmem:v50+s0+$0x0] =	vst.idx.msk $0xffff, v11  }
0x5d7: {  	v11 =	vld.idx.msk [tilespmem:v52+s31+$0x0], $0xffff  }
0x5d8: {  	v53 =	vld.idx.msk [tilespmem:v52+s28+$0x0], $0xffff;
	_ =	sdelay $0x1  }
0x5d9: {  	v54 =	vor.u32 v6, v10;
	_ =	sdelay $0x1  }
0x5da: {  	vm5 =	vle.s32 v11, v9  }
0x5db: {  	v11 =	vsel vm5, $0x0, v53  }
0x5dc: {  	[tilespmem:v52+s0+$0x0] =	vst.idx.msk $0xffff, v11  }
0x5dd: {  	v11 =	vld.idx.msk [tilespmem:v54+s31+$0x0], $0xffff  }
0x5de: {  	v55 =	vld.idx.msk [tilespmem:v54+s28+$0x0], $0xffff;
	_ =	sdelay $0x1  }
0x5df: {  	v10 =	vor.u32 v7, v10;
	_ =	sdelay $0x1  }
0x5e0: {  	vm6 =	vle.s32 v11, v9  }
0x5e1: {  	v11 =	vsel vm6, $0x0, v55  }
0x5e2: {  	v12 =	vadd.s32 v13, v12;
	v56 =	vsel vm0, $0x1, v8;
	[tilespmem:v54+s0+$0x0] =	vst.idx.msk $0xffff, v11  }
0x5e3: {  	v12 =	vadd.s32 v56, v12;
	v11 =	vsel vm1, $0x1, v8;
	v57 =	vld.idx.msk [tilespmem:v10+s31+$0x0], $0xffff  }
0x5e4: {  	v58 =	vsel vm2, $0x1, v8;
	v11 =	vadd.s32 v11, v12  }
0x5e5: {  	v59 =	vsel vm3, $0x1, v8;
	v11 =	vadd.s32 v58, v11  }
0x5e6: {  	v60 =	vsel vm4, $0x1, v8;
	v11 =	vadd.s32 v59, v11  }
0x5e7: {  	v61 =	vsel vm5, $0x1, v8;
	v11 =	vadd.s32 v60, v11  }
0x5e8: {  	v62 =	vsel vm6, $0x1, v8;
	v11 =	vadd.s32 v61, v11;
	vm15 =	vle.s32 v57, v9  }
0x5e9: {  	v11 =	vadd.s32 v62, v11;
	v63 =	vsel vm15, $0x1, v8  }
0x5ea: {  	v11 =	vadd.s32 v63, v11  }
0x5eb: {  	(xrf0) =	vadd.scan.msk.s32 $0xffff, v11;
	_ =	sdelay $0x5  }
0x5ec: {  	v11, _, _ =	vpop (xrf0)  }
0x5ed: {  	(v2sf) =	vpush v11, $0xF;
	_ =	sdelay $0xe  }
0x5ee: {  	v11 =	vld.idx.msk [tilespmem:v10+s28+$0x0], $0xffff;
	s4 =	spop (v2sf)  }
0x5ef: {  	p0 =	seq.s32 s4, $0x1B3A  }
.Ltmp17:
0x5f0: {  	_ = 	snop;
	(pc) =	sbr.rel @p0 .LBB2_27-.Ltmp17, $3  }
0x5f1: {  	_ =	sdelay $0x1  }
0x5f2: {  	v11 =	vsel vm15, $0x0, v11  }
0x5f3: {  	[tilespmem:v10+s0+$0x0] =	vst.idx.msk $0xffff, v11  }
0x5f4: {  	s4 =	simm.s32 $0x0  }
0x5f5: {  	v10 =	vmov s4  }
0x5f6: {  	v10 =	vshrl.u32 v10, $0x7  }
0x5f7: {  	v10 =	vshll.u32 v10, $0x7  }
0x5f8: {  	v10 =	vbroadcast v10, $0x0;
	_ =	sdelay $0x1  }
0x5f9: {  	v11 =	vor.u32 v0, v10  }
0x5fa: {  	v12 =	vor.u32 v2, v10  }
0x5fb: {  	v13 =	vor.u32 v3, v10  }
0x5fc: {  	v15 =	vor.u32 v4, v10  }
0x5fd: {  	s11 =	simm.s32 $0x80;
	v14 =	vor.u32 v1, v10  }
0x5fe: {  	v17 =	vor.u32 v5, v10;
	v16 =	vld.idx.msk [tilespmem:v11+s31+$0x0], $0xffff;
	v11 =	vmov s11  }
0x5ff: {  	v19 =	vor.u32 v6, v10;
	v18 =	vld.idx.msk [tilespmem:v12+s31+$0x0], $0xffff;
	v11 =	vshrl.u32 v11, $0x7  }
0x600: {  	v13 =	vld.idx.msk [tilespmem:v13+s31+$0x0], $0xffff;
	v11 =	vshll.u32 v11, $0x7  }
0x601: {  	v15 =	vld.idx.msk [tilespmem:v15+s31+$0x0], $0xffff;
	v11 =	vbroadcast v11, $0x0  }
0x602: {  	v20 =	vimm.s32 $0x0;
	v21 =	vor.u32 v7, v10;
	v14 =	vld.idx.msk [tilespmem:v14+s31+$0x0], $0xffff  }
0x603: {  	vm0 =	vlt.s32 v16, v9;
	v16 =	vld.idx.msk [tilespmem:v17+s31+$0x0], $0xffff;
	v22 =	vor.u32 v0, v11;
	v12 =	vor.u32 v1, v11  }
0x604: {  	v23 =	vld.idx.msk [tilespmem:v19+s31+$0x0], $0xffff;
	v19 =	vor.u32 v2, v11;
	v10 =	vor.u32 v6, v11;
	vm1 =	vlt.s32 v18, v9  }
0x605: {  	v24 =	vor.u32 v3, v11;
	v17 =	vor.u32 v4, v11;
	vm2 =	vlt.s32 v13, v9  }
0x606: {  	vm3 =	vlt.s32 v15, v9;
	v13 =	vor.u32 v5, v11;
	v18 =	vsel vm0, $0x1, v8  }
0x607: {  	v15 =	vld.idx.msk [tilespmem:v21+s31+$0x0], $0xffff;
	vm0 =	vlt.s32 v14, v9;
	v21 =	vsel vm1, $0x1, v8;
	v14 =	vadd.s32 v18, v20  }
0x608: {  	v20 =	vsel vm2, $0x1, v8;
	v18 =	vld.idx.msk [tilespmem:v22+s31+$0x0], $0xffff;
	v22 =	vsel vm0, $0x1, v8;
	vm1 =	vlt.s32 v16, v9  }
0x609: {  	s5 =	simm.s32 $0x100;
	v16 =	vld.idx.msk [tilespmem:v19+s31+$0x0], $0xffff;
	v19 =	vsel vm3, $0x1, v8;
	vm0 =	vlt.s32 v23, v9;
	v25 =	vadd.s32 v22, v14  }
0x60a: {  	s4 =	simm.s32 $0x180;
	v22 =	vmov s5;
	v14 =	vld.idx.msk [tilespmem:v24+s31+$0x0], $0xffff;
	v23 =	vadd.s32 v21, v25;
	v21 =	vsel vm1, $0x1, v8  }
.LBB2_23:
0x60b: {  	p0 =	sne.s32 s4, $0x1F80;
	v22 =	vshrl.u32 v22, $0x7;
	v24 =	vld.idx.msk [tilespmem:v12+s31+$0x0], $0xffff;
	v12 =	vadd.s32 v20, v23;
	v20 =	vsel vm0, $0x1, v8;
	s5 =	smov.u32 s4;
	s4 =	sadd.s32 $0x80, s4  }
0x60c: {  	v22 =	vshll.u32 v22, $0x7;
	v23 =	vld.idx.msk [tilespmem:v17+s31+$0x0], $0xffff;
	v17 =	vor.u32 v7, v11;
	v12 =	vadd.s32 v19, v12  }
0x60d: {  	vm0 =	vlt.s32 v15, v9;
	v11 =	vbroadcast v22, $0x0;
	v12 =	vadd.s32 v21, v12  }
0x60e: {  	v15 =	vsel vm0, $0x1, v8;
	vm1 =	vlt.s32 v18, v9;
	v19 =	vld.idx.msk [tilespmem:v13+s31+$0x0], $0xffff;
	v13 =	vadd.s32 v20, v12  }
0x60f: {  	v18 =	vor.u32 v0, v11;
	v12 =	vor.u32 v1, v11;
	v21 =	vld.idx.msk [tilespmem:v10+s31+$0x0], $0xffff;
	v20 =	vadd.s32 v15, v13  }
0x610: {  	vm0 =	vlt.s32 v16, v9;
	v22 =	vor.u32 v2, v11;
	v10 =	vor.u32 v6, v11  }
0x611: {  	v16 =	vsel vm1, $0x1, v8;
	v25 =	vor.u32 v3, v11;
	vm1 =	vlt.s32 v24, v9;
	v15 =	vld.idx.msk [tilespmem:v17+s31+$0x0], $0xffff  }
.Ltmp18:
0x612: {  	vm2 =	vlt.s32 v14, v9;
	v17 =	vor.u32 v4, v11;
	vm3 =	vlt.s32 v23, v9;
	(pc) =	sbr.rel @p0 .LBB2_23-.Ltmp18, $4  }
0x613: {  	v13 =	vor.u32 v5, v11;
	v14 =	vadd.s32 v16, v20;
	v23 =	vsel vm0, $0x1, v8  }
0x614: {  	v20 =	vsel vm2, $0x1, v8;
	v24 =	vsel vm1, $0x1, v8;
	vm1 =	vlt.s32 v19, v9;
	v18 =	vld.idx.msk [tilespmem:v18+s31+$0x0], $0xffff  }
0x615: {  	v24 =	vadd.s32 v24, v14;
	v19 =	vsel vm3, $0x1, v8;
	vm0 =	vlt.s32 v21, v9;
	v16 =	vld.idx.msk [tilespmem:v22+s31+$0x0], $0xffff  }
0x616: {  	v23 =	vadd.s32 v23, v24;
	v21 =	vsel vm1, $0x1, v8;
	v22 =	vmov s5;
	v14 =	vld.idx.msk [tilespmem:v25+s31+$0x0], $0xffff  }
0x617: {  	_ =	sdelay $0x1  }
0x618: {  	v22 =	vshrl.u32 v22, $0x7;
	v20 =	vadd.s32 v20, v23  }
0x619: {  	v48 =	vsel vm0, $0x1, v8;
	v11 =	vor.u32 v7, v11;
	v22 =	vshll.u32 v22, $0x7  }
0x61a: {  	v12 =	vld.idx.msk [tilespmem:v12+s31+$0x0], $0xffff;
	vm0 =	vlt.s32 v15, v9;
	v19 =	vadd.s32 v19, v20;
	v49 =	vbroadcast v22, $0x0  }
0x61b: {  	v50 =	vsel vm0, $0x1, v8;
	v19 =	vadd.s32 v21, v19;
	vm1 =	vlt.s32 v18, v9  }
0x61c: {  	v17 =	vld.idx.msk [tilespmem:v17+s31+$0x0], $0xffff;
	v15 =	vadd.s32 v48, v19;
	vm0 =	vlt.s32 v16, v9;
	v51 =	vor.u32 v0, v49  }
0x61d: {  	v13 =	vld.idx.msk [tilespmem:v13+s31+$0x0], $0xffff;
	v55 =	vsel vm1, $0x1, v8;
	v52 =	vor.u32 v1, v49;
	v15 =	vadd.s32 v50, v15  }
0x61e: {  	v53 =	vor.u32 v2, v49;
	v22 =	vor.u32 v6, v49;
	v54 =	vor.u32 v3, v49  }
0x61f: {  	v10 =	vld.idx.msk [tilespmem:v10+s31+$0x0], $0xffff;
	vm2 =	vlt.s32 v14, v9;
	v56 =	vor.u32 v5, v49;
	vm1 =	vlt.s32 v12, v9  }
0x620: {  	v12 =	vor.u32 v4, v49;
	v11 =	vld.idx.msk [tilespmem:v11+s31+$0x0], $0xffff;
	v14 =	vadd.s32 v55, v15;
	v15 =	vsel vm1, $0x1, v8  }
0x621: {  	v57 =	vsel vm0, $0x1, v8;
	vm3 =	vlt.s32 v17, v9;
	v14 =	vadd.s32 v15, v14;
	v19 =	vld.idx.msk [tilespmem:v51+s31+$0x0], $0xffff  }
0x622: {  	vm0 =	vlt.s32 v13, v9;
	v15 =	vsel vm2, $0x1, v8;
	v13 =	vadd.s32 v57, v14;
	v14 =	vld.idx.msk [tilespmem:v52+s31+$0x0], $0xffff  }
0x623: {  	v58 =	vsel vm3, $0x1, v8;
	v18 =	vld.idx.msk [tilespmem:v53+s31+$0x0], $0xffff;
	v13 =	vadd.s32 v15, v13;
	v15 =	vor.u32 v7, v49  }
0x624: {  	vm1 =	vlt.s32 v10, v9;
	v59 =	vsel vm0, $0x1, v8;
	v10 =	vld.idx.msk [tilespmem:v54+s31+$0x0], $0xffff;
	v13 =	vadd.s32 v58, v13  }
0x625: {  	v60 =	vsel vm1, $0x1, v8;
	v12 =	vld.idx.msk [tilespmem:v12+s31+$0x0], $0xffff;
	vm0 =	vlt.s32 v11, v9;
	v13 =	vadd.s32 v59, v13  }
0x626: {  	v11 =	vld.idx.msk [tilespmem:v56+s31+$0x0], $0xffff;
	v61 =	vsel vm0, $0x1, v8;
	v13 =	vadd.s32 v60, v13;
	vm1 =	vlt.s32 v19, v9  }
0x627: {  	v62 =	vld.idx.msk [tilespmem:v22+s31+$0x0], $0xffff;
	v13 =	vadd.s32 v61, v13;
	vm0 =	vlt.s32 v14, v9;
	v63 =	vsel vm1, $0x1, v8  }
0x628: {  	v14 =	vld.idx.msk [tilespmem:v15+s31+$0x0], $0xffff;
	vm1 =	vlt.s32 v18, v9;
	v15 =	vsel vm0, $0x1, v8;
	v13 =	vadd.s32 v63, v13  }
0x629: {  	vm0 =	vlt.s32 v10, v9;
	v10 =	vsel vm1, $0x1, v8;
	v13 =	vadd.s32 v15, v13  }
0x62a: {  	vm1 =	vlt.s32 v12, v9;
	v12 =	vsel vm0, $0x1, v8;
	v10 =	vadd.s32 v10, v13  }
0x62b: {  	vm0 =	vlt.s32 v11, v9;
	v11 =	vsel vm1, $0x1, v8;
	v10 =	vadd.s32 v12, v10  }
0x62c: {  	vm1 =	vlt.s32 v62, v9;
	v12 =	vsel vm0, $0x1, v8;
	v10 =	vadd.s32 v11, v10  }
0x62d: {  	vm0 =	vlt.s32 v14, v9;
	v11 =	vsel vm1, $0x1, v8;
	v10 =	vadd.s32 v12, v10  }
0x62e: {  	v10 =	vadd.s32 v11, v10;
	v11 =	vsel vm0, $0x1, v8  }
0x62f: {  	v10 =	vadd.s32 v11, v10  }
0x630: {  	(xrf0) =	vadd.scan.msk.s32 $0xffff, v10;
	_ =	sdelay $0x2  }
0x631: {  	s4 =	simm.s32 $0x0  }
0x632: {  	v11 =	vor.u32 s4, v0;
	_ =	sdelay $0x1  }
0x633: {  	v10, _, _ =	vpop (xrf0)  }
0x634: {  	(v2sf) =	vpush v10, $0xF;
	_ =	sdelay $0x1  }
0x635: {  	v12 =	vld.idx.msk [tilespmem:v11+s31+$0x0], $0xffff;
	_ =	sdelay $0x4  }
0x636: {  	vm0 =	veq.s32 v12, v9  }
0x637: {  	v10 =	vsel vm0, $0x1, v8  }
0x638: {  	(xrf0) =	vadd.scan.msk.s32 $0xffff, v10;
	_ =	sdelay $0x4  }
0x639: {  	v10 =	vsel vm0, $0xFFFFFFFF, v8  }
0x63a: {  	v13 =	vadd.s32 s4, v10;
	v14, _, _ =	vpop (xrf0);
	s5 =	spop (v2sf)  }
0x63b: {  	v15 =	vadd.s32 v14, v13;
	v13 =	vld.idx.msk [tilespmem:v11+s28+$0x0], $0xffff;
	s5 =	ssub.s32 $0x1B3A, s5  }
0x63c: {  	s11 =	simm.s32 $0x10;
	(v2sf) =	vpush v14, $0xF;
	v10 =	vmov s5  }
0x63d: {  	vm1 =	vlt.s32 v12, v9;
	v12 =	vor.u32 s11, v0;
	s5 =	simm.s32 $0x20;
	vm2 =	vlt.s32 v15, v10  }
.LBB2_25:
0x63e: {  	p0 =	sne.s32 s5, $0x1FF0;
	vm0 =	vmand vm0, vm2  }
0x63f: {  	vm0 =	vmor vm1, vm0  }
0x640: {  	v13 =	vsel vm0, $0x0, v13  }
0x641: {  	[tilespmem:v11+s0+$0x0] =	vst.idx.msk $0xffff, v13;
	v11 =	vmov v12  }
0x642: {  	v12 =	vld.idx.msk [tilespmem:v12+s31+$0x0], $0xffff;
	_ =	sdelay $0x5  }
0x643: {  	vm0 =	veq.s32 v12, v9;
	vm1 =	vlt.s32 v12, v9  }
0x644: {  	v12 =	vsel vm0, $0xFFFFFFFF, v8;
	v13 =	vsel vm0, $0x1, v8  }
0x645: {  	(xrf0) =	vadd.scan.msk.s32 $0xffff, v13  }
0x646: {  	s6 =	spop (v2sf)  }
0x647: {  	s4 =	sadd.s32 s4, s6  }
0x648: {  	v12 =	vadd.s32 s4, v12  }
.Ltmp19:
0x649: {  	(pc) =	sbr.rel @p0 .LBB2_25-.Ltmp19, $4  }
0x64a: {  	v13 =	vld.idx.msk [tilespmem:v11+s28+$0x0], $0xffff  }
0x64b: {  	v14, _, _ =	vpop (xrf0)  }
0x64c: {  	v15 =	vadd.s32 v14, v12;
	(v2sf) =	vpush v14, $0xF  }
0x64d: {  	v12 =	vor.u32 s5, v0;
	s5 =	sadd.s32 $0x10, s5;
	vm2 =	vlt.s32 v15, v10  }
0x64e: {  	_ = 	snop  }
0x64f: {  	vm0 =	vmand vm0, vm2  }
0x650: {  	vm0 =	vmor vm1, vm0  }
0x651: {  	v13 =	vsel vm0, $0x0, v13  }
0x652: {  	[tilespmem:v11+s0+$0x0] =	vst.idx.msk $0xffff, v13  }
0x653: {  	v11 =	vld.idx.msk [tilespmem:v12+s31+$0x0], $0xffff;
	_ =	sdelay $0x4  }
0x654: {  	vm13 =	veq.s32 v11, v9  }
0x655: {  	v63 =	vsel vm13, $0x1, v8  }
0x656: {  	(xrf0) =	vadd.scan.msk.s32 $0xffff, v63;
	_ =	sdelay $0x5  }
0x657: {  	v13, _, _ =	vpop (xrf0)  }
0x658: {  	(v2sf) =	vpush v13, $0xF;
	_ =	sdelay $0x6  }
0x659: {  	s5 =	spop (v2sf)  }
0x65a: {  	v14 =	vsel vm13, $0xFFFFFFFF, v8;
	s4 =	sadd.s32 s4, s5  }
0x65b: {  	v15 =	vld.idx.msk [tilespmem:v12+s28+$0x0], $0xffff;
	v14 =	vadd.s32 s4, v14  }
0x65c: {  	v13 =	vadd.s32 v13, v14  }
.Ltmp20:
0x65d: {  	vm14 =	vlt.s32 v13, v10;
	(pc) =	sbr.rel .LBB2_27-.Ltmp20, $4  }
0x65e: {  	vm15 =	vlt.s32 v11, v9;
	vm0 =	vmand vm13, vm14  }
0x65f: {  	vm0 =	vmor vm15, vm0  }
0x660: {  	v9 =	vsel vm0, $0x0, v15  }
0x661: {  	[tilespmem:v12+s0+$0x0] =	vst.idx.msk $0xffff, v9;
	s11 =	spop (v2sf)  }
.LBB2_28:
0x662: {  	_ =	sfence.sel $0x180000  }
0x663: {  	[bflag:$0x0] =	sbarrier.arrive $0xFFFF  }
0x664: {  	_ =	strace $0x90000047  }
0x665: {  	s0 =	stileid.u32;
	[bflag:$0x2] =	sbarrier.arrive $0xFFFF  }
0x666: {  	p0 =	sne.s32 s0, $0x0;
	s0 =	rddreg [dreg:$0x2]  }
0x667: {  	s0 =	sadd.s32 @!p0 $0x100000, s0  }
0x668: {  	[sflag:s0] =	ssyncadd.tile.s32 @!p0 $0x1;
	_ =	shalt  }
.Lfunc_end2:
_tile_overlayer_lowered:
.L_overlay_start_2:
0x669: {  	(tag) =	ssettag $0x2  }
0x66a: {  	s0 =	rddreg [dreg:$0x0];
	s2 =	stileid.u32  }
0x66b: {  	s1 =	rddreg [dreg:$0x1];
	p0 =	sne.s32 s2, $0x0  }
0x66c: {  	s3 =	rddreg [dreg:$0x2];
	[bflag:$0x3] =	sbarrier.arrive $0xFFFF;
	s2 =	simm.s32 @!p0 $0x1C02  }
0x66d: {  	[timem:s3], [sflag:s2] =	dma.local @!p0 [hbm:s0], s1  }
0x66e: {  	s0 =	simm.s32 @!p0 $0x2  }
0x66f: {  	_ =	swait.ge @!p0 [sflag:s0], s1  }
0x670: {  	s1 =	ssub.s32 @!p0 $0x0, s1;
	[sflag:s0] =	ssyncset.done @!p0 $0x0  }
0x671: {  	[sflag:s0] =	ssyncadd.s32 @!p0 s1  }
0x672: {  	[bflag:$0x3] =	sbarrier.arrive $0xFFFF  }
0x673: {  	_ =	shalt  }

</sc_bundles>
